<compile_context>
chip_gen: v7x
topology: tpu7x:2x2x1
jax: 0.10.2.dev20260603
libtpu: 0.0.44.dev20260713+nightly
codegen_flags: <defaults>
</compile_context>

<pallas_src>
import functools

import jax
import jax.numpy as jnp
from jax import lax
from jax.experimental import pallas as pl
from jax.experimental.pallas import tpu as pltpu
from jax.experimental.pallas import tpu_sc as plsc

NC = 2
NS = 16
NW = NC * NS
LANES = 16
NBUF = 4


def _make_kernel(B, S, V, D):
    chunk = S // NW

    mesh = plsc.VectorSubcoreMesh(core_axis_name="c", subcore_axis_name="s")

    @functools.partial(
        pl.kernel,
        out_type=jax.ShapeDtypeStruct((B * S, D), jnp.float32),
        mesh=mesh,
        scratch_types=[
            pltpu.VMEM((chunk, D), jnp.float32),
            pltpu.VMEM((chunk,), jnp.int32),
            pltpu.VMEM((B, chunk), jnp.int32),
            pltpu.VMEM((chunk, D), jnp.float32),
            pltpu.VMEM((chunk, D), jnp.float32),
            pltpu.VMEM((chunk, D), jnp.float32),
            pltpu.VMEM((chunk, D), jnp.float32),
            pltpu.SemaphoreType.DMA,
            pltpu.SemaphoreType.DMA,
            pltpu.SemaphoreType.DMA,
            pltpu.SemaphoreType.DMA,
            pltpu.SemaphoreType.DMA,
            pltpu.SemaphoreType.DMA,
            pltpu.SemaphoreType.DMA,
            pltpu.SemaphoreType.DMA,
            pltpu.SemaphoreType.DMA,
            pltpu.SemaphoreType.DMA,
        ],
    )
    def emb_kernel(ids_hbm, table_hbm, pos_hbm, out_hbm,
                   pos_v, pidx_v, idx_all, rb0, rb1, rb2, rb3,
                   psem, isem, g0, g1, g2, g3, o0, o1, o2, o3):
        rows = [rb0, rb1, rb2, rb3]
        gsem = [g0, g1, g2, g3]
        osem = [o0, o1, o2, o3]

        cid = lax.axis_index("c")
        sid = lax.axis_index("s")
        wid = sid * NC + cid
        base = wid * chunk

        for j in range(chunk // LANES):
            pidx_v[pl.ds(j * LANES, LANES)] = (
                lax.iota(jnp.int32, LANES) + (base + 1 + j * LANES)
            )
        pltpu.async_copy(pos_hbm.at[pidx_v], pos_v, psem)

        for b in range(B):
            pltpu.async_copy(ids_hbm.at[pl.ds(b * S + base, chunk)],
                             idx_all.at[b], isem)
        for b in range(B):
            pltpu.make_async_copy(ids_hbm.at[pl.ds(b * S + base, chunk)],
                                  idx_all.at[b], isem).wait()
        pltpu.make_async_copy(pos_hbm.at[pidx_v], pos_v, psem).wait()

        def gather_start(b, s):
            pltpu.async_copy(table_hbm.at[idx_all.at[b]], rows[s], gsem[s])

        def gather_wait(b, s):
            pltpu.make_async_copy(table_hbm.at[idx_all.at[b]], rows[s],
                                  gsem[s]).wait()

        def out_start(b, s):
            pltpu.async_copy(rows[s], out_hbm.at[pl.ds(b * S + base, chunk)],
                             osem[s])

        def out_wait(b, s):
            pltpu.make_async_copy(rows[s],
                                  out_hbm.at[pl.ds(b * S + base, chunk)],
                                  osem[s]).wait()

        def step(b, s, issue_next=True, wait_out=True):
            sn = (s + 2) % NBUF
            if issue_next:
                if wait_out:
                    out_wait(b - 2, sn)
                gather_start(b + 2, sn)
            gather_wait(b, s)
            rb = rows[s]

            def row_body(r, c2):
                for cc in range(D // LANES):
                    sl = pl.ds(cc * LANES, LANES)
                    plsc.addupdate(rb.at[r, sl], pos_v[r, sl])
                return c2

            lax.fori_loop(0, chunk, row_body, 0)
            out_start(b, s)

        gather_start(0, 0)
        gather_start(1, 1)
        step(0, 0, wait_out=False)
        step(1, 1, wait_out=False)

        def main_body(i, carry):
            b0 = 2 + NBUF * i
            step(b0, 2)
            step(b0 + 1, 3)
            step(b0 + 2, 0)
            step(b0 + 3, 1)
            return carry

        lax.fori_loop(0, (B - 4) // NBUF, main_body, 0)
        step(B - 2, 2, issue_next=False)
        step(B - 1, 3, issue_next=False)
        out_wait(B - 4, 0)
        out_wait(B - 3, 1)
        out_wait(B - 2, 2)
        out_wait(B - 1, 3)

    return emb_kernel


def kernel(input_ids, charactor_embeddings, position_table):
    B, S = input_ids.shape
    V, D = charactor_embeddings.shape
    fn = _make_kernel(B, S, V, D)
    out = fn(input_ids.reshape(B * S), charactor_embeddings, position_table)
    return out.reshape(B, S, D)

# --- scband reference (transcript-rebuilt; emitter-appended) ---
"""Pipeline reference for scband-fast-speech-embeddings-43576738185325 (READ-ONLY COPY).

The authoritative reference and input builder live on the scoring server;
editing this copy changes nothing except your own understanding.
"""

import jax, jax.numpy as jnp
import numpy as np

VOCAB = 100000
HIDDEN = 384
MAX_POS = 2048
BATCH = 32
SEQ = 2048


def sincos_embedding(hidden_size, max_positional_embedding):
    position_enc = np.array([[pos / np.power(10000, 2.0 * (i // 2) / hidden_size) for i in range(hidden_size)] for pos in range(max_positional_embedding + 1)])
    position_enc[:, 0::2] = np.sin(position_enc[:, 0::2])
    position_enc[:, 1::2] = np.cos(position_enc[:, 1::2])
    position_enc[0] = 0.0
    return position_enc


def setup_inputs(seed: int = 0) -> dict:
    key = jax.random.key(seed)
    k1, k2 = jax.random.split(key)
    input_ids = jax.random.randint(k1, (BATCH, SEQ), 0, VOCAB, dtype=jnp.int32)
    # charactor embedding table, truncated normal with stddev=initializer_range
    charactor_embeddings = 0.02 * jax.random.truncated_normal(k2, -2.0, 2.0, (VOCAB, HIDDEN), dtype=jnp.float32)
    # fixed (non-trainable) sinusoidal position table, rows 0..MAX_POS inclusive
    position_table = jnp.asarray(sincos_embedding(HIDDEN, MAX_POS), dtype=jnp.float32)
    return {"input_ids": input_ids, "charactor_embeddings": charactor_embeddings, "position_table": position_table}


def reference(input_ids, charactor_embeddings, position_table):
    seq_length = input_ids.shape[1]
    # position ids start at 1 (row 0 of the table is the zero/pad row)
    position_ids = jnp.arange(1, seq_length + 1, dtype=jnp.int32)[None, :]
    inputs_embeds = jnp.take(charactor_embeddings, input_ids, axis=0)
    position_embeddings = jnp.take(position_table, position_ids, axis=0)
    embeddings = inputs_embeds + position_embeddings.astype(inputs_embeds.dtype)
    return embeddings

if __name__ == "__main__":
    import jax
    _d = setup_inputs()
    print(jax.jit(kernel)(*tuple(_d.values())))

</pallas_src>

<mosaic_0001>
#map = affine_map<(d0, d1) -> (0)>
#map1 = affine_map<(d0, d1) -> (0, 0)>
module attributes {stable_mosaic.version = 14 : i64} {
  func.func @emb_kernel(%arg0: i32, %arg1: i32, %arg2: memref<65536xi32, #tpu.memory_space<hbm>>, %arg3: memref<100000x384xf32, #tpu.memory_space<hbm>>, %arg4: memref<2049x384xf32, #tpu.memory_space<hbm>>, %arg5: memref<65536x384xf32, #tpu.memory_space<hbm>>, %arg6: memref<64x384xf32, #tpu.memory_space<vmem>>, %arg7: memref<64xi32, #tpu.memory_space<vmem>>, %arg8: memref<32x64xi32, #tpu.memory_space<vmem>>, %arg9: memref<64x384xf32, #tpu.memory_space<vmem>>, %arg10: memref<64x384xf32, #tpu.memory_space<vmem>>, %arg11: memref<64x384xf32, #tpu.memory_space<vmem>>, %arg12: memref<64x384xf32, #tpu.memory_space<vmem>>, %arg13: memref<!tpu.dma_semaphore, #tpu.memory_space<semaphore_mem>>, %arg14: memref<!tpu.dma_semaphore, #tpu.memory_space<semaphore_mem>>, %arg15: memref<!tpu.dma_semaphore, #tpu.memory_space<semaphore_mem>>, %arg16: memref<!tpu.dma_semaphore, #tpu.memory_space<semaphore_mem>>, %arg17: memref<!tpu.dma_semaphore, #tpu.memory_space<semaphore_mem>>, %arg18: memref<!tpu.dma_semaphore, #tpu.memory_space<semaphore_mem>>, %arg19: memref<!tpu.dma_semaphore, #tpu.memory_space<semaphore_mem>>, %arg20: memref<!tpu.dma_semaphore, #tpu.memory_space<semaphore_mem>>, %arg21: memref<!tpu.dma_semaphore, #tpu.memory_space<semaphore_mem>>, %arg22: memref<!tpu.dma_semaphore, #tpu.memory_space<semaphore_mem>>) attributes {dimension_semantics = [#tpu.dimension_semantics<core_parallel>, #tpu.dimension_semantics<subcore_parallel>], iteration_bounds = array<i64: 2, 16>, scalar_prefetch = 0 : i64, scratch_operands = 17 : i64, tpu.core_type = #tpu.core_type<sc_vector_subcore>, window_params = [{transform_indices = #map}, {transform_indices = #map1}, {transform_indices = #map1}, {transform_indices = #map1}]} {
    %mul3A = arith.constant 2 : i32
    %mul3A_0 = arith.muli %arg1, %mul3A : i32
    %add3A = arith.addi %mul3A_0, %arg0 : i32
    %mul3A_1 = arith.constant 64 : i32
    %mul3A_2 = arith.muli %add3A, %mul3A_1 : i32
    %iota3A = tpu.iota {dimensions = array<i32: 0>} : vector<16xi32>
    %add3A_3 = arith.constant 1 : i32
    %add3A_4 = arith.addi %mul3A_2, %add3A_3 : i32
    %add3A_5 = arith.constant 0 : i32
    %add3A_6 = arith.addi %add3A_4, %add3A_5 : i32
    %add3A_7 = vector.broadcast %add3A_6 : i32 to vector<16xi32>
    %add3A_8 = arith.addi %iota3A, %add3A_7 : vector<16xi32>
    %swap3A = arith.constant 0 : index
    %swap3A_9 = tpu.vector_load %arg7[%swap3A] {strides = array<i32>} : memref<64xi32, #tpu.memory_space<vmem>>, vector<16xi32>,
    %swap3A_10 = vector.shape_cast %swap3A_9 : vector<16xi32> to vector<16xi32>
    %swap3A_11 = vector.shape_cast %add3A_8 : vector<16xi32> to vector<16xi32>
    tpu.vector_store %arg7[%swap3A], %swap3A_11 {strides = array<i32>} : memref<64xi32, #tpu.memory_space<vmem>>, vector<16xi32>,
    %iota3A_12 = tpu.iota {dimensions = array<i32: 0>} : vector<16xi32>
    %add3A_13 = arith.constant 1 : i32
    %add3A_14 = arith.addi %mul3A_2, %add3A_13 : i32
    %add3A_15 = arith.constant 16 : i32
    %add3A_16 = arith.addi %add3A_14, %add3A_15 : i32
    %add3A_17 = vector.broadcast %add3A_16 : i32 to vector<16xi32>
    %add3A_18 = arith.addi %iota3A_12, %add3A_17 : vector<16xi32>
    %swap3A_19 = arith.constant 16 : index
    %swap3A_20 = tpu.vector_load %arg7[%swap3A_19] {strides = array<i32>} : memref<64xi32, #tpu.memory_space<vmem>>, vector<16xi32>,
    %swap3A_21 = vector.shape_cast %swap3A_20 : vector<16xi32> to vector<16xi32>
    %swap3A_22 = vector.shape_cast %add3A_18 : vector<16xi32> to vector<16xi32>
    tpu.vector_store %arg7[%swap3A_19], %swap3A_22 {strides = array<i32>} : memref<64xi32, #tpu.memory_space<vmem>>, vector<16xi32>,
    %iota3A_23 = tpu.iota {dimensions = array<i32: 0>} : vector<16xi32>
    %add3A_24 = arith.constant 1 : i32
    %add3A_25 = arith.addi %mul3A_2, %add3A_24 : i32
    %add3A_26 = arith.constant 32 : i32
    %add3A_27 = arith.addi %add3A_25, %add3A_26 : i32
    %add3A_28 = vector.broadcast %add3A_27 : i32 to vector<16xi32>
    %add3A_29 = arith.addi %iota3A_23, %add3A_28 : vector<16xi32>
    %swap3A_30 = arith.constant 32 : index
    %swap3A_31 = tpu.vector_load %arg7[%swap3A_30] {strides = array<i32>} : memref<64xi32, #tpu.memory_space<vmem>>, vector<16xi32>,
    %swap3A_32 = vector.shape_cast %swap3A_31 : vector<16xi32> to vector<16xi32>
    %swap3A_33 = vector.shape_cast %add3A_29 : vector<16xi32> to vector<16xi32>
    tpu.vector_store %arg7[%swap3A_30], %swap3A_33 {strides = array<i32>} : memref<64xi32, #tpu.memory_space<vmem>>, vector<16xi32>,
    %iota3A_34 = tpu.iota {dimensions = array<i32: 0>} : vector<16xi32>
    %add3A_35 = arith.constant 1 : i32
    %add3A_36 = arith.addi %mul3A_2, %add3A_35 : i32
    %add3A_37 = arith.constant 48 : i32
    %add3A_38 = arith.addi %add3A_36, %add3A_37 : i32
    %add3A_39 = vector.broadcast %add3A_38 : i32 to vector<16xi32>
    %add3A_40 = arith.addi %iota3A_34, %add3A_39 : vector<16xi32>
    %swap3A_41 = arith.constant 48 : index
    %swap3A_42 = tpu.vector_load %arg7[%swap3A_41] {strides = array<i32>} : memref<64xi32, #tpu.memory_space<vmem>>, vector<16xi32>,
    %swap3A_43 = vector.shape_cast %swap3A_42 : vector<16xi32> to vector<16xi32>
    %swap3A_44 = vector.shape_cast %add3A_40 : vector<16xi32> to vector<16xi32>
    tpu.vector_store %arg7[%swap3A_41], %swap3A_44 {strides = array<i32>} : memref<64xi32, #tpu.memory_space<vmem>>, vector<16xi32>,
    %dma_start3A = arith.constant 0 : i32
    %dma_start3A_45 = arith.constant 0 : i32
    %dma_start3A_46 = tpu.memref_slice %arg4[%dma_start3A, %dma_start3A_45] : memref<2049x384xf32, #tpu.memory_space<hbm>> -> memref<2049x384xf32, #tpu.memory_space<hbm>>
    tpu.enqueue_indirect_dma source(%dma_start3A_46 : memref<2049x384xf32, #tpu.memory_space<hbm>>) target(%arg6 : memref<64x384xf32, #tpu.memory_space<vmem>>) offsets(%arg7 : memref<64xi32, #tpu.memory_space<vmem>>) semaphore(%arg13 : memref<!tpu.dma_semaphore, #tpu.memory_space<semaphore_mem>>)
    %add3A_47 = arith.constant 0 : i32
    %add3A_48 = arith.addi %add3A_47, %mul3A_2 : i32
    %dma_start3A_49 = arith.constant 0 : i32
    %dma_start3A_50 = arith.constant 0 : i32
    %dma_start3A_51 = tpu.memref_slice %arg8[%dma_start3A_49, %dma_start3A_50] : memref<32x64xi32, #tpu.memory_space<vmem>> -> memref<1x64xi32, #tpu.memory_space<vmem>>
    %dma_start3A_52 = tpu.memref_squeeze %dma_start3A_51 : memref<1x64xi32, #tpu.memory_space<vmem>> -> memref<64xi32, #tpu.memory_space<vmem>>
    %dma_start3A_53 = tpu.memref_slice %arg2[%add3A_48] : memref<65536xi32, #tpu.memory_space<hbm>> -> memref<64xi32, #tpu.memory_space<hbm>>
    %dma_start3A_54 = arith.constant 0 : i32
    %dma_start3A_55 = tpu.memref_slice %arg8[%dma_start3A_49, %dma_start3A_54] : memref<32x64xi32, #tpu.memory_space<vmem>> -> memref<1x64xi32, #tpu.memory_space<vmem>>
    %dma_start3A_56 = tpu.memref_squeeze %dma_start3A_55 : memref<1x64xi32, #tpu.memory_space<vmem>> -> memref<64xi32, #tpu.memory_space<vmem>>
    %dma_start3A_57 = tpu.memref_slice %arg2[%add3A_48] : memref<65536xi32, #tpu.memory_space<hbm>> -> memref<64xi32, #tpu.memory_space<hbm>>
    tpu.enqueue_dma source(%dma_start3A_57 : memref<64xi32, #tpu.memory_space<hbm>>) target(%dma_start3A_56 : memref<64xi32, #tpu.memory_space<vmem>>) target_semaphore(%arg14 : memref<!tpu.dma_semaphore, #tpu.memory_space<semaphore_mem>>)
    %add3A_58 = arith.constant 2048 : i32
    %add3A_59 = arith.addi %add3A_58, %mul3A_2 : i32
    %dma_start3A_60 = arith.constant 1 : i32
    %dma_start3A_61 = arith.constant 0 : i32
    %dma_start3A_62 = tpu.memref_slice %arg8[%dma_start3A_60, %dma_start3A_61] : memref<32x64xi32, #tpu.memory_space<vmem>> -> memref<1x64xi32, #tpu.memory_space<vmem>>
    %dma_start3A_63 = tpu.memref_squeeze %dma_start3A_62 : memref<1x64xi32, #tpu.memory_space<vmem>> -> memref<64xi32, #tpu.memory_space<vmem>>
    %dma_start3A_64 = tpu.memref_slice %arg2[%add3A_59] : memref<65536xi32, #tpu.memory_space<hbm>> -> memref<64xi32, #tpu.memory_space<hbm>>
    %dma_start3A_65 = arith.constant 0 : i32
    %dma_start3A_66 = tpu.memref_slice %arg8[%dma_start3A_60, %dma_start3A_65] : memref<32x64xi32, #tpu.memory_space<vmem>> -> memref<1x64xi32, #tpu.memory_space<vmem>>
    %dma_start3A_67 = tpu.memref_squeeze %dma_start3A_66 : memref<1x64xi32, #tpu.memory_space<vmem>> -> memref<64xi32, #tpu.memory_space<vmem>>
    %dma_start3A_68 = tpu.memref_slice %arg2[%add3A_59] : memref<65536xi32, #tpu.memory_space<hbm>> -> memref<64xi32, #tpu.memory_space<hbm>>
    tpu.enqueue_dma source(%dma_start3A_68 : memref<64xi32, #tpu.memory_space<hbm>>) target(%dma_start3A_67 : memref<64xi32, #tpu.memory_space<vmem>>) target_semaphore(%arg14 : memref<!tpu.dma_semaphore, #tpu.memory_space<semaphore_mem>>)
    %add3A_69 = arith.constant 4096 : i32
    %add3A_70 = arith.addi %add3A_69, %mul3A_2 : i32
    %dma_start3A_71 = arith.constant 2 : i32
    %dma_start3A_72 = arith.constant 0 : i32
    %dma_start3A_73 = tpu.memref_slice %arg8[%dma_start3A_71, %dma_start3A_72] : memref<32x64xi32, #tpu.memory_space<vmem>> -> memref<1x64xi32, #tpu.memory_space<vmem>>
    %dma_start3A_74 = tpu.memref_squeeze %dma_start3A_73 : memref<1x64xi32, #tpu.memory_space<vmem>> -> memref<64xi32, #tpu.memory_space<vmem>>
    %dma_start3A_75 = tpu.memref_slice %arg2[%add3A_70] : memref<65536xi32, #tpu.memory_space<hbm>> -> memref<64xi32, #tpu.memory_space<hbm>>
    %dma_start3A_76 = arith.constant 0 : i32
    %dma_start3A_77 = tpu.memref_slice %arg8[%dma_start3A_71, %dma_start3A_76] : memref<32x64xi32, #tpu.memory_space<vmem>> -> memref<1x64xi32, #tpu.memory_space<vmem>>
    %dma_start3A_78 = tpu.memref_squeeze %dma_start3A_77 : memref<1x64xi32, #tpu.memory_space<vmem>> -> memref<64xi32, #tpu.memory_space<vmem>>
    %dma_start3A_79 = tpu.memref_slice %arg2[%add3A_70] : memref<65536xi32, #tpu.memory_space<hbm>> -> memref<64xi32, #tpu.memory_space<hbm>>
    tpu.enqueue_dma source(%dma_start3A_79 : memref<64xi32, #tpu.memory_space<hbm>>) target(%dma_start3A_78 : memref<64xi32, #tpu.memory_space<vmem>>) target_semaphore(%arg14 : memref<!tpu.dma_semaphore, #tpu.memory_space<semaphore_mem>>)
    %add3A_80 = arith.constant 6144 : i32
    %add3A_81 = arith.addi %add3A_80, %mul3A_2 : i32
    %dma_start3A_82 = arith.constant 3 : i32
    %dma_start3A_83 = arith.constant 0 : i32
    %dma_start3A_84 = tpu.memref_slice %arg8[%dma_start3A_82, %dma_start3A_83] : memref<32x64xi32, #tpu.memory_space<vmem>> -> memref<1x64xi32, #tpu.memory_space<vmem>>
    %dma_start3A_85 = tpu.memref_squeeze %dma_start3A_84 : memref<1x64xi32, #tpu.memory_space<vmem>> -> memref<64xi32, #tpu.memory_space<vmem>>
    %dma_start3A_86 = tpu.memref_slice %arg2[%add3A_81] : memref<65536xi32, #tpu.memory_space<hbm>> -> memref<64xi32, #tpu.memory_space<hbm>>
    %dma_start3A_87 = arith.constant 0 : i32
    %dma_start3A_88 = tpu.memref_slice %arg8[%dma_start3A_82, %dma_start3A_87] : memref<32x64xi32, #tpu.memory_space<vmem>> -> memref<1x64xi32, #tpu.memory_space<vmem>>
    %dma_start3A_89 = tpu.memref_squeeze %dma_start3A_88 : memref<1x64xi32, #tpu.memory_space<vmem>> -> memref<64xi32, #tpu.memory_space<vmem>>
    %dma_start3A_90 = tpu.memref_slice %arg2[%add3A_81] : memref<65536xi32, #tpu.memory_space<hbm>> -> memref<64xi32, #tpu.memory_space<hbm>>
    tpu.enqueue_dma source(%dma_start3A_90 : memref<64xi32, #tpu.memory_space<hbm>>) target(%dma_start3A_89 : memref<64xi32, #tpu.memory_space<vmem>>) target_semaphore(%arg14 : memref<!tpu.dma_semaphore, #tpu.memory_space<semaphore_mem>>)
    %add3A_91 = arith.constant 8192 : i32
    %add3A_92 = arith.addi %add3A_91, %mul3A_2 : i32
    %dma_start3A_93 = arith.constant 4 : i32
    %dma_start3A_94 = arith.constant 0 : i32
    %dma_start3A_95 = tpu.memref_slice %arg8[%dma_start3A_93, %dma_start3A_94] : memref<32x64xi32, #tpu.memory_space<vmem>> -> memref<1x64xi32, #tpu.memory_space<vmem>>
    %dma_start3A_96 = tpu.memref_squeeze %dma_start3A_95 : memref<1x64xi32, #tpu.memory_space<vmem>> -> memref<64xi32, #tpu.memory_space<vmem>>
    %dma_start3A_97 = tpu.memref_slice %arg2[%add3A_92] : memref<65536xi32, #tpu.memory_space<hbm>> -> memref<64xi32, #tpu.memory_space<hbm>>
    %dma_start3A_98 = arith.constant 0 : i32
    %dma_start3A_99 = tpu.memref_slice %arg8[%dma_start3A_93, %dma_start3A_98] : memref<32x64xi32, #tpu.memory_space<vmem>> -> memref<1x64xi32, #tpu.memory_space<vmem>>
    %dma_start3A_100 = tpu.memref_squeeze %dma_start3A_99 : memref<1x64xi32, #tpu.memory_space<vmem>> -> memref<64xi32, #tpu.memory_space<vmem>>
    %dma_start3A_101 = tpu.memref_slice %arg2[%add3A_92] : memref<65536xi32, #tpu.memory_space<hbm>> -> memref<64xi32, #tpu.memory_space<hbm>>
    tpu.enqueue_dma source(%dma_start3A_101 : memref<64xi32, #tpu.memory_space<hbm>>) target(%dma_start3A_100 : memref<64xi32, #tpu.memory_space<vmem>>) target_semaphore(%arg14 : memref<!tpu.dma_semaphore, #tpu.memory_space<semaphore_mem>>)
    %add3A_102 = arith.constant 10240 : i32
    %add3A_103 = arith.addi %add3A_102, %mul3A_2 : i32
    %dma_start3A_104 = arith.constant 5 : i32
    %dma_start3A_105 = arith.constant 0 : i32
    %dma_start3A_106 = tpu.memref_slice %arg8[%dma_start3A_104, %dma_start3A_105] : memref<32x64xi32, #tpu.memory_space<vmem>> -> memref<1x64xi32, #tpu.memory_space<vmem>>
    %dma_start3A_107 = tpu.memref_squeeze %dma_start3A_106 : memref<1x64xi32, #tpu.memory_space<vmem>> -> memref<64xi32, #tpu.memory_space<vmem>>
    %dma_start3A_108 = tpu.memref_slice %arg2[%add3A_103] : memref<65536xi32, #tpu.memory_space<hbm>> -> memref<64xi32, #tpu.memory_space<hbm>>
    %dma_start3A_109 = arith.constant 0 : i32
    %dma_start3A_110 = tpu.memref_slice %arg8[%dma_start3A_104, %dma_start3A_109] : memref<32x64xi32, #tpu.memory_space<vmem>> -> memref<1x64xi32, #tpu.memory_space<vmem>>
    %dma_start3A_111 = tpu.memref_squeeze %dma_start3A_110 : memref<1x64xi32, #tpu.memory_space<vmem>> -> memref<64xi32, #tpu.memory_space<vmem>>
    %dma_start3A_112 = tpu.memref_slice %arg2[%add3A_103] : memref<65536xi32, #tpu.memory_space<hbm>> -> memref<64xi32, #tpu.memory_space<hbm>>
    tpu.enqueue_dma source(%dma_start3A_112 : memref<64xi32, #tpu.memory_space<hbm>>) target(%dma_start3A_111 : memref<64xi32, #tpu.memory_space<vmem>>) target_semaphore(%arg14 : memref<!tpu.dma_semaphore, #tpu.memory_space<semaphore_mem>>)
    %add3A_113 = arith.constant 12288 : i32
    %add3A_114 = arith.addi %add3A_113, %mul3A_2 : i32
    %dma_start3A_115 = arith.constant 6 : i32
    %dma_start3A_116 = arith.constant 0 : i32
    %dma_start3A_117 = tpu.memref_slice %arg8[%dma_start3A_115, %dma_start3A_116] : memref<32x64xi32, #tpu.memory_space<vmem>> -> memref<1x64xi32, #tpu.memory_space<vmem>>
    %dma_start3A_118 = tpu.memref_squeeze %dma_start3A_117 : memref<1x64xi32, #tpu.memory_space<vmem>> -> memref<64xi32, #tpu.memory_space<vmem>>
    %dma_start3A_119 = tpu.memref_slice %arg2[%add3A_114] : memref<65536xi32, #tpu.memory_space<hbm>> -> memref<64xi32, #tpu.memory_space<hbm>>
    %dma_start3A_120 = arith.constant 0 : i32
    %dma_start3A_121 = tpu.memref_slice %arg8[%dma_start3A_115, %dma_start3A_120] : memref<32x64xi32, #tpu.memory_space<vmem>> -> memref<1x64xi32, #tpu.memory_space<vmem>>
    %dma_start3A_122 = tpu.memref_squeeze %dma_start3A_121 : memref<1x64xi32, #tpu.memory_space<vmem>> -> memref<64xi32, #tpu.memory_space<vmem>>
    %dma_start3A_123 = tpu.memref_slice %arg2[%add3A_114] : memref<65536xi32, #tpu.memory_space<hbm>> -> memref<64xi32, #tpu.memory_space<hbm>>
    tpu.enqueue_dma source(%dma_start3A_123 : memref<64xi32, #tpu.memory_space<hbm>>) target(%dma_start3A_122 : memref<64xi32, #tpu.memory_space<vmem>>) target_semaphore(%arg14 : memref<!tpu.dma_semaphore, #tpu.memory_space<semaphore_mem>>)
    %add3A_124 = arith.constant 14336 : i32
    %add3A_125 = arith.addi %add3A_124, %mul3A_2 : i32
    %dma_start3A_126 = arith.constant 7 : i32
    %dma_start3A_127 = arith.constant 0 : i32
    %dma_start3A_128 = tpu.memref_slice %arg8[%dma_start3A_126, %dma_start3A_127] : memref<32x64xi32, #tpu.memory_space<vmem>> -> memref<1x64xi32, #tpu.memory_space<vmem>>
    %dma_start3A_129 = tpu.memref_squeeze %dma_start3A_128 : memref<1x64xi32, #tpu.memory_space<vmem>> -> memref<64xi32, #tpu.memory_space<vmem>>
    %dma_start3A_130 = tpu.memref_slice %arg2[%add3A_125] : memref<65536xi32, #tpu.memory_space<hbm>> -> memref<64xi32, #tpu.memory_space<hbm>>
    %dma_start3A_131 = arith.constant 0 : i32
    %dma_start3A_132 = tpu.memref_slice %arg8[%dma_start3A_126, %dma_start3A_131] : memref<32x64xi32, #tpu.memory_space<vmem>> -> memref<1x64xi32, #tpu.memory_space<vmem>>
    %dma_start3A_133 = tpu.memref_squeeze %dma_start3A_132 : memref<1x64xi32, #tpu.memory_space<vmem>> -> memref<64xi32, #tpu.memory_space<vmem>>
    %dma_start3A_134 = tpu.memref_slice %arg2[%add3A_125] : memref<65536xi32, #tpu.memory_space<hbm>> -> memref<64xi32, #tpu.memory_space<hbm>>
    tpu.enqueue_dma source(%dma_start3A_134 : memref<64xi32, #tpu.memory_space<hbm>>) target(%dma_start3A_133 : memref<64xi32, #tpu.memory_space<vmem>>) target_semaphore(%arg14 : memref<!tpu.dma_semaphore, #tpu.memory_space<semaphore_mem>>)
    %add3A_135 = arith.constant 16384 : i32
    %add3A_136 = arith.addi %add3A_135, %mul3A_2 : i32
    %dma_start3A_137 = arith.constant 8 : i32
    %dma_start3A_138 = arith.constant 0 : i32
    %dma_start3A_139 = tpu.memref_slice %arg8[%dma_start3A_137, %dma_start3A_138] : memref<32x64xi32, #tpu.memory_space<vmem>> -> memref<1x64xi32, #tpu.memory_space<vmem>>
    %dma_start3A_140 = tpu.memref_squeeze %dma_start3A_139 : memref<1x64xi32, #tpu.memory_space<vmem>> -> memref<64xi32, #tpu.memory_space<vmem>>
    %dma_start3A_141 = tpu.memref_slice %arg2[%add3A_136] : memref<65536xi32, #tpu.memory_space<hbm>> -> memref<64xi32, #tpu.memory_space<hbm>>
    %dma_start3A_142 = arith.constant 0 : i32
    %dma_start3A_143 = tpu.memref_slice %arg8[%dma_start3A_137, %dma_start3A_142] : memref<32x64xi32, #tpu.memory_space<vmem>> -> memref<1x64xi32, #tpu.memory_space<vmem>>
    %dma_start3A_144 = tpu.memref_squeeze %dma_start3A_143 : memref<1x64xi32, #tpu.memory_space<vmem>> -> memref<64xi32, #tpu.memory_space<vmem>>
    %dma_start3A_145 = tpu.memref_slice %arg2[%add3A_136] : memref<65536xi32, #tpu.memory_space<hbm>> -> memref<64xi32, #tpu.memory_space<hbm>>
    tpu.enqueue_dma source(%dma_start3A_145 : memref<64xi32, #tpu.memory_space<hbm>>) target(%dma_start3A_144 : memref<64xi32, #tpu.memory_space<vmem>>) target_semaphore(%arg14 : memref<!tpu.dma_semaphore, #tpu.memory_space<semaphore_mem>>)
    %add3A_146 = arith.constant 18432 : i32
    %add3A_147 = arith.addi %add3A_146, %mul3A_2 : i32
    %dma_start3A_148 = arith.constant 9 : i32
    %dma_start3A_149 = arith.constant 0 : i32
    %dma_start3A_150 = tpu.memref_slice %arg8[%dma_start3A_148, %dma_start3A_149] : memref<32x64xi32, #tpu.memory_space<vmem>> -> memref<1x64xi32, #tpu.memory_space<vmem>>
    %dma_start3A_151 = tpu.memref_squeeze %dma_start3A_150 : memref<1x64xi32, #tpu.memory_space<vmem>> -> memref<64xi32, #tpu.memory_space<vmem>>
    %dma_start3A_152 = tpu.memref_slice %arg2[%add3A_147] : memref<65536xi32, #tpu.memory_space<hbm>> -> memref<64xi32, #tpu.memory_space<hbm>>
    %dma_start3A_153 = arith.constant 0 : i32
    %dma_start3A_154 = tpu.memref_slice %arg8[%dma_start3A_148, %dma_start3A_153] : memref<32x64xi32, #tpu.memory_space<vmem>> -> memref<1x64xi32, #tpu.memory_space<vmem>>
    %dma_start3A_155 = tpu.memref_squeeze %dma_start3A_154 : memref<1x64xi32, #tpu.memory_space<vmem>> -> memref<64xi32, #tpu.memory_space<vmem>>
    %dma_start3A_156 = tpu.memref_slice %arg2[%add3A_147] : memref<65536xi32, #tpu.memory_space<hbm>> -> memref<64xi32, #tpu.memory_space<hbm>>
    tpu.enqueue_dma source(%dma_start3A_156 : memref<64xi32, #tpu.memory_space<hbm>>) target(%dma_start3A_155 : memref<64xi32, #tpu.memory_space<vmem>>) target_semaphore(%arg14 : memref<!tpu.dma_semaphore, #tpu.memory_space<semaphore_mem>>)
    %add3A_157 = arith.constant 20480 : i32
    %add3A_158 = arith.addi %add3A_157, %mul3A_2 : i32
    %dma_start3A_159 = arith.constant 10 : i32
    %dma_start3A_160 = arith.constant 0 : i32
    %dma_start3A_161 = tpu.memref_slice %arg8[%dma_start3A_159, %dma_start3A_160] : memref<32x64xi32, #tpu.memory_space<vmem>> -> memref<1x64xi32, #tpu.memory_space<vmem>>
    %dma_start3A_162 = tpu.memref_squeeze %dma_start3A_161 : memref<1x64xi32, #tpu.memory_space<vmem>> -> memref<64xi32, #tpu.memory_space<vmem>>
    %dma_start3A_163 = tpu.memref_slice %arg2[%add3A_158] : memref<65536xi32, #tpu.memory_space<hbm>> -> memref<64xi32, #tpu.memory_space<hbm>>
    %dma_start3A_164 = arith.constant 0 : i32
    %dma_start3A_165 = tpu.memref_slice %arg8[%dma_start3A_159, %dma_start3A_164] : memref<32x64xi32, #tpu.memory_space<vmem>> -> memref<1x64xi32, #tpu.memory_space<vmem>>
    %dma_start3A_166 = tpu.memref_squeeze %dma_start3A_165 : memref<1x64xi32, #tpu.memory_space<vmem>> -> memref<64xi32, #tpu.memory_space<vmem>>
    %dma_start3A_167 = tpu.memref_slice %arg2[%add3A_158] : memref<65536xi32, #tpu.memory_space<hbm>> -> memref<64xi32, #tpu.memory_space<hbm>>
    tpu.enqueue_dma source(%dma_start3A_167 : memref<64xi32, #tpu.memory_space<hbm>>) target(%dma_start3A_166 : memref<64xi32, #tpu.memory_space<vmem>>) target_semaphore(%arg14 : memref<!tpu.dma_semaphore, #tpu.memory_space<semaphore_mem>>)
    %add3A_168 = arith.constant 22528 : i32
    %add3A_169 = arith.addi %add3A_168, %mul3A_2 : i32
    %dma_start3A_170 = arith.constant 11 : i32
    %dma_start3A_171 = arith.constant 0 : i32
    %dma_start3A_172 = tpu.memref_slice %arg8[%dma_start3A_170, %dma_start3A_171] : memref<32x64xi32, #tpu.memory_space<vmem>> -> memref<1x64xi32, #tpu.memory_space<vmem>>
    %dma_start3A_173 = tpu.memref_squeeze %dma_start3A_172 : memref<1x64xi32, #tpu.memory_space<vmem>> -> memref<64xi32, #tpu.memory_space<vmem>>
    %dma_start3A_174 = tpu.memref_slice %arg2[%add3A_169] : memref<65536xi32, #tpu.memory_space<hbm>> -> memref<64xi32, #tpu.memory_space<hbm>>
    %dma_start3A_175 = arith.constant 0 : i32
    %dma_start3A_176 = tpu.memref_slice %arg8[%dma_start3A_170, %dma_start3A_175] : memref<32x64xi32, #tpu.memory_space<vmem>> -> memref<1x64xi32, #tpu.memory_space<vmem>>
    %dma_start3A_177 = tpu.memref_squeeze %dma_start3A_176 : memref<1x64xi32, #tpu.memory_space<vmem>> -> memref<64xi32, #tpu.memory_space<vmem>>
    %dma_start3A_178 = tpu.memref_slice %arg2[%add3A_169] : memref<65536xi32, #tpu.memory_space<hbm>> -> memref<64xi32, #tpu.memory_space<hbm>>
    tpu.enqueue_dma source(%dma_start3A_178 : memref<64xi32, #tpu.memory_space<hbm>>) target(%dma_start3A_177 : memref<64xi32, #tpu.memory_space<vmem>>) target_semaphore(%arg14 : memref<!tpu.dma_semaphore, #tpu.memory_space<semaphore_mem>>)
    %add3A_179 = arith.constant 24576 : i32
    %add3A_180 = arith.addi %add3A_179, %mul3A_2 : i32
    %dma_start3A_181 = arith.constant 12 : i32
    %dma_start3A_182 = arith.constant 0 : i32
    %dma_start3A_183 = tpu.memref_slice %arg8[%dma_start3A_181, %dma_start3A_182] : memref<32x64xi32, #tpu.memory_space<vmem>> -> memref<1x64xi32, #tpu.memory_space<vmem>>
    %dma_start3A_184 = tpu.memref_squeeze %dma_start3A_183 : memref<1x64xi32, #tpu.memory_space<vmem>> -> memref<64xi32, #tpu.memory_space<vmem>>
    %dma_start3A_185 = tpu.memref_slice %arg2[%add3A_180] : memref<65536xi32, #tpu.memory_space<hbm>> -> memref<64xi32, #tpu.memory_space<hbm>>
    %dma_start3A_186 = arith.constant 0 : i32
    %dma_start3A_187 = tpu.memref_slice %arg8[%dma_start3A_181, %dma_start3A_186] : memref<32x64xi32, #tpu.memory_space<vmem>> -> memref<1x64xi32, #tpu.memory_space<vmem>>
    %dma_start3A_188 = tpu.memref_squeeze %dma_start3A_187 : memref<1x64xi32, #tpu.memory_space<vmem>> -> memref<64xi32, #tpu.memory_space<vmem>>
    %dma_start3A_189 = tpu.memref_slice %arg2[%add3A_180] : memref<65536xi32, #tpu.memory_space<hbm>> -> memref<64xi32, #tpu.memory_space<hbm>>
    tpu.enqueue_dma source(%dma_start3A_189 : memref<64xi32, #tpu.memory_space<hbm>>) target(%dma_start3A_188 : memref<64xi32, #tpu.memory_space<vmem>>) target_semaphore(%arg14 : memref<!tpu.dma_semaphore, #tpu.memory_space<semaphore_mem>>)
    %add3A_190 = arith.constant 26624 : i32
    %add3A_191 = arith.addi %add3A_190, %mul3A_2 : i32
    %dma_start3A_192 = arith.constant 13 : i32
    %dma_start3A_193 = arith.constant 0 : i32
    %dma_start3A_194 = tpu.memref_slice %arg8[%dma_start3A_192, %dma_start3A_193] : memref<32x64xi32, #tpu.memory_space<vmem>> -> memref<1x64xi32, #tpu.memory_space<vmem>>
    %dma_start3A_195 = tpu.memref_squeeze %dma_start3A_194 : memref<1x64xi32, #tpu.memory_space<vmem>> -> memref<64xi32, #tpu.memory_space<vmem>>
    %dma_start3A_196 = tpu.memref_slice %arg2[%add3A_191] : memref<65536xi32, #tpu.memory_space<hbm>> -> memref<64xi32, #tpu.memory_space<hbm>>
    %dma_start3A_197 = arith.constant 0 : i32
    %dma_start3A_198 = tpu.memref_slice %arg8[%dma_start3A_192, %dma_start3A_197] : memref<32x64xi32, #tpu.memory_space<vmem>> -> memref<1x64xi32, #tpu.memory_space<vmem>>
    %dma_start3A_199 = tpu.memref_squeeze %dma_start3A_198 : memref<1x64xi32, #tpu.memory_space<vmem>> -> memref<64xi32, #tpu.memory_space<vmem>>
    %dma_start3A_200 = tpu.memref_slice %arg2[%add3A_191] : memref<65536xi32, #tpu.memory_space<hbm>> -> memref<64xi32, #tpu.memory_space<hbm>>
    tpu.enqueue_dma source(%dma_start3A_200 : memref<64xi32, #tpu.memory_space<hbm>>) target(%dma_start3A_199 : memref<64xi32, #tpu.memory_space<vmem>>) target_semaphore(%arg14 : memref<!tpu.dma_semaphore, #tpu.memory_space<semaphore_mem>>)
    %add3A_201 = arith.constant 28672 : i32
    %add3A_202 = arith.addi %add3A_201, %mul3A_2 : i32
    %dma_start3A_203 = arith.constant 14 : i32
    %dma_start3A_204 = arith.constant 0 : i32
    %dma_start3A_205 = tpu.memref_slice %arg8[%dma_start3A_203, %dma_start3A_204] : memref<32x64xi32, #tpu.memory_space<vmem>> -> memref<1x64xi32, #tpu.memory_space<vmem>>
    %dma_start3A_206 = tpu.memref_squeeze %dma_start3A_205 : memref<1x64xi32, #tpu.memory_space<vmem>> -> memref<64xi32, #tpu.memory_space<vmem>>
    %dma_start3A_207 = tpu.memref_slice %arg2[%add3A_202] : memref<65536xi32, #tpu.memory_space<hbm>> -> memref<64xi32, #tpu.memory_space<hbm>>
    %dma_start3A_208 = arith.constant 0 : i32
    %dma_start3A_209 = tpu.memref_slice %arg8[%dma_start3A_203, %dma_start3A_208] : memref<32x64xi32, #tpu.memory_space<vmem>> -> memref<1x64xi32, #tpu.memory_space<vmem>>
    %dma_start3A_210 = tpu.memref_squeeze %dma_start3A_209 : memref<1x64xi32, #tpu.memory_space<vmem>> -> memref<64xi32, #tpu.memory_space<vmem>>
    %dma_start3A_211 = tpu.memref_slice %arg2[%add3A_202] : memref<65536xi32, #tpu.memory_space<hbm>> -> memref<64xi32, #tpu.memory_space<hbm>>
    tpu.enqueue_dma source(%dma_start3A_211 : memref<64xi32, #tpu.memory_space<hbm>>) target(%dma_start3A_210 : memref<64xi32, #tpu.memory_space<vmem>>) target_semaphore(%arg14 : memref<!tpu.dma_semaphore, #tpu.memory_space<semaphore_mem>>)
    %add3A_212 = arith.constant 30720 : i32
    %add3A_213 = arith.addi %add3A_212, %mul3A_2 : i32
    %dma_start3A_214 = arith.constant 15 : i32
    %dma_start3A_215 = arith.constant 0 : i32
    %dma_start3A_216 = tpu.memref_slice %arg8[%dma_start3A_214, %dma_start3A_215] : memref<32x64xi32, #tpu.memory_space<vmem>> -> memref<1x64xi32, #tpu.memory_space<vmem>>
    %dma_start3A_217 = tpu.memref_squeeze %dma_start3A_216 : memref<1x64xi32, #tpu.memory_space<vmem>> -> memref<64xi32, #tpu.memory_space<vmem>>
    %dma_start3A_218 = tpu.memref_slice %arg2[%add3A_213] : memref<65536xi32, #tpu.memory_space<hbm>> -> memref<64xi32, #tpu.memory_space<hbm>>
    %dma_start3A_219 = arith.constant 0 : i32
    %dma_start3A_220 = tpu.memref_slice %arg8[%dma_start3A_214, %dma_start3A_219] : memref<32x64xi32, #tpu.memory_space<vmem>> -> memref<1x64xi32, #tpu.memory_space<vmem>>
    %dma_start3A_221 = tpu.memref_squeeze %dma_start3A_220 : memref<1x64xi32, #tpu.memory_space<vmem>> -> memref<64xi32, #tpu.memory_space<vmem>>
    %dma_start3A_222 = tpu.memref_slice %arg2[%add3A_213] : memref<65536xi32, #tpu.memory_space<hbm>> -> memref<64xi32, #tpu.memory_space<hbm>>
    tpu.enqueue_dma source(%dma_start3A_222 : memref<64xi32, #tpu.memory_space<hbm>>) target(%dma_start3A_221 : memref<64xi32, #tpu.memory_space<vmem>>) target_semaphore(%arg14 : memref<!tpu.dma_semaphore, #tpu.memory_space<semaphore_mem>>)
    %add3A_223 = arith.constant 32768 : i32
    %add3A_224 = arith.addi %add3A_223, %mul3A_2 : i32
    %dma_start3A_225 = arith.constant 16 : i32
    %dma_start3A_226 = arith.constant 0 : i32
    %dma_start3A_227 = tpu.memref_slice %arg8[%dma_start3A_225, %dma_start3A_226] : memref<32x64xi32, #tpu.memory_space<vmem>> -> memref<1x64xi32, #tpu.memory_space<vmem>>
    %dma_start3A_228 = tpu.memref_squeeze %dma_start3A_227 : memref<1x64xi32, #tpu.memory_space<vmem>> -> memref<64xi32, #tpu.memory_space<vmem>>
    %dma_start3A_229 = tpu.memref_slice %arg2[%add3A_224] : memref<65536xi32, #tpu.memory_space<hbm>> -> memref<64xi32, #tpu.memory_space<hbm>>
    %dma_start3A_230 = arith.constant 0 : i32
    %dma_start3A_231 = tpu.memref_slice %arg8[%dma_start3A_225, %dma_start3A_230] : memref<32x64xi32, #tpu.memory_space<vmem>> -> memref<1x64xi32, #tpu.memory_space<vmem>>
    %dma_start3A_232 = tpu.memref_squeeze %dma_start3A_231 : memref<1x64xi32, #tpu.memory_space<vmem>> -> memref<64xi32, #tpu.memory_space<vmem>>
    %dma_start3A_233 = tpu.memref_slice %arg2[%add3A_224] : memref<65536xi32, #tpu.memory_space<hbm>> -> memref<64xi32, #tpu.memory_space<hbm>>
    tpu.enqueue_dma source(%dma_start3A_233 : memref<64xi32, #tpu.memory_space<hbm>>) target(%dma_start3A_232 : memref<64xi32, #tpu.memory_space<vmem>>) target_semaphore(%arg14 : memref<!tpu.dma_semaphore, #tpu.memory_space<semaphore_mem>>)
    %add3A_234 = arith.constant 34816 : i32
    %add3A_235 = arith.addi %add3A_234, %mul3A_2 : i32
    %dma_start3A_236 = arith.constant 17 : i32
    %dma_start3A_237 = arith.constant 0 : i32
    %dma_start3A_238 = tpu.memref_slice %arg8[%dma_start3A_236, %dma_start3A_237] : memref<32x64xi32, #tpu.memory_space<vmem>> -> memref<1x64xi32, #tpu.memory_space<vmem>>
    %dma_start3A_239 = tpu.memref_squeeze %dma_start3A_238 : memref<1x64xi32, #tpu.memory_space<vmem>> -> memref<64xi32, #tpu.memory_space<vmem>>
    %dma_start3A_240 = tpu.memref_slice %arg2[%add3A_235] : memref<65536xi32, #tpu.memory_space<hbm>> -> memref<64xi32, #tpu.memory_space<hbm>>
    %dma_start3A_241 = arith.constant 0 : i32
    %dma_start3A_242 = tpu.memref_slice %arg8[%dma_start3A_236, %dma_start3A_241] : memref<32x64xi32, #tpu.memory_space<vmem>> -> memref<1x64xi32, #tpu.memory_space<vmem>>
    %dma_start3A_243 = tpu.memref_squeeze %dma_start3A_242 : memref<1x64xi32, #tpu.memory_space<vmem>> -> memref<64xi32, #tpu.memory_space<vmem>>
    %dma_start3A_244 = tpu.memref_slice %arg2[%add3A_235] : memref<65536xi32, #tpu.memory_space<hbm>> -> memref<64xi32, #tpu.memory_space<hbm>>
    tpu.enqueue_dma source(%dma_start3A_244 : memref<64xi32, #tpu.memory_space<hbm>>) target(%dma_start3A_243 : memref<64xi32, #tpu.memory_space<vmem>>) target_semaphore(%arg14 : memref<!tpu.dma_semaphore, #tpu.memory_space<semaphore_mem>>)
    %add3A_245 = arith.constant 36864 : i32
    %add3A_246 = arith.addi %add3A_245, %mul3A_2 : i32
    %dma_start3A_247 = arith.constant 18 : i32
    %dma_start3A_248 = arith.constant 0 : i32
    %dma_start3A_249 = tpu.memref_slice %arg8[%dma_start3A_247, %dma_start3A_248] : memref<32x64xi32, #tpu.memory_space<vmem>> -> memref<1x64xi32, #tpu.memory_space<vmem>>
    %dma_start3A_250 = tpu.memref_squeeze %dma_start3A_249 : memref<1x64xi32, #tpu.memory_space<vmem>> -> memref<64xi32, #tpu.memory_space<vmem>>
    %dma_start3A_251 = tpu.memref_slice %arg2[%add3A_246] : memref<65536xi32, #tpu.memory_space<hbm>> -> memref<64xi32, #tpu.memory_space<hbm>>
    %dma_start3A_252 = arith.constant 0 : i32
    %dma_start3A_253 = tpu.memref_slice %arg8[%dma_start3A_247, %dma_start3A_252] : memref<32x64xi32, #tpu.memory_space<vmem>> -> memref<1x64xi32, #tpu.memory_space<vmem>>
    %dma_start3A_254 = tpu.memref_squeeze %dma_start3A_253 : memref<1x64xi32, #tpu.memory_space<vmem>> -> memref<64xi32, #tpu.memory_space<vmem>>
    %dma_start3A_255 = tpu.memref_slice %arg2[%add3A_246] : memref<65536xi32, #tpu.memory_space<hbm>> -> memref<64xi32, #tpu.memory_space<hbm>>
    tpu.enqueue_dma source(%dma_start3A_255 : memref<64xi32, #tpu.memory_space<hbm>>) target(%dma_start3A_254 : memref<64xi32, #tpu.memory_space<vmem>>) target_semaphore(%arg14 : memref<!tpu.dma_semaphore, #tpu.memory_space<semaphore_mem>>)
    %add3A_256 = arith.constant 38912 : i32
    %add3A_257 = arith.addi %add3A_256, %mul3A_2 : i32
    %dma_start3A_258 = arith.constant 19 : i32
    %dma_start3A_259 = arith.constant 0 : i32
    %dma_start3A_260 = tpu.memref_slice %arg8[%dma_start3A_258, %dma_start3A_259] : memref<32x64xi32, #tpu.memory_space<vmem>> -> memref<1x64xi32, #tpu.memory_space<vmem>>
    %dma_start3A_261 = tpu.memref_squeeze %dma_start3A_260 : memref<1x64xi32, #tpu.memory_space<vmem>> -> memref<64xi32, #tpu.memory_space<vmem>>
    %dma_start3A_262 = tpu.memref_slice %arg2[%add3A_257] : memref<65536xi32, #tpu.memory_space<hbm>> -> memref<64xi32, #tpu.memory_space<hbm>>
    %dma_start3A_263 = arith.constant 0 : i32
    %dma_start3A_264 = tpu.memref_slice %arg8[%dma_start3A_258, %dma_start3A_263] : memref<32x64xi32, #tpu.memory_space<vmem>> -> memref<1x64xi32, #tpu.memory_space<vmem>>
    %dma_start3A_265 = tpu.memref_squeeze %dma_start3A_264 : memref<1x64xi32, #tpu.memory_space<vmem>> -> memref<64xi32, #tpu.memory_space<vmem>>
    %dma_start3A_266 = tpu.memref_slice %arg2[%add3A_257] : memref<65536xi32, #tpu.memory_space<hbm>> -> memref<64xi32, #tpu.memory_space<hbm>>
    tpu.enqueue_dma source(%dma_start3A_266 : memref<64xi32, #tpu.memory_space<hbm>>) target(%dma_start3A_265 : memref<64xi32, #tpu.memory_space<vmem>>) target_semaphore(%arg14 : memref<!tpu.dma_semaphore, #tpu.memory_space<semaphore_mem>>)
    %add3A_267 = arith.constant 40960 : i32
    %add3A_268 = arith.addi %add3A_267, %mul3A_2 : i32
    %dma_start3A_269 = arith.constant 20 : i32
    %dma_start3A_270 = arith.constant 0 : i32
    %dma_start3A_271 = tpu.memref_slice %arg8[%dma_start3A_269, %dma_start3A_270] : memref<32x64xi32, #tpu.memory_space<vmem>> -> memref<1x64xi32, #tpu.memory_space<vmem>>
    %dma_start3A_272 = tpu.memref_squeeze %dma_start3A_271 : memref<1x64xi32, #tpu.memory_space<vmem>> -> memref<64xi32, #tpu.memory_space<vmem>>
    %dma_start3A_273 = tpu.memref_slice %arg2[%add3A_268] : memref<65536xi32, #tpu.memory_space<hbm>> -> memref<64xi32, #tpu.memory_space<hbm>>
    %dma_start3A_274 = arith.constant 0 : i32
    %dma_start3A_275 = tpu.memref_slice %arg8[%dma_start3A_269, %dma_start3A_274] : memref<32x64xi32, #tpu.memory_space<vmem>> -> memref<1x64xi32, #tpu.memory_space<vmem>>
    %dma_start3A_276 = tpu.memref_squeeze %dma_start3A_275 : memref<1x64xi32, #tpu.memory_space<vmem>> -> memref<64xi32, #tpu.memory_space<vmem>>
    %dma_start3A_277 = tpu.memref_slice %arg2[%add3A_268] : memref<65536xi32, #tpu.memory_space<hbm>> -> memref<64xi32, #tpu.memory_space<hbm>>
    tpu.enqueue_dma source(%dma_start3A_277 : memref<64xi32, #tpu.memory_space<hbm>>) target(%dma_start3A_276 : memref<64xi32, #tpu.memory_space<vmem>>) target_semaphore(%arg14 : memref<!tpu.dma_semaphore, #tpu.memory_space<semaphore_mem>>)
    %add3A_278 = arith.constant 43008 : i32
    %add3A_279 = arith.addi %add3A_278, %mul3A_2 : i32
    %dma_start3A_280 = arith.constant 21 : i32
    %dma_start3A_281 = arith.constant 0 : i32
    %dma_start3A_282 = tpu.memref_slice %arg8[%dma_start3A_280, %dma_start3A_281] : memref<32x64xi32, #tpu.memory_space<vmem>> -> memref<1x64xi32, #tpu.memory_space<vmem>>
    %dma_start3A_283 = tpu.memref_squeeze %dma_start3A_282 : memref<1x64xi32, #tpu.memory_space<vmem>> -> memref<64xi32, #tpu.memory_space<vmem>>
    %dma_start3A_284 = tpu.memref_slice %arg2[%add3A_279] : memref<65536xi32, #tpu.memory_space<hbm>> -> memref<64xi32, #tpu.memory_space<hbm>>
    %dma_start3A_285 = arith.constant 0 : i32
    %dma_start3A_286 = tpu.memref_slice %arg8[%dma_start3A_280, %dma_start3A_285] : memref<32x64xi32, #tpu.memory_space<vmem>> -> memref<1x64xi32, #tpu.memory_space<vmem>>
    %dma_start3A_287 = tpu.memref_squeeze %dma_start3A_286 : memref<1x64xi32, #tpu.memory_space<vmem>> -> memref<64xi32, #tpu.memory_space<vmem>>
    %dma_start3A_288 = tpu.memref_slice %arg2[%add3A_279] : memref<65536xi32, #tpu.memory_space<hbm>> -> memref<64xi32, #tpu.memory_space<hbm>>
    tpu.enqueue_dma source(%dma_start3A_288 : memref<64xi32, #tpu.memory_space<hbm>>) target(%dma_start3A_287 : memref<64xi32, #tpu.memory_space<vmem>>) target_semaphore(%arg14 : memref<!tpu.dma_semaphore, #tpu.memory_space<semaphore_mem>>)
    %add3A_289 = arith.constant 45056 : i32
    %add3A_290 = arith.addi %add3A_289, %mul3A_2 : i32
    %dma_start3A_291 = arith.constant 22 : i32
    %dma_start3A_292 = arith.constant 0 : i32
    %dma_start3A_293 = tpu.memref_slice %arg8[%dma_start3A_291, %dma_start3A_292] : memref<32x64xi32, #tpu.memory_space<vmem>> -> memref<1x64xi32, #tpu.memory_space<vmem>>
    %dma_start3A_294 = tpu.memref_squeeze %dma_start3A_293 : memref<1x64xi32, #tpu.memory_space<vmem>> -> memref<64xi32, #tpu.memory_space<vmem>>
    %dma_start3A_295 = tpu.memref_slice %arg2[%add3A_290] : memref<65536xi32, #tpu.memory_space<hbm>> -> memref<64xi32, #tpu.memory_space<hbm>>
    %dma_start3A_296 = arith.constant 0 : i32
    %dma_start3A_297 = tpu.memref_slice %arg8[%dma_start3A_291, %dma_start3A_296] : memref<32x64xi32, #tpu.memory_space<vmem>> -> memref<1x64xi32, #tpu.memory_space<vmem>>
    %dma_start3A_298 = tpu.memref_squeeze %dma_start3A_297 : memref<1x64xi32, #tpu.memory_space<vmem>> -> memref<64xi32, #tpu.memory_space<vmem>>
    %dma_start3A_299 = tpu.memref_slice %arg2[%add3A_290] : memref<65536xi32, #tpu.memory_space<hbm>> -> memref<64xi32, #tpu.memory_space<hbm>>
    tpu.enqueue_dma source(%dma_start3A_299 : memref<64xi32, #tpu.memory_space<hbm>>) target(%dma_start3A_298 : memref<64xi32, #tpu.memory_space<vmem>>) target_semaphore(%arg14 : memref<!tpu.dma_semaphore, #tpu.memory_space<semaphore_mem>>)
    %add3A_300 = arith.constant 47104 : i32
    %add3A_301 = arith.addi %add3A_300, %mul3A_2 : i32
    %dma_start3A_302 = arith.constant 23 : i32
    %dma_start3A_303 = arith.constant 0 : i32
    %dma_start3A_304 = tpu.memref_slice %arg8[%dma_start3A_302, %dma_start3A_303] : memref<32x64xi32, #tpu.memory_space<vmem>> -> memref<1x64xi32, #tpu.memory_space<vmem>>
    %dma_start3A_305 = tpu.memref_squeeze %dma_start3A_304 : memref<1x64xi32, #tpu.memory_space<vmem>> -> memref<64xi32, #tpu.memory_space<vmem>>
    %dma_start3A_306 = tpu.memref_slice %arg2[%add3A_301] : memref<65536xi32, #tpu.memory_space<hbm>> -> memref<64xi32, #tpu.memory_space<hbm>>
    %dma_start3A_307 = arith.constant 0 : i32
    %dma_start3A_308 = tpu.memref_slice %arg8[%dma_start3A_302, %dma_start3A_307] : memref<32x64xi32, #tpu.memory_space<vmem>> -> memref<1x64xi32, #tpu.memory_space<vmem>>
    %dma_start3A_309 = tpu.memref_squeeze %dma_start3A_308 : memref<1x64xi32, #tpu.memory_space<vmem>> -> memref<64xi32, #tpu.memory_space<vmem>>
    %dma_start3A_310 = tpu.memref_slice %arg2[%add3A_301] : memref<65536xi32, #tpu.memory_space<hbm>> -> memref<64xi32, #tpu.memory_space<hbm>>
    tpu.enqueue_dma source(%dma_start3A_310 : memref<64xi32, #tpu.memory_space<hbm>>) target(%dma_start3A_309 : memref<64xi32, #tpu.memory_space<vmem>>) target_semaphore(%arg14 : memref<!tpu.dma_semaphore, #tpu.memory_space<semaphore_mem>>)
    %add3A_311 = arith.constant 49152 : i32
    %add3A_312 = arith.addi %add3A_311, %mul3A_2 : i32
    %dma_start3A_313 = arith.constant 24 : i32
    %dma_start3A_314 = arith.constant 0 : i32
    %dma_start3A_315 = tpu.memref_slice %arg8[%dma_start3A_313, %dma_start3A_314] : memref<32x64xi32, #tpu.memory_space<vmem>> -> memref<1x64xi32, #tpu.memory_space<vmem>>
    %dma_start3A_316 = tpu.memref_squeeze %dma_start3A_315 : memref<1x64xi32, #tpu.memory_space<vmem>> -> memref<64xi32, #tpu.memory_space<vmem>>
    %dma_start3A_317 = tpu.memref_slice %arg2[%add3A_312] : memref<65536xi32, #tpu.memory_space<hbm>> -> memref<64xi32, #tpu.memory_space<hbm>>
    %dma_start3A_318 = arith.constant 0 : i32
    %dma_start3A_319 = tpu.memref_slice %arg8[%dma_start3A_313, %dma_start3A_318] : memref<32x64xi32, #tpu.memory_space<vmem>> -> memref<1x64xi32, #tpu.memory_space<vmem>>
    %dma_start3A_320 = tpu.memref_squeeze %dma_start3A_319 : memref<1x64xi32, #tpu.memory_space<vmem>> -> memref<64xi32, #tpu.memory_space<vmem>>
    %dma_start3A_321 = tpu.memref_slice %arg2[%add3A_312] : memref<65536xi32, #tpu.memory_space<hbm>> -> memref<64xi32, #tpu.memory_space<hbm>>
    tpu.enqueue_dma source(%dma_start3A_321 : memref<64xi32, #tpu.memory_space<hbm>>) target(%dma_start3A_320 : memref<64xi32, #tpu.memory_space<vmem>>) target_semaphore(%arg14 : memref<!tpu.dma_semaphore, #tpu.memory_space<semaphore_mem>>)
    %add3A_322 = arith.constant 51200 : i32
    %add3A_323 = arith.addi %add3A_322, %mul3A_2 : i32
    %dma_start3A_324 = arith.constant 25 : i32
    %dma_start3A_325 = arith.constant 0 : i32
    %dma_start3A_326 = tpu.memref_slice %arg8[%dma_start3A_324, %dma_start3A_325] : memref<32x64xi32, #tpu.memory_space<vmem>> -> memref<1x64xi32, #tpu.memory_space<vmem>>
    %dma_start3A_327 = tpu.memref_squeeze %dma_start3A_326 : memref<1x64xi32, #tpu.memory_space<vmem>> -> memref<64xi32, #tpu.memory_space<vmem>>
    %dma_start3A_328 = tpu.memref_slice %arg2[%add3A_323] : memref<65536xi32, #tpu.memory_space<hbm>> -> memref<64xi32, #tpu.memory_space<hbm>>
    %dma_start3A_329 = arith.constant 0 : i32
    %dma_start3A_330 = tpu.memref_slice %arg8[%dma_start3A_324, %dma_start3A_329] : memref<32x64xi32, #tpu.memory_space<vmem>> -> memref<1x64xi32, #tpu.memory_space<vmem>>
    %dma_start3A_331 = tpu.memref_squeeze %dma_start3A_330 : memref<1x64xi32, #tpu.memory_space<vmem>> -> memref<64xi32, #tpu.memory_space<vmem>>
    %dma_start3A_332 = tpu.memref_slice %arg2[%add3A_323] : memref<65536xi32, #tpu.memory_space<hbm>> -> memref<64xi32, #tpu.memory_space<hbm>>
    tpu.enqueue_dma source(%dma_start3A_332 : memref<64xi32, #tpu.memory_space<hbm>>) target(%dma_start3A_331 : memref<64xi32, #tpu.memory_space<vmem>>) target_semaphore(%arg14 : memref<!tpu.dma_semaphore, #tpu.memory_space<semaphore_mem>>)
    %add3A_333 = arith.constant 53248 : i32
    %add3A_334 = arith.addi %add3A_333, %mul3A_2 : i32
    %dma_start3A_335 = arith.constant 26 : i32
    %dma_start3A_336 = arith.constant 0 : i32
    %dma_start3A_337 = tpu.memref_slice %arg8[%dma_start3A_335, %dma_start3A_336] : memref<32x64xi32, #tpu.memory_space<vmem>> -> memref<1x64xi32, #tpu.memory_space<vmem>>
    %dma_start3A_338 = tpu.memref_squeeze %dma_start3A_337 : memref<1x64xi32, #tpu.memory_space<vmem>> -> memref<64xi32, #tpu.memory_space<vmem>>
    %dma_start3A_339 = tpu.memref_slice %arg2[%add3A_334] : memref<65536xi32, #tpu.memory_space<hbm>> -> memref<64xi32, #tpu.memory_space<hbm>>
    %dma_start3A_340 = arith.constant 0 : i32
    %dma_start3A_341 = tpu.memref_slice %arg8[%dma_start3A_335, %dma_start3A_340] : memref<32x64xi32, #tpu.memory_space<vmem>> -> memref<1x64xi32, #tpu.memory_space<vmem>>
    %dma_start3A_342 = tpu.memref_squeeze %dma_start3A_341 : memref<1x64xi32, #tpu.memory_space<vmem>> -> memref<64xi32, #tpu.memory_space<vmem>>
    %dma_start3A_343 = tpu.memref_slice %arg2[%add3A_334] : memref<65536xi32, #tpu.memory_space<hbm>> -> memref<64xi32, #tpu.memory_space<hbm>>
    tpu.enqueue_dma source(%dma_start3A_343 : memref<64xi32, #tpu.memory_space<hbm>>) target(%dma_start3A_342 : memref<64xi32, #tpu.memory_space<vmem>>) target_semaphore(%arg14 : memref<!tpu.dma_semaphore, #tpu.memory_space<semaphore_mem>>)
    %add3A_344 = arith.constant 55296 : i32
    %add3A_345 = arith.addi %add3A_344, %mul3A_2 : i32
    %dma_start3A_346 = arith.constant 27 : i32
    %dma_start3A_347 = arith.constant 0 : i32
    %dma_start3A_348 = tpu.memref_slice %arg8[%dma_start3A_346, %dma_start3A_347] : memref<32x64xi32, #tpu.memory_space<vmem>> -> memref<1x64xi32, #tpu.memory_space<vmem>>
    %dma_start3A_349 = tpu.memref_squeeze %dma_start3A_348 : memref<1x64xi32, #tpu.memory_space<vmem>> -> memref<64xi32, #tpu.memory_space<vmem>>
    %dma_start3A_350 = tpu.memref_slice %arg2[%add3A_345] : memref<65536xi32, #tpu.memory_space<hbm>> -> memref<64xi32, #tpu.memory_space<hbm>>
    %dma_start3A_351 = arith.constant 0 : i32
    %dma_start3A_352 = tpu.memref_slice %arg8[%dma_start3A_346, %dma_start3A_351] : memref<32x64xi32, #tpu.memory_space<vmem>> -> memref<1x64xi32, #tpu.memory_space<vmem>>
    %dma_start3A_353 = tpu.memref_squeeze %dma_start3A_352 : memref<1x64xi32, #tpu.memory_space<vmem>> -> memref<64xi32, #tpu.memory_space<vmem>>
    %dma_start3A_354 = tpu.memref_slice %arg2[%add3A_345] : memref<65536xi32, #tpu.memory_space<hbm>> -> memref<64xi32, #tpu.memory_space<hbm>>
    tpu.enqueue_dma source(%dma_start3A_354 : memref<64xi32, #tpu.memory_space<hbm>>) target(%dma_start3A_353 : memref<64xi32, #tpu.memory_space<vmem>>) target_semaphore(%arg14 : memref<!tpu.dma_semaphore, #tpu.memory_space<semaphore_mem>>)
    %add3A_355 = arith.constant 57344 : i32
    %add3A_356 = arith.addi %add3A_355, %mul3A_2 : i32
    %dma_start3A_357 = arith.constant 28 : i32
    %dma_start3A_358 = arith.constant 0 : i32
    %dma_start3A_359 = tpu.memref_slice %arg8[%dma_start3A_357, %dma_start3A_358] : memref<32x64xi32, #tpu.memory_space<vmem>> -> memref<1x64xi32, #tpu.memory_space<vmem>>
    %dma_start3A_360 = tpu.memref_squeeze %dma_start3A_359 : memref<1x64xi32, #tpu.memory_space<vmem>> -> memref<64xi32, #tpu.memory_space<vmem>>
    %dma_start3A_361 = tpu.memref_slice %arg2[%add3A_356] : memref<65536xi32, #tpu.memory_space<hbm>> -> memref<64xi32, #tpu.memory_space<hbm>>
    %dma_start3A_362 = arith.constant 0 : i32
    %dma_start3A_363 = tpu.memref_slice %arg8[%dma_start3A_357, %dma_start3A_362] : memref<32x64xi32, #tpu.memory_space<vmem>> -> memref<1x64xi32, #tpu.memory_space<vmem>>
    %dma_start3A_364 = tpu.memref_squeeze %dma_start3A_363 : memref<1x64xi32, #tpu.memory_space<vmem>> -> memref<64xi32, #tpu.memory_space<vmem>>
    %dma_start3A_365 = tpu.memref_slice %arg2[%add3A_356] : memref<65536xi32, #tpu.memory_space<hbm>> -> memref<64xi32, #tpu.memory_space<hbm>>
    tpu.enqueue_dma source(%dma_start3A_365 : memref<64xi32, #tpu.memory_space<hbm>>) target(%dma_start3A_364 : memref<64xi32, #tpu.memory_space<vmem>>) target_semaphore(%arg14 : memref<!tpu.dma_semaphore, #tpu.memory_space<semaphore_mem>>)
    %add3A_366 = arith.constant 59392 : i32
    %add3A_367 = arith.addi %add3A_366, %mul3A_2 : i32
    %dma_start3A_368 = arith.constant 29 : i32
    %dma_start3A_369 = arith.constant 0 : i32
    %dma_start3A_370 = tpu.memref_slice %arg8[%dma_start3A_368, %dma_start3A_369] : memref<32x64xi32, #tpu.memory_space<vmem>> -> memref<1x64xi32, #tpu.memory_space<vmem>>
    %dma_start3A_371 = tpu.memref_squeeze %dma_start3A_370 : memref<1x64xi32, #tpu.memory_space<vmem>> -> memref<64xi32, #tpu.memory_space<vmem>>
    %dma_start3A_372 = tpu.memref_slice %arg2[%add3A_367] : memref<65536xi32, #tpu.memory_space<hbm>> -> memref<64xi32, #tpu.memory_space<hbm>>
    %dma_start3A_373 = arith.constant 0 : i32
    %dma_start3A_374 = tpu.memref_slice %arg8[%dma_start3A_368, %dma_start3A_373] : memref<32x64xi32, #tpu.memory_space<vmem>> -> memref<1x64xi32, #tpu.memory_space<vmem>>
    %dma_start3A_375 = tpu.memref_squeeze %dma_start3A_374 : memref<1x64xi32, #tpu.memory_space<vmem>> -> memref<64xi32, #tpu.memory_space<vmem>>
    %dma_start3A_376 = tpu.memref_slice %arg2[%add3A_367] : memref<65536xi32, #tpu.memory_space<hbm>> -> memref<64xi32, #tpu.memory_space<hbm>>
    tpu.enqueue_dma source(%dma_start3A_376 : memref<64xi32, #tpu.memory_space<hbm>>) target(%dma_start3A_375 : memref<64xi32, #tpu.memory_space<vmem>>) target_semaphore(%arg14 : memref<!tpu.dma_semaphore, #tpu.memory_space<semaphore_mem>>)
    %add3A_377 = arith.constant 61440 : i32
    %add3A_378 = arith.addi %add3A_377, %mul3A_2 : i32
    %dma_start3A_379 = arith.constant 30 : i32
    %dma_start3A_380 = arith.constant 0 : i32
    %dma_start3A_381 = tpu.memref_slice %arg8[%dma_start3A_379, %dma_start3A_380] : memref<32x64xi32, #tpu.memory_space<vmem>> -> memref<1x64xi32, #tpu.memory_space<vmem>>
    %dma_start3A_382 = tpu.memref_squeeze %dma_start3A_381 : memref<1x64xi32, #tpu.memory_space<vmem>> -> memref<64xi32, #tpu.memory_space<vmem>>
    %dma_start3A_383 = tpu.memref_slice %arg2[%add3A_378] : memref<65536xi32, #tpu.memory_space<hbm>> -> memref<64xi32, #tpu.memory_space<hbm>>
    %dma_start3A_384 = arith.constant 0 : i32
    %dma_start3A_385 = tpu.memref_slice %arg8[%dma_start3A_379, %dma_start3A_384] : memref<32x64xi32, #tpu.memory_space<vmem>> -> memref<1x64xi32, #tpu.memory_space<vmem>>
    %dma_start3A_386 = tpu.memref_squeeze %dma_start3A_385 : memref<1x64xi32, #tpu.memory_space<vmem>> -> memref<64xi32, #tpu.memory_space<vmem>>
    %dma_start3A_387 = tpu.memref_slice %arg2[%add3A_378] : memref<65536xi32, #tpu.memory_space<hbm>> -> memref<64xi32, #tpu.memory_space<hbm>>
    tpu.enqueue_dma source(%dma_start3A_387 : memref<64xi32, #tpu.memory_space<hbm>>) target(%dma_start3A_386 : memref<64xi32, #tpu.memory_space<vmem>>) target_semaphore(%arg14 : memref<!tpu.dma_semaphore, #tpu.memory_space<semaphore_mem>>)
    %add3A_388 = arith.constant 63488 : i32
    %add3A_389 = arith.addi %add3A_388, %mul3A_2 : i32
    %dma_start3A_390 = arith.constant 31 : i32
    %dma_start3A_391 = arith.constant 0 : i32
    %dma_start3A_392 = tpu.memref_slice %arg8[%dma_start3A_390, %dma_start3A_391] : memref<32x64xi32, #tpu.memory_space<vmem>> -> memref<1x64xi32, #tpu.memory_space<vmem>>
    %dma_start3A_393 = tpu.memref_squeeze %dma_start3A_392 : memref<1x64xi32, #tpu.memory_space<vmem>> -> memref<64xi32, #tpu.memory_space<vmem>>
    %dma_start3A_394 = tpu.memref_slice %arg2[%add3A_389] : memref<65536xi32, #tpu.memory_space<hbm>> -> memref<64xi32, #tpu.memory_space<hbm>>
    %dma_start3A_395 = arith.constant 0 : i32
    %dma_start3A_396 = tpu.memref_slice %arg8[%dma_start3A_390, %dma_start3A_395] : memref<32x64xi32, #tpu.memory_space<vmem>> -> memref<1x64xi32, #tpu.memory_space<vmem>>
    %dma_start3A_397 = tpu.memref_squeeze %dma_start3A_396 : memref<1x64xi32, #tpu.memory_space<vmem>> -> memref<64xi32, #tpu.memory_space<vmem>>
    %dma_start3A_398 = tpu.memref_slice %arg2[%add3A_389] : memref<65536xi32, #tpu.memory_space<hbm>> -> memref<64xi32, #tpu.memory_space<hbm>>
    tpu.enqueue_dma source(%dma_start3A_398 : memref<64xi32, #tpu.memory_space<hbm>>) target(%dma_start3A_397 : memref<64xi32, #tpu.memory_space<vmem>>) target_semaphore(%arg14 : memref<!tpu.dma_semaphore, #tpu.memory_space<semaphore_mem>>)
    %add3A_399 = arith.constant 0 : i32
    %add3A_400 = arith.addi %add3A_399, %mul3A_2 : i32
    %dma_wait3A = arith.constant 0 : i32
    %dma_wait3A_401 = arith.constant 0 : i32
    %dma_wait3A_402 = tpu.memref_slice %arg8[%dma_wait3A, %dma_wait3A_401] : memref<32x64xi32, #tpu.memory_space<vmem>> -> memref<1x64xi32, #tpu.memory_space<vmem>>
    %dma_wait3A_403 = tpu.memref_squeeze %dma_wait3A_402 : memref<1x64xi32, #tpu.memory_space<vmem>> -> memref<64xi32, #tpu.memory_space<vmem>>
    %dma_wait3A_404 = tpu.memref_slice %arg2[%add3A_400] : memref<65536xi32, #tpu.memory_space<hbm>> -> memref<64xi32, #tpu.memory_space<hbm>>
    %dma_wait3A_405 = arith.constant 0 : i32
    %dma_wait3A_406 = tpu.memref_slice %arg8[%dma_wait3A, %dma_wait3A_405] : memref<32x64xi32, #tpu.memory_space<vmem>> -> memref<1x64xi32, #tpu.memory_space<vmem>>
    %dma_wait3A_407 = tpu.memref_squeeze %dma_wait3A_406 : memref<1x64xi32, #tpu.memory_space<vmem>> -> memref<64xi32, #tpu.memory_space<vmem>>
    %dma_wait3A_408 = tpu.memref_slice %arg2[%add3A_400] : memref<65536xi32, #tpu.memory_space<hbm>> -> memref<64xi32, #tpu.memory_space<hbm>>
    tpu.wait_dma2 semaphore(%arg14 : memref<!tpu.dma_semaphore, #tpu.memory_space<semaphore_mem>>) src(%dma_wait3A_408 : memref<64xi32, #tpu.memory_space<hbm>>) dst(%dma_wait3A_407 : memref<64xi32, #tpu.memory_space<vmem>>)
    %add3A_409 = arith.constant 2048 : i32
    %add3A_410 = arith.addi %add3A_409, %mul3A_2 : i32
    %dma_wait3A_411 = arith.constant 1 : i32
    %dma_wait3A_412 = arith.constant 0 : i32
    %dma_wait3A_413 = tpu.memref_slice %arg8[%dma_wait3A_411, %dma_wait3A_412] : memref<32x64xi32, #tpu.memory_space<vmem>> -> memref<1x64xi32, #tpu.memory_space<vmem>>
    %dma_wait3A_414 = tpu.memref_squeeze %dma_wait3A_413 : memref<1x64xi32, #tpu.memory_space<vmem>> -> memref<64xi32, #tpu.memory_space<vmem>>
    %dma_wait3A_415 = tpu.memref_slice %arg2[%add3A_410] : memref<65536xi32, #tpu.memory_space<hbm>> -> memref<64xi32, #tpu.memory_space<hbm>>
    %dma_wait3A_416 = arith.constant 0 : i32
    %dma_wait3A_417 = tpu.memref_slice %arg8[%dma_wait3A_411, %dma_wait3A_416] : memref<32x64xi32, #tpu.memory_space<vmem>> -> memref<1x64xi32, #tpu.memory_space<vmem>>
    %dma_wait3A_418 = tpu.memref_squeeze %dma_wait3A_417 : memref<1x64xi32, #tpu.memory_space<vmem>> -> memref<64xi32, #tpu.memory_space<vmem>>
    %dma_wait3A_419 = tpu.memref_slice %arg2[%add3A_410] : memref<65536xi32, #tpu.memory_space<hbm>> -> memref<64xi32, #tpu.memory_space<hbm>>
    tpu.wait_dma2 semaphore(%arg14 : memref<!tpu.dma_semaphore, #tpu.memory_space<semaphore_mem>>) src(%dma_wait3A_419 : memref<64xi32, #tpu.memory_space<hbm>>) dst(%dma_wait3A_418 : memref<64xi32, #tpu.memory_space<vmem>>)
    %add3A_420 = arith.constant 4096 : i32
    %add3A_421 = arith.addi %add3A_420, %mul3A_2 : i32
    %dma_wait3A_422 = arith.constant 2 : i32
    %dma_wait3A_423 = arith.constant 0 : i32
    %dma_wait3A_424 = tpu.memref_slice %arg8[%dma_wait3A_422, %dma_wait3A_423] : memref<32x64xi32, #tpu.memory_space<vmem>> -> memref<1x64xi32, #tpu.memory_space<vmem>>
    %dma_wait3A_425 = tpu.memref_squeeze %dma_wait3A_424 : memref<1x64xi32, #tpu.memory_space<vmem>> -> memref<64xi32, #tpu.memory_space<vmem>>
    %dma_wait3A_426 = tpu.memref_slice %arg2[%add3A_421] : memref<65536xi32, #tpu.memory_space<hbm>> -> memref<64xi32, #tpu.memory_space<hbm>>
    %dma_wait3A_427 = arith.constant 0 : i32
    %dma_wait3A_428 = tpu.memref_slice %arg8[%dma_wait3A_422, %dma_wait3A_427] : memref<32x64xi32, #tpu.memory_space<vmem>> -> memref<1x64xi32, #tpu.memory_space<vmem>>
    %dma_wait3A_429 = tpu.memref_squeeze %dma_wait3A_428 : memref<1x64xi32, #tpu.memory_space<vmem>> -> memref<64xi32, #tpu.memory_space<vmem>>
    %dma_wait3A_430 = tpu.memref_slice %arg2[%add3A_421] : memref<65536xi32, #tpu.memory_space<hbm>> -> memref<64xi32, #tpu.memory_space<hbm>>
    tpu.wait_dma2 semaphore(%arg14 : memref<!tpu.dma_semaphore, #tpu.memory_space<semaphore_mem>>) src(%dma_wait3A_430 : memref<64xi32, #tpu.memory_space<hbm>>) dst(%dma_wait3A_429 : memref<64xi32, #tpu.memory_space<vmem>>)
    %add3A_431 = arith.constant 6144 : i32
    %add3A_432 = arith.addi %add3A_431, %mul3A_2 : i32
    %dma_wait3A_433 = arith.constant 3 : i32
    %dma_wait3A_434 = arith.constant 0 : i32
    %dma_wait3A_435 = tpu.memref_slice %arg8[%dma_wait3A_433, %dma_wait3A_434] : memref<32x64xi32, #tpu.memory_space<vmem>> -> memref<1x64xi32, #tpu.memory_space<vmem>>
    %dma_wait3A_436 = tpu.memref_squeeze %dma_wait3A_435 : memref<1x64xi32, #tpu.memory_space<vmem>> -> memref<64xi32, #tpu.memory_space<vmem>>
    %dma_wait3A_437 = tpu.memref_slice %arg2[%add3A_432] : memref<65536xi32, #tpu.memory_space<hbm>> -> memref<64xi32, #tpu.memory_space<hbm>>
    %dma_wait3A_438 = arith.constant 0 : i32
    %dma_wait3A_439 = tpu.memref_slice %arg8[%dma_wait3A_433, %dma_wait3A_438] : memref<32x64xi32, #tpu.memory_space<vmem>> -> memref<1x64xi32, #tpu.memory_space<vmem>>
    %dma_wait3A_440 = tpu.memref_squeeze %dma_wait3A_439 : memref<1x64xi32, #tpu.memory_space<vmem>> -> memref<64xi32, #tpu.memory_space<vmem>>
    %dma_wait3A_441 = tpu.memref_slice %arg2[%add3A_432] : memref<65536xi32, #tpu.memory_space<hbm>> -> memref<64xi32, #tpu.memory_space<hbm>>
    tpu.wait_dma2 semaphore(%arg14 : memref<!tpu.dma_semaphore, #tpu.memory_space<semaphore_mem>>) src(%dma_wait3A_441 : memref<64xi32, #tpu.memory_space<hbm>>) dst(%dma_wait3A_440 : memref<64xi32, #tpu.memory_space<vmem>>)
    %add3A_442 = arith.constant 8192 : i32
    %add3A_443 = arith.addi %add3A_442, %mul3A_2 : i32
    %dma_wait3A_444 = arith.constant 4 : i32
    %dma_wait3A_445 = arith.constant 0 : i32
    %dma_wait3A_446 = tpu.memref_slice %arg8[%dma_wait3A_444, %dma_wait3A_445] : memref<32x64xi32, #tpu.memory_space<vmem>> -> memref<1x64xi32, #tpu.memory_space<vmem>>
    %dma_wait3A_447 = tpu.memref_squeeze %dma_wait3A_446 : memref<1x64xi32, #tpu.memory_space<vmem>> -> memref<64xi32, #tpu.memory_space<vmem>>
    %dma_wait3A_448 = tpu.memref_slice %arg2[%add3A_443] : memref<65536xi32, #tpu.memory_space<hbm>> -> memref<64xi32, #tpu.memory_space<hbm>>
    %dma_wait3A_449 = arith.constant 0 : i32
    %dma_wait3A_450 = tpu.memref_slice %arg8[%dma_wait3A_444, %dma_wait3A_449] : memref<32x64xi32, #tpu.memory_space<vmem>> -> memref<1x64xi32, #tpu.memory_space<vmem>>
    %dma_wait3A_451 = tpu.memref_squeeze %dma_wait3A_450 : memref<1x64xi32, #tpu.memory_space<vmem>> -> memref<64xi32, #tpu.memory_space<vmem>>
    %dma_wait3A_452 = tpu.memref_slice %arg2[%add3A_443] : memref<65536xi32, #tpu.memory_space<hbm>> -> memref<64xi32, #tpu.memory_space<hbm>>
    tpu.wait_dma2 semaphore(%arg14 : memref<!tpu.dma_semaphore, #tpu.memory_space<semaphore_mem>>) src(%dma_wait3A_452 : memref<64xi32, #tpu.memory_space<hbm>>) dst(%dma_wait3A_451 : memref<64xi32, #tpu.memory_space<vmem>>)
    %add3A_453 = arith.constant 10240 : i32
    %add3A_454 = arith.addi %add3A_453, %mul3A_2 : i32
    %dma_wait3A_455 = arith.constant 5 : i32
    %dma_wait3A_456 = arith.constant 0 : i32
    %dma_wait3A_457 = tpu.memref_slice %arg8[%dma_wait3A_455, %dma_wait3A_456] : memref<32x64xi32, #tpu.memory_space<vmem>> -> memref<1x64xi32, #tpu.memory_space<vmem>>
    %dma_wait3A_458 = tpu.memref_squeeze %dma_wait3A_457 : memref<1x64xi32, #tpu.memory_space<vmem>> -> memref<64xi32, #tpu.memory_space<vmem>>
    %dma_wait3A_459 = tpu.memref_slice %arg2[%add3A_454] : memref<65536xi32, #tpu.memory_space<hbm>> -> memref<64xi32, #tpu.memory_space<hbm>>
    %dma_wait3A_460 = arith.constant 0 : i32
    %dma_wait3A_461 = tpu.memref_slice %arg8[%dma_wait3A_455, %dma_wait3A_460] : memref<32x64xi32, #tpu.memory_space<vmem>> -> memref<1x64xi32, #tpu.memory_space<vmem>>
    %dma_wait3A_462 = tpu.memref_squeeze %dma_wait3A_461 : memref<1x64xi32, #tpu.memory_space<vmem>> -> memref<64xi32, #tpu.memory_space<vmem>>
    %dma_wait3A_463 = tpu.memref_slice %arg2[%add3A_454] : memref<65536xi32, #tpu.memory_space<hbm>> -> memref<64xi32, #tpu.memory_space<hbm>>
    tpu.wait_dma2 semaphore(%arg14 : memref<!tpu.dma_semaphore, #tpu.memory_space<semaphore_mem>>) src(%dma_wait3A_463 : memref<64xi32, #tpu.memory_space<hbm>>) dst(%dma_wait3A_462 : memref<64xi32, #tpu.memory_space<vmem>>)
    %add3A_464 = arith.constant 12288 : i32
    %add3A_465 = arith.addi %add3A_464, %mul3A_2 : i32
    %dma_wait3A_466 = arith.constant 6 : i32
    %dma_wait3A_467 = arith.constant 0 : i32
    %dma_wait3A_468 = tpu.memref_slice %arg8[%dma_wait3A_466, %dma_wait3A_467] : memref<32x64xi32, #tpu.memory_space<vmem>> -> memref<1x64xi32, #tpu.memory_space<vmem>>
    %dma_wait3A_469 = tpu.memref_squeeze %dma_wait3A_468 : memref<1x64xi32, #tpu.memory_space<vmem>> -> memref<64xi32, #tpu.memory_space<vmem>>
    %dma_wait3A_470 = tpu.memref_slice %arg2[%add3A_465] : memref<65536xi32, #tpu.memory_space<hbm>> -> memref<64xi32, #tpu.memory_space<hbm>>
    %dma_wait3A_471 = arith.constant 0 : i32
    %dma_wait3A_472 = tpu.memref_slice %arg8[%dma_wait3A_466, %dma_wait3A_471] : memref<32x64xi32, #tpu.memory_space<vmem>> -> memref<1x64xi32, #tpu.memory_space<vmem>>
    %dma_wait3A_473 = tpu.memref_squeeze %dma_wait3A_472 : memref<1x64xi32, #tpu.memory_space<vmem>> -> memref<64xi32, #tpu.memory_space<vmem>>
    %dma_wait3A_474 = tpu.memref_slice %arg2[%add3A_465] : memref<65536xi32, #tpu.memory_space<hbm>> -> memref<64xi32, #tpu.memory_space<hbm>>
    tpu.wait_dma2 semaphore(%arg14 : memref<!tpu.dma_semaphore, #tpu.memory_space<semaphore_mem>>) src(%dma_wait3A_474 : memref<64xi32, #tpu.memory_space<hbm>>) dst(%dma_wait3A_473 : memref<64xi32, #tpu.memory_space<vmem>>)
    %add3A_475 = arith.constant 14336 : i32
    %add3A_476 = arith.addi %add3A_475, %mul3A_2 : i32
    %dma_wait3A_477 = arith.constant 7 : i32
    %dma_wait3A_478 = arith.constant 0 : i32
    %dma_wait3A_479 = tpu.memref_slice %arg8[%dma_wait3A_477, %dma_wait3A_478] : memref<32x64xi32, #tpu.memory_space<vmem>> -> memref<1x64xi32, #tpu.memory_space<vmem>>
    %dma_wait3A_480 = tpu.memref_squeeze %dma_wait3A_479 : memref<1x64xi32, #tpu.memory_space<vmem>> -> memref<64xi32, #tpu.memory_space<vmem>>
    %dma_wait3A_481 = tpu.memref_slice %arg2[%add3A_476] : memref<65536xi32, #tpu.memory_space<hbm>> -> memref<64xi32, #tpu.memory_space<hbm>>
    %dma_wait3A_482 = arith.constant 0 : i32
    %dma_wait3A_483 = tpu.memref_slice %arg8[%dma_wait3A_477, %dma_wait3A_482] : memref<32x64xi32, #tpu.memory_space<vmem>> -> memref<1x64xi32, #tpu.memory_space<vmem>>
    %dma_wait3A_484 = tpu.memref_squeeze %dma_wait3A_483 : memref<1x64xi32, #tpu.memory_space<vmem>> -> memref<64xi32, #tpu.memory_space<vmem>>
    %dma_wait3A_485 = tpu.memref_slice %arg2[%add3A_476] : memref<65536xi32, #tpu.memory_space<hbm>> -> memref<64xi32, #tpu.memory_space<hbm>>
    tpu.wait_dma2 semaphore(%arg14 : memref<!tpu.dma_semaphore, #tpu.memory_space<semaphore_mem>>) src(%dma_wait3A_485 : memref<64xi32, #tpu.memory_space<hbm>>) dst(%dma_wait3A_484 : memref<64xi32, #tpu.memory_space<vmem>>)
    %add3A_486 = arith.constant 16384 : i32
    %add3A_487 = arith.addi %add3A_486, %mul3A_2 : i32
    %dma_wait3A_488 = arith.constant 8 : i32
    %dma_wait3A_489 = arith.constant 0 : i32
    %dma_wait3A_490 = tpu.memref_slice %arg8[%dma_wait3A_488, %dma_wait3A_489] : memref<32x64xi32, #tpu.memory_space<vmem>> -> memref<1x64xi32, #tpu.memory_space<vmem>>
    %dma_wait3A_491 = tpu.memref_squeeze %dma_wait3A_490 : memref<1x64xi32, #tpu.memory_space<vmem>> -> memref<64xi32, #tpu.memory_space<vmem>>
    %dma_wait3A_492 = tpu.memref_slice %arg2[%add3A_487] : memref<65536xi32, #tpu.memory_space<hbm>> -> memref<64xi32, #tpu.memory_space<hbm>>
    %dma_wait3A_493 = arith.constant 0 : i32
    %dma_wait3A_494 = tpu.memref_slice %arg8[%dma_wait3A_488, %dma_wait3A_493] : memref<32x64xi32, #tpu.memory_space<vmem>> -> memref<1x64xi32, #tpu.memory_space<vmem>>
    %dma_wait3A_495 = tpu.memref_squeeze %dma_wait3A_494 : memref<1x64xi32, #tpu.memory_space<vmem>> -> memref<64xi32, #tpu.memory_space<vmem>>
    %dma_wait3A_496 = tpu.memref_slice %arg2[%add3A_487] : memref<65536xi32, #tpu.memory_space<hbm>> -> memref<64xi32, #tpu.memory_space<hbm>>
    tpu.wait_dma2 semaphore(%arg14 : memref<!tpu.dma_semaphore, #tpu.memory_space<semaphore_mem>>) src(%dma_wait3A_496 : memref<64xi32, #tpu.memory_space<hbm>>) dst(%dma_wait3A_495 : memref<64xi32, #tpu.memory_space<vmem>>)
    %add3A_497 = arith.constant 18432 : i32
    %add3A_498 = arith.addi %add3A_497, %mul3A_2 : i32
    %dma_wait3A_499 = arith.constant 9 : i32
    %dma_wait3A_500 = arith.constant 0 : i32
    %dma_wait3A_501 = tpu.memref_slice %arg8[%dma_wait3A_499, %dma_wait3A_500] : memref<32x64xi32, #tpu.memory_space<vmem>> -> memref<1x64xi32, #tpu.memory_space<vmem>>
    %dma_wait3A_502 = tpu.memref_squeeze %dma_wait3A_501 : memref<1x64xi32, #tpu.memory_space<vmem>> -> memref<64xi32, #tpu.memory_space<vmem>>
    %dma_wait3A_503 = tpu.memref_slice %arg2[%add3A_498] : memref<65536xi32, #tpu.memory_space<hbm>> -> memref<64xi32, #tpu.memory_space<hbm>>
    %dma_wait3A_504 = arith.constant 0 : i32
    %dma_wait3A_505 = tpu.memref_slice %arg8[%dma_wait3A_499, %dma_wait3A_504] : memref<32x64xi32, #tpu.memory_space<vmem>> -> memref<1x64xi32, #tpu.memory_space<vmem>>
    %dma_wait3A_506 = tpu.memref_squeeze %dma_wait3A_505 : memref<1x64xi32, #tpu.memory_space<vmem>> -> memref<64xi32, #tpu.memory_space<vmem>>
    %dma_wait3A_507 = tpu.memref_slice %arg2[%add3A_498] : memref<65536xi32, #tpu.memory_space<hbm>> -> memref<64xi32, #tpu.memory_space<hbm>>
    tpu.wait_dma2 semaphore(%arg14 : memref<!tpu.dma_semaphore, #tpu.memory_space<semaphore_mem>>) src(%dma_wait3A_507 : memref<64xi32, #tpu.memory_space<hbm>>) dst(%dma_wait3A_506 : memref<64xi32, #tpu.memory_space<vmem>>)
    %add3A_508 = arith.constant 20480 : i32
    %add3A_509 = arith.addi %add3A_508, %mul3A_2 : i32
    %dma_wait3A_510 = arith.constant 10 : i32
    %dma_wait3A_511 = arith.constant 0 : i32
    %dma_wait3A_512 = tpu.memref_slice %arg8[%dma_wait3A_510, %dma_wait3A_511] : memref<32x64xi32, #tpu.memory_space<vmem>> -> memref<1x64xi32, #tpu.memory_space<vmem>>
    %dma_wait3A_513 = tpu.memref_squeeze %dma_wait3A_512 : memref<1x64xi32, #tpu.memory_space<vmem>> -> memref<64xi32, #tpu.memory_space<vmem>>
    %dma_wait3A_514 = tpu.memref_slice %arg2[%add3A_509] : memref<65536xi32, #tpu.memory_space<hbm>> -> memref<64xi32, #tpu.memory_space<hbm>>
    %dma_wait3A_515 = arith.constant 0 : i32
    %dma_wait3A_516 = tpu.memref_slice %arg8[%dma_wait3A_510, %dma_wait3A_515] : memref<32x64xi32, #tpu.memory_space<vmem>> -> memref<1x64xi32, #tpu.memory_space<vmem>>
    %dma_wait3A_517 = tpu.memref_squeeze %dma_wait3A_516 : memref<1x64xi32, #tpu.memory_space<vmem>> -> memref<64xi32, #tpu.memory_space<vmem>>
    %dma_wait3A_518 = tpu.memref_slice %arg2[%add3A_509] : memref<65536xi32, #tpu.memory_space<hbm>> -> memref<64xi32, #tpu.memory_space<hbm>>
    tpu.wait_dma2 semaphore(%arg14 : memref<!tpu.dma_semaphore, #tpu.memory_space<semaphore_mem>>) src(%dma_wait3A_518 : memref<64xi32, #tpu.memory_space<hbm>>) dst(%dma_wait3A_517 : memref<64xi32, #tpu.memory_space<vmem>>)
    %add3A_519 = arith.constant 22528 : i32
    %add3A_520 = arith.addi %add3A_519, %mul3A_2 : i32
    %dma_wait3A_521 = arith.constant 11 : i32
    %dma_wait3A_522 = arith.constant 0 : i32
    %dma_wait3A_523 = tpu.memref_slice %arg8[%dma_wait3A_521, %dma_wait3A_522] : memref<32x64xi32, #tpu.memory_space<vmem>> -> memref<1x64xi32, #tpu.memory_space<vmem>>
    %dma_wait3A_524 = tpu.memref_squeeze %dma_wait3A_523 : memref<1x64xi32, #tpu.memory_space<vmem>> -> memref<64xi32, #tpu.memory_space<vmem>>
    %dma_wait3A_525 = tpu.memref_slice %arg2[%add3A_520] : memref<65536xi32, #tpu.memory_space<hbm>> -> memref<64xi32, #tpu.memory_space<hbm>>
    %dma_wait3A_526 = arith.constant 0 : i32
    %dma_wait3A_527 = tpu.memref_slice %arg8[%dma_wait3A_521, %dma_wait3A_526] : memref<32x64xi32, #tpu.memory_space<vmem>> -> memref<1x64xi32, #tpu.memory_space<vmem>>
    %dma_wait3A_528 = tpu.memref_squeeze %dma_wait3A_527 : memref<1x64xi32, #tpu.memory_space<vmem>> -> memref<64xi32, #tpu.memory_space<vmem>>
    %dma_wait3A_529 = tpu.memref_slice %arg2[%add3A_520] : memref<65536xi32, #tpu.memory_space<hbm>> -> memref<64xi32, #tpu.memory_space<hbm>>
    tpu.wait_dma2 semaphore(%arg14 : memref<!tpu.dma_semaphore, #tpu.memory_space<semaphore_mem>>) src(%dma_wait3A_529 : memref<64xi32, #tpu.memory_space<hbm>>) dst(%dma_wait3A_528 : memref<64xi32, #tpu.memory_space<vmem>>)
    %add3A_530 = arith.constant 24576 : i32
    %add3A_531 = arith.addi %add3A_530, %mul3A_2 : i32
    %dma_wait3A_532 = arith.constant 12 : i32
    %dma_wait3A_533 = arith.constant 0 : i32
    %dma_wait3A_534 = tpu.memref_slice %arg8[%dma_wait3A_532, %dma_wait3A_533] : memref<32x64xi32, #tpu.memory_space<vmem>> -> memref<1x64xi32, #tpu.memory_space<vmem>>
    %dma_wait3A_535 = tpu.memref_squeeze %dma_wait3A_534 : memref<1x64xi32, #tpu.memory_space<vmem>> -> memref<64xi32, #tpu.memory_space<vmem>>
    %dma_wait3A_536 = tpu.memref_slice %arg2[%add3A_531] : memref<65536xi32, #tpu.memory_space<hbm>> -> memref<64xi32, #tpu.memory_space<hbm>>
    %dma_wait3A_537 = arith.constant 0 : i32
    %dma_wait3A_538 = tpu.memref_slice %arg8[%dma_wait3A_532, %dma_wait3A_537] : memref<32x64xi32, #tpu.memory_space<vmem>> -> memref<1x64xi32, #tpu.memory_space<vmem>>
    %dma_wait3A_539 = tpu.memref_squeeze %dma_wait3A_538 : memref<1x64xi32, #tpu.memory_space<vmem>> -> memref<64xi32, #tpu.memory_space<vmem>>
    %dma_wait3A_540 = tpu.memref_slice %arg2[%add3A_531] : memref<65536xi32, #tpu.memory_space<hbm>> -> memref<64xi32, #tpu.memory_space<hbm>>
    tpu.wait_dma2 semaphore(%arg14 : memref<!tpu.dma_semaphore, #tpu.memory_space<semaphore_mem>>) src(%dma_wait3A_540 : memref<64xi32, #tpu.memory_space<hbm>>) dst(%dma_wait3A_539 : memref<64xi32, #tpu.memory_space<vmem>>)
    %add3A_541 = arith.constant 26624 : i32
    %add3A_542 = arith.addi %add3A_541, %mul3A_2 : i32
    %dma_wait3A_543 = arith.constant 13 : i32
    %dma_wait3A_544 = arith.constant 0 : i32
    %dma_wait3A_545 = tpu.memref_slice %arg8[%dma_wait3A_543, %dma_wait3A_544] : memref<32x64xi32, #tpu.memory_space<vmem>> -> memref<1x64xi32, #tpu.memory_space<vmem>>
    %dma_wait3A_546 = tpu.memref_squeeze %dma_wait3A_545 : memref<1x64xi32, #tpu.memory_space<vmem>> -> memref<64xi32, #tpu.memory_space<vmem>>
    %dma_wait3A_547 = tpu.memref_slice %arg2[%add3A_542] : memref<65536xi32, #tpu.memory_space<hbm>> -> memref<64xi32, #tpu.memory_space<hbm>>
    %dma_wait3A_548 = arith.constant 0 : i32
    %dma_wait3A_549 = tpu.memref_slice %arg8[%dma_wait3A_543, %dma_wait3A_548] : memref<32x64xi32, #tpu.memory_space<vmem>> -> memref<1x64xi32, #tpu.memory_space<vmem>>
    %dma_wait3A_550 = tpu.memref_squeeze %dma_wait3A_549 : memref<1x64xi32, #tpu.memory_space<vmem>> -> memref<64xi32, #tpu.memory_space<vmem>>
    %dma_wait3A_551 = tpu.memref_slice %arg2[%add3A_542] : memref<65536xi32, #tpu.memory_space<hbm>> -> memref<64xi32, #tpu.memory_space<hbm>>
    tpu.wait_dma2 semaphore(%arg14 : memref<!tpu.dma_semaphore, #tpu.memory_space<semaphore_mem>>) src(%dma_wait3A_551 : memref<64xi32, #tpu.memory_space<hbm>>) dst(%dma_wait3A_550 : memref<64xi32, #tpu.memory_space<vmem>>)
    %add3A_552 = arith.constant 28672 : i32
    %add3A_553 = arith.addi %add3A_552, %mul3A_2 : i32
    %dma_wait3A_554 = arith.constant 14 : i32
    %dma_wait3A_555 = arith.constant 0 : i32
    %dma_wait3A_556 = tpu.memref_slice %arg8[%dma_wait3A_554, %dma_wait3A_555] : memref<32x64xi32, #tpu.memory_space<vmem>> -> memref<1x64xi32, #tpu.memory_space<vmem>>
    %dma_wait3A_557 = tpu.memref_squeeze %dma_wait3A_556 : memref<1x64xi32, #tpu.memory_space<vmem>> -> memref<64xi32, #tpu.memory_space<vmem>>
    %dma_wait3A_558 = tpu.memref_slice %arg2[%add3A_553] : memref<65536xi32, #tpu.memory_space<hbm>> -> memref<64xi32, #tpu.memory_space<hbm>>
    %dma_wait3A_559 = arith.constant 0 : i32
    %dma_wait3A_560 = tpu.memref_slice %arg8[%dma_wait3A_554, %dma_wait3A_559] : memref<32x64xi32, #tpu.memory_space<vmem>> -> memref<1x64xi32, #tpu.memory_space<vmem>>
    %dma_wait3A_561 = tpu.memref_squeeze %dma_wait3A_560 : memref<1x64xi32, #tpu.memory_space<vmem>> -> memref<64xi32, #tpu.memory_space<vmem>>
    %dma_wait3A_562 = tpu.memref_slice %arg2[%add3A_553] : memref<65536xi32, #tpu.memory_space<hbm>> -> memref<64xi32, #tpu.memory_space<hbm>>
    tpu.wait_dma2 semaphore(%arg14 : memref<!tpu.dma_semaphore, #tpu.memory_space<semaphore_mem>>) src(%dma_wait3A_562 : memref<64xi32, #tpu.memory_space<hbm>>) dst(%dma_wait3A_561 : memref<64xi32, #tpu.memory_space<vmem>>)
    %add3A_563 = arith.constant 30720 : i32
    %add3A_564 = arith.addi %add3A_563, %mul3A_2 : i32
    %dma_wait3A_565 = arith.constant 15 : i32
    %dma_wait3A_566 = arith.constant 0 : i32
    %dma_wait3A_567 = tpu.memref_slice %arg8[%dma_wait3A_565, %dma_wait3A_566] : memref<32x64xi32, #tpu.memory_space<vmem>> -> memref<1x64xi32, #tpu.memory_space<vmem>>
    %dma_wait3A_568 = tpu.memref_squeeze %dma_wait3A_567 : memref<1x64xi32, #tpu.memory_space<vmem>> -> memref<64xi32, #tpu.memory_space<vmem>>
    %dma_wait3A_569 = tpu.memref_slice %arg2[%add3A_564] : memref<65536xi32, #tpu.memory_space<hbm>> -> memref<64xi32, #tpu.memory_space<hbm>>
    %dma_wait3A_570 = arith.constant 0 : i32
    %dma_wait3A_571 = tpu.memref_slice %arg8[%dma_wait3A_565, %dma_wait3A_570] : memref<32x64xi32, #tpu.memory_space<vmem>> -> memref<1x64xi32, #tpu.memory_space<vmem>>
    %dma_wait3A_572 = tpu.memref_squeeze %dma_wait3A_571 : memref<1x64xi32, #tpu.memory_space<vmem>> -> memref<64xi32, #tpu.memory_space<vmem>>
    %dma_wait3A_573 = tpu.memref_slice %arg2[%add3A_564] : memref<65536xi32, #tpu.memory_space<hbm>> -> memref<64xi32, #tpu.memory_space<hbm>>
    tpu.wait_dma2 semaphore(%arg14 : memref<!tpu.dma_semaphore, #tpu.memory_space<semaphore_mem>>) src(%dma_wait3A_573 : memref<64xi32, #tpu.memory_space<hbm>>) dst(%dma_wait3A_572 : memref<64xi32, #tpu.memory_space<vmem>>)
    %add3A_574 = arith.constant 32768 : i32
    %add3A_575 = arith.addi %add3A_574, %mul3A_2 : i32
    %dma_wait3A_576 = arith.constant 16 : i32
    %dma_wait3A_577 = arith.constant 0 : i32
    %dma_wait3A_578 = tpu.memref_slice %arg8[%dma_wait3A_576, %dma_wait3A_577] : memref<32x64xi32, #tpu.memory_space<vmem>> -> memref<1x64xi32, #tpu.memory_space<vmem>>
    %dma_wait3A_579 = tpu.memref_squeeze %dma_wait3A_578 : memref<1x64xi32, #tpu.memory_space<vmem>> -> memref<64xi32, #tpu.memory_space<vmem>>
    %dma_wait3A_580 = tpu.memref_slice %arg2[%add3A_575] : memref<65536xi32, #tpu.memory_space<hbm>> -> memref<64xi32, #tpu.memory_space<hbm>>
    %dma_wait3A_581 = arith.constant 0 : i32
    %dma_wait3A_582 = tpu.memref_slice %arg8[%dma_wait3A_576, %dma_wait3A_581] : memref<32x64xi32, #tpu.memory_space<vmem>> -> memref<1x64xi32, #tpu.memory_space<vmem>>
    %dma_wait3A_583 = tpu.memref_squeeze %dma_wait3A_582 : memref<1x64xi32, #tpu.memory_space<vmem>> -> memref<64xi32, #tpu.memory_space<vmem>>
    %dma_wait3A_584 = tpu.memref_slice %arg2[%add3A_575] : memref<65536xi32, #tpu.memory_space<hbm>> -> memref<64xi32, #tpu.memory_space<hbm>>
    tpu.wait_dma2 semaphore(%arg14 : memref<!tpu.dma_semaphore, #tpu.memory_space<semaphore_mem>>) src(%dma_wait3A_584 : memref<64xi32, #tpu.memory_space<hbm>>) dst(%dma_wait3A_583 : memref<64xi32, #tpu.memory_space<vmem>>)
    %add3A_585 = arith.constant 34816 : i32
    %add3A_586 = arith.addi %add3A_585, %mul3A_2 : i32
    %dma_wait3A_587 = arith.constant 17 : i32
    %dma_wait3A_588 = arith.constant 0 : i32
    %dma_wait3A_589 = tpu.memref_slice %arg8[%dma_wait3A_587, %dma_wait3A_588] : memref<32x64xi32, #tpu.memory_space<vmem>> -> memref<1x64xi32, #tpu.memory_space<vmem>>
    %dma_wait3A_590 = tpu.memref_squeeze %dma_wait3A_589 : memref<1x64xi32, #tpu.memory_space<vmem>> -> memref<64xi32, #tpu.memory_space<vmem>>
    %dma_wait3A_591 = tpu.memref_slice %arg2[%add3A_586] : memref<65536xi32, #tpu.memory_space<hbm>> -> memref<64xi32, #tpu.memory_space<hbm>>
    %dma_wait3A_592 = arith.constant 0 : i32
    %dma_wait3A_593 = tpu.memref_slice %arg8[%dma_wait3A_587, %dma_wait3A_592] : memref<32x64xi32, #tpu.memory_space<vmem>> -> memref<1x64xi32, #tpu.memory_space<vmem>>
    %dma_wait3A_594 = tpu.memref_squeeze %dma_wait3A_593 : memref<1x64xi32, #tpu.memory_space<vmem>> -> memref<64xi32, #tpu.memory_space<vmem>>
    %dma_wait3A_595 = tpu.memref_slice %arg2[%add3A_586] : memref<65536xi32, #tpu.memory_space<hbm>> -> memref<64xi32, #tpu.memory_space<hbm>>
    tpu.wait_dma2 semaphore(%arg14 : memref<!tpu.dma_semaphore, #tpu.memory_space<semaphore_mem>>) src(%dma_wait3A_595 : memref<64xi32, #tpu.memory_space<hbm>>) dst(%dma_wait3A_594 : memref<64xi32, #tpu.memory_space<vmem>>)
    %add3A_596 = arith.constant 36864 : i32
    %add3A_597 = arith.addi %add3A_596, %mul3A_2 : i32
    %dma_wait3A_598 = arith.constant 18 : i32
    %dma_wait3A_599 = arith.constant 0 : i32
    %dma_wait3A_600 = tpu.memref_slice %arg8[%dma_wait3A_598, %dma_wait3A_599] : memref<32x64xi32, #tpu.memory_space<vmem>> -> memref<1x64xi32, #tpu.memory_space<vmem>>
    %dma_wait3A_601 = tpu.memref_squeeze %dma_wait3A_600 : memref<1x64xi32, #tpu.memory_space<vmem>> -> memref<64xi32, #tpu.memory_space<vmem>>
    %dma_wait3A_602 = tpu.memref_slice %arg2[%add3A_597] : memref<65536xi32, #tpu.memory_space<hbm>> -> memref<64xi32, #tpu.memory_space<hbm>>
    %dma_wait3A_603 = arith.constant 0 : i32
    %dma_wait3A_604 = tpu.memref_slice %arg8[%dma_wait3A_598, %dma_wait3A_603] : memref<32x64xi32, #tpu.memory_space<vmem>> -> memref<1x64xi32, #tpu.memory_space<vmem>>
    %dma_wait3A_605 = tpu.memref_squeeze %dma_wait3A_604 : memref<1x64xi32, #tpu.memory_space<vmem>> -> memref<64xi32, #tpu.memory_space<vmem>>
    %dma_wait3A_606 = tpu.memref_slice %arg2[%add3A_597] : memref<65536xi32, #tpu.memory_space<hbm>> -> memref<64xi32, #tpu.memory_space<hbm>>
    tpu.wait_dma2 semaphore(%arg14 : memref<!tpu.dma_semaphore, #tpu.memory_space<semaphore_mem>>) src(%dma_wait3A_606 : memref<64xi32, #tpu.memory_space<hbm>>) dst(%dma_wait3A_605 : memref<64xi32, #tpu.memory_space<vmem>>)
    %add3A_607 = arith.constant 38912 : i32
    %add3A_608 = arith.addi %add3A_607, %mul3A_2 : i32
    %dma_wait3A_609 = arith.constant 19 : i32
    %dma_wait3A_610 = arith.constant 0 : i32
    %dma_wait3A_611 = tpu.memref_slice %arg8[%dma_wait3A_609, %dma_wait3A_610] : memref<32x64xi32, #tpu.memory_space<vmem>> -> memref<1x64xi32, #tpu.memory_space<vmem>>
    %dma_wait3A_612 = tpu.memref_squeeze %dma_wait3A_611 : memref<1x64xi32, #tpu.memory_space<vmem>> -> memref<64xi32, #tpu.memory_space<vmem>>
    %dma_wait3A_613 = tpu.memref_slice %arg2[%add3A_608] : memref<65536xi32, #tpu.memory_space<hbm>> -> memref<64xi32, #tpu.memory_space<hbm>>
    %dma_wait3A_614 = arith.constant 0 : i32
    %dma_wait3A_615 = tpu.memref_slice %arg8[%dma_wait3A_609, %dma_wait3A_614] : memref<32x64xi32, #tpu.memory_space<vmem>> -> memref<1x64xi32, #tpu.memory_space<vmem>>
    %dma_wait3A_616 = tpu.memref_squeeze %dma_wait3A_615 : memref<1x64xi32, #tpu.memory_space<vmem>> -> memref<64xi32, #tpu.memory_space<vmem>>
    %dma_wait3A_617 = tpu.memref_slice %arg2[%add3A_608] : memref<65536xi32, #tpu.memory_space<hbm>> -> memref<64xi32, #tpu.memory_space<hbm>>
    tpu.wait_dma2 semaphore(%arg14 : memref<!tpu.dma_semaphore, #tpu.memory_space<semaphore_mem>>) src(%dma_wait3A_617 : memref<64xi32, #tpu.memory_space<hbm>>) dst(%dma_wait3A_616 : memref<64xi32, #tpu.memory_space<vmem>>)
    %add3A_618 = arith.constant 40960 : i32
    %add3A_619 = arith.addi %add3A_618, %mul3A_2 : i32
    %dma_wait3A_620 = arith.constant 20 : i32
    %dma_wait3A_621 = arith.constant 0 : i32
    %dma_wait3A_622 = tpu.memref_slice %arg8[%dma_wait3A_620, %dma_wait3A_621] : memref<32x64xi32, #tpu.memory_space<vmem>> -> memref<1x64xi32, #tpu.memory_space<vmem>>
    %dma_wait3A_623 = tpu.memref_squeeze %dma_wait3A_622 : memref<1x64xi32, #tpu.memory_space<vmem>> -> memref<64xi32, #tpu.memory_space<vmem>>
    %dma_wait3A_624 = tpu.memref_slice %arg2[%add3A_619] : memref<65536xi32, #tpu.memory_space<hbm>> -> memref<64xi32, #tpu.memory_space<hbm>>
    %dma_wait3A_625 = arith.constant 0 : i32
    %dma_wait3A_626 = tpu.memref_slice %arg8[%dma_wait3A_620, %dma_wait3A_625] : memref<32x64xi32, #tpu.memory_space<vmem>> -> memref<1x64xi32, #tpu.memory_space<vmem>>
    %dma_wait3A_627 = tpu.memref_squeeze %dma_wait3A_626 : memref<1x64xi32, #tpu.memory_space<vmem>> -> memref<64xi32, #tpu.memory_space<vmem>>
    %dma_wait3A_628 = tpu.memref_slice %arg2[%add3A_619] : memref<65536xi32, #tpu.memory_space<hbm>> -> memref<64xi32, #tpu.memory_space<hbm>>
    tpu.wait_dma2 semaphore(%arg14 : memref<!tpu.dma_semaphore, #tpu.memory_space<semaphore_mem>>) src(%dma_wait3A_628 : memref<64xi32, #tpu.memory_space<hbm>>) dst(%dma_wait3A_627 : memref<64xi32, #tpu.memory_space<vmem>>)
    %add3A_629 = arith.constant 43008 : i32
    %add3A_630 = arith.addi %add3A_629, %mul3A_2 : i32
    %dma_wait3A_631 = arith.constant 21 : i32
    %dma_wait3A_632 = arith.constant 0 : i32
    %dma_wait3A_633 = tpu.memref_slice %arg8[%dma_wait3A_631, %dma_wait3A_632] : memref<32x64xi32, #tpu.memory_space<vmem>> -> memref<1x64xi32, #tpu.memory_space<vmem>>
    %dma_wait3A_634 = tpu.memref_squeeze %dma_wait3A_633 : memref<1x64xi32, #tpu.memory_space<vmem>> -> memref<64xi32, #tpu.memory_space<vmem>>
    %dma_wait3A_635 = tpu.memref_slice %arg2[%add3A_630] : memref<65536xi32, #tpu.memory_space<hbm>> -> memref<64xi32, #tpu.memory_space<hbm>>
    %dma_wait3A_636 = arith.constant 0 : i32
    %dma_wait3A_637 = tpu.memref_slice %arg8[%dma_wait3A_631, %dma_wait3A_636] : memref<32x64xi32, #tpu.memory_space<vmem>> -> memref<1x64xi32, #tpu.memory_space<vmem>>
    %dma_wait3A_638 = tpu.memref_squeeze %dma_wait3A_637 : memref<1x64xi32, #tpu.memory_space<vmem>> -> memref<64xi32, #tpu.memory_space<vmem>>
    %dma_wait3A_639 = tpu.memref_slice %arg2[%add3A_630] : memref<65536xi32, #tpu.memory_space<hbm>> -> memref<64xi32, #tpu.memory_space<hbm>>
    tpu.wait_dma2 semaphore(%arg14 : memref<!tpu.dma_semaphore, #tpu.memory_space<semaphore_mem>>) src(%dma_wait3A_639 : memref<64xi32, #tpu.memory_space<hbm>>) dst(%dma_wait3A_638 : memref<64xi32, #tpu.memory_space<vmem>>)
    %add3A_640 = arith.constant 45056 : i32
    %add3A_641 = arith.addi %add3A_640, %mul3A_2 : i32
    %dma_wait3A_642 = arith.constant 22 : i32
    %dma_wait3A_643 = arith.constant 0 : i32
    %dma_wait3A_644 = tpu.memref_slice %arg8[%dma_wait3A_642, %dma_wait3A_643] : memref<32x64xi32, #tpu.memory_space<vmem>> -> memref<1x64xi32, #tpu.memory_space<vmem>>
    %dma_wait3A_645 = tpu.memref_squeeze %dma_wait3A_644 : memref<1x64xi32, #tpu.memory_space<vmem>> -> memref<64xi32, #tpu.memory_space<vmem>>
    %dma_wait3A_646 = tpu.memref_slice %arg2[%add3A_641] : memref<65536xi32, #tpu.memory_space<hbm>> -> memref<64xi32, #tpu.memory_space<hbm>>
    %dma_wait3A_647 = arith.constant 0 : i32
    %dma_wait3A_648 = tpu.memref_slice %arg8[%dma_wait3A_642, %dma_wait3A_647] : memref<32x64xi32, #tpu.memory_space<vmem>> -> memref<1x64xi32, #tpu.memory_space<vmem>>
    %dma_wait3A_649 = tpu.memref_squeeze %dma_wait3A_648 : memref<1x64xi32, #tpu.memory_space<vmem>> -> memref<64xi32, #tpu.memory_space<vmem>>
    %dma_wait3A_650 = tpu.memref_slice %arg2[%add3A_641] : memref<65536xi32, #tpu.memory_space<hbm>> -> memref<64xi32, #tpu.memory_space<hbm>>
    tpu.wait_dma2 semaphore(%arg14 : memref<!tpu.dma_semaphore, #tpu.memory_space<semaphore_mem>>) src(%dma_wait3A_650 : memref<64xi32, #tpu.memory_space<hbm>>) dst(%dma_wait3A_649 : memref<64xi32, #tpu.memory_space<vmem>>)
    %add3A_651 = arith.constant 47104 : i32
    %add3A_652 = arith.addi %add3A_651, %mul3A_2 : i32
    %dma_wait3A_653 = arith.constant 23 : i32
    %dma_wait3A_654 = arith.constant 0 : i32
    %dma_wait3A_655 = tpu.memref_slice %arg8[%dma_wait3A_653, %dma_wait3A_654] : memref<32x64xi32, #tpu.memory_space<vmem>> -> memref<1x64xi32, #tpu.memory_space<vmem>>
    %dma_wait3A_656 = tpu.memref_squeeze %dma_wait3A_655 : memref<1x64xi32, #tpu.memory_space<vmem>> -> memref<64xi32, #tpu.memory_space<vmem>>
    %dma_wait3A_657 = tpu.memref_slice %arg2[%add3A_652] : memref<65536xi32, #tpu.memory_space<hbm>> -> memref<64xi32, #tpu.memory_space<hbm>>
    %dma_wait3A_658 = arith.constant 0 : i32
    %dma_wait3A_659 = tpu.memref_slice %arg8[%dma_wait3A_653, %dma_wait3A_658] : memref<32x64xi32, #tpu.memory_space<vmem>> -> memref<1x64xi32, #tpu.memory_space<vmem>>
    %dma_wait3A_660 = tpu.memref_squeeze %dma_wait3A_659 : memref<1x64xi32, #tpu.memory_space<vmem>> -> memref<64xi32, #tpu.memory_space<vmem>>
    %dma_wait3A_661 = tpu.memref_slice %arg2[%add3A_652] : memref<65536xi32, #tpu.memory_space<hbm>> -> memref<64xi32, #tpu.memory_space<hbm>>
    tpu.wait_dma2 semaphore(%arg14 : memref<!tpu.dma_semaphore, #tpu.memory_space<semaphore_mem>>) src(%dma_wait3A_661 : memref<64xi32, #tpu.memory_space<hbm>>) dst(%dma_wait3A_660 : memref<64xi32, #tpu.memory_space<vmem>>)
    %add3A_662 = arith.constant 49152 : i32
    %add3A_663 = arith.addi %add3A_662, %mul3A_2 : i32
    %dma_wait3A_664 = arith.constant 24 : i32
    %dma_wait3A_665 = arith.constant 0 : i32
    %dma_wait3A_666 = tpu.memref_slice %arg8[%dma_wait3A_664, %dma_wait3A_665] : memref<32x64xi32, #tpu.memory_space<vmem>> -> memref<1x64xi32, #tpu.memory_space<vmem>>
    %dma_wait3A_667 = tpu.memref_squeeze %dma_wait3A_666 : memref<1x64xi32, #tpu.memory_space<vmem>> -> memref<64xi32, #tpu.memory_space<vmem>>
    %dma_wait3A_668 = tpu.memref_slice %arg2[%add3A_663] : memref<65536xi32, #tpu.memory_space<hbm>> -> memref<64xi32, #tpu.memory_space<hbm>>
    %dma_wait3A_669 = arith.constant 0 : i32
    %dma_wait3A_670 = tpu.memref_slice %arg8[%dma_wait3A_664, %dma_wait3A_669] : memref<32x64xi32, #tpu.memory_space<vmem>> -> memref<1x64xi32, #tpu.memory_space<vmem>>
    %dma_wait3A_671 = tpu.memref_squeeze %dma_wait3A_670 : memref<1x64xi32, #tpu.memory_space<vmem>> -> memref<64xi32, #tpu.memory_space<vmem>>
    %dma_wait3A_672 = tpu.memref_slice %arg2[%add3A_663] : memref<65536xi32, #tpu.memory_space<hbm>> -> memref<64xi32, #tpu.memory_space<hbm>>
    tpu.wait_dma2 semaphore(%arg14 : memref<!tpu.dma_semaphore, #tpu.memory_space<semaphore_mem>>) src(%dma_wait3A_672 : memref<64xi32, #tpu.memory_space<hbm>>) dst(%dma_wait3A_671 : memref<64xi32, #tpu.memory_space<vmem>>)
    %add3A_673 = arith.constant 51200 : i32
    %add3A_674 = arith.addi %add3A_673, %mul3A_2 : i32
    %dma_wait3A_675 = arith.constant 25 : i32
    %dma_wait3A_676 = arith.constant 0 : i32
    %dma_wait3A_677 = tpu.memref_slice %arg8[%dma_wait3A_675, %dma_wait3A_676] : memref<32x64xi32, #tpu.memory_space<vmem>> -> memref<1x64xi32, #tpu.memory_space<vmem>>
    %dma_wait3A_678 = tpu.memref_squeeze %dma_wait3A_677 : memref<1x64xi32, #tpu.memory_space<vmem>> -> memref<64xi32, #tpu.memory_space<vmem>>
    %dma_wait3A_679 = tpu.memref_slice %arg2[%add3A_674] : memref<65536xi32, #tpu.memory_space<hbm>> -> memref<64xi32, #tpu.memory_space<hbm>>
    %dma_wait3A_680 = arith.constant 0 : i32
    %dma_wait3A_681 = tpu.memref_slice %arg8[%dma_wait3A_675, %dma_wait3A_680] : memref<32x64xi32, #tpu.memory_space<vmem>> -> memref<1x64xi32, #tpu.memory_space<vmem>>
    %dma_wait3A_682 = tpu.memref_squeeze %dma_wait3A_681 : memref<1x64xi32, #tpu.memory_space<vmem>> -> memref<64xi32, #tpu.memory_space<vmem>>
    %dma_wait3A_683 = tpu.memref_slice %arg2[%add3A_674] : memref<65536xi32, #tpu.memory_space<hbm>> -> memref<64xi32, #tpu.memory_space<hbm>>
    tpu.wait_dma2 semaphore(%arg14 : memref<!tpu.dma_semaphore, #tpu.memory_space<semaphore_mem>>) src(%dma_wait3A_683 : memref<64xi32, #tpu.memory_space<hbm>>) dst(%dma_wait3A_682 : memref<64xi32, #tpu.memory_space<vmem>>)
    %add3A_684 = arith.constant 53248 : i32
    %add3A_685 = arith.addi %add3A_684, %mul3A_2 : i32
    %dma_wait3A_686 = arith.constant 26 : i32
    %dma_wait3A_687 = arith.constant 0 : i32
    %dma_wait3A_688 = tpu.memref_slice %arg8[%dma_wait3A_686, %dma_wait3A_687] : memref<32x64xi32, #tpu.memory_space<vmem>> -> memref<1x64xi32, #tpu.memory_space<vmem>>
    %dma_wait3A_689 = tpu.memref_squeeze %dma_wait3A_688 : memref<1x64xi32, #tpu.memory_space<vmem>> -> memref<64xi32, #tpu.memory_space<vmem>>
    %dma_wait3A_690 = tpu.memref_slice %arg2[%add3A_685] : memref<65536xi32, #tpu.memory_space<hbm>> -> memref<64xi32, #tpu.memory_space<hbm>>
    %dma_wait3A_691 = arith.constant 0 : i32
    %dma_wait3A_692 = tpu.memref_slice %arg8[%dma_wait3A_686, %dma_wait3A_691] : memref<32x64xi32, #tpu.memory_space<vmem>> -> memref<1x64xi32, #tpu.memory_space<vmem>>
    %dma_wait3A_693 = tpu.memref_squeeze %dma_wait3A_692 : memref<1x64xi32, #tpu.memory_space<vmem>> -> memref<64xi32, #tpu.memory_space<vmem>>
    %dma_wait3A_694 = tpu.memref_slice %arg2[%add3A_685] : memref<65536xi32, #tpu.memory_space<hbm>> -> memref<64xi32, #tpu.memory_space<hbm>>
    tpu.wait_dma2 semaphore(%arg14 : memref<!tpu.dma_semaphore, #tpu.memory_space<semaphore_mem>>) src(%dma_wait3A_694 : memref<64xi32, #tpu.memory_space<hbm>>) dst(%dma_wait3A_693 : memref<64xi32, #tpu.memory_space<vmem>>)
    %add3A_695 = arith.constant 55296 : i32
    %add3A_696 = arith.addi %add3A_695, %mul3A_2 : i32
    %dma_wait3A_697 = arith.constant 27 : i32
    %dma_wait3A_698 = arith.constant 0 : i32
    %dma_wait3A_699 = tpu.memref_slice %arg8[%dma_wait3A_697, %dma_wait3A_698] : memref<32x64xi32, #tpu.memory_space<vmem>> -> memref<1x64xi32, #tpu.memory_space<vmem>>
    %dma_wait3A_700 = tpu.memref_squeeze %dma_wait3A_699 : memref<1x64xi32, #tpu.memory_space<vmem>> -> memref<64xi32, #tpu.memory_space<vmem>>
    %dma_wait3A_701 = tpu.memref_slice %arg2[%add3A_696] : memref<65536xi32, #tpu.memory_space<hbm>> -> memref<64xi32, #tpu.memory_space<hbm>>
    %dma_wait3A_702 = arith.constant 0 : i32
    %dma_wait3A_703 = tpu.memref_slice %arg8[%dma_wait3A_697, %dma_wait3A_702] : memref<32x64xi32, #tpu.memory_space<vmem>> -> memref<1x64xi32, #tpu.memory_space<vmem>>
    %dma_wait3A_704 = tpu.memref_squeeze %dma_wait3A_703 : memref<1x64xi32, #tpu.memory_space<vmem>> -> memref<64xi32, #tpu.memory_space<vmem>>
    %dma_wait3A_705 = tpu.memref_slice %arg2[%add3A_696] : memref<65536xi32, #tpu.memory_space<hbm>> -> memref<64xi32, #tpu.memory_space<hbm>>
    tpu.wait_dma2 semaphore(%arg14 : memref<!tpu.dma_semaphore, #tpu.memory_space<semaphore_mem>>) src(%dma_wait3A_705 : memref<64xi32, #tpu.memory_space<hbm>>) dst(%dma_wait3A_704 : memref<64xi32, #tpu.memory_space<vmem>>)
    %add3A_706 = arith.constant 57344 : i32
    %add3A_707 = arith.addi %add3A_706, %mul3A_2 : i32
    %dma_wait3A_708 = arith.constant 28 : i32
    %dma_wait3A_709 = arith.constant 0 : i32
    %dma_wait3A_710 = tpu.memref_slice %arg8[%dma_wait3A_708, %dma_wait3A_709] : memref<32x64xi32, #tpu.memory_space<vmem>> -> memref<1x64xi32, #tpu.memory_space<vmem>>
    %dma_wait3A_711 = tpu.memref_squeeze %dma_wait3A_710 : memref<1x64xi32, #tpu.memory_space<vmem>> -> memref<64xi32, #tpu.memory_space<vmem>>
    %dma_wait3A_712 = tpu.memref_slice %arg2[%add3A_707] : memref<65536xi32, #tpu.memory_space<hbm>> -> memref<64xi32, #tpu.memory_space<hbm>>
    %dma_wait3A_713 = arith.constant 0 : i32
    %dma_wait3A_714 = tpu.memref_slice %arg8[%dma_wait3A_708, %dma_wait3A_713] : memref<32x64xi32, #tpu.memory_space<vmem>> -> memref<1x64xi32, #tpu.memory_space<vmem>>
    %dma_wait3A_715 = tpu.memref_squeeze %dma_wait3A_714 : memref<1x64xi32, #tpu.memory_space<vmem>> -> memref<64xi32, #tpu.memory_space<vmem>>
    %dma_wait3A_716 = tpu.memref_slice %arg2[%add3A_707] : memref<65536xi32, #tpu.memory_space<hbm>> -> memref<64xi32, #tpu.memory_space<hbm>>
    tpu.wait_dma2 semaphore(%arg14 : memref<!tpu.dma_semaphore, #tpu.memory_space<semaphore_mem>>) src(%dma_wait3A_716 : memref<64xi32, #tpu.memory_space<hbm>>) dst(%dma_wait3A_715 : memref<64xi32, #tpu.memory_space<vmem>>)
    %add3A_717 = arith.constant 59392 : i32
    %add3A_718 = arith.addi %add3A_717, %mul3A_2 : i32
    %dma_wait3A_719 = arith.constant 29 : i32
    %dma_wait3A_720 = arith.constant 0 : i32
    %dma_wait3A_721 = tpu.memref_slice %arg8[%dma_wait3A_719, %dma_wait3A_720] : memref<32x64xi32, #tpu.memory_space<vmem>> -> memref<1x64xi32, #tpu.memory_space<vmem>>
    %dma_wait3A_722 = tpu.memref_squeeze %dma_wait3A_721 : memref<1x64xi32, #tpu.memory_space<vmem>> -> memref<64xi32, #tpu.memory_space<vmem>>
    %dma_wait3A_723 = tpu.memref_slice %arg2[%add3A_718] : memref<65536xi32, #tpu.memory_space<hbm>> -> memref<64xi32, #tpu.memory_space<hbm>>
    %dma_wait3A_724 = arith.constant 0 : i32
    %dma_wait3A_725 = tpu.memref_slice %arg8[%dma_wait3A_719, %dma_wait3A_724] : memref<32x64xi32, #tpu.memory_space<vmem>> -> memref<1x64xi32, #tpu.memory_space<vmem>>
    %dma_wait3A_726 = tpu.memref_squeeze %dma_wait3A_725 : memref<1x64xi32, #tpu.memory_space<vmem>> -> memref<64xi32, #tpu.memory_space<vmem>>
    %dma_wait3A_727 = tpu.memref_slice %arg2[%add3A_718] : memref<65536xi32, #tpu.memory_space<hbm>> -> memref<64xi32, #tpu.memory_space<hbm>>
    tpu.wait_dma2 semaphore(%arg14 : memref<!tpu.dma_semaphore, #tpu.memory_space<semaphore_mem>>) src(%dma_wait3A_727 : memref<64xi32, #tpu.memory_space<hbm>>) dst(%dma_wait3A_726 : memref<64xi32, #tpu.memory_space<vmem>>)
    %add3A_728 = arith.constant 61440 : i32
    %add3A_729 = arith.addi %add3A_728, %mul3A_2 : i32
    %dma_wait3A_730 = arith.constant 30 : i32
    %dma_wait3A_731 = arith.constant 0 : i32
    %dma_wait3A_732 = tpu.memref_slice %arg8[%dma_wait3A_730, %dma_wait3A_731] : memref<32x64xi32, #tpu.memory_space<vmem>> -> memref<1x64xi32, #tpu.memory_space<vmem>>
    %dma_wait3A_733 = tpu.memref_squeeze %dma_wait3A_732 : memref<1x64xi32, #tpu.memory_space<vmem>> -> memref<64xi32, #tpu.memory_space<vmem>>
    %dma_wait3A_734 = tpu.memref_slice %arg2[%add3A_729] : memref<65536xi32, #tpu.memory_space<hbm>> -> memref<64xi32, #tpu.memory_space<hbm>>
    %dma_wait3A_735 = arith.constant 0 : i32
    %dma_wait3A_736 = tpu.memref_slice %arg8[%dma_wait3A_730, %dma_wait3A_735] : memref<32x64xi32, #tpu.memory_space<vmem>> -> memref<1x64xi32, #tpu.memory_space<vmem>>
    %dma_wait3A_737 = tpu.memref_squeeze %dma_wait3A_736 : memref<1x64xi32, #tpu.memory_space<vmem>> -> memref<64xi32, #tpu.memory_space<vmem>>
    %dma_wait3A_738 = tpu.memref_slice %arg2[%add3A_729] : memref<65536xi32, #tpu.memory_space<hbm>> -> memref<64xi32, #tpu.memory_space<hbm>>
    tpu.wait_dma2 semaphore(%arg14 : memref<!tpu.dma_semaphore, #tpu.memory_space<semaphore_mem>>) src(%dma_wait3A_738 : memref<64xi32, #tpu.memory_space<hbm>>) dst(%dma_wait3A_737 : memref<64xi32, #tpu.memory_space<vmem>>)
    %add3A_739 = arith.constant 63488 : i32
    %add3A_740 = arith.addi %add3A_739, %mul3A_2 : i32
    %dma_wait3A_741 = arith.constant 31 : i32
    %dma_wait3A_742 = arith.constant 0 : i32
    %dma_wait3A_743 = tpu.memref_slice %arg8[%dma_wait3A_741, %dma_wait3A_742] : memref<32x64xi32, #tpu.memory_space<vmem>> -> memref<1x64xi32, #tpu.memory_space<vmem>>
    %dma_wait3A_744 = tpu.memref_squeeze %dma_wait3A_743 : memref<1x64xi32, #tpu.memory_space<vmem>> -> memref<64xi32, #tpu.memory_space<vmem>>
    %dma_wait3A_745 = tpu.memref_slice %arg2[%add3A_740] : memref<65536xi32, #tpu.memory_space<hbm>> -> memref<64xi32, #tpu.memory_space<hbm>>
    %dma_wait3A_746 = arith.constant 0 : i32
    %dma_wait3A_747 = tpu.memref_slice %arg8[%dma_wait3A_741, %dma_wait3A_746] : memref<32x64xi32, #tpu.memory_space<vmem>> -> memref<1x64xi32, #tpu.memory_space<vmem>>
    %dma_wait3A_748 = tpu.memref_squeeze %dma_wait3A_747 : memref<1x64xi32, #tpu.memory_space<vmem>> -> memref<64xi32, #tpu.memory_space<vmem>>
    %dma_wait3A_749 = tpu.memref_slice %arg2[%add3A_740] : memref<65536xi32, #tpu.memory_space<hbm>> -> memref<64xi32, #tpu.memory_space<hbm>>
    tpu.wait_dma2 semaphore(%arg14 : memref<!tpu.dma_semaphore, #tpu.memory_space<semaphore_mem>>) src(%dma_wait3A_749 : memref<64xi32, #tpu.memory_space<hbm>>) dst(%dma_wait3A_748 : memref<64xi32, #tpu.memory_space<vmem>>)
    %dma_wait3A_750 = arith.constant 0 : i32
    %dma_wait3A_751 = arith.constant 0 : i32
    %dma_wait3A_752 = tpu.memref_slice %arg4[%dma_wait3A_750, %dma_wait3A_751] : memref<2049x384xf32, #tpu.memory_space<hbm>> -> memref<2049x384xf32, #tpu.memory_space<hbm>>
    tpu.wait_indirect_dma semaphore(%arg13 : memref<!tpu.dma_semaphore, #tpu.memory_space<semaphore_mem>>) src(%dma_wait3A_752 : memref<2049x384xf32, #tpu.memory_space<hbm>>) dst(%arg6 : memref<64x384xf32, #tpu.memory_space<vmem>>)
    %dma_start3A_753 = arith.constant 0 : i32
    %dma_start3A_754 = arith.constant 0 : i32
    %dma_start3A_755 = tpu.memref_slice %arg8[%dma_start3A_753, %dma_start3A_754] : memref<32x64xi32, #tpu.memory_space<vmem>> -> memref<1x64xi32, #tpu.memory_space<vmem>>
    %dma_start3A_756 = tpu.memref_squeeze %dma_start3A_755 : memref<1x64xi32, #tpu.memory_space<vmem>> -> memref<64xi32, #tpu.memory_space<vmem>>
    %dma_start3A_757 = arith.constant 0 : i32
    %dma_start3A_758 = arith.constant 0 : i32
    %dma_start3A_759 = tpu.memref_slice %arg3[%dma_start3A_757, %dma_start3A_758] : memref<100000x384xf32, #tpu.memory_space<hbm>> -> memref<100000x384xf32, #tpu.memory_space<hbm>>
    tpu.enqueue_indirect_dma source(%dma_start3A_759 : memref<100000x384xf32, #tpu.memory_space<hbm>>) target(%arg9 : memref<64x384xf32, #tpu.memory_space<vmem>>) offsets(%dma_start3A_756 : memref<64xi32, #tpu.memory_space<vmem>>) semaphore(%arg15 : memref<!tpu.dma_semaphore, #tpu.memory_space<semaphore_mem>>)
    %dma_start3A_760 = arith.constant 1 : i32
    %dma_start3A_761 = arith.constant 0 : i32
    %dma_start3A_762 = tpu.memref_slice %arg8[%dma_start3A_760, %dma_start3A_761] : memref<32x64xi32, #tpu.memory_space<vmem>> -> memref<1x64xi32, #tpu.memory_space<vmem>>
    %dma_start3A_763 = tpu.memref_squeeze %dma_start3A_762 : memref<1x64xi32, #tpu.memory_space<vmem>> -> memref<64xi32, #tpu.memory_space<vmem>>
    %dma_start3A_764 = arith.constant 0 : i32
    %dma_start3A_765 = arith.constant 0 : i32
    %dma_start3A_766 = tpu.memref_slice %arg3[%dma_start3A_764, %dma_start3A_765] : memref<100000x384xf32, #tpu.memory_space<hbm>> -> memref<100000x384xf32, #tpu.memory_space<hbm>>
    tpu.enqueue_indirect_dma source(%dma_start3A_766 : memref<100000x384xf32, #tpu.memory_space<hbm>>) target(%arg10 : memref<64x384xf32, #tpu.memory_space<vmem>>) offsets(%dma_start3A_763 : memref<64xi32, #tpu.memory_space<vmem>>) semaphore(%arg16 : memref<!tpu.dma_semaphore, #tpu.memory_space<semaphore_mem>>)
    %dma_start3A_767 = arith.constant 2 : i32
    %dma_start3A_768 = arith.constant 0 : i32
    %dma_start3A_769 = tpu.memref_slice %arg8[%dma_start3A_767, %dma_start3A_768] : memref<32x64xi32, #tpu.memory_space<vmem>> -> memref<1x64xi32, #tpu.memory_space<vmem>>
    %dma_start3A_770 = tpu.memref_squeeze %dma_start3A_769 : memref<1x64xi32, #tpu.memory_space<vmem>> -> memref<64xi32, #tpu.memory_space<vmem>>
    %dma_start3A_771 = arith.constant 0 : i32
    %dma_start3A_772 = arith.constant 0 : i32
    %dma_start3A_773 = tpu.memref_slice %arg3[%dma_start3A_771, %dma_start3A_772] : memref<100000x384xf32, #tpu.memory_space<hbm>> -> memref<100000x384xf32, #tpu.memory_space<hbm>>
    tpu.enqueue_indirect_dma source(%dma_start3A_773 : memref<100000x384xf32, #tpu.memory_space<hbm>>) target(%arg11 : memref<64x384xf32, #tpu.memory_space<vmem>>) offsets(%dma_start3A_770 : memref<64xi32, #tpu.memory_space<vmem>>) semaphore(%arg17 : memref<!tpu.dma_semaphore, #tpu.memory_space<semaphore_mem>>)
    %dma_wait3A_774 = arith.constant 0 : i32
    %dma_wait3A_775 = arith.constant 0 : i32
    %dma_wait3A_776 = tpu.memref_slice %arg8[%dma_wait3A_774, %dma_wait3A_775] : memref<32x64xi32, #tpu.memory_space<vmem>> -> memref<1x64xi32, #tpu.memory_space<vmem>>
    %dma_wait3A_777 = tpu.memref_squeeze %dma_wait3A_776 : memref<1x64xi32, #tpu.memory_space<vmem>> -> memref<64xi32, #tpu.memory_space<vmem>>
    %dma_wait3A_778 = arith.constant 0 : i32
    %dma_wait3A_779 = arith.constant 0 : i32
    %dma_wait3A_780 = tpu.memref_slice %arg3[%dma_wait3A_778, %dma_wait3A_779] : memref<100000x384xf32, #tpu.memory_space<hbm>> -> memref<100000x384xf32, #tpu.memory_space<hbm>>
    tpu.wait_indirect_dma semaphore(%arg15 : memref<!tpu.dma_semaphore, #tpu.memory_space<semaphore_mem>>) src(%dma_wait3A_780 : memref<100000x384xf32, #tpu.memory_space<hbm>>) dst(%arg9 : memref<64x384xf32, #tpu.memory_space<vmem>>)
    %scan3A = arith.constant 0 : i32
    %scan3A_781 = arith.constant 0 : i32
    %scan3A_782 = arith.constant 64 : i32
    %scan3A_783 = arith.addi %scan3A_781, %scan3A_782 : i32
    %scan3A_784 = arith.constant 1 : i32
    scf.for %scan3A_886 = %scan3A_781 to %scan3A_783 step %scan3A_784  : i32 {
      %get3A = arith.index_cast %scan3A_886 : i32 to index
      %get3A_887 = arith.constant 0 : index
      %get3A_888 = tpu.vector_load %arg6[%get3A, %get3A_887] {strides = array<i32>} : memref<64x384xf32, #tpu.memory_space<vmem>>, vector<1x16xf32>,
      %get3A_889 = vector.shape_cast %get3A_888 : vector<1x16xf32> to vector<16xf32>
      %swap3A_890 = arith.index_cast %scan3A_886 : i32 to index
      %swap3A_891 = arith.constant 0 : index
      %swap3A_892 = tpu.vector_load %arg9[%swap3A_890, %swap3A_891] {strides = array<i32>} : memref<64x384xf32, #tpu.memory_space<vmem>>, vector<1x16xf32>,
      %swap3A_893 = vector.shape_cast %swap3A_892 : vector<1x16xf32> to vector<16xf32>
      %swap3A_894 = vector.shape_cast %get3A_889 : vector<16xf32> to vector<1x16xf32>
      tpu.vector_store %arg9[%swap3A_890, %swap3A_891], %swap3A_894 {add = true, strides = array<i32>} : memref<64x384xf32, #tpu.memory_space<vmem>>, vector<1x16xf32>,
      %get3A_895 = arith.index_cast %scan3A_886 : i32 to index
      %get3A_896 = arith.constant 16 : index
      %get3A_897 = tpu.vector_load %arg6[%get3A_895, %get3A_896] {strides = array<i32>} : memref<64x384xf32, #tpu.memory_space<vmem>>, vector<1x16xf32>,
      %get3A_898 = vector.shape_cast %get3A_897 : vector<1x16xf32> to vector<16xf32>
      %swap3A_899 = arith.index_cast %scan3A_886 : i32 to index
      %swap3A_900 = arith.constant 16 : index
      %swap3A_901 = tpu.vector_load %arg9[%swap3A_899, %swap3A_900] {strides = array<i32>} : memref<64x384xf32, #tpu.memory_space<vmem>>, vector<1x16xf32>,
      %swap3A_902 = vector.shape_cast %swap3A_901 : vector<1x16xf32> to vector<16xf32>
      %swap3A_903 = vector.shape_cast %get3A_898 : vector<16xf32> to vector<1x16xf32>
      tpu.vector_store %arg9[%swap3A_899, %swap3A_900], %swap3A_903 {add = true, strides = array<i32>} : memref<64x384xf32, #tpu.memory_space<vmem>>, vector<1x16xf32>,
      %get3A_904 = arith.index_cast %scan3A_886 : i32 to index
      %get3A_905 = arith.constant 32 : index
      %get3A_906 = tpu.vector_load %arg6[%get3A_904, %get3A_905] {strides = array<i32>} : memref<64x384xf32, #tpu.memory_space<vmem>>, vector<1x16xf32>,
      %get3A_907 = vector.shape_cast %get3A_906 : vector<1x16xf32> to vector<16xf32>
      %swap3A_908 = arith.index_cast %scan3A_886 : i32 to index
      %swap3A_909 = arith.constant 32 : index
      %swap3A_910 = tpu.vector_load %arg9[%swap3A_908, %swap3A_909] {strides = array<i32>} : memref<64x384xf32, #tpu.memory_space<vmem>>, vector<1x16xf32>,
      %swap3A_911 = vector.shape_cast %swap3A_910 : vector<1x16xf32> to vector<16xf32>
      %swap3A_912 = vector.shape_cast %get3A_907 : vector<16xf32> to vector<1x16xf32>
      tpu.vector_store %arg9[%swap3A_908, %swap3A_909], %swap3A_912 {add = true, strides = array<i32>} : memref<64x384xf32, #tpu.memory_space<vmem>>, vector<1x16xf32>,
      %get3A_913 = arith.index_cast %scan3A_886 : i32 to index
      %get3A_914 = arith.constant 48 : index
      %get3A_915 = tpu.vector_load %arg6[%get3A_913, %get3A_914] {strides = array<i32>} : memref<64x384xf32, #tpu.memory_space<vmem>>, vector<1x16xf32>,
      %get3A_916 = vector.shape_cast %get3A_915 : vector<1x16xf32> to vector<16xf32>
      %swap3A_917 = arith.index_cast %scan3A_886 : i32 to index
      %swap3A_918 = arith.constant 48 : index
      %swap3A_919 = tpu.vector_load %arg9[%swap3A_917, %swap3A_918] {strides = array<i32>} : memref<64x384xf32, #tpu.memory_space<vmem>>, vector<1x16xf32>,
      %swap3A_920 = vector.shape_cast %swap3A_919 : vector<1x16xf32> to vector<16xf32>
      %swap3A_921 = vector.shape_cast %get3A_916 : vector<16xf32> to vector<1x16xf32>
      tpu.vector_store %arg9[%swap3A_917, %swap3A_918], %swap3A_921 {add = true, strides = array<i32>} : memref<64x384xf32, #tpu.memory_space<vmem>>, vector<1x16xf32>,
      %get3A_922 = arith.index_cast %scan3A_886 : i32 to index
      %get3A_923 = arith.constant 64 : index
      %get3A_924 = tpu.vector_load %arg6[%get3A_922, %get3A_923] {strides = array<i32>} : memref<64x384xf32, #tpu.memory_space<vmem>>, vector<1x16xf32>,
      %get3A_925 = vector.shape_cast %get3A_924 : vector<1x16xf32> to vector<16xf32>
      %swap3A_926 = arith.index_cast %scan3A_886 : i32 to index
      %swap3A_927 = arith.constant 64 : index
      %swap3A_928 = tpu.vector_load %arg9[%swap3A_926, %swap3A_927] {strides = array<i32>} : memref<64x384xf32, #tpu.memory_space<vmem>>, vector<1x16xf32>,
      %swap3A_929 = vector.shape_cast %swap3A_928 : vector<1x16xf32> to vector<16xf32>
      %swap3A_930 = vector.shape_cast %get3A_925 : vector<16xf32> to vector<1x16xf32>
      tpu.vector_store %arg9[%swap3A_926, %swap3A_927], %swap3A_930 {add = true, strides = array<i32>} : memref<64x384xf32, #tpu.memory_space<vmem>>, vector<1x16xf32>,
      %get3A_931 = arith.index_cast %scan3A_886 : i32 to index
      %get3A_932 = arith.constant 80 : index
      %get3A_933 = tpu.vector_load %arg6[%get3A_931, %get3A_932] {strides = array<i32>} : memref<64x384xf32, #tpu.memory_space<vmem>>, vector<1x16xf32>,
      %get3A_934 = vector.shape_cast %get3A_933 : vector<1x16xf32> to vector<16xf32>
      %swap3A_935 = arith.index_cast %scan3A_886 : i32 to index
      %swap3A_936 = arith.constant 80 : index
      %swap3A_937 = tpu.vector_load %arg9[%swap3A_935, %swap3A_936] {strides = array<i32>} : memref<64x384xf32, #tpu.memory_space<vmem>>, vector<1x16xf32>,
      %swap3A_938 = vector.shape_cast %swap3A_937 : vector<1x16xf32> to vector<16xf32>
      %swap3A_939 = vector.shape_cast %get3A_934 : vector<16xf32> to vector<1x16xf32>
      tpu.vector_store %arg9[%swap3A_935, %swap3A_936], %swap3A_939 {add = true, strides = array<i32>} : memref<64x384xf32, #tpu.memory_space<vmem>>, vector<1x16xf32>,
      %get3A_940 = arith.index_cast %scan3A_886 : i32 to index
      %get3A_941 = arith.constant 96 : index
      %get3A_942 = tpu.vector_load %arg6[%get3A_940, %get3A_941] {strides = array<i32>} : memref<64x384xf32, #tpu.memory_space<vmem>>, vector<1x16xf32>,
      %get3A_943 = vector.shape_cast %get3A_942 : vector<1x16xf32> to vector<16xf32>
      %swap3A_944 = arith.index_cast %scan3A_886 : i32 to index
      %swap3A_945 = arith.constant 96 : index
      %swap3A_946 = tpu.vector_load %arg9[%swap3A_944, %swap3A_945] {strides = array<i32>} : memref<64x384xf32, #tpu.memory_space<vmem>>, vector<1x16xf32>,
      %swap3A_947 = vector.shape_cast %swap3A_946 : vector<1x16xf32> to vector<16xf32>
      %swap3A_948 = vector.shape_cast %get3A_943 : vector<16xf32> to vector<1x16xf32>
      tpu.vector_store %arg9[%swap3A_944, %swap3A_945], %swap3A_948 {add = true, strides = array<i32>} : memref<64x384xf32, #tpu.memory_space<vmem>>, vector<1x16xf32>,
      %get3A_949 = arith.index_cast %scan3A_886 : i32 to index
      %get3A_950 = arith.constant 112 : index
      %get3A_951 = tpu.vector_load %arg6[%get3A_949, %get3A_950] {strides = array<i32>} : memref<64x384xf32, #tpu.memory_space<vmem>>, vector<1x16xf32>,
      %get3A_952 = vector.shape_cast %get3A_951 : vector<1x16xf32> to vector<16xf32>
      %swap3A_953 = arith.index_cast %scan3A_886 : i32 to index
      %swap3A_954 = arith.constant 112 : index
      %swap3A_955 = tpu.vector_load %arg9[%swap3A_953, %swap3A_954] {strides = array<i32>} : memref<64x384xf32, #tpu.memory_space<vmem>>, vector<1x16xf32>,
      %swap3A_956 = vector.shape_cast %swap3A_955 : vector<1x16xf32> to vector<16xf32>
      %swap3A_957 = vector.shape_cast %get3A_952 : vector<16xf32> to vector<1x16xf32>
      tpu.vector_store %arg9[%swap3A_953, %swap3A_954], %swap3A_957 {add = true, strides = array<i32>} : memref<64x384xf32, #tpu.memory_space<vmem>>, vector<1x16xf32>,
      %get3A_958 = arith.index_cast %scan3A_886 : i32 to index
      %get3A_959 = arith.constant 128 : index
      %get3A_960 = tpu.vector_load %arg6[%get3A_958, %get3A_959] {strides = array<i32>} : memref<64x384xf32, #tpu.memory_space<vmem>>, vector<1x16xf32>,
      %get3A_961 = vector.shape_cast %get3A_960 : vector<1x16xf32> to vector<16xf32>
      %swap3A_962 = arith.index_cast %scan3A_886 : i32 to index
      %swap3A_963 = arith.constant 128 : index
      %swap3A_964 = tpu.vector_load %arg9[%swap3A_962, %swap3A_963] {strides = array<i32>} : memref<64x384xf32, #tpu.memory_space<vmem>>, vector<1x16xf32>,
      %swap3A_965 = vector.shape_cast %swap3A_964 : vector<1x16xf32> to vector<16xf32>
      %swap3A_966 = vector.shape_cast %get3A_961 : vector<16xf32> to vector<1x16xf32>
      tpu.vector_store %arg9[%swap3A_962, %swap3A_963], %swap3A_966 {add = true, strides = array<i32>} : memref<64x384xf32, #tpu.memory_space<vmem>>, vector<1x16xf32>,
      %get3A_967 = arith.index_cast %scan3A_886 : i32 to index
      %get3A_968 = arith.constant 144 : index
      %get3A_969 = tpu.vector_load %arg6[%get3A_967, %get3A_968] {strides = array<i32>} : memref<64x384xf32, #tpu.memory_space<vmem>>, vector<1x16xf32>,
      %get3A_970 = vector.shape_cast %get3A_969 : vector<1x16xf32> to vector<16xf32>
      %swap3A_971 = arith.index_cast %scan3A_886 : i32 to index
      %swap3A_972 = arith.constant 144 : index
      %swap3A_973 = tpu.vector_load %arg9[%swap3A_971, %swap3A_972] {strides = array<i32>} : memref<64x384xf32, #tpu.memory_space<vmem>>, vector<1x16xf32>,
      %swap3A_974 = vector.shape_cast %swap3A_973 : vector<1x16xf32> to vector<16xf32>
      %swap3A_975 = vector.shape_cast %get3A_970 : vector<16xf32> to vector<1x16xf32>
      tpu.vector_store %arg9[%swap3A_971, %swap3A_972], %swap3A_975 {add = true, strides = array<i32>} : memref<64x384xf32, #tpu.memory_space<vmem>>, vector<1x16xf32>,
      %get3A_976 = arith.index_cast %scan3A_886 : i32 to index
      %get3A_977 = arith.constant 160 : index
      %get3A_978 = tpu.vector_load %arg6[%get3A_976, %get3A_977] {strides = array<i32>} : memref<64x384xf32, #tpu.memory_space<vmem>>, vector<1x16xf32>,
      %get3A_979 = vector.shape_cast %get3A_978 : vector<1x16xf32> to vector<16xf32>
      %swap3A_980 = arith.index_cast %scan3A_886 : i32 to index
      %swap3A_981 = arith.constant 160 : index
      %swap3A_982 = tpu.vector_load %arg9[%swap3A_980, %swap3A_981] {strides = array<i32>} : memref<64x384xf32, #tpu.memory_space<vmem>>, vector<1x16xf32>,
      %swap3A_983 = vector.shape_cast %swap3A_982 : vector<1x16xf32> to vector<16xf32>
      %swap3A_984 = vector.shape_cast %get3A_979 : vector<16xf32> to vector<1x16xf32>
      tpu.vector_store %arg9[%swap3A_980, %swap3A_981], %swap3A_984 {add = true, strides = array<i32>} : memref<64x384xf32, #tpu.memory_space<vmem>>, vector<1x16xf32>,
      %get3A_985 = arith.index_cast %scan3A_886 : i32 to index
      %get3A_986 = arith.constant 176 : index
      %get3A_987 = tpu.vector_load %arg6[%get3A_985, %get3A_986] {strides = array<i32>} : memref<64x384xf32, #tpu.memory_space<vmem>>, vector<1x16xf32>,
      %get3A_988 = vector.shape_cast %get3A_987 : vector<1x16xf32> to vector<16xf32>
      %swap3A_989 = arith.index_cast %scan3A_886 : i32 to index
      %swap3A_990 = arith.constant 176 : index
      %swap3A_991 = tpu.vector_load %arg9[%swap3A_989, %swap3A_990] {strides = array<i32>} : memref<64x384xf32, #tpu.memory_space<vmem>>, vector<1x16xf32>,
      %swap3A_992 = vector.shape_cast %swap3A_991 : vector<1x16xf32> to vector<16xf32>
      %swap3A_993 = vector.shape_cast %get3A_988 : vector<16xf32> to vector<1x16xf32>
      tpu.vector_store %arg9[%swap3A_989, %swap3A_990], %swap3A_993 {add = true, strides = array<i32>} : memref<64x384xf32, #tpu.memory_space<vmem>>, vector<1x16xf32>,
      %get3A_994 = arith.index_cast %scan3A_886 : i32 to index
      %get3A_995 = arith.constant 192 : index
      %get3A_996 = tpu.vector_load %arg6[%get3A_994, %get3A_995] {strides = array<i32>} : memref<64x384xf32, #tpu.memory_space<vmem>>, vector<1x16xf32>,
      %get3A_997 = vector.shape_cast %get3A_996 : vector<1x16xf32> to vector<16xf32>
      %swap3A_998 = arith.index_cast %scan3A_886 : i32 to index
      %swap3A_999 = arith.constant 192 : index
      %swap3A_1000 = tpu.vector_load %arg9[%swap3A_998, %swap3A_999] {strides = array<i32>} : memref<64x384xf32, #tpu.memory_space<vmem>>, vector<1x16xf32>,
      %swap3A_1001 = vector.shape_cast %swap3A_1000 : vector<1x16xf32> to vector<16xf32>
      %swap3A_1002 = vector.shape_cast %get3A_997 : vector<16xf32> to vector<1x16xf32>
      tpu.vector_store %arg9[%swap3A_998, %swap3A_999], %swap3A_1002 {add = true, strides = array<i32>} : memref<64x384xf32, #tpu.memory_space<vmem>>, vector<1x16xf32>,
      %get3A_1003 = arith.index_cast %scan3A_886 : i32 to index
      %get3A_1004 = arith.constant 208 : index
      %get3A_1005 = tpu.vector_load %arg6[%get3A_1003, %get3A_1004] {strides = array<i32>} : memref<64x384xf32, #tpu.memory_space<vmem>>, vector<1x16xf32>,
      %get3A_1006 = vector.shape_cast %get3A_1005 : vector<1x16xf32> to vector<16xf32>
      %swap3A_1007 = arith.index_cast %scan3A_886 : i32 to index
      %swap3A_1008 = arith.constant 208 : index
      %swap3A_1009 = tpu.vector_load %arg9[%swap3A_1007, %swap3A_1008] {strides = array<i32>} : memref<64x384xf32, #tpu.memory_space<vmem>>, vector<1x16xf32>,
      %swap3A_1010 = vector.shape_cast %swap3A_1009 : vector<1x16xf32> to vector<16xf32>
      %swap3A_1011 = vector.shape_cast %get3A_1006 : vector<16xf32> to vector<1x16xf32>
      tpu.vector_store %arg9[%swap3A_1007, %swap3A_1008], %swap3A_1011 {add = true, strides = array<i32>} : memref<64x384xf32, #tpu.memory_space<vmem>>, vector<1x16xf32>,
      %get3A_1012 = arith.index_cast %scan3A_886 : i32 to index
      %get3A_1013 = arith.constant 224 : index
      %get3A_1014 = tpu.vector_load %arg6[%get3A_1012, %get3A_1013] {strides = array<i32>} : memref<64x384xf32, #tpu.memory_space<vmem>>, vector<1x16xf32>,
      %get3A_1015 = vector.shape_cast %get3A_1014 : vector<1x16xf32> to vector<16xf32>
      %swap3A_1016 = arith.index_cast %scan3A_886 : i32 to index
      %swap3A_1017 = arith.constant 224 : index
      %swap3A_1018 = tpu.vector_load %arg9[%swap3A_1016, %swap3A_1017] {strides = array<i32>} : memref<64x384xf32, #tpu.memory_space<vmem>>, vector<1x16xf32>,
      %swap3A_1019 = vector.shape_cast %swap3A_1018 : vector<1x16xf32> to vector<16xf32>
      %swap3A_1020 = vector.shape_cast %get3A_1015 : vector<16xf32> to vector<1x16xf32>
      tpu.vector_store %arg9[%swap3A_1016, %swap3A_1017], %swap3A_1020 {add = true, strides = array<i32>} : memref<64x384xf32, #tpu.memory_space<vmem>>, vector<1x16xf32>,
      %get3A_1021 = arith.index_cast %scan3A_886 : i32 to index
      %get3A_1022 = arith.constant 240 : index
      %get3A_1023 = tpu.vector_load %arg6[%get3A_1021, %get3A_1022] {strides = array<i32>} : memref<64x384xf32, #tpu.memory_space<vmem>>, vector<1x16xf32>,
      %get3A_1024 = vector.shape_cast %get3A_1023 : vector<1x16xf32> to vector<16xf32>
      %swap3A_1025 = arith.index_cast %scan3A_886 : i32 to index
      %swap3A_1026 = arith.constant 240 : index
      %swap3A_1027 = tpu.vector_load %arg9[%swap3A_1025, %swap3A_1026] {strides = array<i32>} : memref<64x384xf32, #tpu.memory_space<vmem>>, vector<1x16xf32>,
      %swap3A_1028 = vector.shape_cast %swap3A_1027 : vector<1x16xf32> to vector<16xf32>
      %swap3A_1029 = vector.shape_cast %get3A_1024 : vector<16xf32> to vector<1x16xf32>
      tpu.vector_store %arg9[%swap3A_1025, %swap3A_1026], %swap3A_1029 {add = true, strides = array<i32>} : memref<64x384xf32, #tpu.memory_space<vmem>>, vector<1x16xf32>,
      %get3A_1030 = arith.index_cast %scan3A_886 : i32 to index
      %get3A_1031 = arith.constant 256 : index
      %get3A_1032 = tpu.vector_load %arg6[%get3A_1030, %get3A_1031] {strides = array<i32>} : memref<64x384xf32, #tpu.memory_space<vmem>>, vector<1x16xf32>,
      %get3A_1033 = vector.shape_cast %get3A_1032 : vector<1x16xf32> to vector<16xf32>
      %swap3A_1034 = arith.index_cast %scan3A_886 : i32 to index
      %swap3A_1035 = arith.constant 256 : index
      %swap3A_1036 = tpu.vector_load %arg9[%swap3A_1034, %swap3A_1035] {strides = array<i32>} : memref<64x384xf32, #tpu.memory_space<vmem>>, vector<1x16xf32>,
      %swap3A_1037 = vector.shape_cast %swap3A_1036 : vector<1x16xf32> to vector<16xf32>
      %swap3A_1038 = vector.shape_cast %get3A_1033 : vector<16xf32> to vector<1x16xf32>
      tpu.vector_store %arg9[%swap3A_1034, %swap3A_1035], %swap3A_1038 {add = true, strides = array<i32>} : memref<64x384xf32, #tpu.memory_space<vmem>>, vector<1x16xf32>,
      %get3A_1039 = arith.index_cast %scan3A_886 : i32 to index
      %get3A_1040 = arith.constant 272 : index
      %get3A_1041 = tpu.vector_load %arg6[%get3A_1039, %get3A_1040] {strides = array<i32>} : memref<64x384xf32, #tpu.memory_space<vmem>>, vector<1x16xf32>,
      %get3A_1042 = vector.shape_cast %get3A_1041 : vector<1x16xf32> to vector<16xf32>
      %swap3A_1043 = arith.index_cast %scan3A_886 : i32 to index
      %swap3A_1044 = arith.constant 272 : index
      %swap3A_1045 = tpu.vector_load %arg9[%swap3A_1043, %swap3A_1044] {strides = array<i32>} : memref<64x384xf32, #tpu.memory_space<vmem>>, vector<1x16xf32>,
      %swap3A_1046 = vector.shape_cast %swap3A_1045 : vector<1x16xf32> to vector<16xf32>
      %swap3A_1047 = vector.shape_cast %get3A_1042 : vector<16xf32> to vector<1x16xf32>
      tpu.vector_store %arg9[%swap3A_1043, %swap3A_1044], %swap3A_1047 {add = true, strides = array<i32>} : memref<64x384xf32, #tpu.memory_space<vmem>>, vector<1x16xf32>,
      %get3A_1048 = arith.index_cast %scan3A_886 : i32 to index
      %get3A_1049 = arith.constant 288 : index
      %get3A_1050 = tpu.vector_load %arg6[%get3A_1048, %get3A_1049] {strides = array<i32>} : memref<64x384xf32, #tpu.memory_space<vmem>>, vector<1x16xf32>,
      %get3A_1051 = vector.shape_cast %get3A_1050 : vector<1x16xf32> to vector<16xf32>
      %swap3A_1052 = arith.index_cast %scan3A_886 : i32 to index
      %swap3A_1053 = arith.constant 288 : index
      %swap3A_1054 = tpu.vector_load %arg9[%swap3A_1052, %swap3A_1053] {strides = array<i32>} : memref<64x384xf32, #tpu.memory_space<vmem>>, vector<1x16xf32>,
      %swap3A_1055 = vector.shape_cast %swap3A_1054 : vector<1x16xf32> to vector<16xf32>
      %swap3A_1056 = vector.shape_cast %get3A_1051 : vector<16xf32> to vector<1x16xf32>
      tpu.vector_store %arg9[%swap3A_1052, %swap3A_1053], %swap3A_1056 {add = true, strides = array<i32>} : memref<64x384xf32, #tpu.memory_space<vmem>>, vector<1x16xf32>,
      %get3A_1057 = arith.index_cast %scan3A_886 : i32 to index
      %get3A_1058 = arith.constant 304 : index
      %get3A_1059 = tpu.vector_load %arg6[%get3A_1057, %get3A_1058] {strides = array<i32>} : memref<64x384xf32, #tpu.memory_space<vmem>>, vector<1x16xf32>,
      %get3A_1060 = vector.shape_cast %get3A_1059 : vector<1x16xf32> to vector<16xf32>
      %swap3A_1061 = arith.index_cast %scan3A_886 : i32 to index
      %swap3A_1062 = arith.constant 304 : index
      %swap3A_1063 = tpu.vector_load %arg9[%swap3A_1061, %swap3A_1062] {strides = array<i32>} : memref<64x384xf32, #tpu.memory_space<vmem>>, vector<1x16xf32>,
      %swap3A_1064 = vector.shape_cast %swap3A_1063 : vector<1x16xf32> to vector<16xf32>
      %swap3A_1065 = vector.shape_cast %get3A_1060 : vector<16xf32> to vector<1x16xf32>
      tpu.vector_store %arg9[%swap3A_1061, %swap3A_1062], %swap3A_1065 {add = true, strides = array<i32>} : memref<64x384xf32, #tpu.memory_space<vmem>>, vector<1x16xf32>,
      %get3A_1066 = arith.index_cast %scan3A_886 : i32 to index
      %get3A_1067 = arith.constant 320 : index
      %get3A_1068 = tpu.vector_load %arg6[%get3A_1066, %get3A_1067] {strides = array<i32>} : memref<64x384xf32, #tpu.memory_space<vmem>>, vector<1x16xf32>,
      %get3A_1069 = vector.shape_cast %get3A_1068 : vector<1x16xf32> to vector<16xf32>
      %swap3A_1070 = arith.index_cast %scan3A_886 : i32 to index
      %swap3A_1071 = arith.constant 320 : index
      %swap3A_1072 = tpu.vector_load %arg9[%swap3A_1070, %swap3A_1071] {strides = array<i32>} : memref<64x384xf32, #tpu.memory_space<vmem>>, vector<1x16xf32>,
      %swap3A_1073 = vector.shape_cast %swap3A_1072 : vector<1x16xf32> to vector<16xf32>
      %swap3A_1074 = vector.shape_cast %get3A_1069 : vector<16xf32> to vector<1x16xf32>
      tpu.vector_store %arg9[%swap3A_1070, %swap3A_1071], %swap3A_1074 {add = true, strides = array<i32>} : memref<64x384xf32, #tpu.memory_space<vmem>>, vector<1x16xf32>,
      %get3A_1075 = arith.index_cast %scan3A_886 : i32 to index
      %get3A_1076 = arith.constant 336 : index
      %get3A_1077 = tpu.vector_load %arg6[%get3A_1075, %get3A_1076] {strides = array<i32>} : memref<64x384xf32, #tpu.memory_space<vmem>>, vector<1x16xf32>,
      %get3A_1078 = vector.shape_cast %get3A_1077 : vector<1x16xf32> to vector<16xf32>
      %swap3A_1079 = arith.index_cast %scan3A_886 : i32 to index
      %swap3A_1080 = arith.constant 336 : index
      %swap3A_1081 = tpu.vector_load %arg9[%swap3A_1079, %swap3A_1080] {strides = array<i32>} : memref<64x384xf32, #tpu.memory_space<vmem>>, vector<1x16xf32>,
      %swap3A_1082 = vector.shape_cast %swap3A_1081 : vector<1x16xf32> to vector<16xf32>
      %swap3A_1083 = vector.shape_cast %get3A_1078 : vector<16xf32> to vector<1x16xf32>
      tpu.vector_store %arg9[%swap3A_1079, %swap3A_1080], %swap3A_1083 {add = true, strides = array<i32>} : memref<64x384xf32, #tpu.memory_space<vmem>>, vector<1x16xf32>,
      %get3A_1084 = arith.index_cast %scan3A_886 : i32 to index
      %get3A_1085 = arith.constant 352 : index
      %get3A_1086 = tpu.vector_load %arg6[%get3A_1084, %get3A_1085] {strides = array<i32>} : memref<64x384xf32, #tpu.memory_space<vmem>>, vector<1x16xf32>,
      %get3A_1087 = vector.shape_cast %get3A_1086 : vector<1x16xf32> to vector<16xf32>
      %swap3A_1088 = arith.index_cast %scan3A_886 : i32 to index
      %swap3A_1089 = arith.constant 352 : index
      %swap3A_1090 = tpu.vector_load %arg9[%swap3A_1088, %swap3A_1089] {strides = array<i32>} : memref<64x384xf32, #tpu.memory_space<vmem>>, vector<1x16xf32>,
      %swap3A_1091 = vector.shape_cast %swap3A_1090 : vector<1x16xf32> to vector<16xf32>
      %swap3A_1092 = vector.shape_cast %get3A_1087 : vector<16xf32> to vector<1x16xf32>
      tpu.vector_store %arg9[%swap3A_1088, %swap3A_1089], %swap3A_1092 {add = true, strides = array<i32>} : memref<64x384xf32, #tpu.memory_space<vmem>>, vector<1x16xf32>,
      %get3A_1093 = arith.index_cast %scan3A_886 : i32 to index
      %get3A_1094 = arith.constant 368 : index
      %get3A_1095 = tpu.vector_load %arg6[%get3A_1093, %get3A_1094] {strides = array<i32>} : memref<64x384xf32, #tpu.memory_space<vmem>>, vector<1x16xf32>,
      %get3A_1096 = vector.shape_cast %get3A_1095 : vector<1x16xf32> to vector<16xf32>
      %swap3A_1097 = arith.index_cast %scan3A_886 : i32 to index
      %swap3A_1098 = arith.constant 368 : index
      %swap3A_1099 = tpu.vector_load %arg9[%swap3A_1097, %swap3A_1098] {strides = array<i32>} : memref<64x384xf32, #tpu.memory_space<vmem>>, vector<1x16xf32>,
      %swap3A_1100 = vector.shape_cast %swap3A_1099 : vector<1x16xf32> to vector<16xf32>
      %swap3A_1101 = vector.shape_cast %get3A_1096 : vector<16xf32> to vector<1x16xf32>
      tpu.vector_store %arg9[%swap3A_1097, %swap3A_1098], %swap3A_1101 {add = true, strides = array<i32>} : memref<64x384xf32, #tpu.memory_space<vmem>>, vector<1x16xf32>,
    }
    %scan3A_785 = arith.constant 64 : i32
    %add3A_786 = arith.constant 0 : i32
    %add3A_787 = arith.addi %add3A_786, %mul3A_2 : i32
    %dma_start3A_788 = arith.constant 0 : i32
    %dma_start3A_789 = tpu.memref_slice %arg5[%add3A_787, %dma_start3A_788] : memref<65536x384xf32, #tpu.memory_space<hbm>> -> memref<64x384xf32, #tpu.memory_space<hbm>>
    %dma_start3A_790 = arith.constant 0 : i32
    %dma_start3A_791 = tpu.memref_slice %arg5[%add3A_787, %dma_start3A_790] : memref<65536x384xf32, #tpu.memory_space<hbm>> -> memref<64x384xf32, #tpu.memory_space<hbm>>
    tpu.enqueue_dma source(%arg9 : memref<64x384xf32, #tpu.memory_space<vmem>>) target(%dma_start3A_791 : memref<64x384xf32, #tpu.memory_space<hbm>>) target_semaphore(%arg19 : memref<!tpu.dma_semaphore, #tpu.memory_space<semaphore_mem>>)
    %dma_start3A_792 = arith.constant 3 : i32
    %dma_start3A_793 = arith.constant 0 : i32
    %dma_start3A_794 = tpu.memref_slice %arg8[%dma_start3A_792, %dma_start3A_793] : memref<32x64xi32, #tpu.memory_space<vmem>> -> memref<1x64xi32, #tpu.memory_space<vmem>>
    %dma_start3A_795 = tpu.memref_squeeze %dma_start3A_794 : memref<1x64xi32, #tpu.memory_space<vmem>> -> memref<64xi32, #tpu.memory_space<vmem>>
    %dma_start3A_796 = arith.constant 0 : i32
    %dma_start3A_797 = arith.constant 0 : i32
    %dma_start3A_798 = tpu.memref_slice %arg3[%dma_start3A_796, %dma_start3A_797] : memref<100000x384xf32, #tpu.memory_space<hbm>> -> memref<100000x384xf32, #tpu.memory_space<hbm>>
    tpu.enqueue_indirect_dma source(%dma_start3A_798 : memref<100000x384xf32, #tpu.memory_space<hbm>>) target(%arg12 : memref<64x384xf32, #tpu.memory_space<vmem>>) offsets(%dma_start3A_795 : memref<64xi32, #tpu.memory_space<vmem>>) semaphore(%arg18 : memref<!tpu.dma_semaphore, #tpu.memory_space<semaphore_mem>>)
    %dma_wait3A_799 = arith.constant 1 : i32
    %dma_wait3A_800 = arith.constant 0 : i32
    %dma_wait3A_801 = tpu.memref_slice %arg8[%dma_wait3A_799, %dma_wait3A_800] : memref<32x64xi32, #tpu.memory_space<vmem>> -> memref<1x64xi32, #tpu.memory_space<vmem>>
    %dma_wait3A_802 = tpu.memref_squeeze %dma_wait3A_801 : memref<1x64xi32, #tpu.memory_space<vmem>> -> memref<64xi32, #tpu.memory_space<vmem>>
    %dma_wait3A_803 = arith.constant 0 : i32
    %dma_wait3A_804 = arith.constant 0 : i32
    %dma_wait3A_805 = tpu.memref_slice %arg3[%dma_wait3A_803, %dma_wait3A_804] : memref<100000x384xf32, #tpu.memory_space<hbm>> -> memref<100000x384xf32, #tpu.memory_space<hbm>>
    tpu.wait_indirect_dma semaphore(%arg16 : memref<!tpu.dma_semaphore, #tpu.memory_space<semaphore_mem>>) src(%dma_wait3A_805 : memref<100000x384xf32, #tpu.memory_space<hbm>>) dst(%arg10 : memref<64x384xf32, #tpu.memory_space<vmem>>)
    %scan3A_806 = arith.constant 0 : i32
    %scan3A_807 = arith.constant 0 : i32
    %scan3A_808 = arith.constant 64 : i32
    %scan3A_809 = arith.addi %scan3A_807, %scan3A_808 : i32
    %scan3A_810 = arith.constant 1 : i32
    scf.for %scan3A_886 = %scan3A_807 to %scan3A_809 step %scan3A_810  : i32 {
      %get3A = arith.index_cast %scan3A_886 : i32 to index
      %get3A_887 = arith.constant 0 : index
      %get3A_888 = tpu.vector_load %arg6[%get3A, %get3A_887] {strides = array<i32>} : memref<64x384xf32, #tpu.memory_space<vmem>>, vector<1x16xf32>,
      %get3A_889 = vector.shape_cast %get3A_888 : vector<1x16xf32> to vector<16xf32>
      %swap3A_890 = arith.index_cast %scan3A_886 : i32 to index
      %swap3A_891 = arith.constant 0 : index
      %swap3A_892 = tpu.vector_load %arg10[%swap3A_890, %swap3A_891] {strides = array<i32>} : memref<64x384xf32, #tpu.memory_space<vmem>>, vector<1x16xf32>,
      %swap3A_893 = vector.shape_cast %swap3A_892 : vector<1x16xf32> to vector<16xf32>
      %swap3A_894 = vector.shape_cast %get3A_889 : vector<16xf32> to vector<1x16xf32>
      tpu.vector_store %arg10[%swap3A_890, %swap3A_891], %swap3A_894 {add = true, strides = array<i32>} : memref<64x384xf32, #tpu.memory_space<vmem>>, vector<1x16xf32>,
      %get3A_895 = arith.index_cast %scan3A_886 : i32 to index
      %get3A_896 = arith.constant 16 : index
      %get3A_897 = tpu.vector_load %arg6[%get3A_895, %get3A_896] {strides = array<i32>} : memref<64x384xf32, #tpu.memory_space<vmem>>, vector<1x16xf32>,
      %get3A_898 = vector.shape_cast %get3A_897 : vector<1x16xf32> to vector<16xf32>
      %swap3A_899 = arith.index_cast %scan3A_886 : i32 to index
      %swap3A_900 = arith.constant 16 : index
      %swap3A_901 = tpu.vector_load %arg10[%swap3A_899, %swap3A_900] {strides = array<i32>} : memref<64x384xf32, #tpu.memory_space<vmem>>, vector<1x16xf32>,
      %swap3A_902 = vector.shape_cast %swap3A_901 : vector<1x16xf32> to vector<16xf32>
      %swap3A_903 = vector.shape_cast %get3A_898 : vector<16xf32> to vector<1x16xf32>
      tpu.vector_store %arg10[%swap3A_899, %swap3A_900], %swap3A_903 {add = true, strides = array<i32>} : memref<64x384xf32, #tpu.memory_space<vmem>>, vector<1x16xf32>,
      %get3A_904 = arith.index_cast %scan3A_886 : i32 to index
      %get3A_905 = arith.constant 32 : index
      %get3A_906 = tpu.vector_load %arg6[%get3A_904, %get3A_905] {strides = array<i32>} : memref<64x384xf32, #tpu.memory_space<vmem>>, vector<1x16xf32>,
      %get3A_907 = vector.shape_cast %get3A_906 : vector<1x16xf32> to vector<16xf32>
      %swap3A_908 = arith.index_cast %scan3A_886 : i32 to index
      %swap3A_909 = arith.constant 32 : index
      %swap3A_910 = tpu.vector_load %arg10[%swap3A_908, %swap3A_909] {strides = array<i32>} : memref<64x384xf32, #tpu.memory_space<vmem>>, vector<1x16xf32>,
      %swap3A_911 = vector.shape_cast %swap3A_910 : vector<1x16xf32> to vector<16xf32>
      %swap3A_912 = vector.shape_cast %get3A_907 : vector<16xf32> to vector<1x16xf32>
      tpu.vector_store %arg10[%swap3A_908, %swap3A_909], %swap3A_912 {add = true, strides = array<i32>} : memref<64x384xf32, #tpu.memory_space<vmem>>, vector<1x16xf32>,
      %get3A_913 = arith.index_cast %scan3A_886 : i32 to index
      %get3A_914 = arith.constant 48 : index
      %get3A_915 = tpu.vector_load %arg6[%get3A_913, %get3A_914] {strides = array<i32>} : memref<64x384xf32, #tpu.memory_space<vmem>>, vector<1x16xf32>,
      %get3A_916 = vector.shape_cast %get3A_915 : vector<1x16xf32> to vector<16xf32>
      %swap3A_917 = arith.index_cast %scan3A_886 : i32 to index
      %swap3A_918 = arith.constant 48 : index
      %swap3A_919 = tpu.vector_load %arg10[%swap3A_917, %swap3A_918] {strides = array<i32>} : memref<64x384xf32, #tpu.memory_space<vmem>>, vector<1x16xf32>,
      %swap3A_920 = vector.shape_cast %swap3A_919 : vector<1x16xf32> to vector<16xf32>
      %swap3A_921 = vector.shape_cast %get3A_916 : vector<16xf32> to vector<1x16xf32>
      tpu.vector_store %arg10[%swap3A_917, %swap3A_918], %swap3A_921 {add = true, strides = array<i32>} : memref<64x384xf32, #tpu.memory_space<vmem>>, vector<1x16xf32>,
      %get3A_922 = arith.index_cast %scan3A_886 : i32 to index
      %get3A_923 = arith.constant 64 : index
      %get3A_924 = tpu.vector_load %arg6[%get3A_922, %get3A_923] {strides = array<i32>} : memref<64x384xf32, #tpu.memory_space<vmem>>, vector<1x16xf32>,
      %get3A_925 = vector.shape_cast %get3A_924 : vector<1x16xf32> to vector<16xf32>
      %swap3A_926 = arith.index_cast %scan3A_886 : i32 to index
      %swap3A_927 = arith.constant 64 : index
      %swap3A_928 = tpu.vector_load %arg10[%swap3A_926, %swap3A_927] {strides = array<i32>} : memref<64x384xf32, #tpu.memory_space<vmem>>, vector<1x16xf32>,
      %swap3A_929 = vector.shape_cast %swap3A_928 : vector<1x16xf32> to vector<16xf32>
      %swap3A_930 = vector.shape_cast %get3A_925 : vector<16xf32> to vector<1x16xf32>
      tpu.vector_store %arg10[%swap3A_926, %swap3A_927], %swap3A_930 {add = true, strides = array<i32>} : memref<64x384xf32, #tpu.memory_space<vmem>>, vector<1x16xf32>,
      %get3A_931 = arith.index_cast %scan3A_886 : i32 to index
      %get3A_932 = arith.constant 80 : index
      %get3A_933 = tpu.vector_load %arg6[%get3A_931, %get3A_932] {strides = array<i32>} : memref<64x384xf32, #tpu.memory_space<vmem>>, vector<1x16xf32>,
      %get3A_934 = vector.shape_cast %get3A_933 : vector<1x16xf32> to vector<16xf32>
      %swap3A_935 = arith.index_cast %scan3A_886 : i32 to index
      %swap3A_936 = arith.constant 80 : index
      %swap3A_937 = tpu.vector_load %arg10[%swap3A_935, %swap3A_936] {strides = array<i32>} : memref<64x384xf32, #tpu.memory_space<vmem>>, vector<1x16xf32>,
      %swap3A_938 = vector.shape_cast %swap3A_937 : vector<1x16xf32> to vector<16xf32>
      %swap3A_939 = vector.shape_cast %get3A_934 : vector<16xf32> to vector<1x16xf32>
      tpu.vector_store %arg10[%swap3A_935, %swap3A_936], %swap3A_939 {add = true, strides = array<i32>} : memref<64x384xf32, #tpu.memory_space<vmem>>, vector<1x16xf32>,
      %get3A_940 = arith.index_cast %scan3A_886 : i32 to index
      %get3A_941 = arith.constant 96 : index
      %get3A_942 = tpu.vector_load %arg6[%get3A_940, %get3A_941] {strides = array<i32>} : memref<64x384xf32, #tpu.memory_space<vmem>>, vector<1x16xf32>,
      %get3A_943 = vector.shape_cast %get3A_942 : vector<1x16xf32> to vector<16xf32>
      %swap3A_944 = arith.index_cast %scan3A_886 : i32 to index
      %swap3A_945 = arith.constant 96 : index
      %swap3A_946 = tpu.vector_load %arg10[%swap3A_944, %swap3A_945] {strides = array<i32>} : memref<64x384xf32, #tpu.memory_space<vmem>>, vector<1x16xf32>,
      %swap3A_947 = vector.shape_cast %swap3A_946 : vector<1x16xf32> to vector<16xf32>
      %swap3A_948 = vector.shape_cast %get3A_943 : vector<16xf32> to vector<1x16xf32>
      tpu.vector_store %arg10[%swap3A_944, %swap3A_945], %swap3A_948 {add = true, strides = array<i32>} : memref<64x384xf32, #tpu.memory_space<vmem>>, vector<1x16xf32>,
      %get3A_949 = arith.index_cast %scan3A_886 : i32 to index
      %get3A_950 = arith.constant 112 : index
      %get3A_951 = tpu.vector_load %arg6[%get3A_949, %get3A_950] {strides = array<i32>} : memref<64x384xf32, #tpu.memory_space<vmem>>, vector<1x16xf32>,
      %get3A_952 = vector.shape_cast %get3A_951 : vector<1x16xf32> to vector<16xf32>
      %swap3A_953 = arith.index_cast %scan3A_886 : i32 to index
      %swap3A_954 = arith.constant 112 : index
      %swap3A_955 = tpu.vector_load %arg10[%swap3A_953, %swap3A_954] {strides = array<i32>} : memref<64x384xf32, #tpu.memory_space<vmem>>, vector<1x16xf32>,
      %swap3A_956 = vector.shape_cast %swap3A_955 : vector<1x16xf32> to vector<16xf32>
      %swap3A_957 = vector.shape_cast %get3A_952 : vector<16xf32> to vector<1x16xf32>
      tpu.vector_store %arg10[%swap3A_953, %swap3A_954], %swap3A_957 {add = true, strides = array<i32>} : memref<64x384xf32, #tpu.memory_space<vmem>>, vector<1x16xf32>,
      %get3A_958 = arith.index_cast %scan3A_886 : i32 to index
      %get3A_959 = arith.constant 128 : index
      %get3A_960 = tpu.vector_load %arg6[%get3A_958, %get3A_959] {strides = array<i32>} : memref<64x384xf32, #tpu.memory_space<vmem>>, vector<1x16xf32>,
      %get3A_961 = vector.shape_cast %get3A_960 : vector<1x16xf32> to vector<16xf32>
      %swap3A_962 = arith.index_cast %scan3A_886 : i32 to index
      %swap3A_963 = arith.constant 128 : index
      %swap3A_964 = tpu.vector_load %arg10[%swap3A_962, %swap3A_963] {strides = array<i32>} : memref<64x384xf32, #tpu.memory_space<vmem>>, vector<1x16xf32>,
      %swap3A_965 = vector.shape_cast %swap3A_964 : vector<1x16xf32> to vector<16xf32>
      %swap3A_966 = vector.shape_cast %get3A_961 : vector<16xf32> to vector<1x16xf32>
      tpu.vector_store %arg10[%swap3A_962, %swap3A_963], %swap3A_966 {add = true, strides = array<i32>} : memref<64x384xf32, #tpu.memory_space<vmem>>, vector<1x16xf32>,
      %get3A_967 = arith.index_cast %scan3A_886 : i32 to index
      %get3A_968 = arith.constant 144 : index
      %get3A_969 = tpu.vector_load %arg6[%get3A_967, %get3A_968] {strides = array<i32>} : memref<64x384xf32, #tpu.memory_space<vmem>>, vector<1x16xf32>,
      %get3A_970 = vector.shape_cast %get3A_969 : vector<1x16xf32> to vector<16xf32>
      %swap3A_971 = arith.index_cast %scan3A_886 : i32 to index
      %swap3A_972 = arith.constant 144 : index
      %swap3A_973 = tpu.vector_load %arg10[%swap3A_971, %swap3A_972] {strides = array<i32>} : memref<64x384xf32, #tpu.memory_space<vmem>>, vector<1x16xf32>,
      %swap3A_974 = vector.shape_cast %swap3A_973 : vector<1x16xf32> to vector<16xf32>
      %swap3A_975 = vector.shape_cast %get3A_970 : vector<16xf32> to vector<1x16xf32>
      tpu.vector_store %arg10[%swap3A_971, %swap3A_972], %swap3A_975 {add = true, strides = array<i32>} : memref<64x384xf32, #tpu.memory_space<vmem>>, vector<1x16xf32>,
      %get3A_976 = arith.index_cast %scan3A_886 : i32 to index
      %get3A_977 = arith.constant 160 : index
      %get3A_978 = tpu.vector_load %arg6[%get3A_976, %get3A_977] {strides = array<i32>} : memref<64x384xf32, #tpu.memory_space<vmem>>, vector<1x16xf32>,
      %get3A_979 = vector.shape_cast %get3A_978 : vector<1x16xf32> to vector<16xf32>
      %swap3A_980 = arith.index_cast %scan3A_886 : i32 to index
      %swap3A_981 = arith.constant 160 : index
      %swap3A_982 = tpu.vector_load %arg10[%swap3A_980, %swap3A_981] {strides = array<i32>} : memref<64x384xf32, #tpu.memory_space<vmem>>, vector<1x16xf32>,
      %swap3A_983 = vector.shape_cast %swap3A_982 : vector<1x16xf32> to vector<16xf32>
      %swap3A_984 = vector.shape_cast %get3A_979 : vector<16xf32> to vector<1x16xf32>
      tpu.vector_store %arg10[%swap3A_980, %swap3A_981], %swap3A_984 {add = true, strides = array<i32>} : memref<64x384xf32, #tpu.memory_space<vmem>>, vector<1x16xf32>,
      %get3A_985 = arith.index_cast %scan3A_886 : i32 to index
      %get3A_986 = arith.constant 176 : index
      %get3A_987 = tpu.vector_load %arg6[%get3A_985, %get3A_986] {strides = array<i32>} : memref<64x384xf32, #tpu.memory_space<vmem>>, vector<1x16xf32>,
      %get3A_988 = vector.shape_cast %get3A_987 : vector<1x16xf32> to vector<16xf32>
      %swap3A_989 = arith.index_cast %scan3A_886 : i32 to index
      %swap3A_990 = arith.constant 176 : index
      %swap3A_991 = tpu.vector_load %arg10[%swap3A_989, %swap3A_990] {strides = array<i32>} : memref<64x384xf32, #tpu.memory_space<vmem>>, vector<1x16xf32>,
      %swap3A_992 = vector.shape_cast %swap3A_991 : vector<1x16xf32> to vector<16xf32>
      %swap3A_993 = vector.shape_cast %get3A_988 : vector<16xf32> to vector<1x16xf32>
      tpu.vector_store %arg10[%swap3A_989, %swap3A_990], %swap3A_993 {add = true, strides = array<i32>} : memref<64x384xf32, #tpu.memory_space<vmem>>, vector<1x16xf32>,
      %get3A_994 = arith.index_cast %scan3A_886 : i32 to index
      %get3A_995 = arith.constant 192 : index
      %get3A_996 = tpu.vector_load %arg6[%get3A_994, %get3A_995] {strides = array<i32>} : memref<64x384xf32, #tpu.memory_space<vmem>>, vector<1x16xf32>,
      %get3A_997 = vector.shape_cast %get3A_996 : vector<1x16xf32> to vector<16xf32>
      %swap3A_998 = arith.index_cast %scan3A_886 : i32 to index
      %swap3A_999 = arith.constant 192 : index
      %swap3A_1000 = tpu.vector_load %arg10[%swap3A_998, %swap3A_999] {strides = array<i32>} : memref<64x384xf32, #tpu.memory_space<vmem>>, vector<1x16xf32>,
      %swap3A_1001 = vector.shape_cast %swap3A_1000 : vector<1x16xf32> to vector<16xf32>
      %swap3A_1002 = vector.shape_cast %get3A_997 : vector<16xf32> to vector<1x16xf32>
      tpu.vector_store %arg10[%swap3A_998, %swap3A_999], %swap3A_1002 {add = true, strides = array<i32>} : memref<64x384xf32, #tpu.memory_space<vmem>>, vector<1x16xf32>,
      %get3A_1003 = arith.index_cast %scan3A_886 : i32 to index
      %get3A_1004 = arith.constant 208 : index
      %get3A_1005 = tpu.vector_load %arg6[%get3A_1003, %get3A_1004] {strides = array<i32>} : memref<64x384xf32, #tpu.memory_space<vmem>>, vector<1x16xf32>,
      %get3A_1006 = vector.shape_cast %get3A_1005 : vector<1x16xf32> to vector<16xf32>
      %swap3A_1007 = arith.index_cast %scan3A_886 : i32 to index
      %swap3A_1008 = arith.constant 208 : index
      %swap3A_1009 = tpu.vector_load %arg10[%swap3A_1007, %swap3A_1008] {strides = array<i32>} : memref<64x384xf32, #tpu.memory_space<vmem>>, vector<1x16xf32>,
      %swap3A_1010 = vector.shape_cast %swap3A_1009 : vector<1x16xf32> to vector<16xf32>
      %swap3A_1011 = vector.shape_cast %get3A_1006 : vector<16xf32> to vector<1x16xf32>
      tpu.vector_store %arg10[%swap3A_1007, %swap3A_1008], %swap3A_1011 {add = true, strides = array<i32>} : memref<64x384xf32, #tpu.memory_space<vmem>>, vector<1x16xf32>,
      %get3A_1012 = arith.index_cast %scan3A_886 : i32 to index
      %get3A_1013 = arith.constant 224 : index
      %get3A_1014 = tpu.vector_load %arg6[%get3A_1012, %get3A_1013] {strides = array<i32>} : memref<64x384xf32, #tpu.memory_space<vmem>>, vector<1x16xf32>,
      %get3A_1015 = vector.shape_cast %get3A_1014 : vector<1x16xf32> to vector<16xf32>
      %swap3A_1016 = arith.index_cast %scan3A_886 : i32 to index
      %swap3A_1017 = arith.constant 224 : index
      %swap3A_1018 = tpu.vector_load %arg10[%swap3A_1016, %swap3A_1017] {strides = array<i32>} : memref<64x384xf32, #tpu.memory_space<vmem>>, vector<1x16xf32>,
      %swap3A_1019 = vector.shape_cast %swap3A_1018 : vector<1x16xf32> to vector<16xf32>
      %swap3A_1020 = vector.shape_cast %get3A_1015 : vector<16xf32> to vector<1x16xf32>
      tpu.vector_store %arg10[%swap3A_1016, %swap3A_1017], %swap3A_1020 {add = true, strides = array<i32>} : memref<64x384xf32, #tpu.memory_space<vmem>>, vector<1x16xf32>,
      %get3A_1021 = arith.index_cast %scan3A_886 : i32 to index
      %get3A_1022 = arith.constant 240 : index
      %get3A_1023 = tpu.vector_load %arg6[%get3A_1021, %get3A_1022] {strides = array<i32>} : memref<64x384xf32, #tpu.memory_space<vmem>>, vector<1x16xf32>,
      %get3A_1024 = vector.shape_cast %get3A_1023 : vector<1x16xf32> to vector<16xf32>
      %swap3A_1025 = arith.index_cast %scan3A_886 : i32 to index
      %swap3A_1026 = arith.constant 240 : index
      %swap3A_1027 = tpu.vector_load %arg10[%swap3A_1025, %swap3A_1026] {strides = array<i32>} : memref<64x384xf32, #tpu.memory_space<vmem>>, vector<1x16xf32>,
      %swap3A_1028 = vector.shape_cast %swap3A_1027 : vector<1x16xf32> to vector<16xf32>
      %swap3A_1029 = vector.shape_cast %get3A_1024 : vector<16xf32> to vector<1x16xf32>
      tpu.vector_store %arg10[%swap3A_1025, %swap3A_1026], %swap3A_1029 {add = true, strides = array<i32>} : memref<64x384xf32, #tpu.memory_space<vmem>>, vector<1x16xf32>,
      %get3A_1030 = arith.index_cast %scan3A_886 : i32 to index
      %get3A_1031 = arith.constant 256 : index
      %get3A_1032 = tpu.vector_load %arg6[%get3A_1030, %get3A_1031] {strides = array<i32>} : memref<64x384xf32, #tpu.memory_space<vmem>>, vector<1x16xf32>,
      %get3A_1033 = vector.shape_cast %get3A_1032 : vector<1x16xf32> to vector<16xf32>
      %swap3A_1034 = arith.index_cast %scan3A_886 : i32 to index
      %swap3A_1035 = arith.constant 256 : index
      %swap3A_1036 = tpu.vector_load %arg10[%swap3A_1034, %swap3A_1035] {strides = array<i32>} : memref<64x384xf32, #tpu.memory_space<vmem>>, vector<1x16xf32>,
      %swap3A_1037 = vector.shape_cast %swap3A_1036 : vector<1x16xf32> to vector<16xf32>
      %swap3A_1038 = vector.shape_cast %get3A_1033 : vector<16xf32> to vector<1x16xf32>
      tpu.vector_store %arg10[%swap3A_1034, %swap3A_1035], %swap3A_1038 {add = true, strides = array<i32>} : memref<64x384xf32, #tpu.memory_space<vmem>>, vector<1x16xf32>,
      %get3A_1039 = arith.index_cast %scan3A_886 : i32 to index
      %get3A_1040 = arith.constant 272 : index
      %get3A_1041 = tpu.vector_load %arg6[%get3A_1039, %get3A_1040] {strides = array<i32>} : memref<64x384xf32, #tpu.memory_space<vmem>>, vector<1x16xf32>,
      %get3A_1042 = vector.shape_cast %get3A_1041 : vector<1x16xf32> to vector<16xf32>
      %swap3A_1043 = arith.index_cast %scan3A_886 : i32 to index
      %swap3A_1044 = arith.constant 272 : index
      %swap3A_1045 = tpu.vector_load %arg10[%swap3A_1043, %swap3A_1044] {strides = array<i32>} : memref<64x384xf32, #tpu.memory_space<vmem>>, vector<1x16xf32>,
      %swap3A_1046 = vector.shape_cast %swap3A_1045 : vector<1x16xf32> to vector<16xf32>
      %swap3A_1047 = vector.shape_cast %get3A_1042 : vector<16xf32> to vector<1x16xf32>
      tpu.vector_store %arg10[%swap3A_1043, %swap3A_1044], %swap3A_1047 {add = true, strides = array<i32>} : memref<64x384xf32, #tpu.memory_space<vmem>>, vector<1x16xf32>,
      %get3A_1048 = arith.index_cast %scan3A_886 : i32 to index
      %get3A_1049 = arith.constant 288 : index
      %get3A_1050 = tpu.vector_load %arg6[%get3A_1048, %get3A_1049] {strides = array<i32>} : memref<64x384xf32, #tpu.memory_space<vmem>>, vector<1x16xf32>,
      %get3A_1051 = vector.shape_cast %get3A_1050 : vector<1x16xf32> to vector<16xf32>
      %swap3A_1052 = arith.index_cast %scan3A_886 : i32 to index
      %swap3A_1053 = arith.constant 288 : index
      %swap3A_1054 = tpu.vector_load %arg10[%swap3A_1052, %swap3A_1053] {strides = array<i32>} : memref<64x384xf32, #tpu.memory_space<vmem>>, vector<1x16xf32>,
      %swap3A_1055 = vector.shape_cast %swap3A_1054 : vector<1x16xf32> to vector<16xf32>
      %swap3A_1056 = vector.shape_cast %get3A_1051 : vector<16xf32> to vector<1x16xf32>
      tpu.vector_store %arg10[%swap3A_1052, %swap3A_1053], %swap3A_1056 {add = true, strides = array<i32>} : memref<64x384xf32, #tpu.memory_space<vmem>>, vector<1x16xf32>,
      %get3A_1057 = arith.index_cast %scan3A_886 : i32 to index
      %get3A_1058 = arith.constant 304 : index
      %get3A_1059 = tpu.vector_load %arg6[%get3A_1057, %get3A_1058] {strides = array<i32>} : memref<64x384xf32, #tpu.memory_space<vmem>>, vector<1x16xf32>,
      %get3A_1060 = vector.shape_cast %get3A_1059 : vector<1x16xf32> to vector<16xf32>
      %swap3A_1061 = arith.index_cast %scan3A_886 : i32 to index
      %swap3A_1062 = arith.constant 304 : index
      %swap3A_1063 = tpu.vector_load %arg10[%swap3A_1061, %swap3A_1062] {strides = array<i32>} : memref<64x384xf32, #tpu.memory_space<vmem>>, vector<1x16xf32>,
      %swap3A_1064 = vector.shape_cast %swap3A_1063 : vector<1x16xf32> to vector<16xf32>
      %swap3A_1065 = vector.shape_cast %get3A_1060 : vector<16xf32> to vector<1x16xf32>
      tpu.vector_store %arg10[%swap3A_1061, %swap3A_1062], %swap3A_1065 {add = true, strides = array<i32>} : memref<64x384xf32, #tpu.memory_space<vmem>>, vector<1x16xf32>,
      %get3A_1066 = arith.index_cast %scan3A_886 : i32 to index
      %get3A_1067 = arith.constant 320 : index
      %get3A_1068 = tpu.vector_load %arg6[%get3A_1066, %get3A_1067] {strides = array<i32>} : memref<64x384xf32, #tpu.memory_space<vmem>>, vector<1x16xf32>,
      %get3A_1069 = vector.shape_cast %get3A_1068 : vector<1x16xf32> to vector<16xf32>
      %swap3A_1070 = arith.index_cast %scan3A_886 : i32 to index
      %swap3A_1071 = arith.constant 320 : index
      %swap3A_1072 = tpu.vector_load %arg10[%swap3A_1070, %swap3A_1071] {strides = array<i32>} : memref<64x384xf32, #tpu.memory_space<vmem>>, vector<1x16xf32>,
      %swap3A_1073 = vector.shape_cast %swap3A_1072 : vector<1x16xf32> to vector<16xf32>
      %swap3A_1074 = vector.shape_cast %get3A_1069 : vector<16xf32> to vector<1x16xf32>
      tpu.vector_store %arg10[%swap3A_1070, %swap3A_1071], %swap3A_1074 {add = true, strides = array<i32>} : memref<64x384xf32, #tpu.memory_space<vmem>>, vector<1x16xf32>,
      %get3A_1075 = arith.index_cast %scan3A_886 : i32 to index
      %get3A_1076 = arith.constant 336 : index
      %get3A_1077 = tpu.vector_load %arg6[%get3A_1075, %get3A_1076] {strides = array<i32>} : memref<64x384xf32, #tpu.memory_space<vmem>>, vector<1x16xf32>,
      %get3A_1078 = vector.shape_cast %get3A_1077 : vector<1x16xf32> to vector<16xf32>
      %swap3A_1079 = arith.index_cast %scan3A_886 : i32 to index
      %swap3A_1080 = arith.constant 336 : index
      %swap3A_1081 = tpu.vector_load %arg10[%swap3A_1079, %swap3A_1080] {strides = array<i32>} : memref<64x384xf32, #tpu.memory_space<vmem>>, vector<1x16xf32>,
      %swap3A_1082 = vector.shape_cast %swap3A_1081 : vector<1x16xf32> to vector<16xf32>
      %swap3A_1083 = vector.shape_cast %get3A_1078 : vector<16xf32> to vector<1x16xf32>
      tpu.vector_store %arg10[%swap3A_1079, %swap3A_1080], %swap3A_1083 {add = true, strides = array<i32>} : memref<64x384xf32, #tpu.memory_space<vmem>>, vector<1x16xf32>,
      %get3A_1084 = arith.index_cast %scan3A_886 : i32 to index
      %get3A_1085 = arith.constant 352 : index
      %get3A_1086 = tpu.vector_load %arg6[%get3A_1084, %get3A_1085] {strides = array<i32>} : memref<64x384xf32, #tpu.memory_space<vmem>>, vector<1x16xf32>,
      %get3A_1087 = vector.shape_cast %get3A_1086 : vector<1x16xf32> to vector<16xf32>
      %swap3A_1088 = arith.index_cast %scan3A_886 : i32 to index
      %swap3A_1089 = arith.constant 352 : index
      %swap3A_1090 = tpu.vector_load %arg10[%swap3A_1088, %swap3A_1089] {strides = array<i32>} : memref<64x384xf32, #tpu.memory_space<vmem>>, vector<1x16xf32>,
      %swap3A_1091 = vector.shape_cast %swap3A_1090 : vector<1x16xf32> to vector<16xf32>
      %swap3A_1092 = vector.shape_cast %get3A_1087 : vector<16xf32> to vector<1x16xf32>
      tpu.vector_store %arg10[%swap3A_1088, %swap3A_1089], %swap3A_1092 {add = true, strides = array<i32>} : memref<64x384xf32, #tpu.memory_space<vmem>>, vector<1x16xf32>,
      %get3A_1093 = arith.index_cast %scan3A_886 : i32 to index
      %get3A_1094 = arith.constant 368 : index
      %get3A_1095 = tpu.vector_load %arg6[%get3A_1093, %get3A_1094] {strides = array<i32>} : memref<64x384xf32, #tpu.memory_space<vmem>>, vector<1x16xf32>,
      %get3A_1096 = vector.shape_cast %get3A_1095 : vector<1x16xf32> to vector<16xf32>
      %swap3A_1097 = arith.index_cast %scan3A_886 : i32 to index
      %swap3A_1098 = arith.constant 368 : index
      %swap3A_1099 = tpu.vector_load %arg10[%swap3A_1097, %swap3A_1098] {strides = array<i32>} : memref<64x384xf32, #tpu.memory_space<vmem>>, vector<1x16xf32>,
      %swap3A_1100 = vector.shape_cast %swap3A_1099 : vector<1x16xf32> to vector<16xf32>
      %swap3A_1101 = vector.shape_cast %get3A_1096 : vector<16xf32> to vector<1x16xf32>
      tpu.vector_store %arg10[%swap3A_1097, %swap3A_1098], %swap3A_1101 {add = true, strides = array<i32>} : memref<64x384xf32, #tpu.memory_space<vmem>>, vector<1x16xf32>,
    }
    %scan3A_811 = arith.constant 64 : i32
    %add3A_812 = arith.constant 2048 : i32
    %add3A_813 = arith.addi %add3A_812, %mul3A_2 : i32
    %dma_start3A_814 = arith.constant 0 : i32
    %dma_start3A_815 = tpu.memref_slice %arg5[%add3A_813, %dma_start3A_814] : memref<65536x384xf32, #tpu.memory_space<hbm>> -> memref<64x384xf32, #tpu.memory_space<hbm>>
    %dma_start3A_816 = arith.constant 0 : i32
    %dma_start3A_817 = tpu.memref_slice %arg5[%add3A_813, %dma_start3A_816] : memref<65536x384xf32, #tpu.memory_space<hbm>> -> memref<64x384xf32, #tpu.memory_space<hbm>>
    tpu.enqueue_dma source(%arg10 : memref<64x384xf32, #tpu.memory_space<vmem>>) target(%dma_start3A_817 : memref<64x384xf32, #tpu.memory_space<hbm>>) target_semaphore(%arg20 : memref<!tpu.dma_semaphore, #tpu.memory_space<semaphore_mem>>)
    %scan3A_818 = arith.constant 0 : i32
    %scan3A_819 = arith.constant 0 : i32
    %scan3A_820 = arith.constant 7 : i32
    %scan3A_821 = arith.addi %scan3A_819, %scan3A_820 : i32
    %scan3A_822 = arith.constant 1 : i32
    scf.for %scan3A_886 = %scan3A_819 to %scan3A_821 step %scan3A_822  : i32 {
      %mul3A_887 = arith.constant 4 : i32
      %mul3A_888 = arith.muli %mul3A_887, %scan3A_886 : i32
      %add3A_889 = arith.constant 2 : i32
      %add3A_890 = arith.addi %add3A_889, %mul3A_888 : i32
      %sub3A = arith.constant 2 : i32
      %sub3A_891 = arith.subi %add3A_890, %sub3A : i32
      %mul3A_892 = arith.constant 2048 : i32
      %mul3A_893 = arith.muli %sub3A_891, %mul3A_892 : i32
      %add3A_894 = arith.addi %mul3A_893, %mul3A_2 : i32
      %dma_wait3A_895 = arith.constant 0 : i32
      %dma_wait3A_896 = tpu.memref_slice %arg5[%add3A_894, %dma_wait3A_895] : memref<65536x384xf32, #tpu.memory_space<hbm>> -> memref<64x384xf32, #tpu.memory_space<hbm>>
      %dma_wait3A_897 = arith.constant 0 : i32
      %dma_wait3A_898 = tpu.memref_slice %arg5[%add3A_894, %dma_wait3A_897] : memref<65536x384xf32, #tpu.memory_space<hbm>> -> memref<64x384xf32, #tpu.memory_space<hbm>>
      tpu.wait_dma2 semaphore(%arg19 : memref<!tpu.dma_semaphore, #tpu.memory_space<semaphore_mem>>) src(%arg9 : memref<64x384xf32, #tpu.memory_space<vmem>>) dst(%dma_wait3A_898 : memref<64x384xf32, #tpu.memory_space<hbm>>)
      %add3A_899 = arith.constant 2 : i32
      %add3A_900 = arith.addi %add3A_890, %add3A_899 : i32
      %dma_start3A_901 = arith.constant 0 : i32
      %dma_start3A_902 = tpu.memref_slice %arg8[%add3A_900, %dma_start3A_901] : memref<32x64xi32, #tpu.memory_space<vmem>> -> memref<1x64xi32, #tpu.memory_space<vmem>>
      %dma_start3A_903 = tpu.memref_squeeze %dma_start3A_902 : memref<1x64xi32, #tpu.memory_space<vmem>> -> memref<64xi32, #tpu.memory_space<vmem>>
      %dma_start3A_904 = arith.constant 0 : i32
      %dma_start3A_905 = arith.constant 0 : i32
      %dma_start3A_906 = tpu.memref_slice %arg3[%dma_start3A_904, %dma_start3A_905] : memref<100000x384xf32, #tpu.memory_space<hbm>> -> memref<100000x384xf32, #tpu.memory_space<hbm>>
      tpu.enqueue_indirect_dma source(%dma_start3A_906 : memref<100000x384xf32, #tpu.memory_space<hbm>>) target(%arg9 : memref<64x384xf32, #tpu.memory_space<vmem>>) offsets(%dma_start3A_903 : memref<64xi32, #tpu.memory_space<vmem>>) semaphore(%arg15 : memref<!tpu.dma_semaphore, #tpu.memory_space<semaphore_mem>>)
      %dma_wait3A_907 = arith.constant 0 : i32
      %dma_wait3A_908 = tpu.memref_slice %arg8[%add3A_890, %dma_wait3A_907] : memref<32x64xi32, #tpu.memory_space<vmem>> -> memref<1x64xi32, #tpu.memory_space<vmem>>
      %dma_wait3A_909 = tpu.memref_squeeze %dma_wait3A_908 : memref<1x64xi32, #tpu.memory_space<vmem>> -> memref<64xi32, #tpu.memory_space<vmem>>
      %dma_wait3A_910 = arith.constant 0 : i32
      %dma_wait3A_911 = arith.constant 0 : i32
      %dma_wait3A_912 = tpu.memref_slice %arg3[%dma_wait3A_910, %dma_wait3A_911] : memref<100000x384xf32, #tpu.memory_space<hbm>> -> memref<100000x384xf32, #tpu.memory_space<hbm>>
      tpu.wait_indirect_dma semaphore(%arg17 : memref<!tpu.dma_semaphore, #tpu.memory_space<semaphore_mem>>) src(%dma_wait3A_912 : memref<100000x384xf32, #tpu.memory_space<hbm>>) dst(%arg11 : memref<64x384xf32, #tpu.memory_space<vmem>>)
      %scan3A_913 = arith.constant 0 : i32
      %scan3A_914 = arith.constant 0 : i32
      %scan3A_915 = arith.constant 64 : i32
      %scan3A_916 = arith.addi %scan3A_914, %scan3A_915 : i32
      %scan3A_917 = arith.constant 1 : i32
      scf.for %scan3A_1040 = %scan3A_914 to %scan3A_916 step %scan3A_917  : i32 {
        %get3A = arith.index_cast %scan3A_1040 : i32 to index
        %get3A_1041 = arith.constant 0 : index
        %get3A_1042 = tpu.vector_load %arg6[%get3A, %get3A_1041] {strides = array<i32>} : memref<64x384xf32, #tpu.memory_space<vmem>>, vector<1x16xf32>,
        %get3A_1043 = vector.shape_cast %get3A_1042 : vector<1x16xf32> to vector<16xf32>
        %swap3A_1044 = arith.index_cast %scan3A_1040 : i32 to index
        %swap3A_1045 = arith.constant 0 : index
        %swap3A_1046 = tpu.vector_load %arg11[%swap3A_1044, %swap3A_1045] {strides = array<i32>} : memref<64x384xf32, #tpu.memory_space<vmem>>, vector<1x16xf32>,
        %swap3A_1047 = vector.shape_cast %swap3A_1046 : vector<1x16xf32> to vector<16xf32>
        %swap3A_1048 = vector.shape_cast %get3A_1043 : vector<16xf32> to vector<1x16xf32>
        tpu.vector_store %arg11[%swap3A_1044, %swap3A_1045], %swap3A_1048 {add = true, strides = array<i32>} : memref<64x384xf32, #tpu.memory_space<vmem>>, vector<1x16xf32>,
        %get3A_1049 = arith.index_cast %scan3A_1040 : i32 to index
        %get3A_1050 = arith.constant 16 : index
        %get3A_1051 = tpu.vector_load %arg6[%get3A_1049, %get3A_1050] {strides = array<i32>} : memref<64x384xf32, #tpu.memory_space<vmem>>, vector<1x16xf32>,
        %get3A_1052 = vector.shape_cast %get3A_1051 : vector<1x16xf32> to vector<16xf32>
        %swap3A_1053 = arith.index_cast %scan3A_1040 : i32 to index
        %swap3A_1054 = arith.constant 16 : index
        %swap3A_1055 = tpu.vector_load %arg11[%swap3A_1053, %swap3A_1054] {strides = array<i32>} : memref<64x384xf32, #tpu.memory_space<vmem>>, vector<1x16xf32>,
        %swap3A_1056 = vector.shape_cast %swap3A_1055 : vector<1x16xf32> to vector<16xf32>
        %swap3A_1057 = vector.shape_cast %get3A_1052 : vector<16xf32> to vector<1x16xf32>
        tpu.vector_store %arg11[%swap3A_1053, %swap3A_1054], %swap3A_1057 {add = true, strides = array<i32>} : memref<64x384xf32, #tpu.memory_space<vmem>>, vector<1x16xf32>,
        %get3A_1058 = arith.index_cast %scan3A_1040 : i32 to index
        %get3A_1059 = arith.constant 32 : index
        %get3A_1060 = tpu.vector_load %arg6[%get3A_1058, %get3A_1059] {strides = array<i32>} : memref<64x384xf32, #tpu.memory_space<vmem>>, vector<1x16xf32>,
        %get3A_1061 = vector.shape_cast %get3A_1060 : vector<1x16xf32> to vector<16xf32>
        %swap3A_1062 = arith.index_cast %scan3A_1040 : i32 to index
        %swap3A_1063 = arith.constant 32 : index
        %swap3A_1064 = tpu.vector_load %arg11[%swap3A_1062, %swap3A_1063] {strides = array<i32>} : memref<64x384xf32, #tpu.memory_space<vmem>>, vector<1x16xf32>,
        %swap3A_1065 = vector.shape_cast %swap3A_1064 : vector<1x16xf32> to vector<16xf32>
        %swap3A_1066 = vector.shape_cast %get3A_1061 : vector<16xf32> to vector<1x16xf32>
        tpu.vector_store %arg11[%swap3A_1062, %swap3A_1063], %swap3A_1066 {add = true, strides = array<i32>} : memref<64x384xf32, #tpu.memory_space<vmem>>, vector<1x16xf32>,
        %get3A_1067 = arith.index_cast %scan3A_1040 : i32 to index
        %get3A_1068 = arith.constant 48 : index
        %get3A_1069 = tpu.vector_load %arg6[%get3A_1067, %get3A_1068] {strides = array<i32>} : memref<64x384xf32, #tpu.memory_space<vmem>>, vector<1x16xf32>,
        %get3A_1070 = vector.shape_cast %get3A_1069 : vector<1x16xf32> to vector<16xf32>
        %swap3A_1071 = arith.index_cast %scan3A_1040 : i32 to index
        %swap3A_1072 = arith.constant 48 : index
        %swap3A_1073 = tpu.vector_load %arg11[%swap3A_1071, %swap3A_1072] {strides = array<i32>} : memref<64x384xf32, #tpu.memory_space<vmem>>, vector<1x16xf32>,
        %swap3A_1074 = vector.shape_cast %swap3A_1073 : vector<1x16xf32> to vector<16xf32>
        %swap3A_1075 = vector.shape_cast %get3A_1070 : vector<16xf32> to vector<1x16xf32>
        tpu.vector_store %arg11[%swap3A_1071, %swap3A_1072], %swap3A_1075 {add = true, strides = array<i32>} : memref<64x384xf32, #tpu.memory_space<vmem>>, vector<1x16xf32>,
        %get3A_1076 = arith.index_cast %scan3A_1040 : i32 to index
        %get3A_1077 = arith.constant 64 : index
        %get3A_1078 = tpu.vector_load %arg6[%get3A_1076, %get3A_1077] {strides = array<i32>} : memref<64x384xf32, #tpu.memory_space<vmem>>, vector<1x16xf32>,
        %get3A_1079 = vector.shape_cast %get3A_1078 : vector<1x16xf32> to vector<16xf32>
        %swap3A_1080 = arith.index_cast %scan3A_1040 : i32 to index
        %swap3A_1081 = arith.constant 64 : index
        %swap3A_1082 = tpu.vector_load %arg11[%swap3A_1080, %swap3A_1081] {strides = array<i32>} : memref<64x384xf32, #tpu.memory_space<vmem>>, vector<1x16xf32>,
        %swap3A_1083 = vector.shape_cast %swap3A_1082 : vector<1x16xf32> to vector<16xf32>
        %swap3A_1084 = vector.shape_cast %get3A_1079 : vector<16xf32> to vector<1x16xf32>
        tpu.vector_store %arg11[%swap3A_1080, %swap3A_1081], %swap3A_1084 {add = true, strides = array<i32>} : memref<64x384xf32, #tpu.memory_space<vmem>>, vector<1x16xf32>,
        %get3A_1085 = arith.index_cast %scan3A_1040 : i32 to index
        %get3A_1086 = arith.constant 80 : index
        %get3A_1087 = tpu.vector_load %arg6[%get3A_1085, %get3A_1086] {strides = array<i32>} : memref<64x384xf32, #tpu.memory_space<vmem>>, vector<1x16xf32>,
        %get3A_1088 = vector.shape_cast %get3A_1087 : vector<1x16xf32> to vector<16xf32>
        %swap3A_1089 = arith.index_cast %scan3A_1040 : i32 to index
        %swap3A_1090 = arith.constant 80 : index
        %swap3A_1091 = tpu.vector_load %arg11[%swap3A_1089, %swap3A_1090] {strides = array<i32>} : memref<64x384xf32, #tpu.memory_space<vmem>>, vector<1x16xf32>,
        %swap3A_1092 = vector.shape_cast %swap3A_1091 : vector<1x16xf32> to vector<16xf32>
        %swap3A_1093 = vector.shape_cast %get3A_1088 : vector<16xf32> to vector<1x16xf32>
        tpu.vector_store %arg11[%swap3A_1089, %swap3A_1090], %swap3A_1093 {add = true, strides = array<i32>} : memref<64x384xf32, #tpu.memory_space<vmem>>, vector<1x16xf32>,
        %get3A_1094 = arith.index_cast %scan3A_1040 : i32 to index
        %get3A_1095 = arith.constant 96 : index
        %get3A_1096 = tpu.vector_load %arg6[%get3A_1094, %get3A_1095] {strides = array<i32>} : memref<64x384xf32, #tpu.memory_space<vmem>>, vector<1x16xf32>,
        %get3A_1097 = vector.shape_cast %get3A_1096 : vector<1x16xf32> to vector<16xf32>
        %swap3A_1098 = arith.index_cast %scan3A_1040 : i32 to index
        %swap3A_1099 = arith.constant 96 : index
        %swap3A_1100 = tpu.vector_load %arg11[%swap3A_1098, %swap3A_1099] {strides = array<i32>} : memref<64x384xf32, #tpu.memory_space<vmem>>, vector<1x16xf32>,
        %swap3A_1101 = vector.shape_cast %swap3A_1100 : vector<1x16xf32> to vector<16xf32>
        %swap3A_1102 = vector.shape_cast %get3A_1097 : vector<16xf32> to vector<1x16xf32>
        tpu.vector_store %arg11[%swap3A_1098, %swap3A_1099], %swap3A_1102 {add = true, strides = array<i32>} : memref<64x384xf32, #tpu.memory_space<vmem>>, vector<1x16xf32>,
        %get3A_1103 = arith.index_cast %scan3A_1040 : i32 to index
        %get3A_1104 = arith.constant 112 : index
        %get3A_1105 = tpu.vector_load %arg6[%get3A_1103, %get3A_1104] {strides = array<i32>} : memref<64x384xf32, #tpu.memory_space<vmem>>, vector<1x16xf32>,
        %get3A_1106 = vector.shape_cast %get3A_1105 : vector<1x16xf32> to vector<16xf32>
        %swap3A_1107 = arith.index_cast %scan3A_1040 : i32 to index
        %swap3A_1108 = arith.constant 112 : index
        %swap3A_1109 = tpu.vector_load %arg11[%swap3A_1107, %swap3A_1108] {strides = array<i32>} : memref<64x384xf32, #tpu.memory_space<vmem>>, vector<1x16xf32>,
        %swap3A_1110 = vector.shape_cast %swap3A_1109 : vector<1x16xf32> to vector<16xf32>
        %swap3A_1111 = vector.shape_cast %get3A_1106 : vector<16xf32> to vector<1x16xf32>
        tpu.vector_store %arg11[%swap3A_1107, %swap3A_1108], %swap3A_1111 {add = true, strides = array<i32>} : memref<64x384xf32, #tpu.memory_space<vmem>>, vector<1x16xf32>,
        %get3A_1112 = arith.index_cast %scan3A_1040 : i32 to index
        %get3A_1113 = arith.constant 128 : index
        %get3A_1114 = tpu.vector_load %arg6[%get3A_1112, %get3A_1113] {strides = array<i32>} : memref<64x384xf32, #tpu.memory_space<vmem>>, vector<1x16xf32>,
        %get3A_1115 = vector.shape_cast %get3A_1114 : vector<1x16xf32> to vector<16xf32>
        %swap3A_1116 = arith.index_cast %scan3A_1040 : i32 to index
        %swap3A_1117 = arith.constant 128 : index
        %swap3A_1118 = tpu.vector_load %arg11[%swap3A_1116, %swap3A_1117] {strides = array<i32>} : memref<64x384xf32, #tpu.memory_space<vmem>>, vector<1x16xf32>,
        %swap3A_1119 = vector.shape_cast %swap3A_1118 : vector<1x16xf32> to vector<16xf32>
        %swap3A_1120 = vector.shape_cast %get3A_1115 : vector<16xf32> to vector<1x16xf32>
        tpu.vector_store %arg11[%swap3A_1116, %swap3A_1117], %swap3A_1120 {add = true, strides = array<i32>} : memref<64x384xf32, #tpu.memory_space<vmem>>, vector<1x16xf32>,
        %get3A_1121 = arith.index_cast %scan3A_1040 : i32 to index
        %get3A_1122 = arith.constant 144 : index
        %get3A_1123 = tpu.vector_load %arg6[%get3A_1121, %get3A_1122] {strides = array<i32>} : memref<64x384xf32, #tpu.memory_space<vmem>>, vector<1x16xf32>,
        %get3A_1124 = vector.shape_cast %get3A_1123 : vector<1x16xf32> to vector<16xf32>
        %swap3A_1125 = arith.index_cast %scan3A_1040 : i32 to index
        %swap3A_1126 = arith.constant 144 : index
        %swap3A_1127 = tpu.vector_load %arg11[%swap3A_1125, %swap3A_1126] {strides = array<i32>} : memref<64x384xf32, #tpu.memory_space<vmem>>, vector<1x16xf32>,
        %swap3A_1128 = vector.shape_cast %swap3A_1127 : vector<1x16xf32> to vector<16xf32>
        %swap3A_1129 = vector.shape_cast %get3A_1124 : vector<16xf32> to vector<1x16xf32>
        tpu.vector_store %arg11[%swap3A_1125, %swap3A_1126], %swap3A_1129 {add = true, strides = array<i32>} : memref<64x384xf32, #tpu.memory_space<vmem>>, vector<1x16xf32>,
        %get3A_1130 = arith.index_cast %scan3A_1040 : i32 to index
        %get3A_1131 = arith.constant 160 : index
        %get3A_1132 = tpu.vector_load %arg6[%get3A_1130, %get3A_1131] {strides = array<i32>} : memref<64x384xf32, #tpu.memory_space<vmem>>, vector<1x16xf32>,
        %get3A_1133 = vector.shape_cast %get3A_1132 : vector<1x16xf32> to vector<16xf32>
        %swap3A_1134 = arith.index_cast %scan3A_1040 : i32 to index
        %swap3A_1135 = arith.constant 160 : index
        %swap3A_1136 = tpu.vector_load %arg11[%swap3A_1134, %swap3A_1135] {strides = array<i32>} : memref<64x384xf32, #tpu.memory_space<vmem>>, vector<1x16xf32>,
        %swap3A_1137 = vector.shape_cast %swap3A_1136 : vector<1x16xf32> to vector<16xf32>
        %swap3A_1138 = vector.shape_cast %get3A_1133 : vector<16xf32> to vector<1x16xf32>
        tpu.vector_store %arg11[%swap3A_1134, %swap3A_1135], %swap3A_1138 {add = true, strides = array<i32>} : memref<64x384xf32, #tpu.memory_space<vmem>>, vector<1x16xf32>,
        %get3A_1139 = arith.index_cast %scan3A_1040 : i32 to index
        %get3A_1140 = arith.constant 176 : index
        %get3A_1141 = tpu.vector_load %arg6[%get3A_1139, %get3A_1140] {strides = array<i32>} : memref<64x384xf32, #tpu.memory_space<vmem>>, vector<1x16xf32>,
        %get3A_1142 = vector.shape_cast %get3A_1141 : vector<1x16xf32> to vector<16xf32>
        %swap3A_1143 = arith.index_cast %scan3A_1040 : i32 to index
        %swap3A_1144 = arith.constant 176 : index
        %swap3A_1145 = tpu.vector_load %arg11[%swap3A_1143, %swap3A_1144] {strides = array<i32>} : memref<64x384xf32, #tpu.memory_space<vmem>>, vector<1x16xf32>,
        %swap3A_1146 = vector.shape_cast %swap3A_1145 : vector<1x16xf32> to vector<16xf32>
        %swap3A_1147 = vector.shape_cast %get3A_1142 : vector<16xf32> to vector<1x16xf32>
        tpu.vector_store %arg11[%swap3A_1143, %swap3A_1144], %swap3A_1147 {add = true, strides = array<i32>} : memref<64x384xf32, #tpu.memory_space<vmem>>, vector<1x16xf32>,
        %get3A_1148 = arith.index_cast %scan3A_1040 : i32 to index
        %get3A_1149 = arith.constant 192 : index
        %get3A_1150 = tpu.vector_load %arg6[%get3A_1148, %get3A_1149] {strides = array<i32>} : memref<64x384xf32, #tpu.memory_space<vmem>>, vector<1x16xf32>,
        %get3A_1151 = vector.shape_cast %get3A_1150 : vector<1x16xf32> to vector<16xf32>
        %swap3A_1152 = arith.index_cast %scan3A_1040 : i32 to index
        %swap3A_1153 = arith.constant 192 : index
        %swap3A_1154 = tpu.vector_load %arg11[%swap3A_1152, %swap3A_1153] {strides = array<i32>} : memref<64x384xf32, #tpu.memory_space<vmem>>, vector<1x16xf32>,
        %swap3A_1155 = vector.shape_cast %swap3A_1154 : vector<1x16xf32> to vector<16xf32>
        %swap3A_1156 = vector.shape_cast %get3A_1151 : vector<16xf32> to vector<1x16xf32>
        tpu.vector_store %arg11[%swap3A_1152, %swap3A_1153], %swap3A_1156 {add = true, strides = array<i32>} : memref<64x384xf32, #tpu.memory_space<vmem>>, vector<1x16xf32>,
        %get3A_1157 = arith.index_cast %scan3A_1040 : i32 to index
        %get3A_1158 = arith.constant 208 : index
        %get3A_1159 = tpu.vector_load %arg6[%get3A_1157, %get3A_1158] {strides = array<i32>} : memref<64x384xf32, #tpu.memory_space<vmem>>, vector<1x16xf32>,
        %get3A_1160 = vector.shape_cast %get3A_1159 : vector<1x16xf32> to vector<16xf32>
        %swap3A_1161 = arith.index_cast %scan3A_1040 : i32 to index
        %swap3A_1162 = arith.constant 208 : index
        %swap3A_1163 = tpu.vector_load %arg11[%swap3A_1161, %swap3A_1162] {strides = array<i32>} : memref<64x384xf32, #tpu.memory_space<vmem>>, vector<1x16xf32>,
        %swap3A_1164 = vector.shape_cast %swap3A_1163 : vector<1x16xf32> to vector<16xf32>
        %swap3A_1165 = vector.shape_cast %get3A_1160 : vector<16xf32> to vector<1x16xf32>
        tpu.vector_store %arg11[%swap3A_1161, %swap3A_1162], %swap3A_1165 {add = true, strides = array<i32>} : memref<64x384xf32, #tpu.memory_space<vmem>>, vector<1x16xf32>,
        %get3A_1166 = arith.index_cast %scan3A_1040 : i32 to index
        %get3A_1167 = arith.constant 224 : index
        %get3A_1168 = tpu.vector_load %arg6[%get3A_1166, %get3A_1167] {strides = array<i32>} : memref<64x384xf32, #tpu.memory_space<vmem>>, vector<1x16xf32>,
        %get3A_1169 = vector.shape_cast %get3A_1168 : vector<1x16xf32> to vector<16xf32>
        %swap3A_1170 = arith.index_cast %scan3A_1040 : i32 to index
        %swap3A_1171 = arith.constant 224 : index
        %swap3A_1172 = tpu.vector_load %arg11[%swap3A_1170, %swap3A_1171] {strides = array<i32>} : memref<64x384xf32, #tpu.memory_space<vmem>>, vector<1x16xf32>,
        %swap3A_1173 = vector.shape_cast %swap3A_1172 : vector<1x16xf32> to vector<16xf32>
        %swap3A_1174 = vector.shape_cast %get3A_1169 : vector<16xf32> to vector<1x16xf32>
        tpu.vector_store %arg11[%swap3A_1170, %swap3A_1171], %swap3A_1174 {add = true, strides = array<i32>} : memref<64x384xf32, #tpu.memory_space<vmem>>, vector<1x16xf32>,
        %get3A_1175 = arith.index_cast %scan3A_1040 : i32 to index
        %get3A_1176 = arith.constant 240 : index
        %get3A_1177 = tpu.vector_load %arg6[%get3A_1175, %get3A_1176] {strides = array<i32>} : memref<64x384xf32, #tpu.memory_space<vmem>>, vector<1x16xf32>,
        %get3A_1178 = vector.shape_cast %get3A_1177 : vector<1x16xf32> to vector<16xf32>
        %swap3A_1179 = arith.index_cast %scan3A_1040 : i32 to index
        %swap3A_1180 = arith.constant 240 : index
        %swap3A_1181 = tpu.vector_load %arg11[%swap3A_1179, %swap3A_1180] {strides = array<i32>} : memref<64x384xf32, #tpu.memory_space<vmem>>, vector<1x16xf32>,
        %swap3A_1182 = vector.shape_cast %swap3A_1181 : vector<1x16xf32> to vector<16xf32>
        %swap3A_1183 = vector.shape_cast %get3A_1178 : vector<16xf32> to vector<1x16xf32>
        tpu.vector_store %arg11[%swap3A_1179, %swap3A_1180], %swap3A_1183 {add = true, strides = array<i32>} : memref<64x384xf32, #tpu.memory_space<vmem>>, vector<1x16xf32>,
        %get3A_1184 = arith.index_cast %scan3A_1040 : i32 to index
        %get3A_1185 = arith.constant 256 : index
        %get3A_1186 = tpu.vector_load %arg6[%get3A_1184, %get3A_1185] {strides = array<i32>} : memref<64x384xf32, #tpu.memory_space<vmem>>, vector<1x16xf32>,
        %get3A_1187 = vector.shape_cast %get3A_1186 : vector<1x16xf32> to vector<16xf32>
        %swap3A_1188 = arith.index_cast %scan3A_1040 : i32 to index
        %swap3A_1189 = arith.constant 256 : index
        %swap3A_1190 = tpu.vector_load %arg11[%swap3A_1188, %swap3A_1189] {strides = array<i32>} : memref<64x384xf32, #tpu.memory_space<vmem>>, vector<1x16xf32>,
        %swap3A_1191 = vector.shape_cast %swap3A_1190 : vector<1x16xf32> to vector<16xf32>
        %swap3A_1192 = vector.shape_cast %get3A_1187 : vector<16xf32> to vector<1x16xf32>
        tpu.vector_store %arg11[%swap3A_1188, %swap3A_1189], %swap3A_1192 {add = true, strides = array<i32>} : memref<64x384xf32, #tpu.memory_space<vmem>>, vector<1x16xf32>,
        %get3A_1193 = arith.index_cast %scan3A_1040 : i32 to index
        %get3A_1194 = arith.constant 272 : index
        %get3A_1195 = tpu.vector_load %arg6[%get3A_1193, %get3A_1194] {strides = array<i32>} : memref<64x384xf32, #tpu.memory_space<vmem>>, vector<1x16xf32>,
        %get3A_1196 = vector.shape_cast %get3A_1195 : vector<1x16xf32> to vector<16xf32>
        %swap3A_1197 = arith.index_cast %scan3A_1040 : i32 to index
        %swap3A_1198 = arith.constant 272 : index
        %swap3A_1199 = tpu.vector_load %arg11[%swap3A_1197, %swap3A_1198] {strides = array<i32>} : memref<64x384xf32, #tpu.memory_space<vmem>>, vector<1x16xf32>,
        %swap3A_1200 = vector.shape_cast %swap3A_1199 : vector<1x16xf32> to vector<16xf32>
        %swap3A_1201 = vector.shape_cast %get3A_1196 : vector<16xf32> to vector<1x16xf32>
        tpu.vector_store %arg11[%swap3A_1197, %swap3A_1198], %swap3A_1201 {add = true, strides = array<i32>} : memref<64x384xf32, #tpu.memory_space<vmem>>, vector<1x16xf32>,
        %get3A_1202 = arith.index_cast %scan3A_1040 : i32 to index
        %get3A_1203 = arith.constant 288 : index
        %get3A_1204 = tpu.vector_load %arg6[%get3A_1202, %get3A_1203] {strides = array<i32>} : memref<64x384xf32, #tpu.memory_space<vmem>>, vector<1x16xf32>,
        %get3A_1205 = vector.shape_cast %get3A_1204 : vector<1x16xf32> to vector<16xf32>
        %swap3A_1206 = arith.index_cast %scan3A_1040 : i32 to index
        %swap3A_1207 = arith.constant 288 : index
        %swap3A_1208 = tpu.vector_load %arg11[%swap3A_1206, %swap3A_1207] {strides = array<i32>} : memref<64x384xf32, #tpu.memory_space<vmem>>, vector<1x16xf32>,
        %swap3A_1209 = vector.shape_cast %swap3A_1208 : vector<1x16xf32> to vector<16xf32>
        %swap3A_1210 = vector.shape_cast %get3A_1205 : vector<16xf32> to vector<1x16xf32>
        tpu.vector_store %arg11[%swap3A_1206, %swap3A_1207], %swap3A_1210 {add = true, strides = array<i32>} : memref<64x384xf32, #tpu.memory_space<vmem>>, vector<1x16xf32>,
        %get3A_1211 = arith.index_cast %scan3A_1040 : i32 to index
        %get3A_1212 = arith.constant 304 : index
        %get3A_1213 = tpu.vector_load %arg6[%get3A_1211, %get3A_1212] {strides = array<i32>} : memref<64x384xf32, #tpu.memory_space<vmem>>, vector<1x16xf32>,
        %get3A_1214 = vector.shape_cast %get3A_1213 : vector<1x16xf32> to vector<16xf32>
        %swap3A_1215 = arith.index_cast %scan3A_1040 : i32 to index
        %swap3A_1216 = arith.constant 304 : index
        %swap3A_1217 = tpu.vector_load %arg11[%swap3A_1215, %swap3A_1216] {strides = array<i32>} : memref<64x384xf32, #tpu.memory_space<vmem>>, vector<1x16xf32>,
        %swap3A_1218 = vector.shape_cast %swap3A_1217 : vector<1x16xf32> to vector<16xf32>
        %swap3A_1219 = vector.shape_cast %get3A_1214 : vector<16xf32> to vector<1x16xf32>
        tpu.vector_store %arg11[%swap3A_1215, %swap3A_1216], %swap3A_1219 {add = true, strides = array<i32>} : memref<64x384xf32, #tpu.memory_space<vmem>>, vector<1x16xf32>,
        %get3A_1220 = arith.index_cast %scan3A_1040 : i32 to index
        %get3A_1221 = arith.constant 320 : index
        %get3A_1222 = tpu.vector_load %arg6[%get3A_1220, %get3A_1221] {strides = array<i32>} : memref<64x384xf32, #tpu.memory_space<vmem>>, vector<1x16xf32>,
        %get3A_1223 = vector.shape_cast %get3A_1222 : vector<1x16xf32> to vector<16xf32>
        %swap3A_1224 = arith.index_cast %scan3A_1040 : i32 to index
        %swap3A_1225 = arith.constant 320 : index
        %swap3A_1226 = tpu.vector_load %arg11[%swap3A_1224, %swap3A_1225] {strides = array<i32>} : memref<64x384xf32, #tpu.memory_space<vmem>>, vector<1x16xf32>,
        %swap3A_1227 = vector.shape_cast %swap3A_1226 : vector<1x16xf32> to vector<16xf32>
        %swap3A_1228 = vector.shape_cast %get3A_1223 : vector<16xf32> to vector<1x16xf32>
        tpu.vector_store %arg11[%swap3A_1224, %swap3A_1225], %swap3A_1228 {add = true, strides = array<i32>} : memref<64x384xf32, #tpu.memory_space<vmem>>, vector<1x16xf32>,
        %get3A_1229 = arith.index_cast %scan3A_1040 : i32 to index
        %get3A_1230 = arith.constant 336 : index
        %get3A_1231 = tpu.vector_load %arg6[%get3A_1229, %get3A_1230] {strides = array<i32>} : memref<64x384xf32, #tpu.memory_space<vmem>>, vector<1x16xf32>,
        %get3A_1232 = vector.shape_cast %get3A_1231 : vector<1x16xf32> to vector<16xf32>
        %swap3A_1233 = arith.index_cast %scan3A_1040 : i32 to index
        %swap3A_1234 = arith.constant 336 : index
        %swap3A_1235 = tpu.vector_load %arg11[%swap3A_1233, %swap3A_1234] {strides = array<i32>} : memref<64x384xf32, #tpu.memory_space<vmem>>, vector<1x16xf32>,
        %swap3A_1236 = vector.shape_cast %swap3A_1235 : vector<1x16xf32> to vector<16xf32>
        %swap3A_1237 = vector.shape_cast %get3A_1232 : vector<16xf32> to vector<1x16xf32>
        tpu.vector_store %arg11[%swap3A_1233, %swap3A_1234], %swap3A_1237 {add = true, strides = array<i32>} : memref<64x384xf32, #tpu.memory_space<vmem>>, vector<1x16xf32>,
        %get3A_1238 = arith.index_cast %scan3A_1040 : i32 to index
        %get3A_1239 = arith.constant 352 : index
        %get3A_1240 = tpu.vector_load %arg6[%get3A_1238, %get3A_1239] {strides = array<i32>} : memref<64x384xf32, #tpu.memory_space<vmem>>, vector<1x16xf32>,
        %get3A_1241 = vector.shape_cast %get3A_1240 : vector<1x16xf32> to vector<16xf32>
        %swap3A_1242 = arith.index_cast %scan3A_1040 : i32 to index
        %swap3A_1243 = arith.constant 352 : index
        %swap3A_1244 = tpu.vector_load %arg11[%swap3A_1242, %swap3A_1243] {strides = array<i32>} : memref<64x384xf32, #tpu.memory_space<vmem>>, vector<1x16xf32>,
        %swap3A_1245 = vector.shape_cast %swap3A_1244 : vector<1x16xf32> to vector<16xf32>
        %swap3A_1246 = vector.shape_cast %get3A_1241 : vector<16xf32> to vector<1x16xf32>
        tpu.vector_store %arg11[%swap3A_1242, %swap3A_1243], %swap3A_1246 {add = true, strides = array<i32>} : memref<64x384xf32, #tpu.memory_space<vmem>>, vector<1x16xf32>,
        %get3A_1247 = arith.index_cast %scan3A_1040 : i32 to index
        %get3A_1248 = arith.constant 368 : index
        %get3A_1249 = tpu.vector_load %arg6[%get3A_1247, %get3A_1248] {strides = array<i32>} : memref<64x384xf32, #tpu.memory_space<vmem>>, vector<1x16xf32>,
        %get3A_1250 = vector.shape_cast %get3A_1249 : vector<1x16xf32> to vector<16xf32>
        %swap3A_1251 = arith.index_cast %scan3A_1040 : i32 to index
        %swap3A_1252 = arith.constant 368 : index
        %swap3A_1253 = tpu.vector_load %arg11[%swap3A_1251, %swap3A_1252] {strides = array<i32>} : memref<64x384xf32, #tpu.memory_space<vmem>>, vector<1x16xf32>,
        %swap3A_1254 = vector.shape_cast %swap3A_1253 : vector<1x16xf32> to vector<16xf32>
        %swap3A_1255 = vector.shape_cast %get3A_1250 : vector<16xf32> to vector<1x16xf32>
        tpu.vector_store %arg11[%swap3A_1251, %swap3A_1252], %swap3A_1255 {add = true, strides = array<i32>} : memref<64x384xf32, #tpu.memory_space<vmem>>, vector<1x16xf32>,
      }
      %scan3A_918 = arith.constant 64 : i32
      %mul3A_919 = arith.constant 2048 : i32
      %mul3A_920 = arith.muli %add3A_890, %mul3A_919 : i32
      %add3A_921 = arith.addi %mul3A_920, %mul3A_2 : i32
      %dma_start3A_922 = arith.constant 0 : i32
      %dma_start3A_923 = tpu.memref_slice %arg5[%add3A_921, %dma_start3A_922] : memref<65536x384xf32, #tpu.memory_space<hbm>> -> memref<64x384xf32, #tpu.memory_space<hbm>>
      %dma_start3A_924 = arith.constant 0 : i32
      %dma_start3A_925 = tpu.memref_slice %arg5[%add3A_921, %dma_start3A_924] : memref<65536x384xf32, #tpu.memory_space<hbm>> -> memref<64x384xf32, #tpu.memory_space<hbm>>
      tpu.enqueue_dma source(%arg11 : memref<64x384xf32, #tpu.memory_space<vmem>>) target(%dma_start3A_925 : memref<64x384xf32, #tpu.memory_space<hbm>>) target_semaphore(%arg21 : memref<!tpu.dma_semaphore, #tpu.memory_space<semaphore_mem>>)
      %add3A_926 = arith.constant 1 : i32
      %add3A_927 = arith.addi %add3A_890, %add3A_926 : i32
      %sub3A_928 = arith.constant 2 : i32
      %sub3A_929 = arith.subi %add3A_927, %sub3A_928 : i32
      %mul3A_930 = arith.constant 2048 : i32
      %mul3A_931 = arith.muli %sub3A_929, %mul3A_930 : i32
      %add3A_932 = arith.addi %mul3A_931, %mul3A_2 : i32
      %dma_wait3A_933 = arith.constant 0 : i32
      %dma_wait3A_934 = tpu.memref_slice %arg5[%add3A_932, %dma_wait3A_933] : memref<65536x384xf32, #tpu.memory_space<hbm>> -> memref<64x384xf32, #tpu.memory_space<hbm>>
      %dma_wait3A_935 = arith.constant 0 : i32
      %dma_wait3A_936 = tpu.memref_slice %arg5[%add3A_932, %dma_wait3A_935] : memref<65536x384xf32, #tpu.memory_space<hbm>> -> memref<64x384xf32, #tpu.memory_space<hbm>>
      tpu.wait_dma2 semaphore(%arg20 : memref<!tpu.dma_semaphore, #tpu.memory_space<semaphore_mem>>) src(%arg10 : memref<64x384xf32, #tpu.memory_space<vmem>>) dst(%dma_wait3A_936 : memref<64x384xf32, #tpu.memory_space<hbm>>)
      %add3A_937 = arith.constant 2 : i32
      %add3A_938 = arith.addi %add3A_927, %add3A_937 : i32
      %dma_start3A_939 = arith.constant 0 : i32
      %dma_start3A_940 = tpu.memref_slice %arg8[%add3A_938, %dma_start3A_939] : memref<32x64xi32, #tpu.memory_space<vmem>> -> memref<1x64xi32, #tpu.memory_space<vmem>>
      %dma_start3A_941 = tpu.memref_squeeze %dma_start3A_940 : memref<1x64xi32, #tpu.memory_space<vmem>> -> memref<64xi32, #tpu.memory_space<vmem>>
      %dma_start3A_942 = arith.constant 0 : i32
      %dma_start3A_943 = arith.constant 0 : i32
      %dma_start3A_944 = tpu.memref_slice %arg3[%dma_start3A_942, %dma_start3A_943] : memref<100000x384xf32, #tpu.memory_space<hbm>> -> memref<100000x384xf32, #tpu.memory_space<hbm>>
      tpu.enqueue_indirect_dma source(%dma_start3A_944 : memref<100000x384xf32, #tpu.memory_space<hbm>>) target(%arg10 : memref<64x384xf32, #tpu.memory_space<vmem>>) offsets(%dma_start3A_941 : memref<64xi32, #tpu.memory_space<vmem>>) semaphore(%arg16 : memref<!tpu.dma_semaphore, #tpu.memory_space<semaphore_mem>>)
      %dma_wait3A_945 = arith.constant 0 : i32
      %dma_wait3A_946 = tpu.memref_slice %arg8[%add3A_927, %dma_wait3A_945] : memref<32x64xi32, #tpu.memory_space<vmem>> -> memref<1x64xi32, #tpu.memory_space<vmem>>
      %dma_wait3A_947 = tpu.memref_squeeze %dma_wait3A_946 : memref<1x64xi32, #tpu.memory_space<vmem>> -> memref<64xi32, #tpu.memory_space<vmem>>
      %dma_wait3A_948 = arith.constant 0 : i32
      %dma_wait3A_949 = arith.constant 0 : i32
      %dma_wait3A_950 = tpu.memref_slice %arg3[%dma_wait3A_948, %dma_wait3A_949] : memref<100000x384xf32, #tpu.memory_space<hbm>> -> memref<100000x384xf32, #tpu.memory_space<hbm>>
      tpu.wait_indirect_dma semaphore(%arg18 : memref<!tpu.dma_semaphore, #tpu.memory_space<semaphore_mem>>) src(%dma_wait3A_950 : memref<100000x384xf32, #tpu.memory_space<hbm>>) dst(%arg12 : memref<64x384xf32, #tpu.memory_space<vmem>>)
      %scan3A_951 = arith.constant 0 : i32
      %scan3A_952 = arith.constant 0 : i32
      %scan3A_953 = arith.constant 64 : i32
      %scan3A_954 = arith.addi %scan3A_952, %scan3A_953 : i32
      %scan3A_955 = arith.constant 1 : i32
      scf.for %scan3A_1040 = %scan3A_952 to %scan3A_954 step %scan3A_955  : i32 {
        %get3A = arith.index_cast %scan3A_1040 : i32 to index
        %get3A_1041 = arith.constant 0 : index
        %get3A_1042 = tpu.vector_load %arg6[%get3A, %get3A_1041] {strides = array<i32>} : memref<64x384xf32, #tpu.memory_space<vmem>>, vector<1x16xf32>,
        %get3A_1043 = vector.shape_cast %get3A_1042 : vector<1x16xf32> to vector<16xf32>
        %swap3A_1044 = arith.index_cast %scan3A_1040 : i32 to index
        %swap3A_1045 = arith.constant 0 : index
        %swap3A_1046 = tpu.vector_load %arg12[%swap3A_1044, %swap3A_1045] {strides = array<i32>} : memref<64x384xf32, #tpu.memory_space<vmem>>, vector<1x16xf32>,
        %swap3A_1047 = vector.shape_cast %swap3A_1046 : vector<1x16xf32> to vector<16xf32>
        %swap3A_1048 = vector.shape_cast %get3A_1043 : vector<16xf32> to vector<1x16xf32>
        tpu.vector_store %arg12[%swap3A_1044, %swap3A_1045], %swap3A_1048 {add = true, strides = array<i32>} : memref<64x384xf32, #tpu.memory_space<vmem>>, vector<1x16xf32>,
        %get3A_1049 = arith.index_cast %scan3A_1040 : i32 to index
        %get3A_1050 = arith.constant 16 : index
        %get3A_1051 = tpu.vector_load %arg6[%get3A_1049, %get3A_1050] {strides = array<i32>} : memref<64x384xf32, #tpu.memory_space<vmem>>, vector<1x16xf32>,
        %get3A_1052 = vector.shape_cast %get3A_1051 : vector<1x16xf32> to vector<16xf32>
        %swap3A_1053 = arith.index_cast %scan3A_1040 : i32 to index
        %swap3A_1054 = arith.constant 16 : index
        %swap3A_1055 = tpu.vector_load %arg12[%swap3A_1053, %swap3A_1054] {strides = array<i32>} : memref<64x384xf32, #tpu.memory_space<vmem>>, vector<1x16xf32>,
        %swap3A_1056 = vector.shape_cast %swap3A_1055 : vector<1x16xf32> to vector<16xf32>
        %swap3A_1057 = vector.shape_cast %get3A_1052 : vector<16xf32> to vector<1x16xf32>
        tpu.vector_store %arg12[%swap3A_1053, %swap3A_1054], %swap3A_1057 {add = true, strides = array<i32>} : memref<64x384xf32, #tpu.memory_space<vmem>>, vector<1x16xf32>,
        %get3A_1058 = arith.index_cast %scan3A_1040 : i32 to index
        %get3A_1059 = arith.constant 32 : index
        %get3A_1060 = tpu.vector_load %arg6[%get3A_1058, %get3A_1059] {strides = array<i32>} : memref<64x384xf32, #tpu.memory_space<vmem>>, vector<1x16xf32>,
        %get3A_1061 = vector.shape_cast %get3A_1060 : vector<1x16xf32> to vector<16xf32>
        %swap3A_1062 = arith.index_cast %scan3A_1040 : i32 to index
        %swap3A_1063 = arith.constant 32 : index
        %swap3A_1064 = tpu.vector_load %arg12[%swap3A_1062, %swap3A_1063] {strides = array<i32>} : memref<64x384xf32, #tpu.memory_space<vmem>>, vector<1x16xf32>,
        %swap3A_1065 = vector.shape_cast %swap3A_1064 : vector<1x16xf32> to vector<16xf32>
        %swap3A_1066 = vector.shape_cast %get3A_1061 : vector<16xf32> to vector<1x16xf32>
        tpu.vector_store %arg12[%swap3A_1062, %swap3A_1063], %swap3A_1066 {add = true, strides = array<i32>} : memref<64x384xf32, #tpu.memory_space<vmem>>, vector<1x16xf32>,
        %get3A_1067 = arith.index_cast %scan3A_1040 : i32 to index
        %get3A_1068 = arith.constant 48 : index
        %get3A_1069 = tpu.vector_load %arg6[%get3A_1067, %get3A_1068] {strides = array<i32>} : memref<64x384xf32, #tpu.memory_space<vmem>>, vector<1x16xf32>,
        %get3A_1070 = vector.shape_cast %get3A_1069 : vector<1x16xf32> to vector<16xf32>
        %swap3A_1071 = arith.index_cast %scan3A_1040 : i32 to index
        %swap3A_1072 = arith.constant 48 : index
        %swap3A_1073 = tpu.vector_load %arg12[%swap3A_1071, %swap3A_1072] {strides = array<i32>} : memref<64x384xf32, #tpu.memory_space<vmem>>, vector<1x16xf32>,
        %swap3A_1074 = vector.shape_cast %swap3A_1073 : vector<1x16xf32> to vector<16xf32>
        %swap3A_1075 = vector.shape_cast %get3A_1070 : vector<16xf32> to vector<1x16xf32>
        tpu.vector_store %arg12[%swap3A_1071, %swap3A_1072], %swap3A_1075 {add = true, strides = array<i32>} : memref<64x384xf32, #tpu.memory_space<vmem>>, vector<1x16xf32>,
        %get3A_1076 = arith.index_cast %scan3A_1040 : i32 to index
        %get3A_1077 = arith.constant 64 : index
        %get3A_1078 = tpu.vector_load %arg6[%get3A_1076, %get3A_1077] {strides = array<i32>} : memref<64x384xf32, #tpu.memory_space<vmem>>, vector<1x16xf32>,
        %get3A_1079 = vector.shape_cast %get3A_1078 : vector<1x16xf32> to vector<16xf32>
        %swap3A_1080 = arith.index_cast %scan3A_1040 : i32 to index
        %swap3A_1081 = arith.constant 64 : index
        %swap3A_1082 = tpu.vector_load %arg12[%swap3A_1080, %swap3A_1081] {strides = array<i32>} : memref<64x384xf32, #tpu.memory_space<vmem>>, vector<1x16xf32>,
        %swap3A_1083 = vector.shape_cast %swap3A_1082 : vector<1x16xf32> to vector<16xf32>
        %swap3A_1084 = vector.shape_cast %get3A_1079 : vector<16xf32> to vector<1x16xf32>
        tpu.vector_store %arg12[%swap3A_1080, %swap3A_1081], %swap3A_1084 {add = true, strides = array<i32>} : memref<64x384xf32, #tpu.memory_space<vmem>>, vector<1x16xf32>,
        %get3A_1085 = arith.index_cast %scan3A_1040 : i32 to index
        %get3A_1086 = arith.constant 80 : index
        %get3A_1087 = tpu.vector_load %arg6[%get3A_1085, %get3A_1086] {strides = array<i32>} : memref<64x384xf32, #tpu.memory_space<vmem>>, vector<1x16xf32>,
        %get3A_1088 = vector.shape_cast %get3A_1087 : vector<1x16xf32> to vector<16xf32>
        %swap3A_1089 = arith.index_cast %scan3A_1040 : i32 to index
        %swap3A_1090 = arith.constant 80 : index
        %swap3A_1091 = tpu.vector_load %arg12[%swap3A_1089, %swap3A_1090] {strides = array<i32>} : memref<64x384xf32, #tpu.memory_space<vmem>>, vector<1x16xf32>,
        %swap3A_1092 = vector.shape_cast %swap3A_1091 : vector<1x16xf32> to vector<16xf32>
        %swap3A_1093 = vector.shape_cast %get3A_1088 : vector<16xf32> to vector<1x16xf32>
        tpu.vector_store %arg12[%swap3A_1089, %swap3A_1090], %swap3A_1093 {add = true, strides = array<i32>} : memref<64x384xf32, #tpu.memory_space<vmem>>, vector<1x16xf32>,
        %get3A_1094 = arith.index_cast %scan3A_1040 : i32 to index
        %get3A_1095 = arith.constant 96 : index
        %get3A_1096 = tpu.vector_load %arg6[%get3A_1094, %get3A_1095] {strides = array<i32>} : memref<64x384xf32, #tpu.memory_space<vmem>>, vector<1x16xf32>,
        %get3A_1097 = vector.shape_cast %get3A_1096 : vector<1x16xf32> to vector<16xf32>
        %swap3A_1098 = arith.index_cast %scan3A_1040 : i32 to index
        %swap3A_1099 = arith.constant 96 : index
        %swap3A_1100 = tpu.vector_load %arg12[%swap3A_1098, %swap3A_1099] {strides = array<i32>} : memref<64x384xf32, #tpu.memory_space<vmem>>, vector<1x16xf32>,
        %swap3A_1101 = vector.shape_cast %swap3A_1100 : vector<1x16xf32> to vector<16xf32>
        %swap3A_1102 = vector.shape_cast %get3A_1097 : vector<16xf32> to vector<1x16xf32>
        tpu.vector_store %arg12[%swap3A_1098, %swap3A_1099], %swap3A_1102 {add = true, strides = array<i32>} : memref<64x384xf32, #tpu.memory_space<vmem>>, vector<1x16xf32>,
        %get3A_1103 = arith.index_cast %scan3A_1040 : i32 to index
        %get3A_1104 = arith.constant 112 : index
        %get3A_1105 = tpu.vector_load %arg6[%get3A_1103, %get3A_1104] {strides = array<i32>} : memref<64x384xf32, #tpu.memory_space<vmem>>, vector<1x16xf32>,
        %get3A_1106 = vector.shape_cast %get3A_1105 : vector<1x16xf32> to vector<16xf32>
        %swap3A_1107 = arith.index_cast %scan3A_1040 : i32 to index
        %swap3A_1108 = arith.constant 112 : index
        %swap3A_1109 = tpu.vector_load %arg12[%swap3A_1107, %swap3A_1108] {strides = array<i32>} : memref<64x384xf32, #tpu.memory_space<vmem>>, vector<1x16xf32>,
        %swap3A_1110 = vector.shape_cast %swap3A_1109 : vector<1x16xf32> to vector<16xf32>
        %swap3A_1111 = vector.shape_cast %get3A_1106 : vector<16xf32> to vector<1x16xf32>
        tpu.vector_store %arg12[%swap3A_1107, %swap3A_1108], %swap3A_1111 {add = true, strides = array<i32>} : memref<64x384xf32, #tpu.memory_space<vmem>>, vector<1x16xf32>,
        %get3A_1112 = arith.index_cast %scan3A_1040 : i32 to index
        %get3A_1113 = arith.constant 128 : index
        %get3A_1114 = tpu.vector_load %arg6[%get3A_1112, %get3A_1113] {strides = array<i32>} : memref<64x384xf32, #tpu.memory_space<vmem>>, vector<1x16xf32>,
        %get3A_1115 = vector.shape_cast %get3A_1114 : vector<1x16xf32> to vector<16xf32>
        %swap3A_1116 = arith.index_cast %scan3A_1040 : i32 to index
        %swap3A_1117 = arith.constant 128 : index
        %swap3A_1118 = tpu.vector_load %arg12[%swap3A_1116, %swap3A_1117] {strides = array<i32>} : memref<64x384xf32, #tpu.memory_space<vmem>>, vector<1x16xf32>,
        %swap3A_1119 = vector.shape_cast %swap3A_1118 : vector<1x16xf32> to vector<16xf32>
        %swap3A_1120 = vector.shape_cast %get3A_1115 : vector<16xf32> to vector<1x16xf32>
        tpu.vector_store %arg12[%swap3A_1116, %swap3A_1117], %swap3A_1120 {add = true, strides = array<i32>} : memref<64x384xf32, #tpu.memory_space<vmem>>, vector<1x16xf32>,
        %get3A_1121 = arith.index_cast %scan3A_1040 : i32 to index
        %get3A_1122 = arith.constant 144 : index
        %get3A_1123 = tpu.vector_load %arg6[%get3A_1121, %get3A_1122] {strides = array<i32>} : memref<64x384xf32, #tpu.memory_space<vmem>>, vector<1x16xf32>,
        %get3A_1124 = vector.shape_cast %get3A_1123 : vector<1x16xf32> to vector<16xf32>
        %swap3A_1125 = arith.index_cast %scan3A_1040 : i32 to index
        %swap3A_1126 = arith.constant 144 : index
        %swap3A_1127 = tpu.vector_load %arg12[%swap3A_1125, %swap3A_1126] {strides = array<i32>} : memref<64x384xf32, #tpu.memory_space<vmem>>, vector<1x16xf32>,
        %swap3A_1128 = vector.shape_cast %swap3A_1127 : vector<1x16xf32> to vector<16xf32>
        %swap3A_1129 = vector.shape_cast %get3A_1124 : vector<16xf32> to vector<1x16xf32>
        tpu.vector_store %arg12[%swap3A_1125, %swap3A_1126], %swap3A_1129 {add = true, strides = array<i32>} : memref<64x384xf32, #tpu.memory_space<vmem>>, vector<1x16xf32>,
        %get3A_1130 = arith.index_cast %scan3A_1040 : i32 to index
        %get3A_1131 = arith.constant 160 : index
        %get3A_1132 = tpu.vector_load %arg6[%get3A_1130, %get3A_1131] {strides = array<i32>} : memref<64x384xf32, #tpu.memory_space<vmem>>, vector<1x16xf32>,
        %get3A_1133 = vector.shape_cast %get3A_1132 : vector<1x16xf32> to vector<16xf32>
        %swap3A_1134 = arith.index_cast %scan3A_1040 : i32 to index
        %swap3A_1135 = arith.constant 160 : index
        %swap3A_1136 = tpu.vector_load %arg12[%swap3A_1134, %swap3A_1135] {strides = array<i32>} : memref<64x384xf32, #tpu.memory_space<vmem>>, vector<1x16xf32>,
        %swap3A_1137 = vector.shape_cast %swap3A_1136 : vector<1x16xf32> to vector<16xf32>
        %swap3A_1138 = vector.shape_cast %get3A_1133 : vector<16xf32> to vector<1x16xf32>
        tpu.vector_store %arg12[%swap3A_1134, %swap3A_1135], %swap3A_1138 {add = true, strides = array<i32>} : memref<64x384xf32, #tpu.memory_space<vmem>>, vector<1x16xf32>,
        %get3A_1139 = arith.index_cast %scan3A_1040 : i32 to index
        %get3A_1140 = arith.constant 176 : index
        %get3A_1141 = tpu.vector_load %arg6[%get3A_1139, %get3A_1140] {strides = array<i32>} : memref<64x384xf32, #tpu.memory_space<vmem>>, vector<1x16xf32>,
        %get3A_1142 = vector.shape_cast %get3A_1141 : vector<1x16xf32> to vector<16xf32>
        %swap3A_1143 = arith.index_cast %scan3A_1040 : i32 to index
        %swap3A_1144 = arith.constant 176 : index
        %swap3A_1145 = tpu.vector_load %arg12[%swap3A_1143, %swap3A_1144] {strides = array<i32>} : memref<64x384xf32, #tpu.memory_space<vmem>>, vector<1x16xf32>,
        %swap3A_1146 = vector.shape_cast %swap3A_1145 : vector<1x16xf32> to vector<16xf32>
        %swap3A_1147 = vector.shape_cast %get3A_1142 : vector<16xf32> to vector<1x16xf32>
        tpu.vector_store %arg12[%swap3A_1143, %swap3A_1144], %swap3A_1147 {add = true, strides = array<i32>} : memref<64x384xf32, #tpu.memory_space<vmem>>, vector<1x16xf32>,
        %get3A_1148 = arith.index_cast %scan3A_1040 : i32 to index
        %get3A_1149 = arith.constant 192 : index
        %get3A_1150 = tpu.vector_load %arg6[%get3A_1148, %get3A_1149] {strides = array<i32>} : memref<64x384xf32, #tpu.memory_space<vmem>>, vector<1x16xf32>,
        %get3A_1151 = vector.shape_cast %get3A_1150 : vector<1x16xf32> to vector<16xf32>
        %swap3A_1152 = arith.index_cast %scan3A_1040 : i32 to index
        %swap3A_1153 = arith.constant 192 : index
        %swap3A_1154 = tpu.vector_load %arg12[%swap3A_1152, %swap3A_1153] {strides = array<i32>} : memref<64x384xf32, #tpu.memory_space<vmem>>, vector<1x16xf32>,
        %swap3A_1155 = vector.shape_cast %swap3A_1154 : vector<1x16xf32> to vector<16xf32>
        %swap3A_1156 = vector.shape_cast %get3A_1151 : vector<16xf32> to vector<1x16xf32>
        tpu.vector_store %arg12[%swap3A_1152, %swap3A_1153], %swap3A_1156 {add = true, strides = array<i32>} : memref<64x384xf32, #tpu.memory_space<vmem>>, vector<1x16xf32>,
        %get3A_1157 = arith.index_cast %scan3A_1040 : i32 to index
        %get3A_1158 = arith.constant 208 : index
        %get3A_1159 = tpu.vector_load %arg6[%get3A_1157, %get3A_1158] {strides = array<i32>} : memref<64x384xf32, #tpu.memory_space<vmem>>, vector<1x16xf32>,
        %get3A_1160 = vector.shape_cast %get3A_1159 : vector<1x16xf32> to vector<16xf32>
        %swap3A_1161 = arith.index_cast %scan3A_1040 : i32 to index
        %swap3A_1162 = arith.constant 208 : index
        %swap3A_1163 = tpu.vector_load %arg12[%swap3A_1161, %swap3A_1162] {strides = array<i32>} : memref<64x384xf32, #tpu.memory_space<vmem>>, vector<1x16xf32>,
        %swap3A_1164 = vector.shape_cast %swap3A_1163 : vector<1x16xf32> to vector<16xf32>
        %swap3A_1165 = vector.shape_cast %get3A_1160 : vector<16xf32> to vector<1x16xf32>
        tpu.vector_store %arg12[%swap3A_1161, %swap3A_1162], %swap3A_1165 {add = true, strides = array<i32>} : memref<64x384xf32, #tpu.memory_space<vmem>>, vector<1x16xf32>,
        %get3A_1166 = arith.index_cast %scan3A_1040 : i32 to index
        %get3A_1167 = arith.constant 224 : index
        %get3A_1168 = tpu.vector_load %arg6[%get3A_1166, %get3A_1167] {strides = array<i32>} : memref<64x384xf32, #tpu.memory_space<vmem>>, vector<1x16xf32>,
        %get3A_1169 = vector.shape_cast %get3A_1168 : vector<1x16xf32> to vector<16xf32>
        %swap3A_1170 = arith.index_cast %scan3A_1040 : i32 to index
        %swap3A_1171 = arith.constant 224 : index
        %swap3A_1172 = tpu.vector_load %arg12[%swap3A_1170, %swap3A_1171] {strides = array<i32>} : memref<64x384xf32, #tpu.memory_space<vmem>>, vector<1x16xf32>,
        %swap3A_1173 = vector.shape_cast %swap3A_1172 : vector<1x16xf32> to vector<16xf32>
        %swap3A_1174 = vector.shape_cast %get3A_1169 : vector<16xf32> to vector<1x16xf32>
        tpu.vector_store %arg12[%swap3A_1170, %swap3A_1171], %swap3A_1174 {add = true, strides = array<i32>} : memref<64x384xf32, #tpu.memory_space<vmem>>, vector<1x16xf32>,
        %get3A_1175 = arith.index_cast %scan3A_1040 : i32 to index
        %get3A_1176 = arith.constant 240 : index
        %get3A_1177 = tpu.vector_load %arg6[%get3A_1175, %get3A_1176] {strides = array<i32>} : memref<64x384xf32, #tpu.memory_space<vmem>>, vector<1x16xf32>,
        %get3A_1178 = vector.shape_cast %get3A_1177 : vector<1x16xf32> to vector<16xf32>
        %swap3A_1179 = arith.index_cast %scan3A_1040 : i32 to index
        %swap3A_1180 = arith.constant 240 : index
        %swap3A_1181 = tpu.vector_load %arg12[%swap3A_1179, %swap3A_1180] {strides = array<i32>} : memref<64x384xf32, #tpu.memory_space<vmem>>, vector<1x16xf32>,
        %swap3A_1182 = vector.shape_cast %swap3A_1181 : vector<1x16xf32> to vector<16xf32>
        %swap3A_1183 = vector.shape_cast %get3A_1178 : vector<16xf32> to vector<1x16xf32>
        tpu.vector_store %arg12[%swap3A_1179, %swap3A_1180], %swap3A_1183 {add = true, strides = array<i32>} : memref<64x384xf32, #tpu.memory_space<vmem>>, vector<1x16xf32>,
        %get3A_1184 = arith.index_cast %scan3A_1040 : i32 to index
        %get3A_1185 = arith.constant 256 : index
        %get3A_1186 = tpu.vector_load %arg6[%get3A_1184, %get3A_1185] {strides = array<i32>} : memref<64x384xf32, #tpu.memory_space<vmem>>, vector<1x16xf32>,
        %get3A_1187 = vector.shape_cast %get3A_1186 : vector<1x16xf32> to vector<16xf32>
        %swap3A_1188 = arith.index_cast %scan3A_1040 : i32 to index
        %swap3A_1189 = arith.constant 256 : index
        %swap3A_1190 = tpu.vector_load %arg12[%swap3A_1188, %swap3A_1189] {strides = array<i32>} : memref<64x384xf32, #tpu.memory_space<vmem>>, vector<1x16xf32>,
        %swap3A_1191 = vector.shape_cast %swap3A_1190 : vector<1x16xf32> to vector<16xf32>
        %swap3A_1192 = vector.shape_cast %get3A_1187 : vector<16xf32> to vector<1x16xf32>
        tpu.vector_store %arg12[%swap3A_1188, %swap3A_1189], %swap3A_1192 {add = true, strides = array<i32>} : memref<64x384xf32, #tpu.memory_space<vmem>>, vector<1x16xf32>,
        %get3A_1193 = arith.index_cast %scan3A_1040 : i32 to index
        %get3A_1194 = arith.constant 272 : index
        %get3A_1195 = tpu.vector_load %arg6[%get3A_1193, %get3A_1194] {strides = array<i32>} : memref<64x384xf32, #tpu.memory_space<vmem>>, vector<1x16xf32>,
        %get3A_1196 = vector.shape_cast %get3A_1195 : vector<1x16xf32> to vector<16xf32>
        %swap3A_1197 = arith.index_cast %scan3A_1040 : i32 to index
        %swap3A_1198 = arith.constant 272 : index
        %swap3A_1199 = tpu.vector_load %arg12[%swap3A_1197, %swap3A_1198] {strides = array<i32>} : memref<64x384xf32, #tpu.memory_space<vmem>>, vector<1x16xf32>,
        %swap3A_1200 = vector.shape_cast %swap3A_1199 : vector<1x16xf32> to vector<16xf32>
        %swap3A_1201 = vector.shape_cast %get3A_1196 : vector<16xf32> to vector<1x16xf32>
        tpu.vector_store %arg12[%swap3A_1197, %swap3A_1198], %swap3A_1201 {add = true, strides = array<i32>} : memref<64x384xf32, #tpu.memory_space<vmem>>, vector<1x16xf32>,
        %get3A_1202 = arith.index_cast %scan3A_1040 : i32 to index
        %get3A_1203 = arith.constant 288 : index
        %get3A_1204 = tpu.vector_load %arg6[%get3A_1202, %get3A_1203] {strides = array<i32>} : memref<64x384xf32, #tpu.memory_space<vmem>>, vector<1x16xf32>,
        %get3A_1205 = vector.shape_cast %get3A_1204 : vector<1x16xf32> to vector<16xf32>
        %swap3A_1206 = arith.index_cast %scan3A_1040 : i32 to index
        %swap3A_1207 = arith.constant 288 : index
        %swap3A_1208 = tpu.vector_load %arg12[%swap3A_1206, %swap3A_1207] {strides = array<i32>} : memref<64x384xf32, #tpu.memory_space<vmem>>, vector<1x16xf32>,
        %swap3A_1209 = vector.shape_cast %swap3A_1208 : vector<1x16xf32> to vector<16xf32>
        %swap3A_1210 = vector.shape_cast %get3A_1205 : vector<16xf32> to vector<1x16xf32>
        tpu.vector_store %arg12[%swap3A_1206, %swap3A_1207], %swap3A_1210 {add = true, strides = array<i32>} : memref<64x384xf32, #tpu.memory_space<vmem>>, vector<1x16xf32>,
        %get3A_1211 = arith.index_cast %scan3A_1040 : i32 to index
        %get3A_1212 = arith.constant 304 : index
        %get3A_1213 = tpu.vector_load %arg6[%get3A_1211, %get3A_1212] {strides = array<i32>} : memref<64x384xf32, #tpu.memory_space<vmem>>, vector<1x16xf32>,
        %get3A_1214 = vector.shape_cast %get3A_1213 : vector<1x16xf32> to vector<16xf32>
        %swap3A_1215 = arith.index_cast %scan3A_1040 : i32 to index
        %swap3A_1216 = arith.constant 304 : index
        %swap3A_1217 = tpu.vector_load %arg12[%swap3A_1215, %swap3A_1216] {strides = array<i32>} : memref<64x384xf32, #tpu.memory_space<vmem>>, vector<1x16xf32>,
        %swap3A_1218 = vector.shape_cast %swap3A_1217 : vector<1x16xf32> to vector<16xf32>
        %swap3A_1219 = vector.shape_cast %get3A_1214 : vector<16xf32> to vector<1x16xf32>
        tpu.vector_store %arg12[%swap3A_1215, %swap3A_1216], %swap3A_1219 {add = true, strides = array<i32>} : memref<64x384xf32, #tpu.memory_space<vmem>>, vector<1x16xf32>,
        %get3A_1220 = arith.index_cast %scan3A_1040 : i32 to index
        %get3A_1221 = arith.constant 320 : index
        %get3A_1222 = tpu.vector_load %arg6[%get3A_1220, %get3A_1221] {strides = array<i32>} : memref<64x384xf32, #tpu.memory_space<vmem>>, vector<1x16xf32>,
        %get3A_1223 = vector.shape_cast %get3A_1222 : vector<1x16xf32> to vector<16xf32>
        %swap3A_1224 = arith.index_cast %scan3A_1040 : i32 to index
        %swap3A_1225 = arith.constant 320 : index
        %swap3A_1226 = tpu.vector_load %arg12[%swap3A_1224, %swap3A_1225] {strides = array<i32>} : memref<64x384xf32, #tpu.memory_space<vmem>>, vector<1x16xf32>,
        %swap3A_1227 = vector.shape_cast %swap3A_1226 : vector<1x16xf32> to vector<16xf32>
        %swap3A_1228 = vector.shape_cast %get3A_1223 : vector<16xf32> to vector<1x16xf32>
        tpu.vector_store %arg12[%swap3A_1224, %swap3A_1225], %swap3A_1228 {add = true, strides = array<i32>} : memref<64x384xf32, #tpu.memory_space<vmem>>, vector<1x16xf32>,
        %get3A_1229 = arith.index_cast %scan3A_1040 : i32 to index
        %get3A_1230 = arith.constant 336 : index
        %get3A_1231 = tpu.vector_load %arg6[%get3A_1229, %get3A_1230] {strides = array<i32>} : memref<64x384xf32, #tpu.memory_space<vmem>>, vector<1x16xf32>,
        %get3A_1232 = vector.shape_cast %get3A_1231 : vector<1x16xf32> to vector<16xf32>
        %swap3A_1233 = arith.index_cast %scan3A_1040 : i32 to index
        %swap3A_1234 = arith.constant 336 : index
        %swap3A_1235 = tpu.vector_load %arg12[%swap3A_1233, %swap3A_1234] {strides = array<i32>} : memref<64x384xf32, #tpu.memory_space<vmem>>, vector<1x16xf32>,
        %swap3A_1236 = vector.shape_cast %swap3A_1235 : vector<1x16xf32> to vector<16xf32>
        %swap3A_1237 = vector.shape_cast %get3A_1232 : vector<16xf32> to vector<1x16xf32>
        tpu.vector_store %arg12[%swap3A_1233, %swap3A_1234], %swap3A_1237 {add = true, strides = array<i32>} : memref<64x384xf32, #tpu.memory_space<vmem>>, vector<1x16xf32>,
        %get3A_1238 = arith.index_cast %scan3A_1040 : i32 to index
        %get3A_1239 = arith.constant 352 : index
        %get3A_1240 = tpu.vector_load %arg6[%get3A_1238, %get3A_1239] {strides = array<i32>} : memref<64x384xf32, #tpu.memory_space<vmem>>, vector<1x16xf32>,
        %get3A_1241 = vector.shape_cast %get3A_1240 : vector<1x16xf32> to vector<16xf32>
        %swap3A_1242 = arith.index_cast %scan3A_1040 : i32 to index
        %swap3A_1243 = arith.constant 352 : index
        %swap3A_1244 = tpu.vector_load %arg12[%swap3A_1242, %swap3A_1243] {strides = array<i32>} : memref<64x384xf32, #tpu.memory_space<vmem>>, vector<1x16xf32>,
        %swap3A_1245 = vector.shape_cast %swap3A_1244 : vector<1x16xf32> to vector<16xf32>
        %swap3A_1246 = vector.shape_cast %get3A_1241 : vector<16xf32> to vector<1x16xf32>
        tpu.vector_store %arg12[%swap3A_1242, %swap3A_1243], %swap3A_1246 {add = true, strides = array<i32>} : memref<64x384xf32, #tpu.memory_space<vmem>>, vector<1x16xf32>,
        %get3A_1247 = arith.index_cast %scan3A_1040 : i32 to index
        %get3A_1248 = arith.constant 368 : index
        %get3A_1249 = tpu.vector_load %arg6[%get3A_1247, %get3A_1248] {strides = array<i32>} : memref<64x384xf32, #tpu.memory_space<vmem>>, vector<1x16xf32>,
        %get3A_1250 = vector.shape_cast %get3A_1249 : vector<1x16xf32> to vector<16xf32>
        %swap3A_1251 = arith.index_cast %scan3A_1040 : i32 to index
        %swap3A_1252 = arith.constant 368 : index
        %swap3A_1253 = tpu.vector_load %arg12[%swap3A_1251, %swap3A_1252] {strides = array<i32>} : memref<64x384xf32, #tpu.memory_space<vmem>>, vector<1x16xf32>,
        %swap3A_1254 = vector.shape_cast %swap3A_1253 : vector<1x16xf32> to vector<16xf32>
        %swap3A_1255 = vector.shape_cast %get3A_1250 : vector<16xf32> to vector<1x16xf32>
        tpu.vector_store %arg12[%swap3A_1251, %swap3A_1252], %swap3A_1255 {add = true, strides = array<i32>} : memref<64x384xf32, #tpu.memory_space<vmem>>, vector<1x16xf32>,
      }
      %scan3A_956 = arith.constant 64 : i32
      %mul3A_957 = arith.constant 2048 : i32
      %mul3A_958 = arith.muli %add3A_927, %mul3A_957 : i32
      %add3A_959 = arith.addi %mul3A_958, %mul3A_2 : i32
      %dma_start3A_960 = arith.constant 0 : i32
      %dma_start3A_961 = tpu.memref_slice %arg5[%add3A_959, %dma_start3A_960] : memref<65536x384xf32, #tpu.memory_space<hbm>> -> memref<64x384xf32, #tpu.memory_space<hbm>>
      %dma_start3A_962 = arith.constant 0 : i32
      %dma_start3A_963 = tpu.memref_slice %arg5[%add3A_959, %dma_start3A_962] : memref<65536x384xf32, #tpu.memory_space<hbm>> -> memref<64x384xf32, #tpu.memory_space<hbm>>
      tpu.enqueue_dma source(%arg12 : memref<64x384xf32, #tpu.memory_space<vmem>>) target(%dma_start3A_963 : memref<64x384xf32, #tpu.memory_space<hbm>>) target_semaphore(%arg22 : memref<!tpu.dma_semaphore, #tpu.memory_space<semaphore_mem>>)
      %add3A_964 = arith.constant 2 : i32
      %add3A_965 = arith.addi %add3A_890, %add3A_964 : i32
      %sub3A_966 = arith.constant 2 : i32
      %sub3A_967 = arith.subi %add3A_965, %sub3A_966 : i32
      %mul3A_968 = arith.constant 2048 : i32
      %mul3A_969 = arith.muli %sub3A_967, %mul3A_968 : i32
      %add3A_970 = arith.addi %mul3A_969, %mul3A_2 : i32
      %dma_wait3A_971 = arith.constant 0 : i32
      %dma_wait3A_972 = tpu.memref_slice %arg5[%add3A_970, %dma_wait3A_971] : memref<65536x384xf32, #tpu.memory_space<hbm>> -> memref<64x384xf32, #tpu.memory_space<hbm>>
      %dma_wait3A_973 = arith.constant 0 : i32
      %dma_wait3A_974 = tpu.memref_slice %arg5[%add3A_970, %dma_wait3A_973] : memref<65536x384xf32, #tpu.memory_space<hbm>> -> memref<64x384xf32, #tpu.memory_space<hbm>>
      tpu.wait_dma2 semaphore(%arg21 : memref<!tpu.dma_semaphore, #tpu.memory_space<semaphore_mem>>) src(%arg11 : memref<64x384xf32, #tpu.memory_space<vmem>>) dst(%dma_wait3A_974 : memref<64x384xf32, #tpu.memory_space<hbm>>)
      %add3A_975 = arith.constant 2 : i32
      %add3A_976 = arith.addi %add3A_965, %add3A_975 : i32
      %dma_start3A_977 = arith.constant 0 : i32
      %dma_start3A_978 = tpu.memref_slice %arg8[%add3A_976, %dma_start3A_977] : memref<32x64xi32, #tpu.memory_space<vmem>> -> memref<1x64xi32, #tpu.memory_space<vmem>>
      %dma_start3A_979 = tpu.memref_squeeze %dma_start3A_978 : memref<1x64xi32, #tpu.memory_space<vmem>> -> memref<64xi32, #tpu.memory_space<vmem>>
      %dma_start3A_980 = arith.constant 0 : i32
      %dma_start3A_981 = arith.constant 0 : i32
      %dma_start3A_982 = tpu.memref_slice %arg3[%dma_start3A_980, %dma_start3A_981] : memref<100000x384xf32, #tpu.memory_space<hbm>> -> memref<100000x384xf32, #tpu.memory_space<hbm>>
      tpu.enqueue_indirect_dma source(%dma_start3A_982 : memref<100000x384xf32, #tpu.memory_space<hbm>>) target(%arg11 : memref<64x384xf32, #tpu.memory_space<vmem>>) offsets(%dma_start3A_979 : memref<64xi32, #tpu.memory_space<vmem>>) semaphore(%arg17 : memref<!tpu.dma_semaphore, #tpu.memory_space<semaphore_mem>>)
      %dma_wait3A_983 = arith.constant 0 : i32
      %dma_wait3A_984 = tpu.memref_slice %arg8[%add3A_965, %dma_wait3A_983] : memref<32x64xi32, #tpu.memory_space<vmem>> -> memref<1x64xi32, #tpu.memory_space<vmem>>
      %dma_wait3A_985 = tpu.memref_squeeze %dma_wait3A_984 : memref<1x64xi32, #tpu.memory_space<vmem>> -> memref<64xi32, #tpu.memory_space<vmem>>
      %dma_wait3A_986 = arith.constant 0 : i32
      %dma_wait3A_987 = arith.constant 0 : i32
      %dma_wait3A_988 = tpu.memref_slice %arg3[%dma_wait3A_986, %dma_wait3A_987] : memref<100000x384xf32, #tpu.memory_space<hbm>> -> memref<100000x384xf32, #tpu.memory_space<hbm>>
      tpu.wait_indirect_dma semaphore(%arg15 : memref<!tpu.dma_semaphore, #tpu.memory_space<semaphore_mem>>) src(%dma_wait3A_988 : memref<100000x384xf32, #tpu.memory_space<hbm>>) dst(%arg9 : memref<64x384xf32, #tpu.memory_space<vmem>>)
      %scan3A_989 = arith.constant 0 : i32
      %scan3A_990 = arith.constant 0 : i32
      %scan3A_991 = arith.constant 64 : i32
      %scan3A_992 = arith.addi %scan3A_990, %scan3A_991 : i32
      %scan3A_993 = arith.constant 1 : i32
      scf.for %scan3A_1040 = %scan3A_990 to %scan3A_992 step %scan3A_993  : i32 {
        %get3A = arith.index_cast %scan3A_1040 : i32 to index
        %get3A_1041 = arith.constant 0 : index
        %get3A_1042 = tpu.vector_load %arg6[%get3A, %get3A_1041] {strides = array<i32>} : memref<64x384xf32, #tpu.memory_space<vmem>>, vector<1x16xf32>,
        %get3A_1043 = vector.shape_cast %get3A_1042 : vector<1x16xf32> to vector<16xf32>
        %swap3A_1044 = arith.index_cast %scan3A_1040 : i32 to index
        %swap3A_1045 = arith.constant 0 : index
        %swap3A_1046 = tpu.vector_load %arg9[%swap3A_1044, %swap3A_1045] {strides = array<i32>} : memref<64x384xf32, #tpu.memory_space<vmem>>, vector<1x16xf32>,
        %swap3A_1047 = vector.shape_cast %swap3A_1046 : vector<1x16xf32> to vector<16xf32>
        %swap3A_1048 = vector.shape_cast %get3A_1043 : vector<16xf32> to vector<1x16xf32>
        tpu.vector_store %arg9[%swap3A_1044, %swap3A_1045], %swap3A_1048 {add = true, strides = array<i32>} : memref<64x384xf32, #tpu.memory_space<vmem>>, vector<1x16xf32>,
        %get3A_1049 = arith.index_cast %scan3A_1040 : i32 to index
        %get3A_1050 = arith.constant 16 : index
        %get3A_1051 = tpu.vector_load %arg6[%get3A_1049, %get3A_1050] {strides = array<i32>} : memref<64x384xf32, #tpu.memory_space<vmem>>, vector<1x16xf32>,
        %get3A_1052 = vector.shape_cast %get3A_1051 : vector<1x16xf32> to vector<16xf32>
        %swap3A_1053 = arith.index_cast %scan3A_1040 : i32 to index
        %swap3A_1054 = arith.constant 16 : index
        %swap3A_1055 = tpu.vector_load %arg9[%swap3A_1053, %swap3A_1054] {strides = array<i32>} : memref<64x384xf32, #tpu.memory_space<vmem>>, vector<1x16xf32>,
        %swap3A_1056 = vector.shape_cast %swap3A_1055 : vector<1x16xf32> to vector<16xf32>
        %swap3A_1057 = vector.shape_cast %get3A_1052 : vector<16xf32> to vector<1x16xf32>
        tpu.vector_store %arg9[%swap3A_1053, %swap3A_1054], %swap3A_1057 {add = true, strides = array<i32>} : memref<64x384xf32, #tpu.memory_space<vmem>>, vector<1x16xf32>,
        %get3A_1058 = arith.index_cast %scan3A_1040 : i32 to index
        %get3A_1059 = arith.constant 32 : index
        %get3A_1060 = tpu.vector_load %arg6[%get3A_1058, %get3A_1059] {strides = array<i32>} : memref<64x384xf32, #tpu.memory_space<vmem>>, vector<1x16xf32>,
        %get3A_1061 = vector.shape_cast %get3A_1060 : vector<1x16xf32> to vector<16xf32>
        %swap3A_1062 = arith.index_cast %scan3A_1040 : i32 to index
        %swap3A_1063 = arith.constant 32 : index
        %swap3A_1064 = tpu.vector_load %arg9[%swap3A_1062, %swap3A_1063] {strides = array<i32>} : memref<64x384xf32, #tpu.memory_space<vmem>>, vector<1x16xf32>,
        %swap3A_1065 = vector.shape_cast %swap3A_1064 : vector<1x16xf32> to vector<16xf32>
        %swap3A_1066 = vector.shape_cast %get3A_1061 : vector<16xf32> to vector<1x16xf32>
        tpu.vector_store %arg9[%swap3A_1062, %swap3A_1063], %swap3A_1066 {add = true, strides = array<i32>} : memref<64x384xf32, #tpu.memory_space<vmem>>, vector<1x16xf32>,
        %get3A_1067 = arith.index_cast %scan3A_1040 : i32 to index
        %get3A_1068 = arith.constant 48 : index
        %get3A_1069 = tpu.vector_load %arg6[%get3A_1067, %get3A_1068] {strides = array<i32>} : memref<64x384xf32, #tpu.memory_space<vmem>>, vector<1x16xf32>,
        %get3A_1070 = vector.shape_cast %get3A_1069 : vector<1x16xf32> to vector<16xf32>
        %swap3A_1071 = arith.index_cast %scan3A_1040 : i32 to index
        %swap3A_1072 = arith.constant 48 : index
        %swap3A_1073 = tpu.vector_load %arg9[%swap3A_1071, %swap3A_1072] {strides = array<i32>} : memref<64x384xf32, #tpu.memory_space<vmem>>, vector<1x16xf32>,
        %swap3A_1074 = vector.shape_cast %swap3A_1073 : vector<1x16xf32> to vector<16xf32>
        %swap3A_1075 = vector.shape_cast %get3A_1070 : vector<16xf32> to vector<1x16xf32>
        tpu.vector_store %arg9[%swap3A_1071, %swap3A_1072], %swap3A_1075 {add = true, strides = array<i32>} : memref<64x384xf32, #tpu.memory_space<vmem>>, vector<1x16xf32>,
        %get3A_1076 = arith.index_cast %scan3A_1040 : i32 to index
        %get3A_1077 = arith.constant 64 : index
        %get3A_1078 = tpu.vector_load %arg6[%get3A_1076, %get3A_1077] {strides = array<i32>} : memref<64x384xf32, #tpu.memory_space<vmem>>, vector<1x16xf32>,
        %get3A_1079 = vector.shape_cast %get3A_1078 : vector<1x16xf32> to vector<16xf32>
        %swap3A_1080 = arith.index_cast %scan3A_1040 : i32 to index
        %swap3A_1081 = arith.constant 64 : index
        %swap3A_1082 = tpu.vector_load %arg9[%swap3A_1080, %swap3A_1081] {strides = array<i32>} : memref<64x384xf32, #tpu.memory_space<vmem>>, vector<1x16xf32>,
        %swap3A_1083 = vector.shape_cast %swap3A_1082 : vector<1x16xf32> to vector<16xf32>
        %swap3A_1084 = vector.shape_cast %get3A_1079 : vector<16xf32> to vector<1x16xf32>
        tpu.vector_store %arg9[%swap3A_1080, %swap3A_1081], %swap3A_1084 {add = true, strides = array<i32>} : memref<64x384xf32, #tpu.memory_space<vmem>>, vector<1x16xf32>,
        %get3A_1085 = arith.index_cast %scan3A_1040 : i32 to index
        %get3A_1086 = arith.constant 80 : index
        %get3A_1087 = tpu.vector_load %arg6[%get3A_1085, %get3A_1086] {strides = array<i32>} : memref<64x384xf32, #tpu.memory_space<vmem>>, vector<1x16xf32>,
        %get3A_1088 = vector.shape_cast %get3A_1087 : vector<1x16xf32> to vector<16xf32>
        %swap3A_1089 = arith.index_cast %scan3A_1040 : i32 to index
        %swap3A_1090 = arith.constant 80 : index
        %swap3A_1091 = tpu.vector_load %arg9[%swap3A_1089, %swap3A_1090] {strides = array<i32>} : memref<64x384xf32, #tpu.memory_space<vmem>>, vector<1x16xf32>,
        %swap3A_1092 = vector.shape_cast %swap3A_1091 : vector<1x16xf32> to vector<16xf32>
        %swap3A_1093 = vector.shape_cast %get3A_1088 : vector<16xf32> to vector<1x16xf32>
        tpu.vector_store %arg9[%swap3A_1089, %swap3A_1090], %swap3A_1093 {add = true, strides = array<i32>} : memref<64x384xf32, #tpu.memory_space<vmem>>, vector<1x16xf32>,
        %get3A_1094 = arith.index_cast %scan3A_1040 : i32 to index
        %get3A_1095 = arith.constant 96 : index
        %get3A_1096 = tpu.vector_load %arg6[%get3A_1094, %get3A_1095] {strides = array<i32>} : memref<64x384xf32, #tpu.memory_space<vmem>>, vector<1x16xf32>,
        %get3A_1097 = vector.shape_cast %get3A_1096 : vector<1x16xf32> to vector<16xf32>
        %swap3A_1098 = arith.index_cast %scan3A_1040 : i32 to index
        %swap3A_1099 = arith.constant 96 : index
        %swap3A_1100 = tpu.vector_load %arg9[%swap3A_1098, %swap3A_1099] {strides = array<i32>} : memref<64x384xf32, #tpu.memory_space<vmem>>, vector<1x16xf32>,
        %swap3A_1101 = vector.shape_cast %swap3A_1100 : vector<1x16xf32> to vector<16xf32>
        %swap3A_1102 = vector.shape_cast %get3A_1097 : vector<16xf32> to vector<1x16xf32>
        tpu.vector_store %arg9[%swap3A_1098, %swap3A_1099], %swap3A_1102 {add = true, strides = array<i32>} : memref<64x384xf32, #tpu.memory_space<vmem>>, vector<1x16xf32>,
        %get3A_1103 = arith.index_cast %scan3A_1040 : i32 to index
        %get3A_1104 = arith.constant 112 : index
        %get3A_1105 = tpu.vector_load %arg6[%get3A_1103, %get3A_1104] {strides = array<i32>} : memref<64x384xf32, #tpu.memory_space<vmem>>, vector<1x16xf32>,
        %get3A_1106 = vector.shape_cast %get3A_1105 : vector<1x16xf32> to vector<16xf32>
        %swap3A_1107 = arith.index_cast %scan3A_1040 : i32 to index
        %swap3A_1108 = arith.constant 112 : index
        %swap3A_1109 = tpu.vector_load %arg9[%swap3A_1107, %swap3A_1108] {strides = array<i32>} : memref<64x384xf32, #tpu.memory_space<vmem>>, vector<1x16xf32>,
        %swap3A_1110 = vector.shape_cast %swap3A_1109 : vector<1x16xf32> to vector<16xf32>
        %swap3A_1111 = vector.shape_cast %get3A_1106 : vector<16xf32> to vector<1x16xf32>
        tpu.vector_store %arg9[%swap3A_1107, %swap3A_1108], %swap3A_1111 {add = true, strides = array<i32>} : memref<64x384xf32, #tpu.memory_space<vmem>>, vector<1x16xf32>,
        %get3A_1112 = arith.index_cast %scan3A_1040 : i32 to index
        %get3A_1113 = arith.constant 128 : index
        %get3A_1114 = tpu.vector_load %arg6[%get3A_1112, %get3A_1113] {strides = array<i32>} : memref<64x384xf32, #tpu.memory_space<vmem>>, vector<1x16xf32>,
        %get3A_1115 = vector.shape_cast %get3A_1114 : vector<1x16xf32> to vector<16xf32>
        %swap3A_1116 = arith.index_cast %scan3A_1040 : i32 to index
        %swap3A_1117 = arith.constant 128 : index
        %swap3A_1118 = tpu.vector_load %arg9[%swap3A_1116, %swap3A_1117] {strides = array<i32>} : memref<64x384xf32, #tpu.memory_space<vmem>>, vector<1x16xf32>,
        %swap3A_1119 = vector.shape_cast %swap3A_1118 : vector<1x16xf32> to vector<16xf32>
        %swap3A_1120 = vector.shape_cast %get3A_1115 : vector<16xf32> to vector<1x16xf32>
        tpu.vector_store %arg9[%swap3A_1116, %swap3A_1117], %swap3A_1120 {add = true, strides = array<i32>} : memref<64x384xf32, #tpu.memory_space<vmem>>, vector<1x16xf32>,
        %get3A_1121 = arith.index_cast %scan3A_1040 : i32 to index
        %get3A_1122 = arith.constant 144 : index
        %get3A_1123 = tpu.vector_load %arg6[%get3A_1121, %get3A_1122] {strides = array<i32>} : memref<64x384xf32, #tpu.memory_space<vmem>>, vector<1x16xf32>,
        %get3A_1124 = vector.shape_cast %get3A_1123 : vector<1x16xf32> to vector<16xf32>
        %swap3A_1125 = arith.index_cast %scan3A_1040 : i32 to index
        %swap3A_1126 = arith.constant 144 : index
        %swap3A_1127 = tpu.vector_load %arg9[%swap3A_1125, %swap3A_1126] {strides = array<i32>} : memref<64x384xf32, #tpu.memory_space<vmem>>, vector<1x16xf32>,
        %swap3A_1128 = vector.shape_cast %swap3A_1127 : vector<1x16xf32> to vector<16xf32>
        %swap3A_1129 = vector.shape_cast %get3A_1124 : vector<16xf32> to vector<1x16xf32>
        tpu.vector_store %arg9[%swap3A_1125, %swap3A_1126], %swap3A_1129 {add = true, strides = array<i32>} : memref<64x384xf32, #tpu.memory_space<vmem>>, vector<1x16xf32>,
        %get3A_1130 = arith.index_cast %scan3A_1040 : i32 to index
        %get3A_1131 = arith.constant 160 : index
        %get3A_1132 = tpu.vector_load %arg6[%get3A_1130, %get3A_1131] {strides = array<i32>} : memref<64x384xf32, #tpu.memory_space<vmem>>, vector<1x16xf32>,
        %get3A_1133 = vector.shape_cast %get3A_1132 : vector<1x16xf32> to vector<16xf32>
        %swap3A_1134 = arith.index_cast %scan3A_1040 : i32 to index
        %swap3A_1135 = arith.constant 160 : index
        %swap3A_1136 = tpu.vector_load %arg9[%swap3A_1134, %swap3A_1135] {strides = array<i32>} : memref<64x384xf32, #tpu.memory_space<vmem>>, vector<1x16xf32>,
        %swap3A_1137 = vector.shape_cast %swap3A_1136 : vector<1x16xf32> to vector<16xf32>
        %swap3A_1138 = vector.shape_cast %get3A_1133 : vector<16xf32> to vector<1x16xf32>
        tpu.vector_store %arg9[%swap3A_1134, %swap3A_1135], %swap3A_1138 {add = true, strides = array<i32>} : memref<64x384xf32, #tpu.memory_space<vmem>>, vector<1x16xf32>,
        %get3A_1139 = arith.index_cast %scan3A_1040 : i32 to index
        %get3A_1140 = arith.constant 176 : index
        %get3A_1141 = tpu.vector_load %arg6[%get3A_1139, %get3A_1140] {strides = array<i32>} : memref<64x384xf32, #tpu.memory_space<vmem>>, vector<1x16xf32>,
        %get3A_1142 = vector.shape_cast %get3A_1141 : vector<1x16xf32> to vector<16xf32>
        %swap3A_1143 = arith.index_cast %scan3A_1040 : i32 to index
        %swap3A_1144 = arith.constant 176 : index
        %swap3A_1145 = tpu.vector_load %arg9[%swap3A_1143, %swap3A_1144] {strides = array<i32>} : memref<64x384xf32, #tpu.memory_space<vmem>>, vector<1x16xf32>,
        %swap3A_1146 = vector.shape_cast %swap3A_1145 : vector<1x16xf32> to vector<16xf32>
        %swap3A_1147 = vector.shape_cast %get3A_1142 : vector<16xf32> to vector<1x16xf32>
        tpu.vector_store %arg9[%swap3A_1143, %swap3A_1144], %swap3A_1147 {add = true, strides = array<i32>} : memref<64x384xf32, #tpu.memory_space<vmem>>, vector<1x16xf32>,
        %get3A_1148 = arith.index_cast %scan3A_1040 : i32 to index
        %get3A_1149 = arith.constant 192 : index
        %get3A_1150 = tpu.vector_load %arg6[%get3A_1148, %get3A_1149] {strides = array<i32>} : memref<64x384xf32, #tpu.memory_space<vmem>>, vector<1x16xf32>,
        %get3A_1151 = vector.shape_cast %get3A_1150 : vector<1x16xf32> to vector<16xf32>
        %swap3A_1152 = arith.index_cast %scan3A_1040 : i32 to index
        %swap3A_1153 = arith.constant 192 : index
        %swap3A_1154 = tpu.vector_load %arg9[%swap3A_1152, %swap3A_1153] {strides = array<i32>} : memref<64x384xf32, #tpu.memory_space<vmem>>, vector<1x16xf32>,
        %swap3A_1155 = vector.shape_cast %swap3A_1154 : vector<1x16xf32> to vector<16xf32>
        %swap3A_1156 = vector.shape_cast %get3A_1151 : vector<16xf32> to vector<1x16xf32>
        tpu.vector_store %arg9[%swap3A_1152, %swap3A_1153], %swap3A_1156 {add = true, strides = array<i32>} : memref<64x384xf32, #tpu.memory_space<vmem>>, vector<1x16xf32>,
        %get3A_1157 = arith.index_cast %scan3A_1040 : i32 to index
        %get3A_1158 = arith.constant 208 : index
        %get3A_1159 = tpu.vector_load %arg6[%get3A_1157, %get3A_1158] {strides = array<i32>} : memref<64x384xf32, #tpu.memory_space<vmem>>, vector<1x16xf32>,
        %get3A_1160 = vector.shape_cast %get3A_1159 : vector<1x16xf32> to vector<16xf32>
        %swap3A_1161 = arith.index_cast %scan3A_1040 : i32 to index
        %swap3A_1162 = arith.constant 208 : index
        %swap3A_1163 = tpu.vector_load %arg9[%swap3A_1161, %swap3A_1162] {strides = array<i32>} : memref<64x384xf32, #tpu.memory_space<vmem>>, vector<1x16xf32>,
        %swap3A_1164 = vector.shape_cast %swap3A_1163 : vector<1x16xf32> to vector<16xf32>
        %swap3A_1165 = vector.shape_cast %get3A_1160 : vector<16xf32> to vector<1x16xf32>
        tpu.vector_store %arg9[%swap3A_1161, %swap3A_1162], %swap3A_1165 {add = true, strides = array<i32>} : memref<64x384xf32, #tpu.memory_space<vmem>>, vector<1x16xf32>,
        %get3A_1166 = arith.index_cast %scan3A_1040 : i32 to index
        %get3A_1167 = arith.constant 224 : index
        %get3A_1168 = tpu.vector_load %arg6[%get3A_1166, %get3A_1167] {strides = array<i32>} : memref<64x384xf32, #tpu.memory_space<vmem>>, vector<1x16xf32>,
        %get3A_1169 = vector.shape_cast %get3A_1168 : vector<1x16xf32> to vector<16xf32>
        %swap3A_1170 = arith.index_cast %scan3A_1040 : i32 to index
        %swap3A_1171 = arith.constant 224 : index
        %swap3A_1172 = tpu.vector_load %arg9[%swap3A_1170, %swap3A_1171] {strides = array<i32>} : memref<64x384xf32, #tpu.memory_space<vmem>>, vector<1x16xf32>,
        %swap3A_1173 = vector.shape_cast %swap3A_1172 : vector<1x16xf32> to vector<16xf32>
        %swap3A_1174 = vector.shape_cast %get3A_1169 : vector<16xf32> to vector<1x16xf32>
        tpu.vector_store %arg9[%swap3A_1170, %swap3A_1171], %swap3A_1174 {add = true, strides = array<i32>} : memref<64x384xf32, #tpu.memory_space<vmem>>, vector<1x16xf32>,
        %get3A_1175 = arith.index_cast %scan3A_1040 : i32 to index
        %get3A_1176 = arith.constant 240 : index
        %get3A_1177 = tpu.vector_load %arg6[%get3A_1175, %get3A_1176] {strides = array<i32>} : memref<64x384xf32, #tpu.memory_space<vmem>>, vector<1x16xf32>,
        %get3A_1178 = vector.shape_cast %get3A_1177 : vector<1x16xf32> to vector<16xf32>
        %swap3A_1179 = arith.index_cast %scan3A_1040 : i32 to index
        %swap3A_1180 = arith.constant 240 : index
        %swap3A_1181 = tpu.vector_load %arg9[%swap3A_1179, %swap3A_1180] {strides = array<i32>} : memref<64x384xf32, #tpu.memory_space<vmem>>, vector<1x16xf32>,
        %swap3A_1182 = vector.shape_cast %swap3A_1181 : vector<1x16xf32> to vector<16xf32>
        %swap3A_1183 = vector.shape_cast %get3A_1178 : vector<16xf32> to vector<1x16xf32>
        tpu.vector_store %arg9[%swap3A_1179, %swap3A_1180], %swap3A_1183 {add = true, strides = array<i32>} : memref<64x384xf32, #tpu.memory_space<vmem>>, vector<1x16xf32>,
        %get3A_1184 = arith.index_cast %scan3A_1040 : i32 to index
        %get3A_1185 = arith.constant 256 : index
        %get3A_1186 = tpu.vector_load %arg6[%get3A_1184, %get3A_1185] {strides = array<i32>} : memref<64x384xf32, #tpu.memory_space<vmem>>, vector<1x16xf32>,
        %get3A_1187 = vector.shape_cast %get3A_1186 : vector<1x16xf32> to vector<16xf32>
        %swap3A_1188 = arith.index_cast %scan3A_1040 : i32 to index
        %swap3A_1189 = arith.constant 256 : index
        %swap3A_1190 = tpu.vector_load %arg9[%swap3A_1188, %swap3A_1189] {strides = array<i32>} : memref<64x384xf32, #tpu.memory_space<vmem>>, vector<1x16xf32>,
        %swap3A_1191 = vector.shape_cast %swap3A_1190 : vector<1x16xf32> to vector<16xf32>
        %swap3A_1192 = vector.shape_cast %get3A_1187 : vector<16xf32> to vector<1x16xf32>
        tpu.vector_store %arg9[%swap3A_1188, %swap3A_1189], %swap3A_1192 {add = true, strides = array<i32>} : memref<64x384xf32, #tpu.memory_space<vmem>>, vector<1x16xf32>,
        %get3A_1193 = arith.index_cast %scan3A_1040 : i32 to index
        %get3A_1194 = arith.constant 272 : index
        %get3A_1195 = tpu.vector_load %arg6[%get3A_1193, %get3A_1194] {strides = array<i32>} : memref<64x384xf32, #tpu.memory_space<vmem>>, vector<1x16xf32>,
        %get3A_1196 = vector.shape_cast %get3A_1195 : vector<1x16xf32> to vector<16xf32>
        %swap3A_1197 = arith.index_cast %scan3A_1040 : i32 to index
        %swap3A_1198 = arith.constant 272 : index
        %swap3A_1199 = tpu.vector_load %arg9[%swap3A_1197, %swap3A_1198] {strides = array<i32>} : memref<64x384xf32, #tpu.memory_space<vmem>>, vector<1x16xf32>,
        %swap3A_1200 = vector.shape_cast %swap3A_1199 : vector<1x16xf32> to vector<16xf32>
        %swap3A_1201 = vector.shape_cast %get3A_1196 : vector<16xf32> to vector<1x16xf32>
        tpu.vector_store %arg9[%swap3A_1197, %swap3A_1198], %swap3A_1201 {add = true, strides = array<i32>} : memref<64x384xf32, #tpu.memory_space<vmem>>, vector<1x16xf32>,
        %get3A_1202 = arith.index_cast %scan3A_1040 : i32 to index
        %get3A_1203 = arith.constant 288 : index
        %get3A_1204 = tpu.vector_load %arg6[%get3A_1202, %get3A_1203] {strides = array<i32>} : memref<64x384xf32, #tpu.memory_space<vmem>>, vector<1x16xf32>,
        %get3A_1205 = vector.shape_cast %get3A_1204 : vector<1x16xf32> to vector<16xf32>
        %swap3A_1206 = arith.index_cast %scan3A_1040 : i32 to index
        %swap3A_1207 = arith.constant 288 : index
        %swap3A_1208 = tpu.vector_load %arg9[%swap3A_1206, %swap3A_1207] {strides = array<i32>} : memref<64x384xf32, #tpu.memory_space<vmem>>, vector<1x16xf32>,
        %swap3A_1209 = vector.shape_cast %swap3A_1208 : vector<1x16xf32> to vector<16xf32>
        %swap3A_1210 = vector.shape_cast %get3A_1205 : vector<16xf32> to vector<1x16xf32>
        tpu.vector_store %arg9[%swap3A_1206, %swap3A_1207], %swap3A_1210 {add = true, strides = array<i32>} : memref<64x384xf32, #tpu.memory_space<vmem>>, vector<1x16xf32>,
        %get3A_1211 = arith.index_cast %scan3A_1040 : i32 to index
        %get3A_1212 = arith.constant 304 : index
        %get3A_1213 = tpu.vector_load %arg6[%get3A_1211, %get3A_1212] {strides = array<i32>} : memref<64x384xf32, #tpu.memory_space<vmem>>, vector<1x16xf32>,
        %get3A_1214 = vector.shape_cast %get3A_1213 : vector<1x16xf32> to vector<16xf32>
        %swap3A_1215 = arith.index_cast %scan3A_1040 : i32 to index
        %swap3A_1216 = arith.constant 304 : index
        %swap3A_1217 = tpu.vector_load %arg9[%swap3A_1215, %swap3A_1216] {strides = array<i32>} : memref<64x384xf32, #tpu.memory_space<vmem>>, vector<1x16xf32>,
        %swap3A_1218 = vector.shape_cast %swap3A_1217 : vector<1x16xf32> to vector<16xf32>
        %swap3A_1219 = vector.shape_cast %get3A_1214 : vector<16xf32> to vector<1x16xf32>
        tpu.vector_store %arg9[%swap3A_1215, %swap3A_1216], %swap3A_1219 {add = true, strides = array<i32>} : memref<64x384xf32, #tpu.memory_space<vmem>>, vector<1x16xf32>,
        %get3A_1220 = arith.index_cast %scan3A_1040 : i32 to index
        %get3A_1221 = arith.constant 320 : index
        %get3A_1222 = tpu.vector_load %arg6[%get3A_1220, %get3A_1221] {strides = array<i32>} : memref<64x384xf32, #tpu.memory_space<vmem>>, vector<1x16xf32>,
        %get3A_1223 = vector.shape_cast %get3A_1222 : vector<1x16xf32> to vector<16xf32>
        %swap3A_1224 = arith.index_cast %scan3A_1040 : i32 to index
        %swap3A_1225 = arith.constant 320 : index
        %swap3A_1226 = tpu.vector_load %arg9[%swap3A_1224, %swap3A_1225] {strides = array<i32>} : memref<64x384xf32, #tpu.memory_space<vmem>>, vector<1x16xf32>,
        %swap3A_1227 = vector.shape_cast %swap3A_1226 : vector<1x16xf32> to vector<16xf32>
        %swap3A_1228 = vector.shape_cast %get3A_1223 : vector<16xf32> to vector<1x16xf32>
        tpu.vector_store %arg9[%swap3A_1224, %swap3A_1225], %swap3A_1228 {add = true, strides = array<i32>} : memref<64x384xf32, #tpu.memory_space<vmem>>, vector<1x16xf32>,
        %get3A_1229 = arith.index_cast %scan3A_1040 : i32 to index
        %get3A_1230 = arith.constant 336 : index
        %get3A_1231 = tpu.vector_load %arg6[%get3A_1229, %get3A_1230] {strides = array<i32>} : memref<64x384xf32, #tpu.memory_space<vmem>>, vector<1x16xf32>,
        %get3A_1232 = vector.shape_cast %get3A_1231 : vector<1x16xf32> to vector<16xf32>
        %swap3A_1233 = arith.index_cast %scan3A_1040 : i32 to index
        %swap3A_1234 = arith.constant 336 : index
        %swap3A_1235 = tpu.vector_load %arg9[%swap3A_1233, %swap3A_1234] {strides = array<i32>} : memref<64x384xf32, #tpu.memory_space<vmem>>, vector<1x16xf32>,
        %swap3A_1236 = vector.shape_cast %swap3A_1235 : vector<1x16xf32> to vector<16xf32>
        %swap3A_1237 = vector.shape_cast %get3A_1232 : vector<16xf32> to vector<1x16xf32>
        tpu.vector_store %arg9[%swap3A_1233, %swap3A_1234], %swap3A_1237 {add = true, strides = array<i32>} : memref<64x384xf32, #tpu.memory_space<vmem>>, vector<1x16xf32>,
        %get3A_1238 = arith.index_cast %scan3A_1040 : i32 to index
        %get3A_1239 = arith.constant 352 : index
        %get3A_1240 = tpu.vector_load %arg6[%get3A_1238, %get3A_1239] {strides = array<i32>} : memref<64x384xf32, #tpu.memory_space<vmem>>, vector<1x16xf32>,
        %get3A_1241 = vector.shape_cast %get3A_1240 : vector<1x16xf32> to vector<16xf32>
        %swap3A_1242 = arith.index_cast %scan3A_1040 : i32 to index
        %swap3A_1243 = arith.constant 352 : index
        %swap3A_1244 = tpu.vector_load %arg9[%swap3A_1242, %swap3A_1243] {strides = array<i32>} : memref<64x384xf32, #tpu.memory_space<vmem>>, vector<1x16xf32>,
        %swap3A_1245 = vector.shape_cast %swap3A_1244 : vector<1x16xf32> to vector<16xf32>
        %swap3A_1246 = vector.shape_cast %get3A_1241 : vector<16xf32> to vector<1x16xf32>
        tpu.vector_store %arg9[%swap3A_1242, %swap3A_1243], %swap3A_1246 {add = true, strides = array<i32>} : memref<64x384xf32, #tpu.memory_space<vmem>>, vector<1x16xf32>,
        %get3A_1247 = arith.index_cast %scan3A_1040 : i32 to index
        %get3A_1248 = arith.constant 368 : index
        %get3A_1249 = tpu.vector_load %arg6[%get3A_1247, %get3A_1248] {strides = array<i32>} : memref<64x384xf32, #tpu.memory_space<vmem>>, vector<1x16xf32>,
        %get3A_1250 = vector.shape_cast %get3A_1249 : vector<1x16xf32> to vector<16xf32>
        %swap3A_1251 = arith.index_cast %scan3A_1040 : i32 to index
        %swap3A_1252 = arith.constant 368 : index
        %swap3A_1253 = tpu.vector_load %arg9[%swap3A_1251, %swap3A_1252] {strides = array<i32>} : memref<64x384xf32, #tpu.memory_space<vmem>>, vector<1x16xf32>,
        %swap3A_1254 = vector.shape_cast %swap3A_1253 : vector<1x16xf32> to vector<16xf32>
        %swap3A_1255 = vector.shape_cast %get3A_1250 : vector<16xf32> to vector<1x16xf32>
        tpu.vector_store %arg9[%swap3A_1251, %swap3A_1252], %swap3A_1255 {add = true, strides = array<i32>} : memref<64x384xf32, #tpu.memory_space<vmem>>, vector<1x16xf32>,
      }
      %scan3A_994 = arith.constant 64 : i32
      %mul3A_995 = arith.constant 2048 : i32
      %mul3A_996 = arith.muli %add3A_965, %mul3A_995 : i32
      %add3A_997 = arith.addi %mul3A_996, %mul3A_2 : i32
      %dma_start3A_998 = arith.constant 0 : i32
      %dma_start3A_999 = tpu.memref_slice %arg5[%add3A_997, %dma_start3A_998] : memref<65536x384xf32, #tpu.memory_space<hbm>> -> memref<64x384xf32, #tpu.memory_space<hbm>>
      %dma_start3A_1000 = arith.constant 0 : i32
      %dma_start3A_1001 = tpu.memref_slice %arg5[%add3A_997, %dma_start3A_1000] : memref<65536x384xf32, #tpu.memory_space<hbm>> -> memref<64x384xf32, #tpu.memory_space<hbm>>
      tpu.enqueue_dma source(%arg9 : memref<64x384xf32, #tpu.memory_space<vmem>>) target(%dma_start3A_1001 : memref<64x384xf32, #tpu.memory_space<hbm>>) target_semaphore(%arg19 : memref<!tpu.dma_semaphore, #tpu.memory_space<semaphore_mem>>)
      %add3A_1002 = arith.constant 3 : i32
      %add3A_1003 = arith.addi %add3A_890, %add3A_1002 : i32
      %sub3A_1004 = arith.constant 2 : i32
      %sub3A_1005 = arith.subi %add3A_1003, %sub3A_1004 : i32
      %mul3A_1006 = arith.constant 2048 : i32
      %mul3A_1007 = arith.muli %sub3A_1005, %mul3A_1006 : i32
      %add3A_1008 = arith.addi %mul3A_1007, %mul3A_2 : i32
      %dma_wait3A_1009 = arith.constant 0 : i32
      %dma_wait3A_1010 = tpu.memref_slice %arg5[%add3A_1008, %dma_wait3A_1009] : memref<65536x384xf32, #tpu.memory_space<hbm>> -> memref<64x384xf32, #tpu.memory_space<hbm>>
      %dma_wait3A_1011 = arith.constant 0 : i32
      %dma_wait3A_1012 = tpu.memref_slice %arg5[%add3A_1008, %dma_wait3A_1011] : memref<65536x384xf32, #tpu.memory_space<hbm>> -> memref<64x384xf32, #tpu.memory_space<hbm>>
      tpu.wait_dma2 semaphore(%arg22 : memref<!tpu.dma_semaphore, #tpu.memory_space<semaphore_mem>>) src(%arg12 : memref<64x384xf32, #tpu.memory_space<vmem>>) dst(%dma_wait3A_1012 : memref<64x384xf32, #tpu.memory_space<hbm>>)
      %add3A_1013 = arith.constant 2 : i32
      %add3A_1014 = arith.addi %add3A_1003, %add3A_1013 : i32
      %dma_start3A_1015 = arith.constant 0 : i32
      %dma_start3A_1016 = tpu.memref_slice %arg8[%add3A_1014, %dma_start3A_1015] : memref<32x64xi32, #tpu.memory_space<vmem>> -> memref<1x64xi32, #tpu.memory_space<vmem>>
      %dma_start3A_1017 = tpu.memref_squeeze %dma_start3A_1016 : memref<1x64xi32, #tpu.memory_space<vmem>> -> memref<64xi32, #tpu.memory_space<vmem>>
      %dma_start3A_1018 = arith.constant 0 : i32
      %dma_start3A_1019 = arith.constant 0 : i32
      %dma_start3A_1020 = tpu.memref_slice %arg3[%dma_start3A_1018, %dma_start3A_1019] : memref<100000x384xf32, #tpu.memory_space<hbm>> -> memref<100000x384xf32, #tpu.memory_space<hbm>>
      tpu.enqueue_indirect_dma source(%dma_start3A_1020 : memref<100000x384xf32, #tpu.memory_space<hbm>>) target(%arg12 : memref<64x384xf32, #tpu.memory_space<vmem>>) offsets(%dma_start3A_1017 : memref<64xi32, #tpu.memory_space<vmem>>) semaphore(%arg18 : memref<!tpu.dma_semaphore, #tpu.memory_space<semaphore_mem>>)
      %dma_wait3A_1021 = arith.constant 0 : i32
      %dma_wait3A_1022 = tpu.memref_slice %arg8[%add3A_1003, %dma_wait3A_1021] : memref<32x64xi32, #tpu.memory_space<vmem>> -> memref<1x64xi32, #tpu.memory_space<vmem>>
      %dma_wait3A_1023 = tpu.memref_squeeze %dma_wait3A_1022 : memref<1x64xi32, #tpu.memory_space<vmem>> -> memref<64xi32, #tpu.memory_space<vmem>>
      %dma_wait3A_1024 = arith.constant 0 : i32
      %dma_wait3A_1025 = arith.constant 0 : i32
      %dma_wait3A_1026 = tpu.memref_slice %arg3[%dma_wait3A_1024, %dma_wait3A_1025] : memref<100000x384xf32, #tpu.memory_space<hbm>> -> memref<100000x384xf32, #tpu.memory_space<hbm>>
      tpu.wait_indirect_dma semaphore(%arg16 : memref<!tpu.dma_semaphore, #tpu.memory_space<semaphore_mem>>) src(%dma_wait3A_1026 : memref<100000x384xf32, #tpu.memory_space<hbm>>) dst(%arg10 : memref<64x384xf32, #tpu.memory_space<vmem>>)
      %scan3A_1027 = arith.constant 0 : i32
      %scan3A_1028 = arith.constant 0 : i32
      %scan3A_1029 = arith.constant 64 : i32
      %scan3A_1030 = arith.addi %scan3A_1028, %scan3A_1029 : i32
      %scan3A_1031 = arith.constant 1 : i32
      scf.for %scan3A_1040 = %scan3A_1028 to %scan3A_1030 step %scan3A_1031  : i32 {
        %get3A = arith.index_cast %scan3A_1040 : i32 to index
        %get3A_1041 = arith.constant 0 : index
        %get3A_1042 = tpu.vector_load %arg6[%get3A, %get3A_1041] {strides = array<i32>} : memref<64x384xf32, #tpu.memory_space<vmem>>, vector<1x16xf32>,
        %get3A_1043 = vector.shape_cast %get3A_1042 : vector<1x16xf32> to vector<16xf32>
        %swap3A_1044 = arith.index_cast %scan3A_1040 : i32 to index
        %swap3A_1045 = arith.constant 0 : index
        %swap3A_1046 = tpu.vector_load %arg10[%swap3A_1044, %swap3A_1045] {strides = array<i32>} : memref<64x384xf32, #tpu.memory_space<vmem>>, vector<1x16xf32>,
        %swap3A_1047 = vector.shape_cast %swap3A_1046 : vector<1x16xf32> to vector<16xf32>
        %swap3A_1048 = vector.shape_cast %get3A_1043 : vector<16xf32> to vector<1x16xf32>
        tpu.vector_store %arg10[%swap3A_1044, %swap3A_1045], %swap3A_1048 {add = true, strides = array<i32>} : memref<64x384xf32, #tpu.memory_space<vmem>>, vector<1x16xf32>,
        %get3A_1049 = arith.index_cast %scan3A_1040 : i32 to index
        %get3A_1050 = arith.constant 16 : index
        %get3A_1051 = tpu.vector_load %arg6[%get3A_1049, %get3A_1050] {strides = array<i32>} : memref<64x384xf32, #tpu.memory_space<vmem>>, vector<1x16xf32>,
        %get3A_1052 = vector.shape_cast %get3A_1051 : vector<1x16xf32> to vector<16xf32>
        %swap3A_1053 = arith.index_cast %scan3A_1040 : i32 to index
        %swap3A_1054 = arith.constant 16 : index
        %swap3A_1055 = tpu.vector_load %arg10[%swap3A_1053, %swap3A_1054] {strides = array<i32>} : memref<64x384xf32, #tpu.memory_space<vmem>>, vector<1x16xf32>,
        %swap3A_1056 = vector.shape_cast %swap3A_1055 : vector<1x16xf32> to vector<16xf32>
        %swap3A_1057 = vector.shape_cast %get3A_1052 : vector<16xf32> to vector<1x16xf32>
        tpu.vector_store %arg10[%swap3A_1053, %swap3A_1054], %swap3A_1057 {add = true, strides = array<i32>} : memref<64x384xf32, #tpu.memory_space<vmem>>, vector<1x16xf32>,
        %get3A_1058 = arith.index_cast %scan3A_1040 : i32 to index
        %get3A_1059 = arith.constant 32 : index
        %get3A_1060 = tpu.vector_load %arg6[%get3A_1058, %get3A_1059] {strides = array<i32>} : memref<64x384xf32, #tpu.memory_space<vmem>>, vector<1x16xf32>,
        %get3A_1061 = vector.shape_cast %get3A_1060 : vector<1x16xf32> to vector<16xf32>
        %swap3A_1062 = arith.index_cast %scan3A_1040 : i32 to index
        %swap3A_1063 = arith.constant 32 : index
        %swap3A_1064 = tpu.vector_load %arg10[%swap3A_1062, %swap3A_1063] {strides = array<i32>} : memref<64x384xf32, #tpu.memory_space<vmem>>, vector<1x16xf32>,
        %swap3A_1065 = vector.shape_cast %swap3A_1064 : vector<1x16xf32> to vector<16xf32>
        %swap3A_1066 = vector.shape_cast %get3A_1061 : vector<16xf32> to vector<1x16xf32>
        tpu.vector_store %arg10[%swap3A_1062, %swap3A_1063], %swap3A_1066 {add = true, strides = array<i32>} : memref<64x384xf32, #tpu.memory_space<vmem>>, vector<1x16xf32>,
        %get3A_1067 = arith.index_cast %scan3A_1040 : i32 to index
        %get3A_1068 = arith.constant 48 : index
        %get3A_1069 = tpu.vector_load %arg6[%get3A_1067, %get3A_1068] {strides = array<i32>} : memref<64x384xf32, #tpu.memory_space<vmem>>, vector<1x16xf32>,
        %get3A_1070 = vector.shape_cast %get3A_1069 : vector<1x16xf32> to vector<16xf32>
        %swap3A_1071 = arith.index_cast %scan3A_1040 : i32 to index
        %swap3A_1072 = arith.constant 48 : index
        %swap3A_1073 = tpu.vector_load %arg10[%swap3A_1071, %swap3A_1072] {strides = array<i32>} : memref<64x384xf32, #tpu.memory_space<vmem>>, vector<1x16xf32>,
        %swap3A_1074 = vector.shape_cast %swap3A_1073 : vector<1x16xf32> to vector<16xf32>
        %swap3A_1075 = vector.shape_cast %get3A_1070 : vector<16xf32> to vector<1x16xf32>
        tpu.vector_store %arg10[%swap3A_1071, %swap3A_1072], %swap3A_1075 {add = true, strides = array<i32>} : memref<64x384xf32, #tpu.memory_space<vmem>>, vector<1x16xf32>,
        %get3A_1076 = arith.index_cast %scan3A_1040 : i32 to index
        %get3A_1077 = arith.constant 64 : index
        %get3A_1078 = tpu.vector_load %arg6[%get3A_1076, %get3A_1077] {strides = array<i32>} : memref<64x384xf32, #tpu.memory_space<vmem>>, vector<1x16xf32>,
        %get3A_1079 = vector.shape_cast %get3A_1078 : vector<1x16xf32> to vector<16xf32>
        %swap3A_1080 = arith.index_cast %scan3A_1040 : i32 to index
        %swap3A_1081 = arith.constant 64 : index
        %swap3A_1082 = tpu.vector_load %arg10[%swap3A_1080, %swap3A_1081] {strides = array<i32>} : memref<64x384xf32, #tpu.memory_space<vmem>>, vector<1x16xf32>,
        %swap3A_1083 = vector.shape_cast %swap3A_1082 : vector<1x16xf32> to vector<16xf32>
        %swap3A_1084 = vector.shape_cast %get3A_1079 : vector<16xf32> to vector<1x16xf32>
        tpu.vector_store %arg10[%swap3A_1080, %swap3A_1081], %swap3A_1084 {add = true, strides = array<i32>} : memref<64x384xf32, #tpu.memory_space<vmem>>, vector<1x16xf32>,
        %get3A_1085 = arith.index_cast %scan3A_1040 : i32 to index
        %get3A_1086 = arith.constant 80 : index
        %get3A_1087 = tpu.vector_load %arg6[%get3A_1085, %get3A_1086] {strides = array<i32>} : memref<64x384xf32, #tpu.memory_space<vmem>>, vector<1x16xf32>,
        %get3A_1088 = vector.shape_cast %get3A_1087 : vector<1x16xf32> to vector<16xf32>
        %swap3A_1089 = arith.index_cast %scan3A_1040 : i32 to index
        %swap3A_1090 = arith.constant 80 : index
        %swap3A_1091 = tpu.vector_load %arg10[%swap3A_1089, %swap3A_1090] {strides = array<i32>} : memref<64x384xf32, #tpu.memory_space<vmem>>, vector<1x16xf32>,
        %swap3A_1092 = vector.shape_cast %swap3A_1091 : vector<1x16xf32> to vector<16xf32>
        %swap3A_1093 = vector.shape_cast %get3A_1088 : vector<16xf32> to vector<1x16xf32>
        tpu.vector_store %arg10[%swap3A_1089, %swap3A_1090], %swap3A_1093 {add = true, strides = array<i32>} : memref<64x384xf32, #tpu.memory_space<vmem>>, vector<1x16xf32>,
        %get3A_1094 = arith.index_cast %scan3A_1040 : i32 to index
        %get3A_1095 = arith.constant 96 : index
        %get3A_1096 = tpu.vector_load %arg6[%get3A_1094, %get3A_1095] {strides = array<i32>} : memref<64x384xf32, #tpu.memory_space<vmem>>, vector<1x16xf32>,
        %get3A_1097 = vector.shape_cast %get3A_1096 : vector<1x16xf32> to vector<16xf32>
        %swap3A_1098 = arith.index_cast %scan3A_1040 : i32 to index
        %swap3A_1099 = arith.constant 96 : index
        %swap3A_1100 = tpu.vector_load %arg10[%swap3A_1098, %swap3A_1099] {strides = array<i32>} : memref<64x384xf32, #tpu.memory_space<vmem>>, vector<1x16xf32>,
        %swap3A_1101 = vector.shape_cast %swap3A_1100 : vector<1x16xf32> to vector<16xf32>
        %swap3A_1102 = vector.shape_cast %get3A_1097 : vector<16xf32> to vector<1x16xf32>
        tpu.vector_store %arg10[%swap3A_1098, %swap3A_1099], %swap3A_1102 {add = true, strides = array<i32>} : memref<64x384xf32, #tpu.memory_space<vmem>>, vector<1x16xf32>,
        %get3A_1103 = arith.index_cast %scan3A_1040 : i32 to index
        %get3A_1104 = arith.constant 112 : index
        %get3A_1105 = tpu.vector_load %arg6[%get3A_1103, %get3A_1104] {strides = array<i32>} : memref<64x384xf32, #tpu.memory_space<vmem>>, vector<1x16xf32>,
        %get3A_1106 = vector.shape_cast %get3A_1105 : vector<1x16xf32> to vector<16xf32>
        %swap3A_1107 = arith.index_cast %scan3A_1040 : i32 to index
        %swap3A_1108 = arith.constant 112 : index
        %swap3A_1109 = tpu.vector_load %arg10[%swap3A_1107, %swap3A_1108] {strides = array<i32>} : memref<64x384xf32, #tpu.memory_space<vmem>>, vector<1x16xf32>,
        %swap3A_1110 = vector.shape_cast %swap3A_1109 : vector<1x16xf32> to vector<16xf32>
        %swap3A_1111 = vector.shape_cast %get3A_1106 : vector<16xf32> to vector<1x16xf32>
        tpu.vector_store %arg10[%swap3A_1107, %swap3A_1108], %swap3A_1111 {add = true, strides = array<i32>} : memref<64x384xf32, #tpu.memory_space<vmem>>, vector<1x16xf32>,
        %get3A_1112 = arith.index_cast %scan3A_1040 : i32 to index
        %get3A_1113 = arith.constant 128 : index
        %get3A_1114 = tpu.vector_load %arg6[%get3A_1112, %get3A_1113] {strides = array<i32>} : memref<64x384xf32, #tpu.memory_space<vmem>>, vector<1x16xf32>,
        %get3A_1115 = vector.shape_cast %get3A_1114 : vector<1x16xf32> to vector<16xf32>
        %swap3A_1116 = arith.index_cast %scan3A_1040 : i32 to index
        %swap3A_1117 = arith.constant 128 : index
        %swap3A_1118 = tpu.vector_load %arg10[%swap3A_1116, %swap3A_1117] {strides = array<i32>} : memref<64x384xf32, #tpu.memory_space<vmem>>, vector<1x16xf32>,
        %swap3A_1119 = vector.shape_cast %swap3A_1118 : vector<1x16xf32> to vector<16xf32>
        %swap3A_1120 = vector.shape_cast %get3A_1115 : vector<16xf32> to vector<1x16xf32>
        tpu.vector_store %arg10[%swap3A_1116, %swap3A_1117], %swap3A_1120 {add = true, strides = array<i32>} : memref<64x384xf32, #tpu.memory_space<vmem>>, vector<1x16xf32>,
        %get3A_1121 = arith.index_cast %scan3A_1040 : i32 to index
        %get3A_1122 = arith.constant 144 : index
        %get3A_1123 = tpu.vector_load %arg6[%get3A_1121, %get3A_1122] {strides = array<i32>} : memref<64x384xf32, #tpu.memory_space<vmem>>, vector<1x16xf32>,
        %get3A_1124 = vector.shape_cast %get3A_1123 : vector<1x16xf32> to vector<16xf32>
        %swap3A_1125 = arith.index_cast %scan3A_1040 : i32 to index
        %swap3A_1126 = arith.constant 144 : index
        %swap3A_1127 = tpu.vector_load %arg10[%swap3A_1125, %swap3A_1126] {strides = array<i32>} : memref<64x384xf32, #tpu.memory_space<vmem>>, vector<1x16xf32>,
        %swap3A_1128 = vector.shape_cast %swap3A_1127 : vector<1x16xf32> to vector<16xf32>
        %swap3A_1129 = vector.shape_cast %get3A_1124 : vector<16xf32> to vector<1x16xf32>
        tpu.vector_store %arg10[%swap3A_1125, %swap3A_1126], %swap3A_1129 {add = true, strides = array<i32>} : memref<64x384xf32, #tpu.memory_space<vmem>>, vector<1x16xf32>,
        %get3A_1130 = arith.index_cast %scan3A_1040 : i32 to index
        %get3A_1131 = arith.constant 160 : index
        %get3A_1132 = tpu.vector_load %arg6[%get3A_1130, %get3A_1131] {strides = array<i32>} : memref<64x384xf32, #tpu.memory_space<vmem>>, vector<1x16xf32>,
        %get3A_1133 = vector.shape_cast %get3A_1132 : vector<1x16xf32> to vector<16xf32>
        %swap3A_1134 = arith.index_cast %scan3A_1040 : i32 to index
        %swap3A_1135 = arith.constant 160 : index
        %swap3A_1136 = tpu.vector_load %arg10[%swap3A_1134, %swap3A_1135] {strides = array<i32>} : memref<64x384xf32, #tpu.memory_space<vmem>>, vector<1x16xf32>,
        %swap3A_1137 = vector.shape_cast %swap3A_1136 : vector<1x16xf32> to vector<16xf32>
        %swap3A_1138 = vector.shape_cast %get3A_1133 : vector<16xf32> to vector<1x16xf32>
        tpu.vector_store %arg10[%swap3A_1134, %swap3A_1135], %swap3A_1138 {add = true, strides = array<i32>} : memref<64x384xf32, #tpu.memory_space<vmem>>, vector<1x16xf32>,
        %get3A_1139 = arith.index_cast %scan3A_1040 : i32 to index
        %get3A_1140 = arith.constant 176 : index
        %get3A_1141 = tpu.vector_load %arg6[%get3A_1139, %get3A_1140] {strides = array<i32>} : memref<64x384xf32, #tpu.memory_space<vmem>>, vector<1x16xf32>,
        %get3A_1142 = vector.shape_cast %get3A_1141 : vector<1x16xf32> to vector<16xf32>
        %swap3A_1143 = arith.index_cast %scan3A_1040 : i32 to index
        %swap3A_1144 = arith.constant 176 : index
        %swap3A_1145 = tpu.vector_load %arg10[%swap3A_1143, %swap3A_1144] {strides = array<i32>} : memref<64x384xf32, #tpu.memory_space<vmem>>, vector<1x16xf32>,
        %swap3A_1146 = vector.shape_cast %swap3A_1145 : vector<1x16xf32> to vector<16xf32>
        %swap3A_1147 = vector.shape_cast %get3A_1142 : vector<16xf32> to vector<1x16xf32>
        tpu.vector_store %arg10[%swap3A_1143, %swap3A_1144], %swap3A_1147 {add = true, strides = array<i32>} : memref<64x384xf32, #tpu.memory_space<vmem>>, vector<1x16xf32>,
        %get3A_1148 = arith.index_cast %scan3A_1040 : i32 to index
        %get3A_1149 = arith.constant 192 : index
        %get3A_1150 = tpu.vector_load %arg6[%get3A_1148, %get3A_1149] {strides = array<i32>} : memref<64x384xf32, #tpu.memory_space<vmem>>, vector<1x16xf32>,
        %get3A_1151 = vector.shape_cast %get3A_1150 : vector<1x16xf32> to vector<16xf32>
        %swap3A_1152 = arith.index_cast %scan3A_1040 : i32 to index
        %swap3A_1153 = arith.constant 192 : index
        %swap3A_1154 = tpu.vector_load %arg10[%swap3A_1152, %swap3A_1153] {strides = array<i32>} : memref<64x384xf32, #tpu.memory_space<vmem>>, vector<1x16xf32>,
        %swap3A_1155 = vector.shape_cast %swap3A_1154 : vector<1x16xf32> to vector<16xf32>
        %swap3A_1156 = vector.shape_cast %get3A_1151 : vector<16xf32> to vector<1x16xf32>
        tpu.vector_store %arg10[%swap3A_1152, %swap3A_1153], %swap3A_1156 {add = true, strides = array<i32>} : memref<64x384xf32, #tpu.memory_space<vmem>>, vector<1x16xf32>,
        %get3A_1157 = arith.index_cast %scan3A_1040 : i32 to index
        %get3A_1158 = arith.constant 208 : index
        %get3A_1159 = tpu.vector_load %arg6[%get3A_1157, %get3A_1158] {strides = array<i32>} : memref<64x384xf32, #tpu.memory_space<vmem>>, vector<1x16xf32>,
        %get3A_1160 = vector.shape_cast %get3A_1159 : vector<1x16xf32> to vector<16xf32>
        %swap3A_1161 = arith.index_cast %scan3A_1040 : i32 to index
        %swap3A_1162 = arith.constant 208 : index
        %swap3A_1163 = tpu.vector_load %arg10[%swap3A_1161, %swap3A_1162] {strides = array<i32>} : memref<64x384xf32, #tpu.memory_space<vmem>>, vector<1x16xf32>,
        %swap3A_1164 = vector.shape_cast %swap3A_1163 : vector<1x16xf32> to vector<16xf32>
        %swap3A_1165 = vector.shape_cast %get3A_1160 : vector<16xf32> to vector<1x16xf32>
        tpu.vector_store %arg10[%swap3A_1161, %swap3A_1162], %swap3A_1165 {add = true, strides = array<i32>} : memref<64x384xf32, #tpu.memory_space<vmem>>, vector<1x16xf32>,
        %get3A_1166 = arith.index_cast %scan3A_1040 : i32 to index
        %get3A_1167 = arith.constant 224 : index
        %get3A_1168 = tpu.vector_load %arg6[%get3A_1166, %get3A_1167] {strides = array<i32>} : memref<64x384xf32, #tpu.memory_space<vmem>>, vector<1x16xf32>,
        %get3A_1169 = vector.shape_cast %get3A_1168 : vector<1x16xf32> to vector<16xf32>
        %swap3A_1170 = arith.index_cast %scan3A_1040 : i32 to index
        %swap3A_1171 = arith.constant 224 : index
        %swap3A_1172 = tpu.vector_load %arg10[%swap3A_1170, %swap3A_1171] {strides = array<i32>} : memref<64x384xf32, #tpu.memory_space<vmem>>, vector<1x16xf32>,
        %swap3A_1173 = vector.shape_cast %swap3A_1172 : vector<1x16xf32> to vector<16xf32>
        %swap3A_1174 = vector.shape_cast %get3A_1169 : vector<16xf32> to vector<1x16xf32>
        tpu.vector_store %arg10[%swap3A_1170, %swap3A_1171], %swap3A_1174 {add = true, strides = array<i32>} : memref<64x384xf32, #tpu.memory_space<vmem>>, vector<1x16xf32>,
        %get3A_1175 = arith.index_cast %scan3A_1040 : i32 to index
        %get3A_1176 = arith.constant 240 : index
        %get3A_1177 = tpu.vector_load %arg6[%get3A_1175, %get3A_1176] {strides = array<i32>} : memref<64x384xf32, #tpu.memory_space<vmem>>, vector<1x16xf32>,
        %get3A_1178 = vector.shape_cast %get3A_1177 : vector<1x16xf32> to vector<16xf32>
        %swap3A_1179 = arith.index_cast %scan3A_1040 : i32 to index
        %swap3A_1180 = arith.constant 240 : index
        %swap3A_1181 = tpu.vector_load %arg10[%swap3A_1179, %swap3A_1180] {strides = array<i32>} : memref<64x384xf32, #tpu.memory_space<vmem>>, vector<1x16xf32>,
        %swap3A_1182 = vector.shape_cast %swap3A_1181 : vector<1x16xf32> to vector<16xf32>
        %swap3A_1183 = vector.shape_cast %get3A_1178 : vector<16xf32> to vector<1x16xf32>
        tpu.vector_store %arg10[%swap3A_1179, %swap3A_1180], %swap3A_1183 {add = true, strides = array<i32>} : memref<64x384xf32, #tpu.memory_space<vmem>>, vector<1x16xf32>,
        %get3A_1184 = arith.index_cast %scan3A_1040 : i32 to index
        %get3A_1185 = arith.constant 256 : index
        %get3A_1186 = tpu.vector_load %arg6[%get3A_1184, %get3A_1185] {strides = array<i32>} : memref<64x384xf32, #tpu.memory_space<vmem>>, vector<1x16xf32>,
        %get3A_1187 = vector.shape_cast %get3A_1186 : vector<1x16xf32> to vector<16xf32>
        %swap3A_1188 = arith.index_cast %scan3A_1040 : i32 to index
        %swap3A_1189 = arith.constant 256 : index
        %swap3A_1190 = tpu.vector_load %arg10[%swap3A_1188, %swap3A_1189] {strides = array<i32>} : memref<64x384xf32, #tpu.memory_space<vmem>>, vector<1x16xf32>,
        %swap3A_1191 = vector.shape_cast %swap3A_1190 : vector<1x16xf32> to vector<16xf32>
        %swap3A_1192 = vector.shape_cast %get3A_1187 : vector<16xf32> to vector<1x16xf32>
        tpu.vector_store %arg10[%swap3A_1188, %swap3A_1189], %swap3A_1192 {add = true, strides = array<i32>} : memref<64x384xf32, #tpu.memory_space<vmem>>, vector<1x16xf32>,
        %get3A_1193 = arith.index_cast %scan3A_1040 : i32 to index
        %get3A_1194 = arith.constant 272 : index
        %get3A_1195 = tpu.vector_load %arg6[%get3A_1193, %get3A_1194] {strides = array<i32>} : memref<64x384xf32, #tpu.memory_space<vmem>>, vector<1x16xf32>,
        %get3A_1196 = vector.shape_cast %get3A_1195 : vector<1x16xf32> to vector<16xf32>
        %swap3A_1197 = arith.index_cast %scan3A_1040 : i32 to index
        %swap3A_1198 = arith.constant 272 : index
        %swap3A_1199 = tpu.vector_load %arg10[%swap3A_1197, %swap3A_1198] {strides = array<i32>} : memref<64x384xf32, #tpu.memory_space<vmem>>, vector<1x16xf32>,
        %swap3A_1200 = vector.shape_cast %swap3A_1199 : vector<1x16xf32> to vector<16xf32>
        %swap3A_1201 = vector.shape_cast %get3A_1196 : vector<16xf32> to vector<1x16xf32>
        tpu.vector_store %arg10[%swap3A_1197, %swap3A_1198], %swap3A_1201 {add = true, strides = array<i32>} : memref<64x384xf32, #tpu.memory_space<vmem>>, vector<1x16xf32>,
        %get3A_1202 = arith.index_cast %scan3A_1040 : i32 to index
        %get3A_1203 = arith.constant 288 : index
        %get3A_1204 = tpu.vector_load %arg6[%get3A_1202, %get3A_1203] {strides = array<i32>} : memref<64x384xf32, #tpu.memory_space<vmem>>, vector<1x16xf32>,
        %get3A_1205 = vector.shape_cast %get3A_1204 : vector<1x16xf32> to vector<16xf32>
        %swap3A_1206 = arith.index_cast %scan3A_1040 : i32 to index
        %swap3A_1207 = arith.constant 288 : index
        %swap3A_1208 = tpu.vector_load %arg10[%swap3A_1206, %swap3A_1207] {strides = array<i32>} : memref<64x384xf32, #tpu.memory_space<vmem>>, vector<1x16xf32>,
        %swap3A_1209 = vector.shape_cast %swap3A_1208 : vector<1x16xf32> to vector<16xf32>
        %swap3A_1210 = vector.shape_cast %get3A_1205 : vector<16xf32> to vector<1x16xf32>
        tpu.vector_store %arg10[%swap3A_1206, %swap3A_1207], %swap3A_1210 {add = true, strides = array<i32>} : memref<64x384xf32, #tpu.memory_space<vmem>>, vector<1x16xf32>,
        %get3A_1211 = arith.index_cast %scan3A_1040 : i32 to index
        %get3A_1212 = arith.constant 304 : index
        %get3A_1213 = tpu.vector_load %arg6[%get3A_1211, %get3A_1212] {strides = array<i32>} : memref<64x384xf32, #tpu.memory_space<vmem>>, vector<1x16xf32>,
        %get3A_1214 = vector.shape_cast %get3A_1213 : vector<1x16xf32> to vector<16xf32>
        %swap3A_1215 = arith.index_cast %scan3A_1040 : i32 to index
        %swap3A_1216 = arith.constant 304 : index
        %swap3A_1217 = tpu.vector_load %arg10[%swap3A_1215, %swap3A_1216] {strides = array<i32>} : memref<64x384xf32, #tpu.memory_space<vmem>>, vector<1x16xf32>,
        %swap3A_1218 = vector.shape_cast %swap3A_1217 : vector<1x16xf32> to vector<16xf32>
        %swap3A_1219 = vector.shape_cast %get3A_1214 : vector<16xf32> to vector<1x16xf32>
        tpu.vector_store %arg10[%swap3A_1215, %swap3A_1216], %swap3A_1219 {add = true, strides = array<i32>} : memref<64x384xf32, #tpu.memory_space<vmem>>, vector<1x16xf32>,
        %get3A_1220 = arith.index_cast %scan3A_1040 : i32 to index
        %get3A_1221 = arith.constant 320 : index
        %get3A_1222 = tpu.vector_load %arg6[%get3A_1220, %get3A_1221] {strides = array<i32>} : memref<64x384xf32, #tpu.memory_space<vmem>>, vector<1x16xf32>,
        %get3A_1223 = vector.shape_cast %get3A_1222 : vector<1x16xf32> to vector<16xf32>
        %swap3A_1224 = arith.index_cast %scan3A_1040 : i32 to index
        %swap3A_1225 = arith.constant 320 : index
        %swap3A_1226 = tpu.vector_load %arg10[%swap3A_1224, %swap3A_1225] {strides = array<i32>} : memref<64x384xf32, #tpu.memory_space<vmem>>, vector<1x16xf32>,
        %swap3A_1227 = vector.shape_cast %swap3A_1226 : vector<1x16xf32> to vector<16xf32>
        %swap3A_1228 = vector.shape_cast %get3A_1223 : vector<16xf32> to vector<1x16xf32>
        tpu.vector_store %arg10[%swap3A_1224, %swap3A_1225], %swap3A_1228 {add = true, strides = array<i32>} : memref<64x384xf32, #tpu.memory_space<vmem>>, vector<1x16xf32>,
        %get3A_1229 = arith.index_cast %scan3A_1040 : i32 to index
        %get3A_1230 = arith.constant 336 : index
        %get3A_1231 = tpu.vector_load %arg6[%get3A_1229, %get3A_1230] {strides = array<i32>} : memref<64x384xf32, #tpu.memory_space<vmem>>, vector<1x16xf32>,
        %get3A_1232 = vector.shape_cast %get3A_1231 : vector<1x16xf32> to vector<16xf32>
        %swap3A_1233 = arith.index_cast %scan3A_1040 : i32 to index
        %swap3A_1234 = arith.constant 336 : index
        %swap3A_1235 = tpu.vector_load %arg10[%swap3A_1233, %swap3A_1234] {strides = array<i32>} : memref<64x384xf32, #tpu.memory_space<vmem>>, vector<1x16xf32>,
        %swap3A_1236 = vector.shape_cast %swap3A_1235 : vector<1x16xf32> to vector<16xf32>
        %swap3A_1237 = vector.shape_cast %get3A_1232 : vector<16xf32> to vector<1x16xf32>
        tpu.vector_store %arg10[%swap3A_1233, %swap3A_1234], %swap3A_1237 {add = true, strides = array<i32>} : memref<64x384xf32, #tpu.memory_space<vmem>>, vector<1x16xf32>,
        %get3A_1238 = arith.index_cast %scan3A_1040 : i32 to index
        %get3A_1239 = arith.constant 352 : index
        %get3A_1240 = tpu.vector_load %arg6[%get3A_1238, %get3A_1239] {strides = array<i32>} : memref<64x384xf32, #tpu.memory_space<vmem>>, vector<1x16xf32>,
        %get3A_1241 = vector.shape_cast %get3A_1240 : vector<1x16xf32> to vector<16xf32>
        %swap3A_1242 = arith.index_cast %scan3A_1040 : i32 to index
        %swap3A_1243 = arith.constant 352 : index
        %swap3A_1244 = tpu.vector_load %arg10[%swap3A_1242, %swap3A_1243] {strides = array<i32>} : memref<64x384xf32, #tpu.memory_space<vmem>>, vector<1x16xf32>,
        %swap3A_1245 = vector.shape_cast %swap3A_1244 : vector<1x16xf32> to vector<16xf32>
        %swap3A_1246 = vector.shape_cast %get3A_1241 : vector<16xf32> to vector<1x16xf32>
        tpu.vector_store %arg10[%swap3A_1242, %swap3A_1243], %swap3A_1246 {add = true, strides = array<i32>} : memref<64x384xf32, #tpu.memory_space<vmem>>, vector<1x16xf32>,
        %get3A_1247 = arith.index_cast %scan3A_1040 : i32 to index
        %get3A_1248 = arith.constant 368 : index
        %get3A_1249 = tpu.vector_load %arg6[%get3A_1247, %get3A_1248] {strides = array<i32>} : memref<64x384xf32, #tpu.memory_space<vmem>>, vector<1x16xf32>,
        %get3A_1250 = vector.shape_cast %get3A_1249 : vector<1x16xf32> to vector<16xf32>
        %swap3A_1251 = arith.index_cast %scan3A_1040 : i32 to index
        %swap3A_1252 = arith.constant 368 : index
        %swap3A_1253 = tpu.vector_load %arg10[%swap3A_1251, %swap3A_1252] {strides = array<i32>} : memref<64x384xf32, #tpu.memory_space<vmem>>, vector<1x16xf32>,
        %swap3A_1254 = vector.shape_cast %swap3A_1253 : vector<1x16xf32> to vector<16xf32>
        %swap3A_1255 = vector.shape_cast %get3A_1250 : vector<16xf32> to vector<1x16xf32>
        tpu.vector_store %arg10[%swap3A_1251, %swap3A_1252], %swap3A_1255 {add = true, strides = array<i32>} : memref<64x384xf32, #tpu.memory_space<vmem>>, vector<1x16xf32>,
      }
      %scan3A_1032 = arith.constant 64 : i32
      %mul3A_1033 = arith.constant 2048 : i32
      %mul3A_1034 = arith.muli %add3A_1003, %mul3A_1033 : i32
      %add3A_1035 = arith.addi %mul3A_1034, %mul3A_2 : i32
      %dma_start3A_1036 = arith.constant 0 : i32
      %dma_start3A_1037 = tpu.memref_slice %arg5[%add3A_1035, %dma_start3A_1036] : memref<65536x384xf32, #tpu.memory_space<hbm>> -> memref<64x384xf32, #tpu.memory_space<hbm>>
      %dma_start3A_1038 = arith.constant 0 : i32
      %dma_start3A_1039 = tpu.memref_slice %arg5[%add3A_1035, %dma_start3A_1038] : memref<65536x384xf32, #tpu.memory_space<hbm>> -> memref<64x384xf32, #tpu.memory_space<hbm>>
      tpu.enqueue_dma source(%arg10 : memref<64x384xf32, #tpu.memory_space<vmem>>) target(%dma_start3A_1039 : memref<64x384xf32, #tpu.memory_space<hbm>>) target_semaphore(%arg20 : memref<!tpu.dma_semaphore, #tpu.memory_space<semaphore_mem>>)
    }
    %scan3A_823 = arith.constant 7 : i32
    %dma_wait3A_824 = arith.constant 30 : i32
    %dma_wait3A_825 = arith.constant 0 : i32
    %dma_wait3A_826 = tpu.memref_slice %arg8[%dma_wait3A_824, %dma_wait3A_825] : memref<32x64xi32, #tpu.memory_space<vmem>> -> memref<1x64xi32, #tpu.memory_space<vmem>>
    %dma_wait3A_827 = tpu.memref_squeeze %dma_wait3A_826 : memref<1x64xi32, #tpu.memory_space<vmem>> -> memref<64xi32, #tpu.memory_space<vmem>>
    %dma_wait3A_828 = arith.constant 0 : i32
    %dma_wait3A_829 = arith.constant 0 : i32
    %dma_wait3A_830 = tpu.memref_slice %arg3[%dma_wait3A_828, %dma_wait3A_829] : memref<100000x384xf32, #tpu.memory_space<hbm>> -> memref<100000x384xf32, #tpu.memory_space<hbm>>
    tpu.wait_indirect_dma semaphore(%arg17 : memref<!tpu.dma_semaphore, #tpu.memory_space<semaphore_mem>>) src(%dma_wait3A_830 : memref<100000x384xf32, #tpu.memory_space<hbm>>) dst(%arg11 : memref<64x384xf32, #tpu.memory_space<vmem>>)
    %scan3A_831 = arith.constant 0 : i32
    %scan3A_832 = arith.constant 0 : i32
    %scan3A_833 = arith.constant 64 : i32
    %scan3A_834 = arith.addi %scan3A_832, %scan3A_833 : i32
    %scan3A_835 = arith.constant 1 : i32
    scf.for %scan3A_886 = %scan3A_832 to %scan3A_834 step %scan3A_835  : i32 {
      %get3A = arith.index_cast %scan3A_886 : i32 to index
      %get3A_887 = arith.constant 0 : index
      %get3A_888 = tpu.vector_load %arg6[%get3A, %get3A_887] {strides = array<i32>} : memref<64x384xf32, #tpu.memory_space<vmem>>, vector<1x16xf32>,
      %get3A_889 = vector.shape_cast %get3A_888 : vector<1x16xf32> to vector<16xf32>
      %swap3A_890 = arith.index_cast %scan3A_886 : i32 to index
      %swap3A_891 = arith.constant 0 : index
      %swap3A_892 = tpu.vector_load %arg11[%swap3A_890, %swap3A_891] {strides = array<i32>} : memref<64x384xf32, #tpu.memory_space<vmem>>, vector<1x16xf32>,
      %swap3A_893 = vector.shape_cast %swap3A_892 : vector<1x16xf32> to vector<16xf32>
      %swap3A_894 = vector.shape_cast %get3A_889 : vector<16xf32> to vector<1x16xf32>
      tpu.vector_store %arg11[%swap3A_890, %swap3A_891], %swap3A_894 {add = true, strides = array<i32>} : memref<64x384xf32, #tpu.memory_space<vmem>>, vector<1x16xf32>,
      %get3A_895 = arith.index_cast %scan3A_886 : i32 to index
      %get3A_896 = arith.constant 16 : index
      %get3A_897 = tpu.vector_load %arg6[%get3A_895, %get3A_896] {strides = array<i32>} : memref<64x384xf32, #tpu.memory_space<vmem>>, vector<1x16xf32>,
      %get3A_898 = vector.shape_cast %get3A_897 : vector<1x16xf32> to vector<16xf32>
      %swap3A_899 = arith.index_cast %scan3A_886 : i32 to index
      %swap3A_900 = arith.constant 16 : index
      %swap3A_901 = tpu.vector_load %arg11[%swap3A_899, %swap3A_900] {strides = array<i32>} : memref<64x384xf32, #tpu.memory_space<vmem>>, vector<1x16xf32>,
      %swap3A_902 = vector.shape_cast %swap3A_901 : vector<1x16xf32> to vector<16xf32>
      %swap3A_903 = vector.shape_cast %get3A_898 : vector<16xf32> to vector<1x16xf32>
      tpu.vector_store %arg11[%swap3A_899, %swap3A_900], %swap3A_903 {add = true, strides = array<i32>} : memref<64x384xf32, #tpu.memory_space<vmem>>, vector<1x16xf32>,
      %get3A_904 = arith.index_cast %scan3A_886 : i32 to index
      %get3A_905 = arith.constant 32 : index
      %get3A_906 = tpu.vector_load %arg6[%get3A_904, %get3A_905] {strides = array<i32>} : memref<64x384xf32, #tpu.memory_space<vmem>>, vector<1x16xf32>,
      %get3A_907 = vector.shape_cast %get3A_906 : vector<1x16xf32> to vector<16xf32>
      %swap3A_908 = arith.index_cast %scan3A_886 : i32 to index
      %swap3A_909 = arith.constant 32 : index
      %swap3A_910 = tpu.vector_load %arg11[%swap3A_908, %swap3A_909] {strides = array<i32>} : memref<64x384xf32, #tpu.memory_space<vmem>>, vector<1x16xf32>,
      %swap3A_911 = vector.shape_cast %swap3A_910 : vector<1x16xf32> to vector<16xf32>
      %swap3A_912 = vector.shape_cast %get3A_907 : vector<16xf32> to vector<1x16xf32>
      tpu.vector_store %arg11[%swap3A_908, %swap3A_909], %swap3A_912 {add = true, strides = array<i32>} : memref<64x384xf32, #tpu.memory_space<vmem>>, vector<1x16xf32>,
      %get3A_913 = arith.index_cast %scan3A_886 : i32 to index
      %get3A_914 = arith.constant 48 : index
      %get3A_915 = tpu.vector_load %arg6[%get3A_913, %get3A_914] {strides = array<i32>} : memref<64x384xf32, #tpu.memory_space<vmem>>, vector<1x16xf32>,
      %get3A_916 = vector.shape_cast %get3A_915 : vector<1x16xf32> to vector<16xf32>
      %swap3A_917 = arith.index_cast %scan3A_886 : i32 to index
      %swap3A_918 = arith.constant 48 : index
      %swap3A_919 = tpu.vector_load %arg11[%swap3A_917, %swap3A_918] {strides = array<i32>} : memref<64x384xf32, #tpu.memory_space<vmem>>, vector<1x16xf32>,
      %swap3A_920 = vector.shape_cast %swap3A_919 : vector<1x16xf32> to vector<16xf32>
      %swap3A_921 = vector.shape_cast %get3A_916 : vector<16xf32> to vector<1x16xf32>
      tpu.vector_store %arg11[%swap3A_917, %swap3A_918], %swap3A_921 {add = true, strides = array<i32>} : memref<64x384xf32, #tpu.memory_space<vmem>>, vector<1x16xf32>,
      %get3A_922 = arith.index_cast %scan3A_886 : i32 to index
      %get3A_923 = arith.constant 64 : index
      %get3A_924 = tpu.vector_load %arg6[%get3A_922, %get3A_923] {strides = array<i32>} : memref<64x384xf32, #tpu.memory_space<vmem>>, vector<1x16xf32>,
      %get3A_925 = vector.shape_cast %get3A_924 : vector<1x16xf32> to vector<16xf32>
      %swap3A_926 = arith.index_cast %scan3A_886 : i32 to index
      %swap3A_927 = arith.constant 64 : index
      %swap3A_928 = tpu.vector_load %arg11[%swap3A_926, %swap3A_927] {strides = array<i32>} : memref<64x384xf32, #tpu.memory_space<vmem>>, vector<1x16xf32>,
      %swap3A_929 = vector.shape_cast %swap3A_928 : vector<1x16xf32> to vector<16xf32>
      %swap3A_930 = vector.shape_cast %get3A_925 : vector<16xf32> to vector<1x16xf32>
      tpu.vector_store %arg11[%swap3A_926, %swap3A_927], %swap3A_930 {add = true, strides = array<i32>} : memref<64x384xf32, #tpu.memory_space<vmem>>, vector<1x16xf32>,
      %get3A_931 = arith.index_cast %scan3A_886 : i32 to index
      %get3A_932 = arith.constant 80 : index
      %get3A_933 = tpu.vector_load %arg6[%get3A_931, %get3A_932] {strides = array<i32>} : memref<64x384xf32, #tpu.memory_space<vmem>>, vector<1x16xf32>,
      %get3A_934 = vector.shape_cast %get3A_933 : vector<1x16xf32> to vector<16xf32>
      %swap3A_935 = arith.index_cast %scan3A_886 : i32 to index
      %swap3A_936 = arith.constant 80 : index
      %swap3A_937 = tpu.vector_load %arg11[%swap3A_935, %swap3A_936] {strides = array<i32>} : memref<64x384xf32, #tpu.memory_space<vmem>>, vector<1x16xf32>,
      %swap3A_938 = vector.shape_cast %swap3A_937 : vector<1x16xf32> to vector<16xf32>
      %swap3A_939 = vector.shape_cast %get3A_934 : vector<16xf32> to vector<1x16xf32>
      tpu.vector_store %arg11[%swap3A_935, %swap3A_936], %swap3A_939 {add = true, strides = array<i32>} : memref<64x384xf32, #tpu.memory_space<vmem>>, vector<1x16xf32>,
      %get3A_940 = arith.index_cast %scan3A_886 : i32 to index
      %get3A_941 = arith.constant 96 : index
      %get3A_942 = tpu.vector_load %arg6[%get3A_940, %get3A_941] {strides = array<i32>} : memref<64x384xf32, #tpu.memory_space<vmem>>, vector<1x16xf32>,
      %get3A_943 = vector.shape_cast %get3A_942 : vector<1x16xf32> to vector<16xf32>
      %swap3A_944 = arith.index_cast %scan3A_886 : i32 to index
      %swap3A_945 = arith.constant 96 : index
      %swap3A_946 = tpu.vector_load %arg11[%swap3A_944, %swap3A_945] {strides = array<i32>} : memref<64x384xf32, #tpu.memory_space<vmem>>, vector<1x16xf32>,
      %swap3A_947 = vector.shape_cast %swap3A_946 : vector<1x16xf32> to vector<16xf32>
      %swap3A_948 = vector.shape_cast %get3A_943 : vector<16xf32> to vector<1x16xf32>
      tpu.vector_store %arg11[%swap3A_944, %swap3A_945], %swap3A_948 {add = true, strides = array<i32>} : memref<64x384xf32, #tpu.memory_space<vmem>>, vector<1x16xf32>,
      %get3A_949 = arith.index_cast %scan3A_886 : i32 to index
      %get3A_950 = arith.constant 112 : index
      %get3A_951 = tpu.vector_load %arg6[%get3A_949, %get3A_950] {strides = array<i32>} : memref<64x384xf32, #tpu.memory_space<vmem>>, vector<1x16xf32>,
      %get3A_952 = vector.shape_cast %get3A_951 : vector<1x16xf32> to vector<16xf32>
      %swap3A_953 = arith.index_cast %scan3A_886 : i32 to index
      %swap3A_954 = arith.constant 112 : index
      %swap3A_955 = tpu.vector_load %arg11[%swap3A_953, %swap3A_954] {strides = array<i32>} : memref<64x384xf32, #tpu.memory_space<vmem>>, vector<1x16xf32>,
      %swap3A_956 = vector.shape_cast %swap3A_955 : vector<1x16xf32> to vector<16xf32>
      %swap3A_957 = vector.shape_cast %get3A_952 : vector<16xf32> to vector<1x16xf32>
      tpu.vector_store %arg11[%swap3A_953, %swap3A_954], %swap3A_957 {add = true, strides = array<i32>} : memref<64x384xf32, #tpu.memory_space<vmem>>, vector<1x16xf32>,
      %get3A_958 = arith.index_cast %scan3A_886 : i32 to index
      %get3A_959 = arith.constant 128 : index
      %get3A_960 = tpu.vector_load %arg6[%get3A_958, %get3A_959] {strides = array<i32>} : memref<64x384xf32, #tpu.memory_space<vmem>>, vector<1x16xf32>,
      %get3A_961 = vector.shape_cast %get3A_960 : vector<1x16xf32> to vector<16xf32>
      %swap3A_962 = arith.index_cast %scan3A_886 : i32 to index
      %swap3A_963 = arith.constant 128 : index
      %swap3A_964 = tpu.vector_load %arg11[%swap3A_962, %swap3A_963] {strides = array<i32>} : memref<64x384xf32, #tpu.memory_space<vmem>>, vector<1x16xf32>,
      %swap3A_965 = vector.shape_cast %swap3A_964 : vector<1x16xf32> to vector<16xf32>
      %swap3A_966 = vector.shape_cast %get3A_961 : vector<16xf32> to vector<1x16xf32>
      tpu.vector_store %arg11[%swap3A_962, %swap3A_963], %swap3A_966 {add = true, strides = array<i32>} : memref<64x384xf32, #tpu.memory_space<vmem>>, vector<1x16xf32>,
      %get3A_967 = arith.index_cast %scan3A_886 : i32 to index
      %get3A_968 = arith.constant 144 : index
      %get3A_969 = tpu.vector_load %arg6[%get3A_967, %get3A_968] {strides = array<i32>} : memref<64x384xf32, #tpu.memory_space<vmem>>, vector<1x16xf32>,
      %get3A_970 = vector.shape_cast %get3A_969 : vector<1x16xf32> to vector<16xf32>
      %swap3A_971 = arith.index_cast %scan3A_886 : i32 to index
      %swap3A_972 = arith.constant 144 : index
      %swap3A_973 = tpu.vector_load %arg11[%swap3A_971, %swap3A_972] {strides = array<i32>} : memref<64x384xf32, #tpu.memory_space<vmem>>, vector<1x16xf32>,
      %swap3A_974 = vector.shape_cast %swap3A_973 : vector<1x16xf32> to vector<16xf32>
      %swap3A_975 = vector.shape_cast %get3A_970 : vector<16xf32> to vector<1x16xf32>
      tpu.vector_store %arg11[%swap3A_971, %swap3A_972], %swap3A_975 {add = true, strides = array<i32>} : memref<64x384xf32, #tpu.memory_space<vmem>>, vector<1x16xf32>,
      %get3A_976 = arith.index_cast %scan3A_886 : i32 to index
      %get3A_977 = arith.constant 160 : index
      %get3A_978 = tpu.vector_load %arg6[%get3A_976, %get3A_977] {strides = array<i32>} : memref<64x384xf32, #tpu.memory_space<vmem>>, vector<1x16xf32>,
      %get3A_979 = vector.shape_cast %get3A_978 : vector<1x16xf32> to vector<16xf32>
      %swap3A_980 = arith.index_cast %scan3A_886 : i32 to index
      %swap3A_981 = arith.constant 160 : index
      %swap3A_982 = tpu.vector_load %arg11[%swap3A_980, %swap3A_981] {strides = array<i32>} : memref<64x384xf32, #tpu.memory_space<vmem>>, vector<1x16xf32>,
      %swap3A_983 = vector.shape_cast %swap3A_982 : vector<1x16xf32> to vector<16xf32>
      %swap3A_984 = vector.shape_cast %get3A_979 : vector<16xf32> to vector<1x16xf32>
      tpu.vector_store %arg11[%swap3A_980, %swap3A_981], %swap3A_984 {add = true, strides = array<i32>} : memref<64x384xf32, #tpu.memory_space<vmem>>, vector<1x16xf32>,
      %get3A_985 = arith.index_cast %scan3A_886 : i32 to index
      %get3A_986 = arith.constant 176 : index
      %get3A_987 = tpu.vector_load %arg6[%get3A_985, %get3A_986] {strides = array<i32>} : memref<64x384xf32, #tpu.memory_space<vmem>>, vector<1x16xf32>,
      %get3A_988 = vector.shape_cast %get3A_987 : vector<1x16xf32> to vector<16xf32>
      %swap3A_989 = arith.index_cast %scan3A_886 : i32 to index
      %swap3A_990 = arith.constant 176 : index
      %swap3A_991 = tpu.vector_load %arg11[%swap3A_989, %swap3A_990] {strides = array<i32>} : memref<64x384xf32, #tpu.memory_space<vmem>>, vector<1x16xf32>,
      %swap3A_992 = vector.shape_cast %swap3A_991 : vector<1x16xf32> to vector<16xf32>
      %swap3A_993 = vector.shape_cast %get3A_988 : vector<16xf32> to vector<1x16xf32>
      tpu.vector_store %arg11[%swap3A_989, %swap3A_990], %swap3A_993 {add = true, strides = array<i32>} : memref<64x384xf32, #tpu.memory_space<vmem>>, vector<1x16xf32>,
      %get3A_994 = arith.index_cast %scan3A_886 : i32 to index
      %get3A_995 = arith.constant 192 : index
      %get3A_996 = tpu.vector_load %arg6[%get3A_994, %get3A_995] {strides = array<i32>} : memref<64x384xf32, #tpu.memory_space<vmem>>, vector<1x16xf32>,
      %get3A_997 = vector.shape_cast %get3A_996 : vector<1x16xf32> to vector<16xf32>
      %swap3A_998 = arith.index_cast %scan3A_886 : i32 to index
      %swap3A_999 = arith.constant 192 : index
      %swap3A_1000 = tpu.vector_load %arg11[%swap3A_998, %swap3A_999] {strides = array<i32>} : memref<64x384xf32, #tpu.memory_space<vmem>>, vector<1x16xf32>,
      %swap3A_1001 = vector.shape_cast %swap3A_1000 : vector<1x16xf32> to vector<16xf32>
      %swap3A_1002 = vector.shape_cast %get3A_997 : vector<16xf32> to vector<1x16xf32>
      tpu.vector_store %arg11[%swap3A_998, %swap3A_999], %swap3A_1002 {add = true, strides = array<i32>} : memref<64x384xf32, #tpu.memory_space<vmem>>, vector<1x16xf32>,
      %get3A_1003 = arith.index_cast %scan3A_886 : i32 to index
      %get3A_1004 = arith.constant 208 : index
      %get3A_1005 = tpu.vector_load %arg6[%get3A_1003, %get3A_1004] {strides = array<i32>} : memref<64x384xf32, #tpu.memory_space<vmem>>, vector<1x16xf32>,
      %get3A_1006 = vector.shape_cast %get3A_1005 : vector<1x16xf32> to vector<16xf32>
      %swap3A_1007 = arith.index_cast %scan3A_886 : i32 to index
      %swap3A_1008 = arith.constant 208 : index
      %swap3A_1009 = tpu.vector_load %arg11[%swap3A_1007, %swap3A_1008] {strides = array<i32>} : memref<64x384xf32, #tpu.memory_space<vmem>>, vector<1x16xf32>,
      %swap3A_1010 = vector.shape_cast %swap3A_1009 : vector<1x16xf32> to vector<16xf32>
      %swap3A_1011 = vector.shape_cast %get3A_1006 : vector<16xf32> to vector<1x16xf32>
      tpu.vector_store %arg11[%swap3A_1007, %swap3A_1008], %swap3A_1011 {add = true, strides = array<i32>} : memref<64x384xf32, #tpu.memory_space<vmem>>, vector<1x16xf32>,
      %get3A_1012 = arith.index_cast %scan3A_886 : i32 to index
      %get3A_1013 = arith.constant 224 : index
      %get3A_1014 = tpu.vector_load %arg6[%get3A_1012, %get3A_1013] {strides = array<i32>} : memref<64x384xf32, #tpu.memory_space<vmem>>, vector<1x16xf32>,
      %get3A_1015 = vector.shape_cast %get3A_1014 : vector<1x16xf32> to vector<16xf32>
      %swap3A_1016 = arith.index_cast %scan3A_886 : i32 to index
      %swap3A_1017 = arith.constant 224 : index
      %swap3A_1018 = tpu.vector_load %arg11[%swap3A_1016, %swap3A_1017] {strides = array<i32>} : memref<64x384xf32, #tpu.memory_space<vmem>>, vector<1x16xf32>,
      %swap3A_1019 = vector.shape_cast %swap3A_1018 : vector<1x16xf32> to vector<16xf32>
      %swap3A_1020 = vector.shape_cast %get3A_1015 : vector<16xf32> to vector<1x16xf32>
      tpu.vector_store %arg11[%swap3A_1016, %swap3A_1017], %swap3A_1020 {add = true, strides = array<i32>} : memref<64x384xf32, #tpu.memory_space<vmem>>, vector<1x16xf32>,
      %get3A_1021 = arith.index_cast %scan3A_886 : i32 to index
      %get3A_1022 = arith.constant 240 : index
      %get3A_1023 = tpu.vector_load %arg6[%get3A_1021, %get3A_1022] {strides = array<i32>} : memref<64x384xf32, #tpu.memory_space<vmem>>, vector<1x16xf32>,
      %get3A_1024 = vector.shape_cast %get3A_1023 : vector<1x16xf32> to vector<16xf32>
      %swap3A_1025 = arith.index_cast %scan3A_886 : i32 to index
      %swap3A_1026 = arith.constant 240 : index
      %swap3A_1027 = tpu.vector_load %arg11[%swap3A_1025, %swap3A_1026] {strides = array<i32>} : memref<64x384xf32, #tpu.memory_space<vmem>>, vector<1x16xf32>,
      %swap3A_1028 = vector.shape_cast %swap3A_1027 : vector<1x16xf32> to vector<16xf32>
      %swap3A_1029 = vector.shape_cast %get3A_1024 : vector<16xf32> to vector<1x16xf32>
      tpu.vector_store %arg11[%swap3A_1025, %swap3A_1026], %swap3A_1029 {add = true, strides = array<i32>} : memref<64x384xf32, #tpu.memory_space<vmem>>, vector<1x16xf32>,
      %get3A_1030 = arith.index_cast %scan3A_886 : i32 to index
      %get3A_1031 = arith.constant 256 : index
      %get3A_1032 = tpu.vector_load %arg6[%get3A_1030, %get3A_1031] {strides = array<i32>} : memref<64x384xf32, #tpu.memory_space<vmem>>, vector<1x16xf32>,
      %get3A_1033 = vector.shape_cast %get3A_1032 : vector<1x16xf32> to vector<16xf32>
      %swap3A_1034 = arith.index_cast %scan3A_886 : i32 to index
      %swap3A_1035 = arith.constant 256 : index
      %swap3A_1036 = tpu.vector_load %arg11[%swap3A_1034, %swap3A_1035] {strides = array<i32>} : memref<64x384xf32, #tpu.memory_space<vmem>>, vector<1x16xf32>,
      %swap3A_1037 = vector.shape_cast %swap3A_1036 : vector<1x16xf32> to vector<16xf32>
      %swap3A_1038 = vector.shape_cast %get3A_1033 : vector<16xf32> to vector<1x16xf32>
      tpu.vector_store %arg11[%swap3A_1034, %swap3A_1035], %swap3A_1038 {add = true, strides = array<i32>} : memref<64x384xf32, #tpu.memory_space<vmem>>, vector<1x16xf32>,
      %get3A_1039 = arith.index_cast %scan3A_886 : i32 to index
      %get3A_1040 = arith.constant 272 : index
      %get3A_1041 = tpu.vector_load %arg6[%get3A_1039, %get3A_1040] {strides = array<i32>} : memref<64x384xf32, #tpu.memory_space<vmem>>, vector<1x16xf32>,
      %get3A_1042 = vector.shape_cast %get3A_1041 : vector<1x16xf32> to vector<16xf32>
      %swap3A_1043 = arith.index_cast %scan3A_886 : i32 to index
      %swap3A_1044 = arith.constant 272 : index
      %swap3A_1045 = tpu.vector_load %arg11[%swap3A_1043, %swap3A_1044] {strides = array<i32>} : memref<64x384xf32, #tpu.memory_space<vmem>>, vector<1x16xf32>,
      %swap3A_1046 = vector.shape_cast %swap3A_1045 : vector<1x16xf32> to vector<16xf32>
      %swap3A_1047 = vector.shape_cast %get3A_1042 : vector<16xf32> to vector<1x16xf32>
      tpu.vector_store %arg11[%swap3A_1043, %swap3A_1044], %swap3A_1047 {add = true, strides = array<i32>} : memref<64x384xf32, #tpu.memory_space<vmem>>, vector<1x16xf32>,
      %get3A_1048 = arith.index_cast %scan3A_886 : i32 to index
      %get3A_1049 = arith.constant 288 : index
      %get3A_1050 = tpu.vector_load %arg6[%get3A_1048, %get3A_1049] {strides = array<i32>} : memref<64x384xf32, #tpu.memory_space<vmem>>, vector<1x16xf32>,
      %get3A_1051 = vector.shape_cast %get3A_1050 : vector<1x16xf32> to vector<16xf32>
      %swap3A_1052 = arith.index_cast %scan3A_886 : i32 to index
      %swap3A_1053 = arith.constant 288 : index
      %swap3A_1054 = tpu.vector_load %arg11[%swap3A_1052, %swap3A_1053] {strides = array<i32>} : memref<64x384xf32, #tpu.memory_space<vmem>>, vector<1x16xf32>,
      %swap3A_1055 = vector.shape_cast %swap3A_1054 : vector<1x16xf32> to vector<16xf32>
      %swap3A_1056 = vector.shape_cast %get3A_1051 : vector<16xf32> to vector<1x16xf32>
      tpu.vector_store %arg11[%swap3A_1052, %swap3A_1053], %swap3A_1056 {add = true, strides = array<i32>} : memref<64x384xf32, #tpu.memory_space<vmem>>, vector<1x16xf32>,
      %get3A_1057 = arith.index_cast %scan3A_886 : i32 to index
      %get3A_1058 = arith.constant 304 : index
      %get3A_1059 = tpu.vector_load %arg6[%get3A_1057, %get3A_1058] {strides = array<i32>} : memref<64x384xf32, #tpu.memory_space<vmem>>, vector<1x16xf32>,
      %get3A_1060 = vector.shape_cast %get3A_1059 : vector<1x16xf32> to vector<16xf32>
      %swap3A_1061 = arith.index_cast %scan3A_886 : i32 to index
      %swap3A_1062 = arith.constant 304 : index
      %swap3A_1063 = tpu.vector_load %arg11[%swap3A_1061, %swap3A_1062] {strides = array<i32>} : memref<64x384xf32, #tpu.memory_space<vmem>>, vector<1x16xf32>,
      %swap3A_1064 = vector.shape_cast %swap3A_1063 : vector<1x16xf32> to vector<16xf32>
      %swap3A_1065 = vector.shape_cast %get3A_1060 : vector<16xf32> to vector<1x16xf32>
      tpu.vector_store %arg11[%swap3A_1061, %swap3A_1062], %swap3A_1065 {add = true, strides = array<i32>} : memref<64x384xf32, #tpu.memory_space<vmem>>, vector<1x16xf32>,
      %get3A_1066 = arith.index_cast %scan3A_886 : i32 to index
      %get3A_1067 = arith.constant 320 : index
      %get3A_1068 = tpu.vector_load %arg6[%get3A_1066, %get3A_1067] {strides = array<i32>} : memref<64x384xf32, #tpu.memory_space<vmem>>, vector<1x16xf32>,
      %get3A_1069 = vector.shape_cast %get3A_1068 : vector<1x16xf32> to vector<16xf32>
      %swap3A_1070 = arith.index_cast %scan3A_886 : i32 to index
      %swap3A_1071 = arith.constant 320 : index
      %swap3A_1072 = tpu.vector_load %arg11[%swap3A_1070, %swap3A_1071] {strides = array<i32>} : memref<64x384xf32, #tpu.memory_space<vmem>>, vector<1x16xf32>,
      %swap3A_1073 = vector.shape_cast %swap3A_1072 : vector<1x16xf32> to vector<16xf32>
      %swap3A_1074 = vector.shape_cast %get3A_1069 : vector<16xf32> to vector<1x16xf32>
      tpu.vector_store %arg11[%swap3A_1070, %swap3A_1071], %swap3A_1074 {add = true, strides = array<i32>} : memref<64x384xf32, #tpu.memory_space<vmem>>, vector<1x16xf32>,
      %get3A_1075 = arith.index_cast %scan3A_886 : i32 to index
      %get3A_1076 = arith.constant 336 : index
      %get3A_1077 = tpu.vector_load %arg6[%get3A_1075, %get3A_1076] {strides = array<i32>} : memref<64x384xf32, #tpu.memory_space<vmem>>, vector<1x16xf32>,
      %get3A_1078 = vector.shape_cast %get3A_1077 : vector<1x16xf32> to vector<16xf32>
      %swap3A_1079 = arith.index_cast %scan3A_886 : i32 to index
      %swap3A_1080 = arith.constant 336 : index
      %swap3A_1081 = tpu.vector_load %arg11[%swap3A_1079, %swap3A_1080] {strides = array<i32>} : memref<64x384xf32, #tpu.memory_space<vmem>>, vector<1x16xf32>,
      %swap3A_1082 = vector.shape_cast %swap3A_1081 : vector<1x16xf32> to vector<16xf32>
      %swap3A_1083 = vector.shape_cast %get3A_1078 : vector<16xf32> to vector<1x16xf32>
      tpu.vector_store %arg11[%swap3A_1079, %swap3A_1080], %swap3A_1083 {add = true, strides = array<i32>} : memref<64x384xf32, #tpu.memory_space<vmem>>, vector<1x16xf32>,
      %get3A_1084 = arith.index_cast %scan3A_886 : i32 to index
      %get3A_1085 = arith.constant 352 : index
      %get3A_1086 = tpu.vector_load %arg6[%get3A_1084, %get3A_1085] {strides = array<i32>} : memref<64x384xf32, #tpu.memory_space<vmem>>, vector<1x16xf32>,
      %get3A_1087 = vector.shape_cast %get3A_1086 : vector<1x16xf32> to vector<16xf32>
      %swap3A_1088 = arith.index_cast %scan3A_886 : i32 to index
      %swap3A_1089 = arith.constant 352 : index
      %swap3A_1090 = tpu.vector_load %arg11[%swap3A_1088, %swap3A_1089] {strides = array<i32>} : memref<64x384xf32, #tpu.memory_space<vmem>>, vector<1x16xf32>,
      %swap3A_1091 = vector.shape_cast %swap3A_1090 : vector<1x16xf32> to vector<16xf32>
      %swap3A_1092 = vector.shape_cast %get3A_1087 : vector<16xf32> to vector<1x16xf32>
      tpu.vector_store %arg11[%swap3A_1088, %swap3A_1089], %swap3A_1092 {add = true, strides = array<i32>} : memref<64x384xf32, #tpu.memory_space<vmem>>, vector<1x16xf32>,
      %get3A_1093 = arith.index_cast %scan3A_886 : i32 to index
      %get3A_1094 = arith.constant 368 : index
      %get3A_1095 = tpu.vector_load %arg6[%get3A_1093, %get3A_1094] {strides = array<i32>} : memref<64x384xf32, #tpu.memory_space<vmem>>, vector<1x16xf32>,
      %get3A_1096 = vector.shape_cast %get3A_1095 : vector<1x16xf32> to vector<16xf32>
      %swap3A_1097 = arith.index_cast %scan3A_886 : i32 to index
      %swap3A_1098 = arith.constant 368 : index
      %swap3A_1099 = tpu.vector_load %arg11[%swap3A_1097, %swap3A_1098] {strides = array<i32>} : memref<64x384xf32, #tpu.memory_space<vmem>>, vector<1x16xf32>,
      %swap3A_1100 = vector.shape_cast %swap3A_1099 : vector<1x16xf32> to vector<16xf32>
      %swap3A_1101 = vector.shape_cast %get3A_1096 : vector<16xf32> to vector<1x16xf32>
      tpu.vector_store %arg11[%swap3A_1097, %swap3A_1098], %swap3A_1101 {add = true, strides = array<i32>} : memref<64x384xf32, #tpu.memory_space<vmem>>, vector<1x16xf32>,
    }
    %scan3A_836 = arith.constant 64 : i32
    %add3A_837 = arith.constant 61440 : i32
    %add3A_838 = arith.addi %add3A_837, %mul3A_2 : i32
    %dma_start3A_839 = arith.constant 0 : i32
    %dma_start3A_840 = tpu.memref_slice %arg5[%add3A_838, %dma_start3A_839] : memref<65536x384xf32, #tpu.memory_space<hbm>> -> memref<64x384xf32, #tpu.memory_space<hbm>>
    %dma_start3A_841 = arith.constant 0 : i32
    %dma_start3A_842 = tpu.memref_slice %arg5[%add3A_838, %dma_start3A_841] : memref<65536x384xf32, #tpu.memory_space<hbm>> -> memref<64x384xf32, #tpu.memory_space<hbm>>
    tpu.enqueue_dma source(%arg11 : memref<64x384xf32, #tpu.memory_space<vmem>>) target(%dma_start3A_842 : memref<64x384xf32, #tpu.memory_space<hbm>>) target_semaphore(%arg21 : memref<!tpu.dma_semaphore, #tpu.memory_space<semaphore_mem>>)
    %dma_wait3A_843 = arith.constant 31 : i32
    %dma_wait3A_844 = arith.constant 0 : i32
    %dma_wait3A_845 = tpu.memref_slice %arg8[%dma_wait3A_843, %dma_wait3A_844] : memref<32x64xi32, #tpu.memory_space<vmem>> -> memref<1x64xi32, #tpu.memory_space<vmem>>
    %dma_wait3A_846 = tpu.memref_squeeze %dma_wait3A_845 : memref<1x64xi32, #tpu.memory_space<vmem>> -> memref<64xi32, #tpu.memory_space<vmem>>
    %dma_wait3A_847 = arith.constant 0 : i32
    %dma_wait3A_848 = arith.constant 0 : i32
    %dma_wait3A_849 = tpu.memref_slice %arg3[%dma_wait3A_847, %dma_wait3A_848] : memref<100000x384xf32, #tpu.memory_space<hbm>> -> memref<100000x384xf32, #tpu.memory_space<hbm>>
    tpu.wait_indirect_dma semaphore(%arg18 : memref<!tpu.dma_semaphore, #tpu.memory_space<semaphore_mem>>) src(%dma_wait3A_849 : memref<100000x384xf32, #tpu.memory_space<hbm>>) dst(%arg12 : memref<64x384xf32, #tpu.memory_space<vmem>>)
    %scan3A_850 = arith.constant 0 : i32
    %scan3A_851 = arith.constant 0 : i32
    %scan3A_852 = arith.constant 64 : i32
    %scan3A_853 = arith.addi %scan3A_851, %scan3A_852 : i32
    %scan3A_854 = arith.constant 1 : i32
    scf.for %scan3A_886 = %scan3A_851 to %scan3A_853 step %scan3A_854  : i32 {
      %get3A = arith.index_cast %scan3A_886 : i32 to index
      %get3A_887 = arith.constant 0 : index
      %get3A_888 = tpu.vector_load %arg6[%get3A, %get3A_887] {strides = array<i32>} : memref<64x384xf32, #tpu.memory_space<vmem>>, vector<1x16xf32>,
      %get3A_889 = vector.shape_cast %get3A_888 : vector<1x16xf32> to vector<16xf32>
      %swap3A_890 = arith.index_cast %scan3A_886 : i32 to index
      %swap3A_891 = arith.constant 0 : index
      %swap3A_892 = tpu.vector_load %arg12[%swap3A_890, %swap3A_891] {strides = array<i32>} : memref<64x384xf32, #tpu.memory_space<vmem>>, vector<1x16xf32>,
      %swap3A_893 = vector.shape_cast %swap3A_892 : vector<1x16xf32> to vector<16xf32>
      %swap3A_894 = vector.shape_cast %get3A_889 : vector<16xf32> to vector<1x16xf32>
      tpu.vector_store %arg12[%swap3A_890, %swap3A_891], %swap3A_894 {add = true, strides = array<i32>} : memref<64x384xf32, #tpu.memory_space<vmem>>, vector<1x16xf32>,
      %get3A_895 = arith.index_cast %scan3A_886 : i32 to index
      %get3A_896 = arith.constant 16 : index
      %get3A_897 = tpu.vector_load %arg6[%get3A_895, %get3A_896] {strides = array<i32>} : memref<64x384xf32, #tpu.memory_space<vmem>>, vector<1x16xf32>,
      %get3A_898 = vector.shape_cast %get3A_897 : vector<1x16xf32> to vector<16xf32>
      %swap3A_899 = arith.index_cast %scan3A_886 : i32 to index
      %swap3A_900 = arith.constant 16 : index
      %swap3A_901 = tpu.vector_load %arg12[%swap3A_899, %swap3A_900] {strides = array<i32>} : memref<64x384xf32, #tpu.memory_space<vmem>>, vector<1x16xf32>,
      %swap3A_902 = vector.shape_cast %swap3A_901 : vector<1x16xf32> to vector<16xf32>
      %swap3A_903 = vector.shape_cast %get3A_898 : vector<16xf32> to vector<1x16xf32>
      tpu.vector_store %arg12[%swap3A_899, %swap3A_900], %swap3A_903 {add = true, strides = array<i32>} : memref<64x384xf32, #tpu.memory_space<vmem>>, vector<1x16xf32>,
      %get3A_904 = arith.index_cast %scan3A_886 : i32 to index
      %get3A_905 = arith.constant 32 : index
      %get3A_906 = tpu.vector_load %arg6[%get3A_904, %get3A_905] {strides = array<i32>} : memref<64x384xf32, #tpu.memory_space<vmem>>, vector<1x16xf32>,
      %get3A_907 = vector.shape_cast %get3A_906 : vector<1x16xf32> to vector<16xf32>
      %swap3A_908 = arith.index_cast %scan3A_886 : i32 to index
      %swap3A_909 = arith.constant 32 : index
      %swap3A_910 = tpu.vector_load %arg12[%swap3A_908, %swap3A_909] {strides = array<i32>} : memref<64x384xf32, #tpu.memory_space<vmem>>, vector<1x16xf32>,
      %swap3A_911 = vector.shape_cast %swap3A_910 : vector<1x16xf32> to vector<16xf32>
      %swap3A_912 = vector.shape_cast %get3A_907 : vector<16xf32> to vector<1x16xf32>
      tpu.vector_store %arg12[%swap3A_908, %swap3A_909], %swap3A_912 {add = true, strides = array<i32>} : memref<64x384xf32, #tpu.memory_space<vmem>>, vector<1x16xf32>,
      %get3A_913 = arith.index_cast %scan3A_886 : i32 to index
      %get3A_914 = arith.constant 48 : index
      %get3A_915 = tpu.vector_load %arg6[%get3A_913, %get3A_914] {strides = array<i32>} : memref<64x384xf32, #tpu.memory_space<vmem>>, vector<1x16xf32>,
      %get3A_916 = vector.shape_cast %get3A_915 : vector<1x16xf32> to vector<16xf32>
      %swap3A_917 = arith.index_cast %scan3A_886 : i32 to index
      %swap3A_918 = arith.constant 48 : index
      %swap3A_919 = tpu.vector_load %arg12[%swap3A_917, %swap3A_918] {strides = array<i32>} : memref<64x384xf32, #tpu.memory_space<vmem>>, vector<1x16xf32>,
      %swap3A_920 = vector.shape_cast %swap3A_919 : vector<1x16xf32> to vector<16xf32>
      %swap3A_921 = vector.shape_cast %get3A_916 : vector<16xf32> to vector<1x16xf32>
      tpu.vector_store %arg12[%swap3A_917, %swap3A_918], %swap3A_921 {add = true, strides = array<i32>} : memref<64x384xf32, #tpu.memory_space<vmem>>, vector<1x16xf32>,
      %get3A_922 = arith.index_cast %scan3A_886 : i32 to index
      %get3A_923 = arith.constant 64 : index
      %get3A_924 = tpu.vector_load %arg6[%get3A_922, %get3A_923] {strides = array<i32>} : memref<64x384xf32, #tpu.memory_space<vmem>>, vector<1x16xf32>,
      %get3A_925 = vector.shape_cast %get3A_924 : vector<1x16xf32> to vector<16xf32>
      %swap3A_926 = arith.index_cast %scan3A_886 : i32 to index
      %swap3A_927 = arith.constant 64 : index
      %swap3A_928 = tpu.vector_load %arg12[%swap3A_926, %swap3A_927] {strides = array<i32>} : memref<64x384xf32, #tpu.memory_space<vmem>>, vector<1x16xf32>,
      %swap3A_929 = vector.shape_cast %swap3A_928 : vector<1x16xf32> to vector<16xf32>
      %swap3A_930 = vector.shape_cast %get3A_925 : vector<16xf32> to vector<1x16xf32>
      tpu.vector_store %arg12[%swap3A_926, %swap3A_927], %swap3A_930 {add = true, strides = array<i32>} : memref<64x384xf32, #tpu.memory_space<vmem>>, vector<1x16xf32>,
      %get3A_931 = arith.index_cast %scan3A_886 : i32 to index
      %get3A_932 = arith.constant 80 : index
      %get3A_933 = tpu.vector_load %arg6[%get3A_931, %get3A_932] {strides = array<i32>} : memref<64x384xf32, #tpu.memory_space<vmem>>, vector<1x16xf32>,
      %get3A_934 = vector.shape_cast %get3A_933 : vector<1x16xf32> to vector<16xf32>
      %swap3A_935 = arith.index_cast %scan3A_886 : i32 to index
      %swap3A_936 = arith.constant 80 : index
      %swap3A_937 = tpu.vector_load %arg12[%swap3A_935, %swap3A_936] {strides = array<i32>} : memref<64x384xf32, #tpu.memory_space<vmem>>, vector<1x16xf32>,
      %swap3A_938 = vector.shape_cast %swap3A_937 : vector<1x16xf32> to vector<16xf32>
      %swap3A_939 = vector.shape_cast %get3A_934 : vector<16xf32> to vector<1x16xf32>
      tpu.vector_store %arg12[%swap3A_935, %swap3A_936], %swap3A_939 {add = true, strides = array<i32>} : memref<64x384xf32, #tpu.memory_space<vmem>>, vector<1x16xf32>,
      %get3A_940 = arith.index_cast %scan3A_886 : i32 to index
      %get3A_941 = arith.constant 96 : index
      %get3A_942 = tpu.vector_load %arg6[%get3A_940, %get3A_941] {strides = array<i32>} : memref<64x384xf32, #tpu.memory_space<vmem>>, vector<1x16xf32>,
      %get3A_943 = vector.shape_cast %get3A_942 : vector<1x16xf32> to vector<16xf32>
      %swap3A_944 = arith.index_cast %scan3A_886 : i32 to index
      %swap3A_945 = arith.constant 96 : index
      %swap3A_946 = tpu.vector_load %arg12[%swap3A_944, %swap3A_945] {strides = array<i32>} : memref<64x384xf32, #tpu.memory_space<vmem>>, vector<1x16xf32>,
      %swap3A_947 = vector.shape_cast %swap3A_946 : vector<1x16xf32> to vector<16xf32>
      %swap3A_948 = vector.shape_cast %get3A_943 : vector<16xf32> to vector<1x16xf32>
      tpu.vector_store %arg12[%swap3A_944, %swap3A_945], %swap3A_948 {add = true, strides = array<i32>} : memref<64x384xf32, #tpu.memory_space<vmem>>, vector<1x16xf32>,
      %get3A_949 = arith.index_cast %scan3A_886 : i32 to index
      %get3A_950 = arith.constant 112 : index
      %get3A_951 = tpu.vector_load %arg6[%get3A_949, %get3A_950] {strides = array<i32>} : memref<64x384xf32, #tpu.memory_space<vmem>>, vector<1x16xf32>,
      %get3A_952 = vector.shape_cast %get3A_951 : vector<1x16xf32> to vector<16xf32>
      %swap3A_953 = arith.index_cast %scan3A_886 : i32 to index
      %swap3A_954 = arith.constant 112 : index
      %swap3A_955 = tpu.vector_load %arg12[%swap3A_953, %swap3A_954] {strides = array<i32>} : memref<64x384xf32, #tpu.memory_space<vmem>>, vector<1x16xf32>,
      %swap3A_956 = vector.shape_cast %swap3A_955 : vector<1x16xf32> to vector<16xf32>
      %swap3A_957 = vector.shape_cast %get3A_952 : vector<16xf32> to vector<1x16xf32>
      tpu.vector_store %arg12[%swap3A_953, %swap3A_954], %swap3A_957 {add = true, strides = array<i32>} : memref<64x384xf32, #tpu.memory_space<vmem>>, vector<1x16xf32>,
      %get3A_958 = arith.index_cast %scan3A_886 : i32 to index
      %get3A_959 = arith.constant 128 : index
      %get3A_960 = tpu.vector_load %arg6[%get3A_958, %get3A_959] {strides = array<i32>} : memref<64x384xf32, #tpu.memory_space<vmem>>, vector<1x16xf32>,
      %get3A_961 = vector.shape_cast %get3A_960 : vector<1x16xf32> to vector<16xf32>
      %swap3A_962 = arith.index_cast %scan3A_886 : i32 to index
      %swap3A_963 = arith.constant 128 : index
      %swap3A_964 = tpu.vector_load %arg12[%swap3A_962, %swap3A_963] {strides = array<i32>} : memref<64x384xf32, #tpu.memory_space<vmem>>, vector<1x16xf32>,
      %swap3A_965 = vector.shape_cast %swap3A_964 : vector<1x16xf32> to vector<16xf32>
      %swap3A_966 = vector.shape_cast %get3A_961 : vector<16xf32> to vector<1x16xf32>
      tpu.vector_store %arg12[%swap3A_962, %swap3A_963], %swap3A_966 {add = true, strides = array<i32>} : memref<64x384xf32, #tpu.memory_space<vmem>>, vector<1x16xf32>,
      %get3A_967 = arith.index_cast %scan3A_886 : i32 to index
      %get3A_968 = arith.constant 144 : index
      %get3A_969 = tpu.vector_load %arg6[%get3A_967, %get3A_968] {strides = array<i32>} : memref<64x384xf32, #tpu.memory_space<vmem>>, vector<1x16xf32>,
      %get3A_970 = vector.shape_cast %get3A_969 : vector<1x16xf32> to vector<16xf32>
      %swap3A_971 = arith.index_cast %scan3A_886 : i32 to index
      %swap3A_972 = arith.constant 144 : index
      %swap3A_973 = tpu.vector_load %arg12[%swap3A_971, %swap3A_972] {strides = array<i32>} : memref<64x384xf32, #tpu.memory_space<vmem>>, vector<1x16xf32>,
      %swap3A_974 = vector.shape_cast %swap3A_973 : vector<1x16xf32> to vector<16xf32>
      %swap3A_975 = vector.shape_cast %get3A_970 : vector<16xf32> to vector<1x16xf32>
      tpu.vector_store %arg12[%swap3A_971, %swap3A_972], %swap3A_975 {add = true, strides = array<i32>} : memref<64x384xf32, #tpu.memory_space<vmem>>, vector<1x16xf32>,
      %get3A_976 = arith.index_cast %scan3A_886 : i32 to index
      %get3A_977 = arith.constant 160 : index
      %get3A_978 = tpu.vector_load %arg6[%get3A_976, %get3A_977] {strides = array<i32>} : memref<64x384xf32, #tpu.memory_space<vmem>>, vector<1x16xf32>,
      %get3A_979 = vector.shape_cast %get3A_978 : vector<1x16xf32> to vector<16xf32>
      %swap3A_980 = arith.index_cast %scan3A_886 : i32 to index
      %swap3A_981 = arith.constant 160 : index
      %swap3A_982 = tpu.vector_load %arg12[%swap3A_980, %swap3A_981] {strides = array<i32>} : memref<64x384xf32, #tpu.memory_space<vmem>>, vector<1x16xf32>,
      %swap3A_983 = vector.shape_cast %swap3A_982 : vector<1x16xf32> to vector<16xf32>
      %swap3A_984 = vector.shape_cast %get3A_979 : vector<16xf32> to vector<1x16xf32>
      tpu.vector_store %arg12[%swap3A_980, %swap3A_981], %swap3A_984 {add = true, strides = array<i32>} : memref<64x384xf32, #tpu.memory_space<vmem>>, vector<1x16xf32>,
      %get3A_985 = arith.index_cast %scan3A_886 : i32 to index
      %get3A_986 = arith.constant 176 : index
      %get3A_987 = tpu.vector_load %arg6[%get3A_985, %get3A_986] {strides = array<i32>} : memref<64x384xf32, #tpu.memory_space<vmem>>, vector<1x16xf32>,
      %get3A_988 = vector.shape_cast %get3A_987 : vector<1x16xf32> to vector<16xf32>
      %swap3A_989 = arith.index_cast %scan3A_886 : i32 to index
      %swap3A_990 = arith.constant 176 : index
      %swap3A_991 = tpu.vector_load %arg12[%swap3A_989, %swap3A_990] {strides = array<i32>} : memref<64x384xf32, #tpu.memory_space<vmem>>, vector<1x16xf32>,
      %swap3A_992 = vector.shape_cast %swap3A_991 : vector<1x16xf32> to vector<16xf32>
      %swap3A_993 = vector.shape_cast %get3A_988 : vector<16xf32> to vector<1x16xf32>
      tpu.vector_store %arg12[%swap3A_989, %swap3A_990], %swap3A_993 {add = true, strides = array<i32>} : memref<64x384xf32, #tpu.memory_space<vmem>>, vector<1x16xf32>,
      %get3A_994 = arith.index_cast %scan3A_886 : i32 to index
      %get3A_995 = arith.constant 192 : index
      %get3A_996 = tpu.vector_load %arg6[%get3A_994, %get3A_995] {strides = array<i32>} : memref<64x384xf32, #tpu.memory_space<vmem>>, vector<1x16xf32>,
      %get3A_997 = vector.shape_cast %get3A_996 : vector<1x16xf32> to vector<16xf32>
      %swap3A_998 = arith.index_cast %scan3A_886 : i32 to index
      %swap3A_999 = arith.constant 192 : index
      %swap3A_1000 = tpu.vector_load %arg12[%swap3A_998, %swap3A_999] {strides = array<i32>} : memref<64x384xf32, #tpu.memory_space<vmem>>, vector<1x16xf32>,
      %swap3A_1001 = vector.shape_cast %swap3A_1000 : vector<1x16xf32> to vector<16xf32>
      %swap3A_1002 = vector.shape_cast %get3A_997 : vector<16xf32> to vector<1x16xf32>
      tpu.vector_store %arg12[%swap3A_998, %swap3A_999], %swap3A_1002 {add = true, strides = array<i32>} : memref<64x384xf32, #tpu.memory_space<vmem>>, vector<1x16xf32>,
      %get3A_1003 = arith.index_cast %scan3A_886 : i32 to index
      %get3A_1004 = arith.constant 208 : index
      %get3A_1005 = tpu.vector_load %arg6[%get3A_1003, %get3A_1004] {strides = array<i32>} : memref<64x384xf32, #tpu.memory_space<vmem>>, vector<1x16xf32>,
      %get3A_1006 = vector.shape_cast %get3A_1005 : vector<1x16xf32> to vector<16xf32>
      %swap3A_1007 = arith.index_cast %scan3A_886 : i32 to index
      %swap3A_1008 = arith.constant 208 : index
      %swap3A_1009 = tpu.vector_load %arg12[%swap3A_1007, %swap3A_1008] {strides = array<i32>} : memref<64x384xf32, #tpu.memory_space<vmem>>, vector<1x16xf32>,
      %swap3A_1010 = vector.shape_cast %swap3A_1009 : vector<1x16xf32> to vector<16xf32>
      %swap3A_1011 = vector.shape_cast %get3A_1006 : vector<16xf32> to vector<1x16xf32>
      tpu.vector_store %arg12[%swap3A_1007, %swap3A_1008], %swap3A_1011 {add = true, strides = array<i32>} : memref<64x384xf32, #tpu.memory_space<vmem>>, vector<1x16xf32>,
      %get3A_1012 = arith.index_cast %scan3A_886 : i32 to index
      %get3A_1013 = arith.constant 224 : index
      %get3A_1014 = tpu.vector_load %arg6[%get3A_1012, %get3A_1013] {strides = array<i32>} : memref<64x384xf32, #tpu.memory_space<vmem>>, vector<1x16xf32>,
      %get3A_1015 = vector.shape_cast %get3A_1014 : vector<1x16xf32> to vector<16xf32>
      %swap3A_1016 = arith.index_cast %scan3A_886 : i32 to index
      %swap3A_1017 = arith.constant 224 : index
      %swap3A_1018 = tpu.vector_load %arg12[%swap3A_1016, %swap3A_1017] {strides = array<i32>} : memref<64x384xf32, #tpu.memory_space<vmem>>, vector<1x16xf32>,
      %swap3A_1019 = vector.shape_cast %swap3A_1018 : vector<1x16xf32> to vector<16xf32>
      %swap3A_1020 = vector.shape_cast %get3A_1015 : vector<16xf32> to vector<1x16xf32>
      tpu.vector_store %arg12[%swap3A_1016, %swap3A_1017], %swap3A_1020 {add = true, strides = array<i32>} : memref<64x384xf32, #tpu.memory_space<vmem>>, vector<1x16xf32>,
      %get3A_1021 = arith.index_cast %scan3A_886 : i32 to index
      %get3A_1022 = arith.constant 240 : index
      %get3A_1023 = tpu.vector_load %arg6[%get3A_1021, %get3A_1022] {strides = array<i32>} : memref<64x384xf32, #tpu.memory_space<vmem>>, vector<1x16xf32>,
      %get3A_1024 = vector.shape_cast %get3A_1023 : vector<1x16xf32> to vector<16xf32>
      %swap3A_1025 = arith.index_cast %scan3A_886 : i32 to index
      %swap3A_1026 = arith.constant 240 : index
      %swap3A_1027 = tpu.vector_load %arg12[%swap3A_1025, %swap3A_1026] {strides = array<i32>} : memref<64x384xf32, #tpu.memory_space<vmem>>, vector<1x16xf32>,
      %swap3A_1028 = vector.shape_cast %swap3A_1027 : vector<1x16xf32> to vector<16xf32>
      %swap3A_1029 = vector.shape_cast %get3A_1024 : vector<16xf32> to vector<1x16xf32>
      tpu.vector_store %arg12[%swap3A_1025, %swap3A_1026], %swap3A_1029 {add = true, strides = array<i32>} : memref<64x384xf32, #tpu.memory_space<vmem>>, vector<1x16xf32>,
      %get3A_1030 = arith.index_cast %scan3A_886 : i32 to index
      %get3A_1031 = arith.constant 256 : index
      %get3A_1032 = tpu.vector_load %arg6[%get3A_1030, %get3A_1031] {strides = array<i32>} : memref<64x384xf32, #tpu.memory_space<vmem>>, vector<1x16xf32>,
      %get3A_1033 = vector.shape_cast %get3A_1032 : vector<1x16xf32> to vector<16xf32>
      %swap3A_1034 = arith.index_cast %scan3A_886 : i32 to index
      %swap3A_1035 = arith.constant 256 : index
      %swap3A_1036 = tpu.vector_load %arg12[%swap3A_1034, %swap3A_1035] {strides = array<i32>} : memref<64x384xf32, #tpu.memory_space<vmem>>, vector<1x16xf32>,
      %swap3A_1037 = vector.shape_cast %swap3A_1036 : vector<1x16xf32> to vector<16xf32>
      %swap3A_1038 = vector.shape_cast %get3A_1033 : vector<16xf32> to vector<1x16xf32>
      tpu.vector_store %arg12[%swap3A_1034, %swap3A_1035], %swap3A_1038 {add = true, strides = array<i32>} : memref<64x384xf32, #tpu.memory_space<vmem>>, vector<1x16xf32>,
      %get3A_1039 = arith.index_cast %scan3A_886 : i32 to index
      %get3A_1040 = arith.constant 272 : index
      %get3A_1041 = tpu.vector_load %arg6[%get3A_1039, %get3A_1040] {strides = array<i32>} : memref<64x384xf32, #tpu.memory_space<vmem>>, vector<1x16xf32>,
      %get3A_1042 = vector.shape_cast %get3A_1041 : vector<1x16xf32> to vector<16xf32>
      %swap3A_1043 = arith.index_cast %scan3A_886 : i32 to index
      %swap3A_1044 = arith.constant 272 : index
      %swap3A_1045 = tpu.vector_load %arg12[%swap3A_1043, %swap3A_1044] {strides = array<i32>} : memref<64x384xf32, #tpu.memory_space<vmem>>, vector<1x16xf32>,
      %swap3A_1046 = vector.shape_cast %swap3A_1045 : vector<1x16xf32> to vector<16xf32>
      %swap3A_1047 = vector.shape_cast %get3A_1042 : vector<16xf32> to vector<1x16xf32>
      tpu.vector_store %arg12[%swap3A_1043, %swap3A_1044], %swap3A_1047 {add = true, strides = array<i32>} : memref<64x384xf32, #tpu.memory_space<vmem>>, vector<1x16xf32>,
      %get3A_1048 = arith.index_cast %scan3A_886 : i32 to index
      %get3A_1049 = arith.constant 288 : index
      %get3A_1050 = tpu.vector_load %arg6[%get3A_1048, %get3A_1049] {strides = array<i32>} : memref<64x384xf32, #tpu.memory_space<vmem>>, vector<1x16xf32>,
      %get3A_1051 = vector.shape_cast %get3A_1050 : vector<1x16xf32> to vector<16xf32>
      %swap3A_1052 = arith.index_cast %scan3A_886 : i32 to index
      %swap3A_1053 = arith.constant 288 : index
      %swap3A_1054 = tpu.vector_load %arg12[%swap3A_1052, %swap3A_1053] {strides = array<i32>} : memref<64x384xf32, #tpu.memory_space<vmem>>, vector<1x16xf32>,
      %swap3A_1055 = vector.shape_cast %swap3A_1054 : vector<1x16xf32> to vector<16xf32>
      %swap3A_1056 = vector.shape_cast %get3A_1051 : vector<16xf32> to vector<1x16xf32>
      tpu.vector_store %arg12[%swap3A_1052, %swap3A_1053], %swap3A_1056 {add = true, strides = array<i32>} : memref<64x384xf32, #tpu.memory_space<vmem>>, vector<1x16xf32>,
      %get3A_1057 = arith.index_cast %scan3A_886 : i32 to index
      %get3A_1058 = arith.constant 304 : index
      %get3A_1059 = tpu.vector_load %arg6[%get3A_1057, %get3A_1058] {strides = array<i32>} : memref<64x384xf32, #tpu.memory_space<vmem>>, vector<1x16xf32>,
      %get3A_1060 = vector.shape_cast %get3A_1059 : vector<1x16xf32> to vector<16xf32>
      %swap3A_1061 = arith.index_cast %scan3A_886 : i32 to index
      %swap3A_1062 = arith.constant 304 : index
      %swap3A_1063 = tpu.vector_load %arg12[%swap3A_1061, %swap3A_1062] {strides = array<i32>} : memref<64x384xf32, #tpu.memory_space<vmem>>, vector<1x16xf32>,
      %swap3A_1064 = vector.shape_cast %swap3A_1063 : vector<1x16xf32> to vector<16xf32>
      %swap3A_1065 = vector.shape_cast %get3A_1060 : vector<16xf32> to vector<1x16xf32>
      tpu.vector_store %arg12[%swap3A_1061, %swap3A_1062], %swap3A_1065 {add = true, strides = array<i32>} : memref<64x384xf32, #tpu.memory_space<vmem>>, vector<1x16xf32>,
      %get3A_1066 = arith.index_cast %scan3A_886 : i32 to index
      %get3A_1067 = arith.constant 320 : index
      %get3A_1068 = tpu.vector_load %arg6[%get3A_1066, %get3A_1067] {strides = array<i32>} : memref<64x384xf32, #tpu.memory_space<vmem>>, vector<1x16xf32>,
      %get3A_1069 = vector.shape_cast %get3A_1068 : vector<1x16xf32> to vector<16xf32>
      %swap3A_1070 = arith.index_cast %scan3A_886 : i32 to index
      %swap3A_1071 = arith.constant 320 : index
      %swap3A_1072 = tpu.vector_load %arg12[%swap3A_1070, %swap3A_1071] {strides = array<i32>} : memref<64x384xf32, #tpu.memory_space<vmem>>, vector<1x16xf32>,
      %swap3A_1073 = vector.shape_cast %swap3A_1072 : vector<1x16xf32> to vector<16xf32>
      %swap3A_1074 = vector.shape_cast %get3A_1069 : vector<16xf32> to vector<1x16xf32>
      tpu.vector_store %arg12[%swap3A_1070, %swap3A_1071], %swap3A_1074 {add = true, strides = array<i32>} : memref<64x384xf32, #tpu.memory_space<vmem>>, vector<1x16xf32>,
      %get3A_1075 = arith.index_cast %scan3A_886 : i32 to index
      %get3A_1076 = arith.constant 336 : index
      %get3A_1077 = tpu.vector_load %arg6[%get3A_1075, %get3A_1076] {strides = array<i32>} : memref<64x384xf32, #tpu.memory_space<vmem>>, vector<1x16xf32>,
      %get3A_1078 = vector.shape_cast %get3A_1077 : vector<1x16xf32> to vector<16xf32>
      %swap3A_1079 = arith.index_cast %scan3A_886 : i32 to index
      %swap3A_1080 = arith.constant 336 : index
      %swap3A_1081 = tpu.vector_load %arg12[%swap3A_1079, %swap3A_1080] {strides = array<i32>} : memref<64x384xf32, #tpu.memory_space<vmem>>, vector<1x16xf32>,
      %swap3A_1082 = vector.shape_cast %swap3A_1081 : vector<1x16xf32> to vector<16xf32>
      %swap3A_1083 = vector.shape_cast %get3A_1078 : vector<16xf32> to vector<1x16xf32>
      tpu.vector_store %arg12[%swap3A_1079, %swap3A_1080], %swap3A_1083 {add = true, strides = array<i32>} : memref<64x384xf32, #tpu.memory_space<vmem>>, vector<1x16xf32>,
      %get3A_1084 = arith.index_cast %scan3A_886 : i32 to index
      %get3A_1085 = arith.constant 352 : index
      %get3A_1086 = tpu.vector_load %arg6[%get3A_1084, %get3A_1085] {strides = array<i32>} : memref<64x384xf32, #tpu.memory_space<vmem>>, vector<1x16xf32>,
      %get3A_1087 = vector.shape_cast %get3A_1086 : vector<1x16xf32> to vector<16xf32>
      %swap3A_1088 = arith.index_cast %scan3A_886 : i32 to index
      %swap3A_1089 = arith.constant 352 : index
      %swap3A_1090 = tpu.vector_load %arg12[%swap3A_1088, %swap3A_1089] {strides = array<i32>} : memref<64x384xf32, #tpu.memory_space<vmem>>, vector<1x16xf32>,
      %swap3A_1091 = vector.shape_cast %swap3A_1090 : vector<1x16xf32> to vector<16xf32>
      %swap3A_1092 = vector.shape_cast %get3A_1087 : vector<16xf32> to vector<1x16xf32>
      tpu.vector_store %arg12[%swap3A_1088, %swap3A_1089], %swap3A_1092 {add = true, strides = array<i32>} : memref<64x384xf32, #tpu.memory_space<vmem>>, vector<1x16xf32>,
      %get3A_1093 = arith.index_cast %scan3A_886 : i32 to index
      %get3A_1094 = arith.constant 368 : index
      %get3A_1095 = tpu.vector_load %arg6[%get3A_1093, %get3A_1094] {strides = array<i32>} : memref<64x384xf32, #tpu.memory_space<vmem>>, vector<1x16xf32>,
      %get3A_1096 = vector.shape_cast %get3A_1095 : vector<1x16xf32> to vector<16xf32>
      %swap3A_1097 = arith.index_cast %scan3A_886 : i32 to index
      %swap3A_1098 = arith.constant 368 : index
      %swap3A_1099 = tpu.vector_load %arg12[%swap3A_1097, %swap3A_1098] {strides = array<i32>} : memref<64x384xf32, #tpu.memory_space<vmem>>, vector<1x16xf32>,
      %swap3A_1100 = vector.shape_cast %swap3A_1099 : vector<1x16xf32> to vector<16xf32>
      %swap3A_1101 = vector.shape_cast %get3A_1096 : vector<16xf32> to vector<1x16xf32>
      tpu.vector_store %arg12[%swap3A_1097, %swap3A_1098], %swap3A_1101 {add = true, strides = array<i32>} : memref<64x384xf32, #tpu.memory_space<vmem>>, vector<1x16xf32>,
    }
    %scan3A_855 = arith.constant 64 : i32
    %add3A_856 = arith.constant 63488 : i32
    %add3A_857 = arith.addi %add3A_856, %mul3A_2 : i32
    %dma_start3A_858 = arith.constant 0 : i32
    %dma_start3A_859 = tpu.memref_slice %arg5[%add3A_857, %dma_start3A_858] : memref<65536x384xf32, #tpu.memory_space<hbm>> -> memref<64x384xf32, #tpu.memory_space<hbm>>
    %dma_start3A_860 = arith.constant 0 : i32
    %dma_start3A_861 = tpu.memref_slice %arg5[%add3A_857, %dma_start3A_860] : memref<65536x384xf32, #tpu.memory_space<hbm>> -> memref<64x384xf32, #tpu.memory_space<hbm>>
    tpu.enqueue_dma source(%arg12 : memref<64x384xf32, #tpu.memory_space<vmem>>) target(%dma_start3A_861 : memref<64x384xf32, #tpu.memory_space<hbm>>) target_semaphore(%arg22 : memref<!tpu.dma_semaphore, #tpu.memory_space<semaphore_mem>>)
    %add3A_862 = arith.constant 57344 : i32
    %add3A_863 = arith.addi %add3A_862, %mul3A_2 : i32
    %dma_wait3A_864 = arith.constant 0 : i32
    %dma_wait3A_865 = tpu.memref_slice %arg5[%add3A_863, %dma_wait3A_864] : memref<65536x384xf32, #tpu.memory_space<hbm>> -> memref<64x384xf32, #tpu.memory_space<hbm>>
    %dma_wait3A_866 = arith.constant 0 : i32
    %dma_wait3A_867 = tpu.memref_slice %arg5[%add3A_863, %dma_wait3A_866] : memref<65536x384xf32, #tpu.memory_space<hbm>> -> memref<64x384xf32, #tpu.memory_space<hbm>>
    tpu.wait_dma2 semaphore(%arg19 : memref<!tpu.dma_semaphore, #tpu.memory_space<semaphore_mem>>) src(%arg9 : memref<64x384xf32, #tpu.memory_space<vmem>>) dst(%dma_wait3A_867 : memref<64x384xf32, #tpu.memory_space<hbm>>)
    %add3A_868 = arith.constant 59392 : i32
    %add3A_869 = arith.addi %add3A_868, %mul3A_2 : i32
    %dma_wait3A_870 = arith.constant 0 : i32
    %dma_wait3A_871 = tpu.memref_slice %arg5[%add3A_869, %dma_wait3A_870] : memref<65536x384xf32, #tpu.memory_space<hbm>> -> memref<64x384xf32, #tpu.memory_space<hbm>>
    %dma_wait3A_872 = arith.constant 0 : i32
    %dma_wait3A_873 = tpu.memref_slice %arg5[%add3A_869, %dma_wait3A_872] : memref<65536x384xf32, #tpu.memory_space<hbm>> -> memref<64x384xf32, #tpu.memory_space<hbm>>
    tpu.wait_dma2 semaphore(%arg20 : memref<!tpu.dma_semaphore, #tpu.memory_space<semaphore_mem>>) src(%arg10 : memref<64x384xf32, #tpu.memory_space<vmem>>) dst(%dma_wait3A_873 : memref<64x384xf32, #tpu.memory_space<hbm>>)
    %add3A_874 = arith.constant 61440 : i32
    %add3A_875 = arith.addi %add3A_874, %mul3A_2 : i32
    %dma_wait3A_876 = arith.constant 0 : i32
    %dma_wait3A_877 = tpu.memref_slice %arg5[%add3A_875, %dma_wait3A_876] : memref<65536x384xf32, #tpu.memory_space<hbm>> -> memref<64x384xf32, #tpu.memory_space<hbm>>
    %dma_wait3A_878 = arith.constant 0 : i32
    %dma_wait3A_879 = tpu.memref_slice %arg5[%add3A_875, %dma_wait3A_878] : memref<65536x384xf32, #tpu.memory_space<hbm>> -> memref<64x384xf32, #tpu.memory_space<hbm>>
    tpu.wait_dma2 semaphore(%arg21 : memref<!tpu.dma_semaphore, #tpu.memory_space<semaphore_mem>>) src(%arg11 : memref<64x384xf32, #tpu.memory_space<vmem>>) dst(%dma_wait3A_879 : memref<64x384xf32, #tpu.memory_space<hbm>>)
    %add3A_880 = arith.constant 63488 : i32
    %add3A_881 = arith.addi %add3A_880, %mul3A_2 : i32
    %dma_wait3A_882 = arith.constant 0 : i32
    %dma_wait3A_883 = tpu.memref_slice %arg5[%add3A_881, %dma_wait3A_882] : memref<65536x384xf32, #tpu.memory_space<hbm>> -> memref<64x384xf32, #tpu.memory_space<hbm>>
    %dma_wait3A_884 = arith.constant 0 : i32
    %dma_wait3A_885 = tpu.memref_slice %arg5[%add3A_881, %dma_wait3A_884] : memref<65536x384xf32, #tpu.memory_space<hbm>> -> memref<64x384xf32, #tpu.memory_space<hbm>>
    tpu.wait_dma2 semaphore(%arg22 : memref<!tpu.dma_semaphore, #tpu.memory_space<semaphore_mem>>) src(%arg12 : memref<64x384xf32, #tpu.memory_space<vmem>>) dst(%dma_wait3A_885 : memref<64x384xf32, #tpu.memory_space<hbm>>)
    return
  }
}

</mosaic_0001>

<sc_bundles>
// kernel: kernel.3.cloned.1.call-start
scs
__scs_entry_jumppad:
0x0: {  	(pc) =	sbr.rel $0x88, $3  }
0x1: {  	(tag) =	ssettag $0x0;
	lr =	simm.s32 $0x1  }
0x2: {  	[smem:$0x3F9E] =	sst lr;
	_ =	strace $0xD0000000  }
0x3: {  	_ = 	snop  }
0x4: {  	_ = 	snop  }
0x5: {  	_ = 	snop  }
0x6: {  	_ = 	snop  }
0x7: {  	_ = 	snop  }
__scs_overlays_trampoline_lowered:
0x8: {  	[smem:$0x3FAD] =	sst s0  }
0x9: {  	[smem:$0x3FAE] =	sst s1  }
0xa: {  	[smem:$0x3FAF] =	sst s2  }
0xb: {  	[smem:$0x3FB0] =	sst s3  }
0xc: {  	[smem:$0x3FB1] =	sst s4  }
0xd: {  	[smem:$0x3FB2] =	sst s5  }
0xe: {  	[smem:$0x3FB3] =	sst s6  }
0xf: {  	[smem:$0x3FB4] =	sst s7  }
0x10: {  	[smem:$0x3FB5] =	sst s8  }
0x11: {  	[smem:$0x3FB6] =	sst s9;
	s0 =	simm.s32 @!p0 $0x0  }
0x12: {  	s1 =	sld [smem:$0x3F9C];
	s0 =	simm.s32 @p0 $0x1  }
0x13: {  	[smem:$0x3FB7] =	sst s0;
	s0 =	simm.s32 @!p1 $0x0  }
0x14: {  	s2 =	sld [smem:$0x3F9B];
	s0 =	simm.s32 @p1 $0x1  }
0x15: {  	[smem:$0x3FB8] =	sst s0;
	s0 =	simm.s32 @!p2 $0x0  }
0x16: {  	s3 =	sld [smem:$0x3FDB];
	s0 =	simm.s32 @p2 $0x1  }
0x17: {  	s4 =	simm.s32 $0x1BF5;
	[smem:$0x3FBA] =	sst s0  }
0x18: {  	s0 =	sld [smem:$0x3F9D];
	_ =	swait.ge [sflag:s4], $0x0  }
0x19: {  	s7 =	sld [smem:$0x3F9E]  }
0x1a: {  	s8 =	sadd.s32 $0xFFFFE003, lr  }
0x1b: {  	s9 =	sadd.s32 $0xFFFFFEF7, lr;
	s5 =	simm.s32 $0xFFFFFFFF;
	p2 =	slt.u32 s8, $0xFFFFF086  }
0x1c: {  	p1 =	slt.u32 s9, $0xF7A;
	s5 =	simm.s32 @!p2 $0x0  }
0x1d: {  	s5 =	simm.s32 @p1 $0x1;
	p0 =	seq.s32 s7, s2  }
0x1e: {  	s7 =	smul.u32 @!p0 $0xF7A, s2;
	p2 =	seq.s32 @!p0 s5, $0x0  }
0x1f: {  	s9 =	smul.u32 $0xF7A, s1;
	s8 =	simm.s32 @!p0 $0x1BF5;
	p2 =	por !p2, p0  }
0x20: {  	[sflag:s8] =	ssyncset.s32 @!p0 $0xFFFFF086;
	s6 =	sadd.s32 @!p0 s3, s7;
	s7 =	simm.s32 @!p0 $0x108  }
0x21: {  	s3 =	sadd.s32 s3, s9;
	s6 =	sadd.s32 @!p0 $0x88, s6;
	s7 =	simm.s32 @p2 $0x1082  }
0x22: {  	[simem:s7], [sflag:s8] =	dma.local @!p0 [hbm:s6], $0xF7A  }
0x23: {  	s9 =	sor.u32 $0xD0000000, s2;
	s6 =	simm.s32 $0x108;
	_ =	swait.ge @!p0 [sflag:s8], $0x0  }
0x24: {  	s3 =	sadd.s32 $0x88, s3;
	s6 =	simm.s32 @!p1 $0x1082;
	[sflag:s4] =	ssyncset.s32 $0xFFFFF086  }
0x25: {  	[simem:s6], [sflag:s4] =	dma.local [hbm:s3], $0xF7A  }
0x26: {  	[smem:$0x3F9E] =	sst s1;
	(tag) =	ssettag s2;
	_ =	strace s9  }
0x27: {  	s1 =	sld [smem:$0x3FAE]  }
0x28: {  	s2 =	sld [smem:$0x3FAF]  }
0x29: {  	s4 =	sld [smem:$0x3FB1]  }
0x2a: {  	p0 =	seq.s32 s5, $0x0;
	s5 =	sld [smem:$0x3FB2]  }
0x2b: {  	s6 =	sld [smem:$0x3FB3]  }
0x2c: {  	s7 =	sld [smem:$0x3FB4]  }
0x2d: {  	s3 =	simm.s32 $0x108;
	s8 =	sld [smem:$0x3FB5]  }
0x2e: {  	s3 =	simm.s32 @!p0 $0x1082;
	s9 =	sld [smem:$0x3FB6]  }
0x2f: {  	lr =	sadd.s32 s0, s3;
	s0 =	sld [smem:$0x3FAD]  }
0x30: {  	s3 =	sld [smem:$0x3FB0]  }
0x31: {  	[smem:$0x3FB9] =	sst s10  }
0x32: {  	s10 =	sld [smem:$0x3FB7];
	_ =	sdelay $0x3  }
0x33: {  	p0 =	seq.s32 s10, $0x1;
	s10 =	sld [smem:$0x3FB9];
	_ =	sdelay $0x3  }
0x34: {  	[smem:$0x3FB9] =	sst s10  }
0x35: {  	s10 =	sld [smem:$0x3FB8];
	_ =	sdelay $0x3  }
0x36: {  	p1 =	seq.s32 s10, $0x1;
	s10 =	sld [smem:$0x3FB9];
	_ =	sdelay $0x3  }
0x37: {  	[smem:$0x3FB9] =	sst s10  }
0x38: {  	s10 =	sld [smem:$0x3FBA]  }
0x39: {  	_ = 	snop;
	(pc) =	sbr.ind lr, $3  }
0x3a: {  	_ = 	snop  }
0x3b: {  	_ = 	snop  }
0x3c: {  	p2 =	seq.s32 s10, $0x1;
	s10 =	sld [smem:$0x3FB9]  }
0x3d: {  	_ =	shalt  }
0x3e: {  	_ =	shalt  }
0x3f: {  	_ =	shalt  }
0x40: {  	_ =	shalt  }
0x41: {  	_ =	shalt  }
0x42: {  	_ =	shalt  }
0x43: {  	_ =	shalt  }
0x44: {  	_ =	shalt  }
0x45: {  	_ =	shalt  }
0x46: {  	_ =	shalt  }
0x47: {  	_ =	shalt  }
0x48: {  	_ =	shalt  }
0x49: {  	_ =	shalt  }
0x4a: {  	_ =	shalt  }
0x4b: {  	_ =	shalt  }
0x4c: {  	_ =	shalt  }
0x4d: {  	_ =	shalt  }
0x4e: {  	_ =	shalt  }
0x4f: {  	_ =	shalt  }
0x50: {  	_ =	shalt  }
0x51: {  	_ =	shalt  }
0x52: {  	_ =	shalt  }
0x53: {  	_ =	shalt  }
0x54: {  	_ =	shalt  }
0x55: {  	_ =	shalt  }
0x56: {  	_ =	shalt  }
0x57: {  	_ =	shalt  }
0x58: {  	_ =	shalt  }
0x59: {  	_ =	shalt  }
0x5a: {  	_ =	shalt  }
0x5b: {  	_ =	shalt  }
0x5c: {  	_ =	shalt  }
0x5d: {  	_ =	shalt  }
0x5e: {  	_ =	shalt  }
0x5f: {  	_ =	shalt  }
0x60: {  	_ =	shalt  }
0x61: {  	_ =	shalt  }
0x62: {  	_ =	shalt  }
0x63: {  	_ =	shalt  }
0x64: {  	_ =	shalt  }
0x65: {  	_ =	shalt  }
0x66: {  	_ =	shalt  }
0x67: {  	_ =	shalt  }
0x68: {  	_ =	shalt  }
0x69: {  	_ =	shalt  }
0x6a: {  	_ =	shalt  }
0x6b: {  	_ =	shalt  }
0x6c: {  	_ =	shalt  }
0x6d: {  	_ =	shalt  }
0x6e: {  	_ =	shalt  }
0x6f: {  	_ =	shalt  }
0x70: {  	_ =	shalt  }
0x71: {  	_ =	shalt  }
0x72: {  	_ =	shalt  }
0x73: {  	_ =	shalt  }
0x74: {  	_ =	shalt  }
0x75: {  	_ =	shalt  }
0x76: {  	_ =	shalt  }
0x77: {  	_ =	shalt  }
0x78: {  	_ =	shalt  }
0x79: {  	_ =	shalt  }
0x7a: {  	_ =	shalt  }
0x7b: {  	_ =	shalt  }
0x7c: {  	_ =	shalt  }
0x7d: {  	_ =	shalt  }
0x7e: {  	_ =	shalt  }
0x7f: {  	_ =	shalt  }
0x80: {  	_ =	shalt  }
0x81: {  	_ =	shalt  }
0x82: {  	_ =	shalt  }
0x83: {  	_ =	shalt  }
0x84: {  	_ =	shalt  }
0x85: {  	_ =	shalt  }
0x86: {  	_ =	shalt  }
0x87: {  	_ =	shalt  }
.Lfunc_end0:
.L_simem_size_0:
called_computation_lowered:
.L_overlay_start_0:
0x88: {  	s2 =	sld [smem:$0x3FD9]  }
0x89: {  	s3 =	sld [smem:$0x3FFE];
	_ =	sdelay $0x1  }
0x8a: {  	s1 =	srdreg.scid  }
0x8b: {  	s0 =	sand.u32 $0x1, s1  }
0x8c: {  	s17 =	sshll.u32 s0, $0xA;
	s2 =	sadd.s32 s3, s2  }
0x8d: {  	s2 =	sadd.s32 s2, s17  }
0x8e: {  	[smem:$0x3FC5] =	sst s2  }
0x8f: {  	_ = 	snop  }
0x90: {  	s2 =	sld [smem:$0x3FC8]  }
0x91: {  	s18 =	sld [smem:$0x3FC7]  }
0x92: {  	s4 =	sld [smem:$0x3FD0];
	(tm) =	ssettm $0x1  }
0x93: {  	s5 =	sld [smem:$0x3FFB];
	_ =	sdelay $0x3  }
0x94: {  	_ =	strace s5  }
0x95: {  	s5 =	sld [smem:$0x3FFC];
	_ =	sdelay $0x3  }
0x96: {  	_ =	strace s5  }
0x97: {  	s5 =	sld [smem:$0x3FFD];
	_ =	sdelay $0x3  }
0x98: {  	_ =	strace s5  }
0x99: {  	_ =	strace $0x8FFFFFFF  }
0x9a: {  	s19 =	sld [smem:$0x3FDB];
	_ =	sdelay $0x1  }
0x9b: {  	s6 =	simm.s32 $_scs_section_size  }
0x9c: {  	s7 =	simm.s32 $_size__tile_overlayer_lowered;
	s8 =	simm.s32 $_tile_overlayer_lowered  }
0x9d: {  	s22 =	simm.s32 $0x1BFF;
	s21 =	sshll.u32 s8, $0x1;
	s5 =	sadd.s32 s6, s19  }
0x9e: {  	s9 =	simm.s32 $0x0;
	s20 =	sshll.u32 s7, $0x1;
	s7 =	sadd.s32 s21, s5  }
0x9f: {  	[timem:s9], [sflag:s22] =	dma.local [hbm:s7], s20  }
0xa0: {  	_ =	swait.ge [sflag:s22], s20  }
0xa1: {  	s6 =	ssub.s32 $0x0, s20;
	[sflag:s22] =	ssyncset.done $0x0  }
0xa2: {  	[sflag:s22] =	ssyncadd.s32 s6;
	_ =	sdelay $0x1  }
0xa3: {  	s23 =	simm.s32 $0x1B8B  }
0xa4: {  	_ =	swait.ge [sflag:s23], $0x1  }
0xa5: {  	[sflag:s23] =	ssyncset.done $0x0  }
0xa6: {  	s25 =	simm.s32 $0x1B8E;
	s24 =	sld [smem:$0x3FFE];
	[sflag:s23] =	ssyncadd.s32 $0xFFFFFFFF  }
0xa7: {  	s26 =	simm.s32 $execute0_lowered;
	[smem:$0x3FD2] =	sst s25  }
0xa8: {  	s7 =	sshll.u32 s26, $0x1;
	_ =	strace $0x80000046;
	[dreg:$0x1] =	wrdreg $0xFFFFFFFF  }
0xa9: {  	s28 =	simm.s32 $_size_execute0_lowered;
	s5 =	sadd.s32 s5, s7;
	[dreg:$0x0] =	wrdreg $0x0  }
0xaa: {  	s7 =	sshll.u32 s28, $0x1;
	[dreg:$0x2] =	wrdreg s5  }
0xab: {  	[dreg:$0x3] =	wrdreg s7  }
0xac: {  	[dreg:$0x4] =	wrdreg $0xC0  }
0xad: {  	_ =	task [dreg:s9], $0x5FFFF  }
0xae: {  	[dreg:$0x1] =	wrdreg $0xFFFFFFFF  }
0xaf: {  	[dreg:$0x0] =	wrdreg $0x60  }
0xb0: {  	[dreg:$0x2] =	wrdreg s24  }
0xb1: {  	[dreg:$0x3] =	wrdreg s2  }
0xb2: {  	[dreg:$0x4] =	wrdreg s18  }
0xb3: {  	[dreg:$0x5] =	wrdreg s4  }
0xb4: {  	[dreg:$0x6] =	wrdreg $0x9  }
0xb5: {  	_ =	task.clear_ibuf [dreg:s9], $0x7FFFF;
	_ =	strace $0x90000046  }
0xb6: {  	s29 =	simm.s32 $0x9;
	_ =	strace $0x80000048  }
0xb7: {  	_ =	swait.ge [sflag:s29], $0x1  }
0xb8: {  	[sflag:s29] =	ssyncadd.s32 $0xFFFFFFFF  }
0xb9: {  	_ =	strace $0x90000048  }
0xba: {  	_ =	sfence  }
0xbb: {  	s30 =	sld [smem:$0x0];
	_ =	sdelay $0x2  }
0xbc: {  	s31 =	sshll.u32 s1, $0xD;
	s1 =	sshrl.u32 s1, $0x2  }
0xbd: {  	s3 =	sand.u32 $0x4000, s31;
	s1 =	sadd.s32 s1, s30  }
0xbe: {  	s0 =	sor.u32 s3, s0;
	s1 =	sshll.u32 s1, $0x11  }
0xbf: {  	s0 =	sor.u32 s1, s0  }
0xc0: {  	s0 =	sadd.s32 $0x8F2B, s0  }
0xc1: {  	[sflag:s0] =	ssyncadd.remote.s32 $0x1  }
0xc2: {  	_ =	sfence.sel $0xFFFF  }
0xc3: {  	[dreg:$0x0] =	wrdreg $0xFFFFFFFF;
	(pc) =	sbr.abs _section_cstart, $3  }
0xc4: {  	[dreg:$0x1] =	wrdreg $0xFFFFFFFF  }
0xc5: {  	_ =	task.clear_ibuf [dreg:s9], $0x2FFFF;
	_ =	strace $0x9FFFFFFF  }
0xc6: {  	(tm) =	ssettm $0x7FFFFFFF  }
0xc7: {  	_ =	shalt  }
tec
execute0_lowered:
.L_overlay_start_1:
0x0: {  	(tag) =	ssettag $0x1  }
0x1: {  	s0 =	rddreg [dreg:$0x0]  }
0x2: {  	s1 =	rddreg [dreg:$0x1]  }
0x3: {  	s12 =	rddreg [dreg:$0x2]  }
0x4: {  	s3 =	rddreg [dreg:$0x3];
	s2 =	srdreg.scid  }
0x5: {  	s5 =	simm.s32 $0x0;
	s6 =	stileid.u32;
	s2 =	sand.u32 $0x1, s2  }
0x6: {  	s6 =	sshll.u32 s6, $0x7;
	s4 =	ssub.s32 $0x2, s2;
	s2 =	sshll.u32 s2, $0x6  }
0x7: {  	[smem:$0x7FF] =	sst s5;
	s18 =	sadd.s32 $0x400, s0;
	s6 =	sor.u32 s2, s6  }
0x8: {  	s12 =	sadd.s32 $0x100, s12;
	_ =	strace $0x80000047;
	s19 =	sshrl.u32 s6, $0x3  }
0x9: {  	[dreg:$0x6] =	wrdreg s12;
	s15 =	sadd.s32 s18, s19;
	s8 =	sor.u32 $0x100, s19  }
0xa: {  	s20 =	sadd.s32 s18, s8;
	[dreg:$0x5] =	wrdreg s15  }
0xb: {  	s21 =	sadd.s32 $0x200, s15;
	[dreg:$0x7] =	wrdreg s20  }
0xc: {  	s22 =	sadd.s32 $0x300, s15;
	[dreg:$0x8] =	wrdreg s21  }
0xd: {  	s7 =	sshrl.u32 s4, $0x1;
	s23 =	sadd.s32 $0x400, s15;
	[dreg:$0x9] =	wrdreg s22  }
0xe: {  	s4 =	ssub.s32 s4, s7;
	s13 =	sadd.s32 $0x500, s15;
	[dreg:$0xa] =	wrdreg s23  }
0xf: {  	s7 =	sor.u32 $0x1F00, s19;
	s14 =	sadd.s32 $0x600, s15;
	[dreg:$0xb] =	wrdreg s13  }
0x10: {  	s24 =	smul.u32 $0x180, s19;
	s2 =	sadd.s32 s18, s7;
	[dreg:$0xc] =	wrdreg s14  }
0x11: {  	s16 =	smul.u32 $0x180, s7;
	s7 =	sadd.s32 $0xE00, s15;
	[dreg:$0xe] =	wrdreg s2  }
0x12: {  	s25 =	sor.u32 $0x1E00, s19;
	s12 =	sadd.s32 $0x1000, s15;
	[dreg:$0x1b] =	wrdreg s7  }
0x13: {  	s13 =	sadd.s32 s18, s25;
	[dreg:$0x1d] =	wrdreg s12  }
0x14: {  	s17 =	sadd.s32 s3, s24;
	[dreg:$0xd] =	wrdreg s13  }
0x15: {  	s20 =	smax.u32 s4, $0x1;
	[dreg:$0xf] =	wrdreg s17  }
0x16: {  	s21 =	sadd.s32 $0x700, s15;
	[dreg:$0x13] =	wrdreg s20  }
0x17: {  	s22 =	sadd.s32 $0x800, s15;
	[dreg:$0x14] =	wrdreg s21  }
0x18: {  	s23 =	sadd.s32 $0x900, s15;
	[dreg:$0x15] =	wrdreg s22  }
0x19: {  	s24 =	sadd.s32 $0xA00, s15;
	[dreg:$0x16] =	wrdreg s23  }
0x1a: {  	s26 =	smul.u32 $0x180, s25;
	s25 =	sadd.s32 $0xB00, s15;
	[dreg:$0x17] =	wrdreg s24  }
0x1b: {  	s8 =	smul.u32 $0x180, s8;
	s4 =	sadd.s32 $0xD00, s15;
	[dreg:$0x18] =	wrdreg s25  }
0x1c: {  	s14 =	sadd.s32 $0x1200, s15;
	[dreg:$0x1a] =	wrdreg s4  }
0x1d: {  	s28 =	simm.s32 $0x1EC80;
	s18 =	sadd.s32 s3, s8;
	[dreg:$0x1f] =	wrdreg s14  }
0x1e: {  	s29 =	simm.s32 $0x4;
	s19 =	sadd.s32 s3, s26;
	[dreg:$0x10] =	wrdreg s18  }
0x1f: {  	s30 =	simm.s32 $0x7;
	s2 =	sadd.s32 s3, s16;
	[dreg:$0x11] =	wrdreg s19  }
0x20: {  	s31 =	simm.s32 $0x5;
	s26 =	sadd.s32 $0xC00, s15;
	[dreg:$0x12] =	wrdreg s2  }
0x21: {  	s0 =	sor.u32 $0x1, s6;
	s8 =	sadd.s32 $0xF00, s15;
	[dreg:$0x19] =	wrdreg s26  }
0x22: {  	s11 =	sor.u32 $0x11, s6;
	s13 =	sadd.s32 $0x1100, s15;
	[dreg:$0x1c] =	wrdreg s8  }
0x23: {  	s9 =	sor.u32 $0x21, s6;
	s16 =	sadd.s32 $0x1300, s15;
	[dreg:$0x1e] =	wrdreg s13  }
0x24: {  	v6 =	vlaneseq.u32;
	s10 =	sor.u32 $0x31, s6;
	s17 =	sadd.s32 $0x1400, s15;
	[smem:$0x7F3] =	sst s16  }
0x25: {  	v0 =	vadd.s32 s0, v6;
	s0 =	simm.s32 $0x3;
	s20 =	sadd.s32 $0x1700, s15;
	[smem:$0x7F4] =	sst s17  }
0x26: {  	v4 =	vadd.s32 s11, v6;
	s11 =	simm.s32 $0x9;
	s21 =	sadd.s32 $0x1800, s15;
	[smem:$0x7F7] =	sst s20  }
0x27: {  	s12 =	simm.s32 $0x13080;
	s22 =	sadd.s32 $0x1900, s15;
	[smem:$0x7F8] =	sst s21  }
0x28: {  	s7 =	simm.s32 $0x0;
	s23 =	sadd.s32 $0x1A00, s15;
	[smem:$0x7F9] =	sst s22  }
0x29: {  	v1 =	vshrl.u32 v0, $0x3;
	s24 =	sadd.s32 $0x1B00, s15;
	s25 =	sadd.s32 $0x1C00, s15;
	[smem:$0x7FA] =	sst s23  }
0x2a: {  	v1 =	vmul.u32 $0x18, v1;
	s4 =	simm.s32 $0x19080;
	s18 =	sadd.s32 $0x1500, s15;
	[smem:$0x7FB] =	sst s24  }
0x2b: {  	v3 =	vor.u32 $0x8, v6;
	v2 =	vand.u32 $0x7, v0;
	s19 =	sadd.s32 $0x1600, s15;
	[smem:$0x7FC] =	sst s25;
	s26 =	sadd.s32 $0x1D00, s15  }
0x2c: {  	s21 =	sadd.s32 $0x100, s1;
	s22 =	sadd.s32 $0x30000, s3;
	v5 =	vor.u32 v2, v1;
	v1 =	vand.u32 $0x7, v6;
	v2 =	vshrl.u32 v6, $0x3;
	[smem:$0x7F5] =	sst s18  }
0x2d: {  	s23 =	sadd.s32 $0x48000, s3;
	s24 =	simm.s32 $0x2;
	[smem:$0x7F6] =	sst s19;
	v7 =	vperm.xlane v5, v1;
	v2 =	vmul.u32 $0x8, v2;
	v8 =	vperm.xlane v5, v3  }
0x2e: {  	vm0 =	vmmov $0xffff;
	vm1 =	vmmov $0xff;
	s13 =	simm.s32 $0xA;
	[smem:$0x7FD] =	sst s26;
	s26 =	simm.s32 $0x7080;
	v5 =	vadd.s32 s9, v6  }
0x2f: {  	s18 =	simm.s32 $0xD080;
	v6 =	vadd.s32 s10, v6;
	s9 =	simm.s32 $0x8;
	s10 =	simm.s32 $0x6;
	v7 =	vadd.s32 v2, v7;
	v8 =	vadd.s32 v2, v8  }
.LBB2_1:
0x30: {  	[tilespmem:$0x6000] =	vst v0  }
0x31: {  	[tilespmem:$0x6010] =	vst v4  }
0x32: {  	[smem:$0x7F2] =	sst s7;
	[tilespmem:$0x6020] =	vst v5  }
0x33: {  	[tilespmem:$0x6030] =	vst v6;
	s2 =	rddreg [dreg:$0x2]  }
0x34: {  	[tilespmem:s5], [sflag:$0x1] =	stream.indirect_vreg.gather [hbm4b:s2+s5], $0x80, v7, vm0, $0xb8;
	[tilespmem:$0x1F080] =	vst v63  }
0x35: {  	s7 =	rddreg [dreg:$0x6];
	s8 =	simm.s32 $0x800  }
0x36: {  	[tilespmem:s8], [sflag:$0x1] =	stream.indirect_vreg.gather [hbm4b:s7+s5], $0x80, v7, vm1, $0xb8;
	[tilespmem:$0x1F080] =	vst v63  }
0x37: {  	s20 =	simm.s32 $0xC00  }
0x38: {  	[tilespmem:s20], [sflag:$0x1] =	stream.indirect_vreg.gather [hbm4b:s2+s5], $0x80, v8, vm0, $0xb8;
	[tilespmem:$0x1F080] =	vst v63  }
0x39: {  	s25 =	simm.s32 $0x1400  }
0x3a: {  	[tilespmem:s25], [sflag:$0x1] =	stream.indirect_vreg.gather [hbm4b:s7+s5], $0x80, v8, vm1, $0xb8;
	[tilespmem:$0x1F080] =	vst v63  }
0x3b: {  	v9 =	vld [tilespmem:$0x6010];
	_ =	sdelay $0x4  }
0x3c: {  	v10 =	vshrl.u32 v9, $0x3  }
0x3d: {  	v10 =	vmul.u32 $0x18, v10  }
0x3e: {  	v9 =	vand.u32 $0x7, v9  }
0x3f: {  	v9 =	vor.u32 v9, v10  }
0x40: {  	v10 =	vperm.xlane v9, v1;
	_ =	sdelay $0x1  }
0x41: {  	v10 =	vadd.s32 v2, v10;
	_ =	sdelay $0x1  }
0x42: {  	v9 =	vperm.xlane v9, v3;
	_ =	sdelay $0x1  }
0x43: {  	s14 =	simm.s32 $0x1800;
	v9 =	vadd.s32 v2, v9  }
0x44: {  	[tilespmem:s14], [sflag:$0x1] =	stream.indirect_vreg.gather [hbm4b:s2+s5], $0x80, v10, vm0, $0xb8;
	[tilespmem:$0x1F080] =	vst v63  }
0x45: {  	s15 =	simm.s32 $0x2000  }
0x46: {  	[tilespmem:s15], [sflag:$0x1] =	stream.indirect_vreg.gather [hbm4b:s7+s5], $0x80, v10, vm1, $0xb8;
	[tilespmem:$0x1F080] =	vst v63  }
0x47: {  	s16 =	simm.s32 $0x2400  }
0x48: {  	[tilespmem:s16], [sflag:$0x1] =	stream.indirect_vreg.gather [hbm4b:s2+s5], $0x80, v9, vm0, $0xb8;
	[tilespmem:$0x1F080] =	vst v63  }
0x49: {  	s17 =	simm.s32 $0x2C00  }
0x4a: {  	[tilespmem:s17], [sflag:$0x1] =	stream.indirect_vreg.gather [hbm4b:s7+s5], $0x80, v9, vm1, $0xb8;
	[tilespmem:$0x1F080] =	vst v63  }
0x4b: {  	v9 =	vld [tilespmem:$0x6020];
	_ =	sdelay $0x4  }
0x4c: {  	v10 =	vshrl.u32 v9, $0x3  }
0x4d: {  	v10 =	vmul.u32 $0x18, v10  }
0x4e: {  	v9 =	vand.u32 $0x7, v9  }
0x4f: {  	v9 =	vor.u32 v9, v10  }
0x50: {  	v10 =	vperm.xlane v9, v1;
	_ =	sdelay $0x1  }
0x51: {  	v10 =	vadd.s32 v2, v10;
	_ =	sdelay $0x1  }
0x52: {  	v9 =	vperm.xlane v9, v3;
	_ =	sdelay $0x1  }
0x53: {  	s19 =	simm.s32 $0x3000;
	v9 =	vadd.s32 v2, v9  }
0x54: {  	[tilespmem:s19], [sflag:$0x1] =	stream.indirect_vreg.gather [hbm4b:s2+s5], $0x80, v10, vm0, $0xb8;
	[tilespmem:$0x1F080] =	vst v63  }
0x55: {  	s20 =	simm.s32 $0x3800  }
0x56: {  	[tilespmem:s20], [sflag:$0x1] =	stream.indirect_vreg.gather [hbm4b:s7+s5], $0x80, v10, vm1, $0xb8;
	[tilespmem:$0x1F080] =	vst v63  }
0x57: {  	s25 =	simm.s32 $0x3C00  }
0x58: {  	[tilespmem:s25], [sflag:$0x1] =	stream.indirect_vreg.gather [hbm4b:s2+s5], $0x80, v9, vm0, $0xb8;
	[tilespmem:$0x1F080] =	vst v63  }
0x59: {  	s14 =	simm.s32 $0x4400  }
0x5a: {  	[tilespmem:s14], [sflag:$0x1] =	stream.indirect_vreg.gather [hbm4b:s7+s5], $0x80, v9, vm1, $0xb8;
	[tilespmem:$0x1F080] =	vst v63  }
0x5b: {  	v9 =	vld [tilespmem:$0x6030];
	_ =	sdelay $0x4  }
0x5c: {  	v10 =	vshrl.u32 v9, $0x3  }
0x5d: {  	v10 =	vmul.u32 $0x18, v10  }
0x5e: {  	v9 =	vand.u32 $0x7, v9  }
0x5f: {  	v9 =	vor.u32 v9, v10  }
0x60: {  	v10 =	vperm.xlane v9, v1;
	_ =	sdelay $0x1  }
0x61: {  	v10 =	vadd.s32 v2, v10;
	_ =	sdelay $0x1  }
0x62: {  	v9 =	vperm.xlane v9, v3;
	_ =	sdelay $0x1  }
0x63: {  	s15 =	simm.s32 $0x4800;
	v9 =	vadd.s32 v2, v9  }
0x64: {  	[tilespmem:s15], [sflag:$0x1] =	stream.indirect_vreg.gather [hbm4b:s2+s5], $0x80, v10, vm0, $0xb8;
	[tilespmem:$0x1F080] =	vst v63  }
0x65: {  	s16 =	simm.s32 $0x5000  }
0x66: {  	[tilespmem:s16], [sflag:$0x1] =	stream.indirect_vreg.gather [hbm4b:s7+s5], $0x80, v10, vm1, $0xb8;
	[tilespmem:$0x1F080] =	vst v63  }
0x67: {  	s17 =	simm.s32 $0x5400  }
0x68: {  	[tilespmem:s17], [sflag:$0x1] =	stream.indirect_vreg.gather [hbm4b:s2+s5], $0x80, v9, vm0, $0xb8;
	[tilespmem:$0x1F080] =	vst v63  }
0x69: {  	s8 =	rddreg [dreg:$0x7];
	s19 =	simm.s32 $0x5C00  }
0x6a: {  	[tilespmem:s19], [sflag:$0x1] =	stream.indirect_vreg.gather [hbm4b:s7+s5], $0x80, v9, vm1, $0xb8;
	[tilespmem:$0x1F080] =	vst v63  }
0x6b: {  	s20 =	rddreg [dreg:$0x5];
	s25 =	simm.s32 $0x6080  }
0x6c: {  	[tilespmem:s25], [sflag:$0x2] =	stream.linear.gather [hbm4b:s20+s5], $0x40, $0x38;
	[tilespmem:$0x1F080] =	vst v63  }
0x6d: {  	s14 =	simm.s32 $0x6100;
	s15 =	rddreg [dreg:$0x8]  }
0x6e: {  	[tilespmem:s14], [sflag:$0x2] =	stream.linear.gather [hbm4b:s8+s5], $0x40, $0x38;
	[tilespmem:$0x1F080] =	vst v63  }
0x6f: {  	s16 =	simm.s32 $0x6180;
	s17 =	rddreg [dreg:$0x9]  }
0x70: {  	[tilespmem:s16], [sflag:$0x2] =	stream.linear.gather [hbm4b:s15+s5], $0x40, $0x38;
	[tilespmem:$0x1F080] =	vst v63  }
0x71: {  	s19 =	simm.s32 $0x6200;
	s20 =	rddreg [dreg:$0xa]  }
0x72: {  	[tilespmem:s19], [sflag:$0x2] =	stream.linear.gather [hbm4b:s17+s5], $0x40, $0x38;
	[tilespmem:$0x1F080] =	vst v63  }
0x73: {  	s25 =	simm.s32 $0x6280;
	s8 =	rddreg [dreg:$0xb]  }
0x74: {  	[tilespmem:s25], [sflag:$0x2] =	stream.linear.gather [hbm4b:s20+s5], $0x40, $0x38;
	[tilespmem:$0x1F080] =	vst v63  }
0x75: {  	s14 =	simm.s32 $0x6300;
	s15 =	rddreg [dreg:$0xc]  }
0x76: {  	[tilespmem:s14], [sflag:$0x2] =	stream.linear.gather [hbm4b:s8+s5], $0x40, $0x38;
	[tilespmem:$0x1F080] =	vst v63  }
0x77: {  	s16 =	simm.s32 $0x6380;
	s17 =	rddreg [dreg:$0x14]  }
0x78: {  	[tilespmem:s16], [sflag:$0x2] =	stream.linear.gather [hbm4b:s15+s5], $0x40, $0x38;
	[tilespmem:$0x1F080] =	vst v63  }
0x79: {  	s19 =	simm.s32 $0x6400;
	s20 =	rddreg [dreg:$0x15]  }
0x7a: {  	[tilespmem:s19], [sflag:$0x2] =	stream.linear.gather [hbm4b:s17+s5], $0x40, $0x38;
	[tilespmem:$0x1F080] =	vst v63  }
0x7b: {  	s25 =	simm.s32 $0x6480;
	s8 =	rddreg [dreg:$0x16]  }
0x7c: {  	[tilespmem:s25], [sflag:$0x2] =	stream.linear.gather [hbm4b:s20+s5], $0x40, $0x38;
	[tilespmem:$0x1F080] =	vst v63  }
0x7d: {  	s14 =	simm.s32 $0x6500;
	s15 =	rddreg [dreg:$0x17]  }
0x7e: {  	[tilespmem:s14], [sflag:$0x2] =	stream.linear.gather [hbm4b:s8+s5], $0x40, $0x38;
	[tilespmem:$0x1F080] =	vst v63  }
0x7f: {  	s16 =	simm.s32 $0x6580;
	s17 =	rddreg [dreg:$0x18]  }
0x80: {  	[tilespmem:s16], [sflag:$0x2] =	stream.linear.gather [hbm4b:s15+s5], $0x40, $0x38;
	[tilespmem:$0x1F080] =	vst v63  }
0x81: {  	s19 =	simm.s32 $0x6600;
	s20 =	rddreg [dreg:$0x19]  }
0x82: {  	[tilespmem:s19], [sflag:$0x2] =	stream.linear.gather [hbm4b:s17+s5], $0x40, $0x38;
	[tilespmem:$0x1F080] =	vst v63  }
0x83: {  	s25 =	simm.s32 $0x6680;
	s8 =	rddreg [dreg:$0x1a]  }
0x84: {  	[tilespmem:s25], [sflag:$0x2] =	stream.linear.gather [hbm4b:s20+s5], $0x40, $0x38;
	[tilespmem:$0x1F080] =	vst v63  }
0x85: {  	s14 =	simm.s32 $0x6700;
	s15 =	rddreg [dreg:$0x1b]  }
0x86: {  	[tilespmem:s14], [sflag:$0x2] =	stream.linear.gather [hbm4b:s8+s5], $0x40, $0x38;
	[tilespmem:$0x1F080] =	vst v63  }
0x87: {  	s16 =	simm.s32 $0x6780;
	s17 =	rddreg [dreg:$0x1c]  }
0x88: {  	[tilespmem:s16], [sflag:$0x2] =	stream.linear.gather [hbm4b:s15+s5], $0x40, $0x38;
	[tilespmem:$0x1F080] =	vst v63  }
0x89: {  	s19 =	simm.s32 $0x6800;
	s20 =	rddreg [dreg:$0x1d]  }
0x8a: {  	[tilespmem:s19], [sflag:$0x2] =	stream.linear.gather [hbm4b:s17+s5], $0x40, $0x38;
	[tilespmem:$0x1F080] =	vst v63  }
0x8b: {  	s25 =	simm.s32 $0x6880;
	s8 =	rddreg [dreg:$0x1e]  }
0x8c: {  	[tilespmem:s25], [sflag:$0x2] =	stream.linear.gather [hbm4b:s20+s5], $0x40, $0x38;
	[tilespmem:$0x1F080] =	vst v63  }
0x8d: {  	s14 =	simm.s32 $0x6900;
	s15 =	rddreg [dreg:$0x1f]  }
0x8e: {  	[tilespmem:s14], [sflag:$0x2] =	stream.linear.gather [hbm4b:s8+s5], $0x40, $0x38;
	[tilespmem:$0x1F080] =	vst v63  }
0x8f: {  	s16 =	simm.s32 $0x6980;
	s17 =	sld [smem:$0x7F3]  }
0x90: {  	[tilespmem:s16], [sflag:$0x2] =	stream.linear.gather [hbm4b:s15+s5], $0x40, $0x38;
	[tilespmem:$0x1F080] =	vst v63  }
0x91: {  	s19 =	simm.s32 $0x6A00;
	s20 =	sld [smem:$0x7F4]  }
0x92: {  	[tilespmem:s19], [sflag:$0x2] =	stream.linear.gather [hbm4b:s17+s5], $0x40, $0x38;
	[tilespmem:$0x1F080] =	vst v63  }
0x93: {  	s25 =	simm.s32 $0x6A80;
	s8 =	sld [smem:$0x7F5]  }
0x94: {  	[tilespmem:s25], [sflag:$0x2] =	stream.linear.gather [hbm4b:s20+s5], $0x40, $0x38;
	[tilespmem:$0x1F080] =	vst v63  }
0x95: {  	s14 =	simm.s32 $0x6B00;
	s15 =	sld [smem:$0x7F6]  }
0x96: {  	[tilespmem:s14], [sflag:$0x2] =	stream.linear.gather [hbm4b:s8+s5], $0x40, $0x38;
	[tilespmem:$0x1F080] =	vst v63  }
0x97: {  	s16 =	simm.s32 $0x6B80;
	s17 =	sld [smem:$0x7F7]  }
0x98: {  	[tilespmem:s16], [sflag:$0x2] =	stream.linear.gather [hbm4b:s15+s5], $0x40, $0x38;
	[tilespmem:$0x1F080] =	vst v63  }
0x99: {  	s19 =	simm.s32 $0x6C00;
	s20 =	sld [smem:$0x7F8]  }
0x9a: {  	[tilespmem:s19], [sflag:$0x2] =	stream.linear.gather [hbm4b:s17+s5], $0x40, $0x38;
	[tilespmem:$0x1F080] =	vst v63  }
0x9b: {  	s25 =	simm.s32 $0x6C80;
	s8 =	sld [smem:$0x7F9]  }
0x9c: {  	[tilespmem:s25], [sflag:$0x2] =	stream.linear.gather [hbm4b:s20+s5], $0x40, $0x38;
	[tilespmem:$0x1F080] =	vst v63  }
0x9d: {  	s14 =	simm.s32 $0x6D00;
	s15 =	sld [smem:$0x7FA]  }
0x9e: {  	[tilespmem:s14], [sflag:$0x2] =	stream.linear.gather [hbm4b:s8+s5], $0x40, $0x38;
	[tilespmem:$0x1F080] =	vst v63  }
0x9f: {  	s16 =	simm.s32 $0x6D80;
	s17 =	sld [smem:$0x7FB]  }
0xa0: {  	[tilespmem:s16], [sflag:$0x2] =	stream.linear.gather [hbm4b:s15+s5], $0x40, $0x38;
	[tilespmem:$0x1F080] =	vst v63  }
0xa1: {  	s19 =	simm.s32 $0x6E00;
	s20 =	sld [smem:$0x7FC]  }
0xa2: {  	[tilespmem:s19], [sflag:$0x2] =	stream.linear.gather [hbm4b:s17+s5], $0x40, $0x38;
	[tilespmem:$0x1F080] =	vst v63  }
0xa3: {  	s7 =	sld [smem:$0x7FD];
	s25 =	simm.s32 $0x6E80  }
0xa4: {  	[tilespmem:s25], [sflag:$0x2] =	stream.linear.gather [hbm4b:s20+s5], $0x40, $0x38;
	[tilespmem:$0x1F080] =	vst v63  }
0xa5: {  	s8 =	simm.s32 $0x6F00  }
0xa6: {  	[tilespmem:s8], [sflag:$0x2] =	stream.linear.gather [hbm4b:s7+s5], $0x40, $0x38;
	[tilespmem:$0x1F080] =	vst v63  }
0xa7: {  	s14 =	rddreg [dreg:$0xd];
	s15 =	simm.s32 $0x6F80  }
0xa8: {  	[tilespmem:s15], [sflag:$0x2] =	stream.linear.gather [hbm4b:s14+s5], $0x40, $0x38;
	[tilespmem:$0x1F080] =	vst v63  }
0xa9: {  	s16 =	rddreg [dreg:$0xe];
	s17 =	simm.s32 $0x7000  }
0xaa: {  	[tilespmem:s17], [sflag:$0x2] =	stream.linear.gather [hbm4b:s16+s5], $0x40, $0x38;
	[tilespmem:$0x1F080] =	vst v63  }
0xab: {  	_ =	swait.ge [sflag:s24], $0x40  }
0xac: {  	[sflag:s24] =	ssyncset.done $0x0  }
0xad: {  	[sflag:s24] =	ssyncadd.s32 $0xFFFFFFC0  }
0xae: {  	_ =	swait.ge [sflag:s24], $0x40  }
0xaf: {  	[sflag:s24] =	ssyncset.done $0x0  }
0xb0: {  	[sflag:s24] =	ssyncadd.s32 $0xFFFFFFC0  }
0xb1: {  	_ =	swait.ge [sflag:s24], $0x40  }
0xb2: {  	[sflag:s24] =	ssyncset.done $0x0  }
0xb3: {  	[sflag:s24] =	ssyncadd.s32 $0xFFFFFFC0  }
0xb4: {  	_ =	swait.ge [sflag:s24], $0x40  }
0xb5: {  	[sflag:s24] =	ssyncset.done $0x0  }
0xb6: {  	[sflag:s24] =	ssyncadd.s32 $0xFFFFFFC0  }
0xb7: {  	_ =	swait.ge [sflag:s24], $0x40  }
0xb8: {  	[sflag:s24] =	ssyncset.done $0x0  }
0xb9: {  	[sflag:s24] =	ssyncadd.s32 $0xFFFFFFC0  }
0xba: {  	_ =	swait.ge [sflag:s24], $0x40  }
0xbb: {  	[sflag:s24] =	ssyncset.done $0x0  }
0xbc: {  	[sflag:s24] =	ssyncadd.s32 $0xFFFFFFC0  }
0xbd: {  	_ =	swait.ge [sflag:s24], $0x40  }
0xbe: {  	[sflag:s24] =	ssyncset.done $0x0  }
0xbf: {  	[sflag:s24] =	ssyncadd.s32 $0xFFFFFFC0  }
0xc0: {  	_ =	swait.ge [sflag:s24], $0x40  }
0xc1: {  	[sflag:s24] =	ssyncset.done $0x0  }
0xc2: {  	[sflag:s24] =	ssyncadd.s32 $0xFFFFFFC0  }
0xc3: {  	_ =	swait.ge [sflag:s24], $0x40  }
0xc4: {  	[sflag:s24] =	ssyncset.done $0x0  }
0xc5: {  	[sflag:s24] =	ssyncadd.s32 $0xFFFFFFC0  }
0xc6: {  	_ =	swait.ge [sflag:s24], $0x40  }
0xc7: {  	[sflag:s24] =	ssyncset.done $0x0  }
0xc8: {  	[sflag:s24] =	ssyncadd.s32 $0xFFFFFFC0  }
0xc9: {  	_ =	swait.ge [sflag:s24], $0x40  }
0xca: {  	[sflag:s24] =	ssyncset.done $0x0  }
0xcb: {  	[sflag:s24] =	ssyncadd.s32 $0xFFFFFFC0  }
0xcc: {  	_ =	swait.ge [sflag:s24], $0x40  }
0xcd: {  	[sflag:s24] =	ssyncset.done $0x0  }
0xce: {  	[sflag:s24] =	ssyncadd.s32 $0xFFFFFFC0  }
0xcf: {  	_ =	swait.ge [sflag:s24], $0x40  }
0xd0: {  	[sflag:s24] =	ssyncset.done $0x0  }
0xd1: {  	[sflag:s24] =	ssyncadd.s32 $0xFFFFFFC0  }
0xd2: {  	_ =	swait.ge [sflag:s24], $0x40  }
0xd3: {  	[sflag:s24] =	ssyncset.done $0x0  }
0xd4: {  	[sflag:s24] =	ssyncadd.s32 $0xFFFFFFC0  }
0xd5: {  	_ =	swait.ge [sflag:s24], $0x40  }
0xd6: {  	[sflag:s24] =	ssyncset.done $0x0  }
0xd7: {  	[sflag:s24] =	ssyncadd.s32 $0xFFFFFFC0  }
0xd8: {  	_ =	swait.ge [sflag:s24], $0x40  }
0xd9: {  	[sflag:s24] =	ssyncset.done $0x0  }
0xda: {  	[sflag:s24] =	ssyncadd.s32 $0xFFFFFFC0  }
0xdb: {  	_ =	swait.ge [sflag:s24], $0x40  }
0xdc: {  	[sflag:s24] =	ssyncset.done $0x0  }
0xdd: {  	[sflag:s24] =	ssyncadd.s32 $0xFFFFFFC0  }
0xde: {  	_ =	swait.ge [sflag:s24], $0x40  }
0xdf: {  	[sflag:s24] =	ssyncset.done $0x0  }
0xe0: {  	[sflag:s24] =	ssyncadd.s32 $0xFFFFFFC0  }
0xe1: {  	_ =	swait.ge [sflag:s24], $0x40  }
0xe2: {  	[sflag:s24] =	ssyncset.done $0x0  }
0xe3: {  	[sflag:s24] =	ssyncadd.s32 $0xFFFFFFC0  }
0xe4: {  	_ =	swait.ge [sflag:s24], $0x40  }
0xe5: {  	[sflag:s24] =	ssyncset.done $0x0  }
0xe6: {  	[sflag:s24] =	ssyncadd.s32 $0xFFFFFFC0  }
0xe7: {  	_ =	swait.ge [sflag:s24], $0x40  }
0xe8: {  	[sflag:s24] =	ssyncset.done $0x0  }
0xe9: {  	[sflag:s24] =	ssyncadd.s32 $0xFFFFFFC0  }
0xea: {  	_ =	swait.ge [sflag:s24], $0x40  }
0xeb: {  	[sflag:s24] =	ssyncset.done $0x0  }
0xec: {  	[sflag:s24] =	ssyncadd.s32 $0xFFFFFFC0  }
0xed: {  	_ =	swait.ge [sflag:s24], $0x40  }
0xee: {  	[sflag:s24] =	ssyncset.done $0x0  }
0xef: {  	[sflag:s24] =	ssyncadd.s32 $0xFFFFFFC0  }
0xf0: {  	_ =	swait.ge [sflag:s24], $0x40  }
0xf1: {  	[sflag:s24] =	ssyncset.done $0x0  }
0xf2: {  	[sflag:s24] =	ssyncadd.s32 $0xFFFFFFC0  }
0xf3: {  	_ =	swait.ge [sflag:s24], $0x40  }
0xf4: {  	[sflag:s24] =	ssyncset.done $0x0  }
0xf5: {  	[sflag:s24] =	ssyncadd.s32 $0xFFFFFFC0  }
0xf6: {  	_ =	swait.ge [sflag:s24], $0x40  }
0xf7: {  	[sflag:s24] =	ssyncset.done $0x0  }
0xf8: {  	[sflag:s24] =	ssyncadd.s32 $0xFFFFFFC0  }
0xf9: {  	_ =	swait.ge [sflag:s24], $0x40  }
0xfa: {  	[sflag:s24] =	ssyncset.done $0x0  }
0xfb: {  	[sflag:s24] =	ssyncadd.s32 $0xFFFFFFC0  }
0xfc: {  	_ =	swait.ge [sflag:s24], $0x40  }
0xfd: {  	[sflag:s24] =	ssyncset.done $0x0  }
0xfe: {  	[sflag:s24] =	ssyncadd.s32 $0xFFFFFFC0  }
0xff: {  	_ =	swait.ge [sflag:s24], $0x40  }
0x100: {  	[sflag:s24] =	ssyncset.done $0x0  }
0x101: {  	[sflag:s24] =	ssyncadd.s32 $0xFFFFFFC0  }
0x102: {  	_ =	swait.ge [sflag:s24], $0x40  }
0x103: {  	[sflag:s24] =	ssyncset.done $0x0  }
0x104: {  	[sflag:s24] =	ssyncadd.s32 $0xFFFFFFC0  }
0x105: {  	_ =	swait.ge [sflag:s24], $0x40  }
0x106: {  	[sflag:s24] =	ssyncset.done $0x0  }
0x107: {  	[sflag:s24] =	ssyncadd.s32 $0xFFFFFFC0  }
0x108: {  	_ =	swait.ge [sflag:s24], $0x40  }
0x109: {  	[sflag:s24] =	ssyncset.done $0x0  }
0x10a: {  	s19 =	simm.s32 $0x1;
	[sflag:s24] =	ssyncadd.s32 $0xFFFFFFC0  }
0x10b: {  	_ =	swait.ge [sflag:s19], $0x6000  }
0x10c: {  	[sflag:s19] =	ssyncset.done $0x0  }
0x10d: {  	[sflag:s19] =	ssyncadd.s32 $0xFFFFA000  }
0x10e: {  	v9 =	vld [tilespmem:$0x6080];
	_ =	sdelay $0x4  }
0x10f: {  	v10 =	vshrl.u32 v9, $0x3  }
0x110: {  	v10 =	vmul.u32 $0x18, v10  }
0x111: {  	v9 =	vand.u32 $0x7, v9  }
0x112: {  	v9 =	vor.u32 v9, v10  }
0x113: {  	v10 =	vperm.xlane v9, v1;
	_ =	sdelay $0x1  }
0x114: {  	v10 =	vadd.s32 v2, v10;
	_ =	sdelay $0x1  }
0x115: {  	v9 =	vperm.xlane v9, v3;
	_ =	sdelay $0x1  }
0x116: {  	v9 =	vadd.s32 v2, v9  }
0x117: {  	[tilespmem:s26], [sflag:$0x3] =	stream.indirect_vreg.gather [hbm4b:s1+s5], $0x80, v10, vm0, $0xb8;
	[tilespmem:$0x1F080] =	vst v63  }
0x118: {  	s20 =	simm.s32 $0x7880  }
0x119: {  	[tilespmem:s20], [sflag:$0x3] =	stream.indirect_vreg.gather [hbm4b:s21+s5], $0x80, v10, vm1, $0xb8;
	[tilespmem:$0x1F080] =	vst v63  }
0x11a: {  	s25 =	simm.s32 $0x7C80  }
0x11b: {  	[tilespmem:s25], [sflag:$0x3] =	stream.indirect_vreg.gather [hbm4b:s1+s5], $0x80, v9, vm0, $0xb8;
	[tilespmem:$0x1F080] =	vst v63  }
0x11c: {  	s7 =	simm.s32 $0x8480  }
0x11d: {  	[tilespmem:s7], [sflag:$0x3] =	stream.indirect_vreg.gather [hbm4b:s21+s5], $0x80, v9, vm1, $0xb8;
	[tilespmem:$0x1F080] =	vst v63  }
0x11e: {  	v9 =	vld [tilespmem:$0x6090];
	_ =	sdelay $0x4  }
0x11f: {  	v10 =	vshrl.u32 v9, $0x3  }
0x120: {  	v10 =	vmul.u32 $0x18, v10  }
0x121: {  	v9 =	vand.u32 $0x7, v9  }
0x122: {  	v9 =	vor.u32 v9, v10  }
0x123: {  	v10 =	vperm.xlane v9, v1;
	_ =	sdelay $0x1  }
0x124: {  	v10 =	vadd.s32 v2, v10;
	_ =	sdelay $0x1  }
0x125: {  	v9 =	vperm.xlane v9, v3;
	_ =	sdelay $0x1  }
0x126: {  	s8 =	simm.s32 $0x8880;
	v9 =	vadd.s32 v2, v9  }
0x127: {  	[tilespmem:s8], [sflag:$0x3] =	stream.indirect_vreg.gather [hbm4b:s1+s5], $0x80, v10, vm0, $0xb8;
	[tilespmem:$0x1F080] =	vst v63  }
0x128: {  	s14 =	simm.s32 $0x9080  }
0x129: {  	[tilespmem:s14], [sflag:$0x3] =	stream.indirect_vreg.gather [hbm4b:s21+s5], $0x80, v10, vm1, $0xb8;
	[tilespmem:$0x1F080] =	vst v63  }
0x12a: {  	s15 =	simm.s32 $0x9480  }
0x12b: {  	[tilespmem:s15], [sflag:$0x3] =	stream.indirect_vreg.gather [hbm4b:s1+s5], $0x80, v9, vm0, $0xb8;
	[tilespmem:$0x1F080] =	vst v63  }
0x12c: {  	s16 =	simm.s32 $0x9C80  }
0x12d: {  	[tilespmem:s16], [sflag:$0x3] =	stream.indirect_vreg.gather [hbm4b:s21+s5], $0x80, v9, vm1, $0xb8;
	[tilespmem:$0x1F080] =	vst v63  }
0x12e: {  	v9 =	vld [tilespmem:$0x60A0];
	_ =	sdelay $0x4  }
0x12f: {  	v10 =	vshrl.u32 v9, $0x3  }
0x130: {  	v10 =	vmul.u32 $0x18, v10  }
0x131: {  	v9 =	vand.u32 $0x7, v9  }
0x132: {  	v9 =	vor.u32 v9, v10  }
0x133: {  	v10 =	vperm.xlane v9, v1;
	_ =	sdelay $0x1  }
0x134: {  	v10 =	vadd.s32 v2, v10;
	_ =	sdelay $0x1  }
0x135: {  	v9 =	vperm.xlane v9, v3;
	_ =	sdelay $0x1  }
0x136: {  	s17 =	simm.s32 $0xA080;
	v9 =	vadd.s32 v2, v9  }
0x137: {  	[tilespmem:s17], [sflag:$0x3] =	stream.indirect_vreg.gather [hbm4b:s1+s5], $0x80, v10, vm0, $0xb8;
	[tilespmem:$0x1F080] =	vst v63  }
0x138: {  	s19 =	simm.s32 $0xA880  }
0x139: {  	[tilespmem:s19], [sflag:$0x3] =	stream.indirect_vreg.gather [hbm4b:s21+s5], $0x80, v10, vm1, $0xb8;
	[tilespmem:$0x1F080] =	vst v63  }
0x13a: {  	s20 =	simm.s32 $0xAC80  }
0x13b: {  	[tilespmem:s20], [sflag:$0x3] =	stream.indirect_vreg.gather [hbm4b:s1+s5], $0x80, v9, vm0, $0xb8;
	[tilespmem:$0x1F080] =	vst v63  }
0x13c: {  	s25 =	simm.s32 $0xB480  }
0x13d: {  	[tilespmem:s25], [sflag:$0x3] =	stream.indirect_vreg.gather [hbm4b:s21+s5], $0x80, v9, vm1, $0xb8;
	[tilespmem:$0x1F080] =	vst v63  }
0x13e: {  	v9 =	vld [tilespmem:$0x60B0];
	_ =	sdelay $0x4  }
0x13f: {  	v10 =	vshrl.u32 v9, $0x3  }
0x140: {  	v10 =	vmul.u32 $0x18, v10  }
0x141: {  	v9 =	vand.u32 $0x7, v9  }
0x142: {  	v9 =	vor.u32 v9, v10  }
0x143: {  	v10 =	vperm.xlane v9, v1;
	_ =	sdelay $0x1  }
0x144: {  	v10 =	vadd.s32 v2, v10;
	_ =	sdelay $0x1  }
0x145: {  	v9 =	vperm.xlane v9, v3;
	_ =	sdelay $0x1  }
0x146: {  	s7 =	simm.s32 $0xB880;
	v9 =	vadd.s32 v2, v9  }
0x147: {  	[tilespmem:s7], [sflag:$0x3] =	stream.indirect_vreg.gather [hbm4b:s1+s5], $0x80, v10, vm0, $0xb8;
	[tilespmem:$0x1F080] =	vst v63  }
0x148: {  	s8 =	simm.s32 $0xC080  }
0x149: {  	[tilespmem:s8], [sflag:$0x3] =	stream.indirect_vreg.gather [hbm4b:s21+s5], $0x80, v10, vm1, $0xb8;
	[tilespmem:$0x1F080] =	vst v63  }
0x14a: {  	s14 =	simm.s32 $0xC480  }
0x14b: {  	[tilespmem:s14], [sflag:$0x3] =	stream.indirect_vreg.gather [hbm4b:s1+s5], $0x80, v9, vm0, $0xb8;
	[tilespmem:$0x1F080] =	vst v63  }
0x14c: {  	s15 =	simm.s32 $0xCC80  }
0x14d: {  	[tilespmem:s15], [sflag:$0x3] =	stream.indirect_vreg.gather [hbm4b:s21+s5], $0x80, v9, vm1, $0xb8;
	[tilespmem:$0x1F080] =	vst v63  }
0x14e: {  	v9 =	vld [tilespmem:$0x6100];
	_ =	sdelay $0x4  }
0x14f: {  	v10 =	vshrl.u32 v9, $0x3  }
0x150: {  	v10 =	vmul.u32 $0x18, v10  }
0x151: {  	v9 =	vand.u32 $0x7, v9  }
0x152: {  	v9 =	vor.u32 v9, v10  }
0x153: {  	v10 =	vperm.xlane v9, v1;
	_ =	sdelay $0x1  }
0x154: {  	v10 =	vadd.s32 v2, v10;
	_ =	sdelay $0x1  }
0x155: {  	v9 =	vperm.xlane v9, v3;
	_ =	sdelay $0x1  }
0x156: {  	v9 =	vadd.s32 v2, v9  }
0x157: {  	[tilespmem:s18], [sflag:$0x4] =	stream.indirect_vreg.gather [hbm4b:s1+s5], $0x80, v10, vm0, $0xb8;
	[tilespmem:$0x1F080] =	vst v63  }
0x158: {  	s16 =	simm.s32 $0xD880  }
0x159: {  	[tilespmem:s16], [sflag:$0x4] =	stream.indirect_vreg.gather [hbm4b:s21+s5], $0x80, v10, vm1, $0xb8;
	[tilespmem:$0x1F080] =	vst v63  }
0x15a: {  	s17 =	simm.s32 $0xDC80  }
0x15b: {  	[tilespmem:s17], [sflag:$0x4] =	stream.indirect_vreg.gather [hbm4b:s1+s5], $0x80, v9, vm0, $0xb8;
	[tilespmem:$0x1F080] =	vst v63  }
0x15c: {  	s19 =	simm.s32 $0xE480  }
0x15d: {  	[tilespmem:s19], [sflag:$0x4] =	stream.indirect_vreg.gather [hbm4b:s21+s5], $0x80, v9, vm1, $0xb8;
	[tilespmem:$0x1F080] =	vst v63  }
0x15e: {  	v9 =	vld [tilespmem:$0x6110];
	_ =	sdelay $0x4  }
0x15f: {  	v10 =	vshrl.u32 v9, $0x3  }
0x160: {  	v10 =	vmul.u32 $0x18, v10  }
0x161: {  	v9 =	vand.u32 $0x7, v9  }
0x162: {  	v9 =	vor.u32 v9, v10  }
0x163: {  	v10 =	vperm.xlane v9, v1;
	_ =	sdelay $0x1  }
0x164: {  	v10 =	vadd.s32 v2, v10;
	_ =	sdelay $0x1  }
0x165: {  	v9 =	vperm.xlane v9, v3;
	_ =	sdelay $0x1  }
0x166: {  	s20 =	simm.s32 $0xE880;
	v9 =	vadd.s32 v2, v9  }
0x167: {  	[tilespmem:s20], [sflag:$0x4] =	stream.indirect_vreg.gather [hbm4b:s1+s5], $0x80, v10, vm0, $0xb8;
	[tilespmem:$0x1F080] =	vst v63  }
0x168: {  	s25 =	simm.s32 $0xF080  }
0x169: {  	[tilespmem:s25], [sflag:$0x4] =	stream.indirect_vreg.gather [hbm4b:s21+s5], $0x80, v10, vm1, $0xb8;
	[tilespmem:$0x1F080] =	vst v63  }
0x16a: {  	s7 =	simm.s32 $0xF480  }
0x16b: {  	[tilespmem:s7], [sflag:$0x4] =	stream.indirect_vreg.gather [hbm4b:s1+s5], $0x80, v9, vm0, $0xb8;
	[tilespmem:$0x1F080] =	vst v63  }
0x16c: {  	s8 =	simm.s32 $0xFC80  }
0x16d: {  	[tilespmem:s8], [sflag:$0x4] =	stream.indirect_vreg.gather [hbm4b:s21+s5], $0x80, v9, vm1, $0xb8;
	[tilespmem:$0x1F080] =	vst v63  }
0x16e: {  	v9 =	vld [tilespmem:$0x6120];
	_ =	sdelay $0x4  }
0x16f: {  	v10 =	vshrl.u32 v9, $0x3  }
0x170: {  	v10 =	vmul.u32 $0x18, v10  }
0x171: {  	v9 =	vand.u32 $0x7, v9  }
0x172: {  	v9 =	vor.u32 v9, v10  }
0x173: {  	v10 =	vperm.xlane v9, v1;
	_ =	sdelay $0x1  }
0x174: {  	v10 =	vadd.s32 v2, v10;
	_ =	sdelay $0x1  }
0x175: {  	v9 =	vperm.xlane v9, v3;
	_ =	sdelay $0x1  }
0x176: {  	s14 =	simm.s32 $0x10080;
	v9 =	vadd.s32 v2, v9  }
0x177: {  	[tilespmem:s14], [sflag:$0x4] =	stream.indirect_vreg.gather [hbm4b:s1+s5], $0x80, v10, vm0, $0xb8;
	[tilespmem:$0x1F080] =	vst v63  }
0x178: {  	s15 =	simm.s32 $0x10880  }
0x179: {  	[tilespmem:s15], [sflag:$0x4] =	stream.indirect_vreg.gather [hbm4b:s21+s5], $0x80, v10, vm1, $0xb8;
	[tilespmem:$0x1F080] =	vst v63  }
0x17a: {  	s16 =	simm.s32 $0x10C80  }
0x17b: {  	[tilespmem:s16], [sflag:$0x4] =	stream.indirect_vreg.gather [hbm4b:s1+s5], $0x80, v9, vm0, $0xb8;
	[tilespmem:$0x1F080] =	vst v63  }
0x17c: {  	s17 =	simm.s32 $0x11480  }
0x17d: {  	[tilespmem:s17], [sflag:$0x4] =	stream.indirect_vreg.gather [hbm4b:s21+s5], $0x80, v9, vm1, $0xb8;
	[tilespmem:$0x1F080] =	vst v63  }
0x17e: {  	v9 =	vld [tilespmem:$0x6130];
	_ =	sdelay $0x4  }
0x17f: {  	v10 =	vshrl.u32 v9, $0x3  }
0x180: {  	v10 =	vmul.u32 $0x18, v10  }
0x181: {  	v9 =	vand.u32 $0x7, v9  }
0x182: {  	v9 =	vor.u32 v9, v10  }
0x183: {  	v10 =	vperm.xlane v9, v1;
	_ =	sdelay $0x1  }
0x184: {  	v10 =	vadd.s32 v2, v10;
	_ =	sdelay $0x1  }
0x185: {  	v9 =	vperm.xlane v9, v3;
	_ =	sdelay $0x1  }
0x186: {  	s19 =	simm.s32 $0x11880;
	v9 =	vadd.s32 v2, v9  }
0x187: {  	[tilespmem:s19], [sflag:$0x4] =	stream.indirect_vreg.gather [hbm4b:s1+s5], $0x80, v10, vm0, $0xb8;
	[tilespmem:$0x1F080] =	vst v63  }
0x188: {  	s20 =	simm.s32 $0x12080  }
0x189: {  	[tilespmem:s20], [sflag:$0x4] =	stream.indirect_vreg.gather [hbm4b:s21+s5], $0x80, v10, vm1, $0xb8;
	[tilespmem:$0x1F080] =	vst v63  }
0x18a: {  	s25 =	simm.s32 $0x12480  }
0x18b: {  	[tilespmem:s25], [sflag:$0x4] =	stream.indirect_vreg.gather [hbm4b:s1+s5], $0x80, v9, vm0, $0xb8;
	[tilespmem:$0x1F080] =	vst v63  }
0x18c: {  	s7 =	simm.s32 $0x12C80  }
0x18d: {  	[tilespmem:s7], [sflag:$0x4] =	stream.indirect_vreg.gather [hbm4b:s21+s5], $0x80, v9, vm1, $0xb8;
	[tilespmem:$0x1F080] =	vst v63  }
0x18e: {  	v9 =	vld [tilespmem:$0x6180];
	_ =	sdelay $0x4  }
0x18f: {  	v10 =	vshrl.u32 v9, $0x3  }
0x190: {  	v10 =	vmul.u32 $0x18, v10  }
0x191: {  	v9 =	vand.u32 $0x7, v9  }
0x192: {  	v9 =	vor.u32 v9, v10  }
0x193: {  	v10 =	vperm.xlane v9, v1;
	_ =	sdelay $0x1  }
0x194: {  	v10 =	vadd.s32 v2, v10;
	_ =	sdelay $0x1  }
0x195: {  	v9 =	vperm.xlane v9, v3;
	_ =	sdelay $0x1  }
0x196: {  	v9 =	vadd.s32 v2, v9  }
0x197: {  	[tilespmem:s12], [sflag:$0x5] =	stream.indirect_vreg.gather [hbm4b:s1+s5], $0x80, v10, vm0, $0xb8;
	[tilespmem:$0x1F080] =	vst v63  }
0x198: {  	s8 =	simm.s32 $0x13880  }
0x199: {  	[tilespmem:s8], [sflag:$0x5] =	stream.indirect_vreg.gather [hbm4b:s21+s5], $0x80, v10, vm1, $0xb8;
	[tilespmem:$0x1F080] =	vst v63  }
0x19a: {  	s14 =	simm.s32 $0x13C80  }
0x19b: {  	[tilespmem:s14], [sflag:$0x5] =	stream.indirect_vreg.gather [hbm4b:s1+s5], $0x80, v9, vm0, $0xb8;
	[tilespmem:$0x1F080] =	vst v63  }
0x19c: {  	s15 =	simm.s32 $0x14480  }
0x19d: {  	[tilespmem:s15], [sflag:$0x5] =	stream.indirect_vreg.gather [hbm4b:s21+s5], $0x80, v9, vm1, $0xb8;
	[tilespmem:$0x1F080] =	vst v63  }
0x19e: {  	v9 =	vld [tilespmem:$0x6190];
	_ =	sdelay $0x4  }
0x19f: {  	v10 =	vshrl.u32 v9, $0x3  }
0x1a0: {  	v10 =	vmul.u32 $0x18, v10  }
0x1a1: {  	v9 =	vand.u32 $0x7, v9  }
0x1a2: {  	v9 =	vor.u32 v9, v10  }
0x1a3: {  	v10 =	vperm.xlane v9, v1;
	_ =	sdelay $0x1  }
0x1a4: {  	v10 =	vadd.s32 v2, v10;
	_ =	sdelay $0x1  }
0x1a5: {  	v9 =	vperm.xlane v9, v3;
	_ =	sdelay $0x1  }
0x1a6: {  	s16 =	simm.s32 $0x14880;
	v9 =	vadd.s32 v2, v9  }
0x1a7: {  	[tilespmem:s16], [sflag:$0x5] =	stream.indirect_vreg.gather [hbm4b:s1+s5], $0x80, v10, vm0, $0xb8;
	[tilespmem:$0x1F080] =	vst v63  }
0x1a8: {  	s17 =	simm.s32 $0x15080  }
0x1a9: {  	[tilespmem:s17], [sflag:$0x5] =	stream.indirect_vreg.gather [hbm4b:s21+s5], $0x80, v10, vm1, $0xb8;
	[tilespmem:$0x1F080] =	vst v63  }
0x1aa: {  	s19 =	simm.s32 $0x15480  }
0x1ab: {  	[tilespmem:s19], [sflag:$0x5] =	stream.indirect_vreg.gather [hbm4b:s1+s5], $0x80, v9, vm0, $0xb8;
	[tilespmem:$0x1F080] =	vst v63  }
0x1ac: {  	s20 =	simm.s32 $0x15C80  }
0x1ad: {  	[tilespmem:s20], [sflag:$0x5] =	stream.indirect_vreg.gather [hbm4b:s21+s5], $0x80, v9, vm1, $0xb8;
	[tilespmem:$0x1F080] =	vst v63  }
0x1ae: {  	v9 =	vld [tilespmem:$0x61A0];
	_ =	sdelay $0x4  }
0x1af: {  	v10 =	vshrl.u32 v9, $0x3  }
0x1b0: {  	v10 =	vmul.u32 $0x18, v10  }
0x1b1: {  	v9 =	vand.u32 $0x7, v9  }
0x1b2: {  	v9 =	vor.u32 v9, v10  }
0x1b3: {  	v10 =	vperm.xlane v9, v1;
	_ =	sdelay $0x1  }
0x1b4: {  	v10 =	vadd.s32 v2, v10;
	_ =	sdelay $0x1  }
0x1b5: {  	v9 =	vperm.xlane v9, v3;
	_ =	sdelay $0x1  }
0x1b6: {  	s25 =	simm.s32 $0x16080;
	v9 =	vadd.s32 v2, v9  }
0x1b7: {  	[tilespmem:s25], [sflag:$0x5] =	stream.indirect_vreg.gather [hbm4b:s1+s5], $0x80, v10, vm0, $0xb8;
	[tilespmem:$0x1F080] =	vst v63  }
0x1b8: {  	s7 =	simm.s32 $0x16880  }
0x1b9: {  	[tilespmem:s7], [sflag:$0x5] =	stream.indirect_vreg.gather [hbm4b:s21+s5], $0x80, v10, vm1, $0xb8;
	[tilespmem:$0x1F080] =	vst v63  }
0x1ba: {  	s8 =	simm.s32 $0x16C80  }
0x1bb: {  	[tilespmem:s8], [sflag:$0x5] =	stream.indirect_vreg.gather [hbm4b:s1+s5], $0x80, v9, vm0, $0xb8;
	[tilespmem:$0x1F080] =	vst v63  }
0x1bc: {  	s14 =	simm.s32 $0x17480  }
0x1bd: {  	[tilespmem:s14], [sflag:$0x5] =	stream.indirect_vreg.gather [hbm4b:s21+s5], $0x80, v9, vm1, $0xb8;
	[tilespmem:$0x1F080] =	vst v63  }
0x1be: {  	v9 =	vld [tilespmem:$0x61B0];
	_ =	sdelay $0x4  }
0x1bf: {  	v10 =	vshrl.u32 v9, $0x3  }
0x1c0: {  	v10 =	vmul.u32 $0x18, v10  }
0x1c1: {  	v9 =	vand.u32 $0x7, v9  }
0x1c2: {  	v9 =	vor.u32 v9, v10  }
0x1c3: {  	v10 =	vperm.xlane v9, v1;
	_ =	sdelay $0x1  }
0x1c4: {  	v10 =	vadd.s32 v2, v10;
	_ =	sdelay $0x1  }
0x1c5: {  	v9 =	vperm.xlane v9, v3;
	_ =	sdelay $0x1  }
0x1c6: {  	s15 =	simm.s32 $0x17880;
	v9 =	vadd.s32 v2, v9  }
0x1c7: {  	[tilespmem:s15], [sflag:$0x5] =	stream.indirect_vreg.gather [hbm4b:s1+s5], $0x80, v10, vm0, $0xb8;
	[tilespmem:$0x1F080] =	vst v63  }
0x1c8: {  	s16 =	simm.s32 $0x18080  }
0x1c9: {  	[tilespmem:s16], [sflag:$0x5] =	stream.indirect_vreg.gather [hbm4b:s21+s5], $0x80, v10, vm1, $0xb8;
	[tilespmem:$0x1F080] =	vst v63  }
0x1ca: {  	s17 =	simm.s32 $0x18480  }
0x1cb: {  	[tilespmem:s17], [sflag:$0x5] =	stream.indirect_vreg.gather [hbm4b:s1+s5], $0x80, v9, vm0, $0xb8;
	[tilespmem:$0x1F080] =	vst v63  }
0x1cc: {  	s19 =	simm.s32 $0x18C80;
	s20 =	simm.s32 $0x0  }
0x1cd: {  	[tilespmem:s19], [sflag:$0x5] =	stream.indirect_vreg.gather [hbm4b:s21+s5], $0x80, v9, vm1, $0xb8;
	[tilespmem:$0x1F080] =	vst v63  }
0x1ce: {  	s2 =	smul.u32 $0xC00, s20;
	_ =	swait.ge [sflag:s0], $0x6000  }
0x1cf: {  	s25 =	sand.u32 $0x380, s5;
	[sflag:s0] =	ssyncset.done $0x0  }
0x1d0: {  	s14 =	sor.u32 s25, s2;
	[sflag:s0] =	ssyncadd.s32 $0xFFFFA000  }
0x1d1: {  	v9 =	vld [tilespmem:s14+$0x870]  }
0x1d2: {  	v12 =	vld [tilespmem:s14+$0x0]  }
0x1d3: {  	v13 =	vld [tilespmem:s14+$0x10]  }
0x1d4: {  	v14 =	vld [tilespmem:s14+$0x20]  }
0x1d5: {  	v15 =	vld [tilespmem:s14+$0x30]  }
0x1d6: {  	v16 =	vld [tilespmem:s14+$0x40]  }
0x1d7: {  	v17 =	vld [tilespmem:s14+$0x50]  }
0x1d8: {  	v18 =	vld [tilespmem:s14+$0x60]  }
0x1d9: {  	v19 =	vld [tilespmem:s14+$0x70]  }
0x1da: {  	v20 =	vld [tilespmem:s14+$0x400]  }
0x1db: {  	v21 =	vld [tilespmem:s14+$0x410]  }
0x1dc: {  	v22 =	vld [tilespmem:s14+$0x420]  }
0x1dd: {  	v23 =	vld [tilespmem:s14+$0x430]  }
0x1de: {  	v24 =	vld [tilespmem:s14+$0x440]  }
0x1df: {  	v25 =	vld [tilespmem:s14+$0x450]  }
0x1e0: {  	v26 =	vld [tilespmem:s14+$0x460]  }
0x1e1: {  	v27 =	vld [tilespmem:s14+$0x470]  }
0x1e2: {  	v28 =	vld [tilespmem:s14+$0x800]  }
0x1e3: {  	v29 =	vld [tilespmem:s14+$0x810]  }
0x1e4: {  	v30 =	vld [tilespmem:s14+$0x820]  }
0x1e5: {  	v31 =	vld [tilespmem:s14+$0x830]  }
0x1e6: {  	v11 =	vld [tilespmem:s14+$0x840]  }
0x1e7: {  	v10 =	vld [tilespmem:s14+$0x850]  }
0x1e8: {  	[tilespmem:s14+$0x78F0] =	vst.add.f32.msk $0xffff, v9  }
0x1e9: {  	v9 =	vld [tilespmem:s14+$0x860]  }
0x1ea: {  	[tilespmem:s14+$0x7080] =	vst.add.f32.msk $0xffff, v12  }
0x1eb: {  	[tilespmem:s14+$0x7090] =	vst.add.f32.msk $0xffff, v13  }
0x1ec: {  	[tilespmem:s14+$0x70A0] =	vst.add.f32.msk $0xffff, v14  }
0x1ed: {  	[tilespmem:s14+$0x70B0] =	vst.add.f32.msk $0xffff, v15  }
0x1ee: {  	[tilespmem:s14+$0x70C0] =	vst.add.f32.msk $0xffff, v16  }
0x1ef: {  	[tilespmem:s14+$0x70D0] =	vst.add.f32.msk $0xffff, v17  }
0x1f0: {  	[tilespmem:s14+$0x70E0] =	vst.add.f32.msk $0xffff, v18  }
0x1f1: {  	[tilespmem:s14+$0x70F0] =	vst.add.f32.msk $0xffff, v19  }
0x1f2: {  	[tilespmem:s14+$0x7480] =	vst.add.f32.msk $0xffff, v20  }
0x1f3: {  	[tilespmem:s14+$0x7490] =	vst.add.f32.msk $0xffff, v21  }
0x1f4: {  	[tilespmem:s14+$0x74A0] =	vst.add.f32.msk $0xffff, v22  }
0x1f5: {  	[tilespmem:s14+$0x74B0] =	vst.add.f32.msk $0xffff, v23  }
0x1f6: {  	[tilespmem:s14+$0x74C0] =	vst.add.f32.msk $0xffff, v24  }
0x1f7: {  	[tilespmem:s14+$0x74D0] =	vst.add.f32.msk $0xffff, v25  }
0x1f8: {  	[tilespmem:s14+$0x74E0] =	vst.add.f32.msk $0xffff, v26  }
0x1f9: {  	[tilespmem:s14+$0x74F0] =	vst.add.f32.msk $0xffff, v27  }
0x1fa: {  	[tilespmem:s14+$0x7880] =	vst.add.f32.msk $0xffff, v28  }
0x1fb: {  	[tilespmem:s14+$0x7890] =	vst.add.f32.msk $0xffff, v29  }
0x1fc: {  	[tilespmem:s14+$0x78A0] =	vst.add.f32.msk $0xffff, v30  }
0x1fd: {  	s7 =	simm.s32 $0x0;
	s15 =	simm.s32 $0x0;
	s16 =	simm.s32 $0x2;
	[tilespmem:s14+$0x78B0] =	vst.add.f32.msk $0xffff, v31  }
.LBB2_2:
0x1fe: {  	p0 =	sne.s32 s16, $0x3F;
	s2 =	smul.u32 $0xC00, s7;
	[tilespmem:s14+$0x78C0] =	vst.add.f32.msk $0xffff, v11;
	s15 =	sadd.s32 $0x80, s15  }
0x1ff: {  	s7 =	sand.u32 $0x380, s15;
	[tilespmem:s14+$0x78D0] =	vst.add.f32.msk $0xffff, v10  }
0x200: {  	[tilespmem:s14+$0x78E0] =	vst.add.f32.msk $0xffff, v9;
	s14 =	sor.u32 s7, s2  }
0x201: {  	v9 =	vld [tilespmem:s14+$0x870]  }
0x202: {  	v12 =	vld [tilespmem:s14+$0x0]  }
0x203: {  	v13 =	vld [tilespmem:s14+$0x10]  }
0x204: {  	v14 =	vld [tilespmem:s14+$0x20]  }
0x205: {  	v15 =	vld [tilespmem:s14+$0x30]  }
0x206: {  	[tilespmem:s14+$0x78F0] =	vst.add.f32.msk $0xffff, v9  }
0x207: {  	v16 =	vld [tilespmem:s14+$0x40]  }
0x208: {  	v17 =	vld [tilespmem:s14+$0x50]  }
0x209: {  	v18 =	vld [tilespmem:s14+$0x60]  }
0x20a: {  	v19 =	vld [tilespmem:s14+$0x70]  }
0x20b: {  	v20 =	vld [tilespmem:s14+$0x400]  }
0x20c: {  	v21 =	vld [tilespmem:s14+$0x410]  }
0x20d: {  	v22 =	vld [tilespmem:s14+$0x420]  }
0x20e: {  	v23 =	vld [tilespmem:s14+$0x430]  }
0x20f: {  	v24 =	vld [tilespmem:s14+$0x440]  }
0x210: {  	v25 =	vld [tilespmem:s14+$0x450]  }
0x211: {  	v26 =	vld [tilespmem:s14+$0x460]  }
0x212: {  	v27 =	vld [tilespmem:s14+$0x470]  }
0x213: {  	v28 =	vld [tilespmem:s14+$0x800]  }
0x214: {  	v29 =	vld [tilespmem:s14+$0x810]  }
0x215: {  	v30 =	vld [tilespmem:s14+$0x820]  }
0x216: {  	v31 =	vld [tilespmem:s14+$0x830]  }
0x217: {  	v11 =	vld [tilespmem:s14+$0x840]  }
0x218: {  	v10 =	vld [tilespmem:s14+$0x850]  }
0x219: {  	v9 =	vld [tilespmem:s14+$0x860]  }
0x21a: {  	[tilespmem:s14+$0x7080] =	vst.add.f32.msk $0xffff, v12  }
0x21b: {  	[tilespmem:s14+$0x7090] =	vst.add.f32.msk $0xffff, v13  }
0x21c: {  	[tilespmem:s14+$0x70A0] =	vst.add.f32.msk $0xffff, v14  }
0x21d: {  	[tilespmem:s14+$0x70B0] =	vst.add.f32.msk $0xffff, v15  }
0x21e: {  	[tilespmem:s14+$0x70C0] =	vst.add.f32.msk $0xffff, v16  }
0x21f: {  	[tilespmem:s14+$0x70D0] =	vst.add.f32.msk $0xffff, v17  }
0x220: {  	[tilespmem:s14+$0x70E0] =	vst.add.f32.msk $0xffff, v18  }
0x221: {  	[tilespmem:s14+$0x70F0] =	vst.add.f32.msk $0xffff, v19  }
0x222: {  	[tilespmem:s14+$0x7480] =	vst.add.f32.msk $0xffff, v20  }
0x223: {  	[tilespmem:s14+$0x7490] =	vst.add.f32.msk $0xffff, v21  }
0x224: {  	[tilespmem:s14+$0x74A0] =	vst.add.f32.msk $0xffff, v22  }
0x225: {  	[tilespmem:s14+$0x74B0] =	vst.add.f32.msk $0xffff, v23  }
0x226: {  	[tilespmem:s14+$0x74C0] =	vst.add.f32.msk $0xffff, v24  }
0x227: {  	[tilespmem:s14+$0x74D0] =	vst.add.f32.msk $0xffff, v25  }
0x228: {  	[tilespmem:s14+$0x74E0] =	vst.add.f32.msk $0xffff, v26  }
.Ltmp0:
0x229: {  	[tilespmem:s14+$0x74F0] =	vst.add.f32.msk $0xffff, v27;
	(pc) =	sbr.rel @p0 .LBB2_2-.Ltmp0, $4  }
0x22a: {  	[tilespmem:s14+$0x7880] =	vst.add.f32.msk $0xffff, v28  }
0x22b: {  	[tilespmem:s14+$0x7890] =	vst.add.f32.msk $0xffff, v29  }
0x22c: {  	[tilespmem:s14+$0x78A0] =	vst.add.f32.msk $0xffff, v30  }
0x22d: {  	s7 =	sshrl.u32 s16, $0x3;
	s16 =	sadd.s32 $0x1, s16;
	[tilespmem:s14+$0x78B0] =	vst.add.f32.msk $0xffff, v31  }
0x22e: {  	s2 =	smul.u32 $0xC00, s7;
	[tilespmem:s14+$0x78C0] =	vst.add.f32.msk $0xffff, v11;
	s20 =	sadd.s32 $0x80, s15  }
0x22f: {  	[tilespmem:s14+$0x78D0] =	vst.add.f32.msk $0xffff, v10;
	s7 =	sand.u32 $0x380, s20  }
0x230: {  	[tilespmem:s14+$0x78E0] =	vst.add.f32.msk $0xffff, v9;
	s2 =	sor.u32 s7, s2  }
0x231: {  	v9 =	vld [tilespmem:s2+$0x870]  }
0x232: {  	v10 =	vld [tilespmem:s2+$0x0]  }
0x233: {  	v11 =	vld [tilespmem:s2+$0x10]  }
0x234: {  	v12 =	vld [tilespmem:s2+$0x20]  }
0x235: {  	v13 =	vld [tilespmem:s2+$0x30]  }
0x236: {  	v14 =	vld [tilespmem:s2+$0x50]  }
0x237: {  	v15 =	vld [tilespmem:s2+$0x60]  }
0x238: {  	v16 =	vld [tilespmem:s2+$0x70]  }
0x239: {  	v17 =	vld [tilespmem:s2+$0x400]  }
0x23a: {  	v18 =	vld [tilespmem:s2+$0x410]  }
0x23b: {  	v19 =	vld [tilespmem:s2+$0x420]  }
0x23c: {  	v20 =	vld [tilespmem:s2+$0x430]  }
0x23d: {  	v21 =	vld [tilespmem:s2+$0x440]  }
0x23e: {  	v22 =	vld [tilespmem:s2+$0x450]  }
0x23f: {  	v23 =	vld [tilespmem:s2+$0x460]  }
0x240: {  	v24 =	vld [tilespmem:s2+$0x470]  }
0x241: {  	v25 =	vld [tilespmem:s2+$0x800]  }
0x242: {  	v26 =	vld [tilespmem:s2+$0x810]  }
0x243: {  	v27 =	vld [tilespmem:s2+$0x820]  }
0x244: {  	v28 =	vld [tilespmem:s2+$0x830]  }
0x245: {  	v29 =	vld [tilespmem:s2+$0x840]  }
0x246: {  	v30 =	vld [tilespmem:s2+$0x850]  }
0x247: {  	v31 =	vld [tilespmem:s2+$0x860]  }
0x248: {  	[tilespmem:s2+$0x78F0] =	vst.add.f32.msk $0xffff, v9  }
0x249: {  	v9 =	vld [tilespmem:s2+$0x40]  }
0x24a: {  	[tilespmem:s2+$0x7080] =	vst.add.f32.msk $0xffff, v10  }
0x24b: {  	[tilespmem:s2+$0x7090] =	vst.add.f32.msk $0xffff, v11  }
0x24c: {  	[tilespmem:s2+$0x70A0] =	vst.add.f32.msk $0xffff, v12  }
0x24d: {  	[tilespmem:s2+$0x70B0] =	vst.add.f32.msk $0xffff, v13  }
0x24e: {  	[tilespmem:s2+$0x70D0] =	vst.add.f32.msk $0xffff, v14  }
0x24f: {  	[tilespmem:s2+$0x70E0] =	vst.add.f32.msk $0xffff, v15  }
0x250: {  	[tilespmem:s2+$0x70F0] =	vst.add.f32.msk $0xffff, v16  }
0x251: {  	[tilespmem:s2+$0x7480] =	vst.add.f32.msk $0xffff, v17  }
0x252: {  	[tilespmem:s2+$0x7490] =	vst.add.f32.msk $0xffff, v18  }
0x253: {  	[tilespmem:s2+$0x74A0] =	vst.add.f32.msk $0xffff, v19  }
0x254: {  	[tilespmem:s2+$0x74B0] =	vst.add.f32.msk $0xffff, v20  }
0x255: {  	[tilespmem:s2+$0x74C0] =	vst.add.f32.msk $0xffff, v21  }
0x256: {  	[tilespmem:s2+$0x74D0] =	vst.add.f32.msk $0xffff, v22  }
0x257: {  	[tilespmem:s2+$0x74E0] =	vst.add.f32.msk $0xffff, v23  }
0x258: {  	[tilespmem:s2+$0x74F0] =	vst.add.f32.msk $0xffff, v24  }
0x259: {  	[tilespmem:s2+$0x7880] =	vst.add.f32.msk $0xffff, v25  }
0x25a: {  	[tilespmem:s2+$0x7890] =	vst.add.f32.msk $0xffff, v26  }
0x25b: {  	[tilespmem:s2+$0x78A0] =	vst.add.f32.msk $0xffff, v27  }
0x25c: {  	[tilespmem:s2+$0x78B0] =	vst.add.f32.msk $0xffff, v28  }
0x25d: {  	[tilespmem:s2+$0x78C0] =	vst.add.f32.msk $0xffff, v29  }
0x25e: {  	[tilespmem:s2+$0x78D0] =	vst.add.f32.msk $0xffff, v30  }
0x25f: {  	[tilespmem:s2+$0x78E0] =	vst.add.f32.msk $0xffff, v31  }
0x260: {  	s14 =	simm.s32 $0x0;
	s25 =	rddreg [dreg:$0xf];
	[tilespmem:s2+$0x70C0] =	vst.add.f32.msk $0xffff, v9  }
0x261: {  	[hbm4b:s25+s14] =	stream.linear.scatter [tilespmem:s26], [sflag:$0x7], $0x6000, $0x38;
	[tilespmem:$0x1F080] =	vst v63  }
0x262: {  	v9 =	vld [tilespmem:$0x6200];
	_ =	sdelay $0x4  }
0x263: {  	v10 =	vshrl.u32 v9, $0x3  }
0x264: {  	v10 =	vmul.u32 $0x18, v10  }
0x265: {  	v9 =	vand.u32 $0x7, v9  }
0x266: {  	v9 =	vor.u32 v9, v10  }
0x267: {  	v10 =	vperm.xlane v9, v1;
	_ =	sdelay $0x1  }
0x268: {  	v10 =	vadd.s32 v2, v10;
	_ =	sdelay $0x1  }
0x269: {  	v9 =	vperm.xlane v9, v3;
	_ =	sdelay $0x1  }
0x26a: {  	v9 =	vadd.s32 v2, v9  }
0x26b: {  	[tilespmem:s4], [sflag:$0x6] =	stream.indirect_vreg.gather [hbm4b:s1+s14], $0x80, v10, vm0, $0xb8;
	[tilespmem:$0x1F080] =	vst v63  }
0x26c: {  	s7 =	simm.s32 $0x19880  }
0x26d: {  	[tilespmem:s7], [sflag:$0x6] =	stream.indirect_vreg.gather [hbm4b:s21+s14], $0x80, v10, vm1, $0xb8;
	[tilespmem:$0x1F080] =	vst v63  }
0x26e: {  	s8 =	simm.s32 $0x19C80  }
0x26f: {  	[tilespmem:s8], [sflag:$0x6] =	stream.indirect_vreg.gather [hbm4b:s1+s14], $0x80, v9, vm0, $0xb8;
	[tilespmem:$0x1F080] =	vst v63  }
0x270: {  	s15 =	simm.s32 $0x1A480  }
0x271: {  	[tilespmem:s15], [sflag:$0x6] =	stream.indirect_vreg.gather [hbm4b:s21+s14], $0x80, v9, vm1, $0xb8;
	[tilespmem:$0x1F080] =	vst v63  }
0x272: {  	v9 =	vld [tilespmem:$0x6210];
	_ =	sdelay $0x4  }
0x273: {  	v10 =	vshrl.u32 v9, $0x3  }
0x274: {  	v10 =	vmul.u32 $0x18, v10  }
0x275: {  	v9 =	vand.u32 $0x7, v9  }
0x276: {  	v9 =	vor.u32 v9, v10  }
0x277: {  	v10 =	vperm.xlane v9, v1;
	_ =	sdelay $0x1  }
0x278: {  	v10 =	vadd.s32 v2, v10;
	_ =	sdelay $0x1  }
0x279: {  	v9 =	vperm.xlane v9, v3;
	_ =	sdelay $0x1  }
0x27a: {  	s16 =	simm.s32 $0x1A880;
	v9 =	vadd.s32 v2, v9  }
0x27b: {  	[tilespmem:s16], [sflag:$0x6] =	stream.indirect_vreg.gather [hbm4b:s1+s14], $0x80, v10, vm0, $0xb8;
	[tilespmem:$0x1F080] =	vst v63  }
0x27c: {  	s17 =	simm.s32 $0x1B080  }
0x27d: {  	[tilespmem:s17], [sflag:$0x6] =	stream.indirect_vreg.gather [hbm4b:s21+s14], $0x80, v10, vm1, $0xb8;
	[tilespmem:$0x1F080] =	vst v63  }
0x27e: {  	s19 =	simm.s32 $0x1B480  }
0x27f: {  	[tilespmem:s19], [sflag:$0x6] =	stream.indirect_vreg.gather [hbm4b:s1+s14], $0x80, v9, vm0, $0xb8;
	[tilespmem:$0x1F080] =	vst v63  }
0x280: {  	s20 =	simm.s32 $0x1BC80  }
0x281: {  	[tilespmem:s20], [sflag:$0x6] =	stream.indirect_vreg.gather [hbm4b:s21+s14], $0x80, v9, vm1, $0xb8;
	[tilespmem:$0x1F080] =	vst v63  }
0x282: {  	v9 =	vld [tilespmem:$0x6220];
	_ =	sdelay $0x4  }
0x283: {  	v10 =	vshrl.u32 v9, $0x3  }
0x284: {  	v10 =	vmul.u32 $0x18, v10  }
0x285: {  	v9 =	vand.u32 $0x7, v9  }
0x286: {  	v9 =	vor.u32 v9, v10  }
0x287: {  	v10 =	vperm.xlane v9, v1;
	_ =	sdelay $0x1  }
0x288: {  	v10 =	vadd.s32 v2, v10;
	_ =	sdelay $0x1  }
0x289: {  	v9 =	vperm.xlane v9, v3;
	_ =	sdelay $0x1  }
0x28a: {  	s25 =	simm.s32 $0x1C080;
	v9 =	vadd.s32 v2, v9  }
0x28b: {  	[tilespmem:s25], [sflag:$0x6] =	stream.indirect_vreg.gather [hbm4b:s1+s14], $0x80, v10, vm0, $0xb8;
	[tilespmem:$0x1F080] =	vst v63  }
0x28c: {  	s7 =	simm.s32 $0x1C880  }
0x28d: {  	[tilespmem:s7], [sflag:$0x6] =	stream.indirect_vreg.gather [hbm4b:s21+s14], $0x80, v10, vm1, $0xb8;
	[tilespmem:$0x1F080] =	vst v63  }
0x28e: {  	s8 =	simm.s32 $0x1CC80  }
0x28f: {  	[tilespmem:s8], [sflag:$0x6] =	stream.indirect_vreg.gather [hbm4b:s1+s14], $0x80, v9, vm0, $0xb8;
	[tilespmem:$0x1F080] =	vst v63  }
0x290: {  	s15 =	simm.s32 $0x1D480  }
0x291: {  	[tilespmem:s15], [sflag:$0x6] =	stream.indirect_vreg.gather [hbm4b:s21+s14], $0x80, v9, vm1, $0xb8;
	[tilespmem:$0x1F080] =	vst v63  }
0x292: {  	v9 =	vld [tilespmem:$0x6230];
	_ =	sdelay $0x4  }
0x293: {  	v10 =	vshrl.u32 v9, $0x3  }
0x294: {  	v10 =	vmul.u32 $0x18, v10  }
0x295: {  	v9 =	vand.u32 $0x7, v9  }
0x296: {  	v9 =	vor.u32 v9, v10  }
0x297: {  	v10 =	vperm.xlane v9, v1;
	_ =	sdelay $0x1  }
0x298: {  	v10 =	vadd.s32 v2, v10;
	_ =	sdelay $0x1  }
0x299: {  	v9 =	vperm.xlane v9, v3;
	_ =	sdelay $0x1  }
0x29a: {  	s16 =	simm.s32 $0x1D880;
	v9 =	vadd.s32 v2, v9  }
0x29b: {  	[tilespmem:s16], [sflag:$0x6] =	stream.indirect_vreg.gather [hbm4b:s1+s14], $0x80, v10, vm0, $0xb8;
	[tilespmem:$0x1F080] =	vst v63  }
0x29c: {  	s17 =	simm.s32 $0x1E080  }
0x29d: {  	[tilespmem:s17], [sflag:$0x6] =	stream.indirect_vreg.gather [hbm4b:s21+s14], $0x80, v10, vm1, $0xb8;
	[tilespmem:$0x1F080] =	vst v63  }
0x29e: {  	s19 =	simm.s32 $0x1E480  }
0x29f: {  	[tilespmem:s19], [sflag:$0x6] =	stream.indirect_vreg.gather [hbm4b:s1+s14], $0x80, v9, vm0, $0xb8;
	[tilespmem:$0x1F080] =	vst v63  }
0x2a0: {  	s20 =	simm.s32 $0x0  }
0x2a1: {  	[tilespmem:s28], [sflag:$0x6] =	stream.indirect_vreg.gather [hbm4b:s21+s14], $0x80, v9, vm1, $0xb8;
	[tilespmem:$0x1F080] =	vst v63  }
0x2a2: {  	s2 =	smul.u32 $0xC00, s20;
	_ =	swait.ge [sflag:s29], $0x6000  }
0x2a3: {  	s25 =	sand.u32 $0x380, s14;
	[sflag:s29] =	ssyncset.done $0x0  }
0x2a4: {  	s15 =	sor.u32 s25, s2;
	[sflag:s29] =	ssyncadd.s32 $0xFFFFA000  }
0x2a5: {  	v9 =	vld [tilespmem:s15+$0x870]  }
0x2a6: {  	v44 =	vld [tilespmem:s15+$0x0]  }
0x2a7: {  	v45 =	vld [tilespmem:s15+$0x10]  }
0x2a8: {  	v46 =	vld [tilespmem:s15+$0x20]  }
0x2a9: {  	v47 =	vld [tilespmem:s15+$0x30]  }
0x2aa: {  	v48 =	vld [tilespmem:s15+$0x40]  }
0x2ab: {  	v49 =	vld [tilespmem:s15+$0x50]  }
0x2ac: {  	v50 =	vld [tilespmem:s15+$0x60]  }
0x2ad: {  	v51 =	vld [tilespmem:s15+$0x70]  }
0x2ae: {  	v52 =	vld [tilespmem:s15+$0x400]  }
0x2af: {  	v53 =	vld [tilespmem:s15+$0x410]  }
0x2b0: {  	v54 =	vld [tilespmem:s15+$0x420]  }
0x2b1: {  	v55 =	vld [tilespmem:s15+$0x430]  }
0x2b2: {  	v56 =	vld [tilespmem:s15+$0x440]  }
0x2b3: {  	v57 =	vld [tilespmem:s15+$0x450]  }
0x2b4: {  	v58 =	vld [tilespmem:s15+$0x460]  }
0x2b5: {  	v59 =	vld [tilespmem:s15+$0x470]  }
0x2b6: {  	v60 =	vld [tilespmem:s15+$0x800]  }
0x2b7: {  	v61 =	vld [tilespmem:s15+$0x810]  }
0x2b8: {  	v62 =	vld [tilespmem:s15+$0x820]  }
0x2b9: {  	v63 =	vld [tilespmem:s15+$0x830]  }
0x2ba: {  	v11 =	vld [tilespmem:s15+$0x840]  }
0x2bb: {  	v10 =	vld [tilespmem:s15+$0x850]  }
0x2bc: {  	[tilespmem:s15+$0xD8F0] =	vst.add.f32.msk $0xffff, v9  }
0x2bd: {  	v9 =	vld [tilespmem:s15+$0x860]  }
0x2be: {  	[tilespmem:s15+$0xD080] =	vst.add.f32.msk $0xffff, v44  }
0x2bf: {  	[tilespmem:s15+$0xD090] =	vst.add.f32.msk $0xffff, v45  }
0x2c0: {  	[tilespmem:s15+$0xD0A0] =	vst.add.f32.msk $0xffff, v46  }
0x2c1: {  	[tilespmem:s15+$0xD0B0] =	vst.add.f32.msk $0xffff, v47  }
0x2c2: {  	[tilespmem:s15+$0xD0C0] =	vst.add.f32.msk $0xffff, v48  }
0x2c3: {  	[tilespmem:s15+$0xD0D0] =	vst.add.f32.msk $0xffff, v49  }
0x2c4: {  	[tilespmem:s15+$0xD0E0] =	vst.add.f32.msk $0xffff, v50  }
0x2c5: {  	[tilespmem:s15+$0xD0F0] =	vst.add.f32.msk $0xffff, v51  }
0x2c6: {  	[tilespmem:s15+$0xD480] =	vst.add.f32.msk $0xffff, v52  }
0x2c7: {  	[tilespmem:s15+$0xD490] =	vst.add.f32.msk $0xffff, v53  }
0x2c8: {  	[tilespmem:s15+$0xD4A0] =	vst.add.f32.msk $0xffff, v54  }
0x2c9: {  	[tilespmem:s15+$0xD4B0] =	vst.add.f32.msk $0xffff, v55  }
0x2ca: {  	[tilespmem:s15+$0xD4C0] =	vst.add.f32.msk $0xffff, v56  }
0x2cb: {  	[tilespmem:s15+$0xD4D0] =	vst.add.f32.msk $0xffff, v57  }
0x2cc: {  	[tilespmem:s15+$0xD4E0] =	vst.add.f32.msk $0xffff, v58  }
0x2cd: {  	[tilespmem:s15+$0xD4F0] =	vst.add.f32.msk $0xffff, v59  }
0x2ce: {  	[tilespmem:s15+$0xD880] =	vst.add.f32.msk $0xffff, v60  }
0x2cf: {  	[tilespmem:s15+$0xD890] =	vst.add.f32.msk $0xffff, v61  }
0x2d0: {  	[tilespmem:s15+$0xD8A0] =	vst.add.f32.msk $0xffff, v62  }
0x2d1: {  	s7 =	simm.s32 $0x0;
	s16 =	simm.s32 $0x2;
	[tilespmem:s15+$0xD8B0] =	vst.add.f32.msk $0xffff, v63  }
.LBB2_4:
0x2d2: {  	p0 =	sne.s32 s16, $0x3F;
	s2 =	smul.u32 $0xC00, s7;
	[tilespmem:s15+$0xD8C0] =	vst.add.f32.msk $0xffff, v11;
	s14 =	sadd.s32 $0x80, s14  }
0x2d3: {  	s7 =	sand.u32 $0x380, s14;
	[tilespmem:s15+$0xD8D0] =	vst.add.f32.msk $0xffff, v10  }
0x2d4: {  	[tilespmem:s15+$0xD8E0] =	vst.add.f32.msk $0xffff, v9;
	s15 =	sor.u32 s7, s2  }
0x2d5: {  	v9 =	vld [tilespmem:s15+$0x870]  }
0x2d6: {  	v12 =	vld [tilespmem:s15+$0x0]  }
0x2d7: {  	v13 =	vld [tilespmem:s15+$0x10]  }
0x2d8: {  	v14 =	vld [tilespmem:s15+$0x20]  }
0x2d9: {  	v15 =	vld [tilespmem:s15+$0x30]  }
0x2da: {  	[tilespmem:s15+$0xD8F0] =	vst.add.f32.msk $0xffff, v9  }
0x2db: {  	v16 =	vld [tilespmem:s15+$0x40]  }
0x2dc: {  	v17 =	vld [tilespmem:s15+$0x50]  }
0x2dd: {  	v18 =	vld [tilespmem:s15+$0x60]  }
0x2de: {  	v19 =	vld [tilespmem:s15+$0x70]  }
0x2df: {  	v20 =	vld [tilespmem:s15+$0x400]  }
0x2e0: {  	v21 =	vld [tilespmem:s15+$0x410]  }
0x2e1: {  	v22 =	vld [tilespmem:s15+$0x420]  }
0x2e2: {  	v23 =	vld [tilespmem:s15+$0x430]  }
0x2e3: {  	v24 =	vld [tilespmem:s15+$0x440]  }
0x2e4: {  	v25 =	vld [tilespmem:s15+$0x450]  }
0x2e5: {  	v26 =	vld [tilespmem:s15+$0x460]  }
0x2e6: {  	v27 =	vld [tilespmem:s15+$0x470]  }
0x2e7: {  	v28 =	vld [tilespmem:s15+$0x800]  }
0x2e8: {  	v29 =	vld [tilespmem:s15+$0x810]  }
0x2e9: {  	v30 =	vld [tilespmem:s15+$0x820]  }
0x2ea: {  	v31 =	vld [tilespmem:s15+$0x830]  }
0x2eb: {  	v11 =	vld [tilespmem:s15+$0x840]  }
0x2ec: {  	v10 =	vld [tilespmem:s15+$0x850]  }
0x2ed: {  	v9 =	vld [tilespmem:s15+$0x860]  }
0x2ee: {  	[tilespmem:s15+$0xD080] =	vst.add.f32.msk $0xffff, v12  }
0x2ef: {  	[tilespmem:s15+$0xD090] =	vst.add.f32.msk $0xffff, v13  }
0x2f0: {  	[tilespmem:s15+$0xD0A0] =	vst.add.f32.msk $0xffff, v14  }
0x2f1: {  	[tilespmem:s15+$0xD0B0] =	vst.add.f32.msk $0xffff, v15  }
0x2f2: {  	[tilespmem:s15+$0xD0C0] =	vst.add.f32.msk $0xffff, v16  }
0x2f3: {  	[tilespmem:s15+$0xD0D0] =	vst.add.f32.msk $0xffff, v17  }
0x2f4: {  	[tilespmem:s15+$0xD0E0] =	vst.add.f32.msk $0xffff, v18  }
0x2f5: {  	[tilespmem:s15+$0xD0F0] =	vst.add.f32.msk $0xffff, v19  }
0x2f6: {  	[tilespmem:s15+$0xD480] =	vst.add.f32.msk $0xffff, v20  }
0x2f7: {  	[tilespmem:s15+$0xD490] =	vst.add.f32.msk $0xffff, v21  }
0x2f8: {  	[tilespmem:s15+$0xD4A0] =	vst.add.f32.msk $0xffff, v22  }
0x2f9: {  	[tilespmem:s15+$0xD4B0] =	vst.add.f32.msk $0xffff, v23  }
0x2fa: {  	[tilespmem:s15+$0xD4C0] =	vst.add.f32.msk $0xffff, v24  }
0x2fb: {  	[tilespmem:s15+$0xD4D0] =	vst.add.f32.msk $0xffff, v25  }
0x2fc: {  	[tilespmem:s15+$0xD4E0] =	vst.add.f32.msk $0xffff, v26  }
.Ltmp1:
0x2fd: {  	[tilespmem:s15+$0xD4F0] =	vst.add.f32.msk $0xffff, v27;
	(pc) =	sbr.rel @p0 .LBB2_4-.Ltmp1, $4  }
0x2fe: {  	[tilespmem:s15+$0xD880] =	vst.add.f32.msk $0xffff, v28  }
0x2ff: {  	[tilespmem:s15+$0xD890] =	vst.add.f32.msk $0xffff, v29  }
0x300: {  	[tilespmem:s15+$0xD8A0] =	vst.add.f32.msk $0xffff, v30  }
0x301: {  	s7 =	sshrl.u32 s16, $0x3;
	s16 =	sadd.s32 $0x1, s16;
	[tilespmem:s15+$0xD8B0] =	vst.add.f32.msk $0xffff, v31  }
0x302: {  	s2 =	smul.u32 $0xC00, s7;
	[tilespmem:s15+$0xD8C0] =	vst.add.f32.msk $0xffff, v11;
	s20 =	sadd.s32 $0x80, s14  }
0x303: {  	[tilespmem:s15+$0xD8D0] =	vst.add.f32.msk $0xffff, v10;
	s7 =	sand.u32 $0x380, s20  }
0x304: {  	[tilespmem:s15+$0xD8E0] =	vst.add.f32.msk $0xffff, v9;
	s2 =	sor.u32 s7, s2  }
0x305: {  	v9 =	vld [tilespmem:s2+$0x870]  }
0x306: {  	v10 =	vld [tilespmem:s2+$0x0]  }
0x307: {  	v11 =	vld [tilespmem:s2+$0x10]  }
0x308: {  	v12 =	vld [tilespmem:s2+$0x20]  }
0x309: {  	v13 =	vld [tilespmem:s2+$0x30]  }
0x30a: {  	v14 =	vld [tilespmem:s2+$0x50]  }
0x30b: {  	v15 =	vld [tilespmem:s2+$0x60]  }
0x30c: {  	v16 =	vld [tilespmem:s2+$0x70]  }
0x30d: {  	v17 =	vld [tilespmem:s2+$0x400]  }
0x30e: {  	v18 =	vld [tilespmem:s2+$0x410]  }
0x30f: {  	v19 =	vld [tilespmem:s2+$0x420]  }
0x310: {  	v20 =	vld [tilespmem:s2+$0x430]  }
0x311: {  	v21 =	vld [tilespmem:s2+$0x440]  }
0x312: {  	v22 =	vld [tilespmem:s2+$0x450]  }
0x313: {  	v23 =	vld [tilespmem:s2+$0x460]  }
0x314: {  	v24 =	vld [tilespmem:s2+$0x470]  }
0x315: {  	v25 =	vld [tilespmem:s2+$0x800]  }
0x316: {  	v26 =	vld [tilespmem:s2+$0x810]  }
0x317: {  	v27 =	vld [tilespmem:s2+$0x820]  }
0x318: {  	v28 =	vld [tilespmem:s2+$0x830]  }
0x319: {  	v29 =	vld [tilespmem:s2+$0x840]  }
0x31a: {  	v30 =	vld [tilespmem:s2+$0x850]  }
0x31b: {  	v31 =	vld [tilespmem:s2+$0x860]  }
0x31c: {  	[tilespmem:s2+$0xD8F0] =	vst.add.f32.msk $0xffff, v9  }
0x31d: {  	v9 =	vld [tilespmem:s2+$0x40]  }
0x31e: {  	[tilespmem:s2+$0xD080] =	vst.add.f32.msk $0xffff, v10  }
0x31f: {  	[tilespmem:s2+$0xD090] =	vst.add.f32.msk $0xffff, v11  }
0x320: {  	[tilespmem:s2+$0xD0A0] =	vst.add.f32.msk $0xffff, v12  }
0x321: {  	[tilespmem:s2+$0xD0B0] =	vst.add.f32.msk $0xffff, v13  }
0x322: {  	[tilespmem:s2+$0xD0D0] =	vst.add.f32.msk $0xffff, v14  }
0x323: {  	[tilespmem:s2+$0xD0E0] =	vst.add.f32.msk $0xffff, v15  }
0x324: {  	[tilespmem:s2+$0xD0F0] =	vst.add.f32.msk $0xffff, v16  }
0x325: {  	[tilespmem:s2+$0xD480] =	vst.add.f32.msk $0xffff, v17  }
0x326: {  	[tilespmem:s2+$0xD490] =	vst.add.f32.msk $0xffff, v18  }
0x327: {  	[tilespmem:s2+$0xD4A0] =	vst.add.f32.msk $0xffff, v19  }
0x328: {  	[tilespmem:s2+$0xD4B0] =	vst.add.f32.msk $0xffff, v20  }
0x329: {  	[tilespmem:s2+$0xD4C0] =	vst.add.f32.msk $0xffff, v21  }
0x32a: {  	[tilespmem:s2+$0xD4D0] =	vst.add.f32.msk $0xffff, v22  }
0x32b: {  	[tilespmem:s2+$0xD4E0] =	vst.add.f32.msk $0xffff, v23  }
0x32c: {  	[tilespmem:s2+$0xD4F0] =	vst.add.f32.msk $0xffff, v24  }
0x32d: {  	[tilespmem:s2+$0xD880] =	vst.add.f32.msk $0xffff, v25  }
0x32e: {  	[tilespmem:s2+$0xD890] =	vst.add.f32.msk $0xffff, v26  }
0x32f: {  	[tilespmem:s2+$0xD8A0] =	vst.add.f32.msk $0xffff, v27  }
0x330: {  	[tilespmem:s2+$0xD8B0] =	vst.add.f32.msk $0xffff, v28  }
0x331: {  	[tilespmem:s2+$0xD8C0] =	vst.add.f32.msk $0xffff, v29  }
0x332: {  	[tilespmem:s2+$0xD8D0] =	vst.add.f32.msk $0xffff, v30  }
0x333: {  	[tilespmem:s2+$0xD8E0] =	vst.add.f32.msk $0xffff, v31  }
0x334: {  	s14 =	simm.s32 $0x0;
	s25 =	rddreg [dreg:$0x10];
	s15 =	simm.s32 $0x0;
	[tilespmem:s2+$0xD0C0] =	vst.add.f32.msk $0xffff, v9  }
0x335: {  	[hbm4b:s25+s14] =	stream.linear.scatter [tilespmem:s18], [sflag:$0x8], $0x6000, $0x38;
	[tilespmem:$0x1F080] =	vst v63  }
.LBB2_6:
0x336: {  	s17 =	sshll.u32 s15, $0x2  }
0x337: {  	_ =	swait.ge [sflag:s30], $0x6000;
	s16 =	sadd.s32 $0x4, s17  }
0x338: {  	[sflag:s30] =	ssyncset.done $0x0;
	s2 =	sshll.u32 s16, $0x7  }
0x339: {  	[sflag:s30] =	ssyncadd.s32 $0xFFFFA000;
	s2 =	sand.u32 $0x3FFFFE00, s2  }
0x33a: {  	v9 =	vld [tilespmem:s2+$0x6080];
	_ =	sdelay $0x4  }
0x33b: {  	v10 =	vshrl.u32 v9, $0x3  }
0x33c: {  	v10 =	vmul.u32 $0x18, v10  }
0x33d: {  	v9 =	vand.u32 $0x7, v9  }
0x33e: {  	v9 =	vor.u32 v9, v10  }
0x33f: {  	v10 =	vperm.xlane v9, v1;
	_ =	sdelay $0x1  }
0x340: {  	v10 =	vadd.s32 v2, v10;
	_ =	sdelay $0x1  }
0x341: {  	v9 =	vperm.xlane v9, v3;
	_ =	sdelay $0x1  }
0x342: {  	v9 =	vadd.s32 v2, v9  }
0x343: {  	[tilespmem:s26], [sflag:$0x3] =	stream.indirect_vreg.gather [hbm4b:s1+s14], $0x80, v10, vm0, $0xb8;
	[tilespmem:$0x1F080] =	vst v63  }
0x344: {  	s7 =	simm.s32 $0x7880  }
0x345: {  	[tilespmem:s7], [sflag:$0x3] =	stream.indirect_vreg.gather [hbm4b:s21+s14], $0x80, v10, vm1, $0xb8;
	[tilespmem:$0x1F080] =	vst v63  }
0x346: {  	s19 =	simm.s32 $0x7C80  }
0x347: {  	[tilespmem:s19], [sflag:$0x3] =	stream.indirect_vreg.gather [hbm4b:s1+s14], $0x80, v9, vm0, $0xb8;
	[tilespmem:$0x1F080] =	vst v63  }
0x348: {  	s20 =	simm.s32 $0x8480  }
0x349: {  	[tilespmem:s20], [sflag:$0x3] =	stream.indirect_vreg.gather [hbm4b:s21+s14], $0x80, v9, vm1, $0xb8;
	[tilespmem:$0x1F080] =	vst v63  }
0x34a: {  	v9 =	vld [tilespmem:s2+$0x6090];
	_ =	sdelay $0x4  }
0x34b: {  	v10 =	vshrl.u32 v9, $0x3  }
0x34c: {  	v10 =	vmul.u32 $0x18, v10  }
0x34d: {  	v9 =	vand.u32 $0x7, v9  }
0x34e: {  	v9 =	vor.u32 v9, v10  }
0x34f: {  	v10 =	vperm.xlane v9, v1;
	_ =	sdelay $0x1  }
0x350: {  	v10 =	vadd.s32 v2, v10;
	_ =	sdelay $0x1  }
0x351: {  	v9 =	vperm.xlane v9, v3;
	_ =	sdelay $0x1  }
0x352: {  	s25 =	simm.s32 $0x8880;
	v9 =	vadd.s32 v2, v9  }
0x353: {  	[tilespmem:s25], [sflag:$0x3] =	stream.indirect_vreg.gather [hbm4b:s1+s14], $0x80, v10, vm0, $0xb8;
	[tilespmem:$0x1F080] =	vst v63  }
0x354: {  	s8 =	simm.s32 $0x9080  }
0x355: {  	[tilespmem:s8], [sflag:$0x3] =	stream.indirect_vreg.gather [hbm4b:s21+s14], $0x80, v10, vm1, $0xb8;
	[tilespmem:$0x1F080] =	vst v63  }
0x356: {  	s19 =	simm.s32 $0x9480  }
0x357: {  	[tilespmem:s19], [sflag:$0x3] =	stream.indirect_vreg.gather [hbm4b:s1+s14], $0x80, v9, vm0, $0xb8;
	[tilespmem:$0x1F080] =	vst v63  }
0x358: {  	s20 =	simm.s32 $0x9C80  }
0x359: {  	[tilespmem:s20], [sflag:$0x3] =	stream.indirect_vreg.gather [hbm4b:s21+s14], $0x80, v9, vm1, $0xb8;
	[tilespmem:$0x1F080] =	vst v63  }
0x35a: {  	v9 =	vld [tilespmem:s2+$0x60A0];
	_ =	sdelay $0x4  }
0x35b: {  	v10 =	vshrl.u32 v9, $0x3  }
0x35c: {  	v10 =	vmul.u32 $0x18, v10  }
0x35d: {  	v9 =	vand.u32 $0x7, v9  }
0x35e: {  	v9 =	vor.u32 v9, v10  }
0x35f: {  	v10 =	vperm.xlane v9, v1;
	_ =	sdelay $0x1  }
0x360: {  	v10 =	vadd.s32 v2, v10;
	_ =	sdelay $0x1  }
0x361: {  	v9 =	vperm.xlane v9, v3;
	_ =	sdelay $0x1  }
0x362: {  	s25 =	simm.s32 $0xA080;
	v9 =	vadd.s32 v2, v9  }
0x363: {  	[tilespmem:s25], [sflag:$0x3] =	stream.indirect_vreg.gather [hbm4b:s1+s14], $0x80, v10, vm0, $0xb8;
	[tilespmem:$0x1F080] =	vst v63  }
0x364: {  	s8 =	simm.s32 $0xA880  }
0x365: {  	[tilespmem:s8], [sflag:$0x3] =	stream.indirect_vreg.gather [hbm4b:s21+s14], $0x80, v10, vm1, $0xb8;
	[tilespmem:$0x1F080] =	vst v63  }
0x366: {  	s19 =	simm.s32 $0xAC80  }
0x367: {  	[tilespmem:s19], [sflag:$0x3] =	stream.indirect_vreg.gather [hbm4b:s1+s14], $0x80, v9, vm0, $0xb8;
	[tilespmem:$0x1F080] =	vst v63  }
0x368: {  	s20 =	simm.s32 $0xB480  }
0x369: {  	[tilespmem:s20], [sflag:$0x3] =	stream.indirect_vreg.gather [hbm4b:s21+s14], $0x80, v9, vm1, $0xb8;
	[tilespmem:$0x1F080] =	vst v63  }
0x36a: {  	v9 =	vld [tilespmem:s2+$0x60B0];
	_ =	sdelay $0x4  }
0x36b: {  	v10 =	vshrl.u32 v9, $0x3  }
0x36c: {  	v10 =	vmul.u32 $0x18, v10  }
0x36d: {  	v9 =	vand.u32 $0x7, v9  }
0x36e: {  	v9 =	vor.u32 v9, v10  }
0x36f: {  	v10 =	vperm.xlane v9, v1;
	_ =	sdelay $0x1  }
0x370: {  	v10 =	vadd.s32 v2, v10;
	_ =	sdelay $0x1  }
0x371: {  	v9 =	vperm.xlane v9, v3;
	_ =	sdelay $0x1  }
0x372: {  	s25 =	simm.s32 $0xB880;
	v9 =	vadd.s32 v2, v9  }
0x373: {  	[tilespmem:s25], [sflag:$0x3] =	stream.indirect_vreg.gather [hbm4b:s1+s14], $0x80, v10, vm0, $0xb8;
	[tilespmem:$0x1F080] =	vst v63  }
0x374: {  	s7 =	simm.s32 $0xC080  }
0x375: {  	[tilespmem:s7], [sflag:$0x3] =	stream.indirect_vreg.gather [hbm4b:s21+s14], $0x80, v10, vm1, $0xb8;
	[tilespmem:$0x1F080] =	vst v63  }
0x376: {  	s8 =	simm.s32 $0xC480  }
0x377: {  	[tilespmem:s8], [sflag:$0x3] =	stream.indirect_vreg.gather [hbm4b:s1+s14], $0x80, v9, vm0, $0xb8;
	[tilespmem:$0x1F080] =	vst v63  }
0x378: {  	s19 =	simm.s32 $0xCC80;
	s20 =	simm.s32 $0x0  }
0x379: {  	[tilespmem:s19], [sflag:$0x3] =	stream.indirect_vreg.gather [hbm4b:s21+s14], $0x80, v9, vm1, $0xb8;
	[tilespmem:$0x1F080] =	vst v63  }
0x37a: {  	s2 =	smul.u32 $0xC00, s20;
	_ =	swait.ge [sflag:s31], $0x6000  }
0x37b: {  	s25 =	sand.u32 $0x380, s14;
	[sflag:s31] =	ssyncset.done $0x0  }
0x37c: {  	s19 =	sor.u32 s25, s2;
	[sflag:s31] =	ssyncadd.s32 $0xFFFFA000  }
0x37d: {  	v9 =	vld [tilespmem:s19+$0x870]  }
0x37e: {  	v12 =	vld [tilespmem:s19+$0x0]  }
0x37f: {  	v13 =	vld [tilespmem:s19+$0x10]  }
0x380: {  	v14 =	vld [tilespmem:s19+$0x20]  }
0x381: {  	v15 =	vld [tilespmem:s19+$0x30]  }
0x382: {  	v16 =	vld [tilespmem:s19+$0x40]  }
0x383: {  	v17 =	vld [tilespmem:s19+$0x50]  }
0x384: {  	v18 =	vld [tilespmem:s19+$0x60]  }
0x385: {  	v19 =	vld [tilespmem:s19+$0x70]  }
0x386: {  	v20 =	vld [tilespmem:s19+$0x400]  }
0x387: {  	v21 =	vld [tilespmem:s19+$0x410]  }
0x388: {  	v22 =	vld [tilespmem:s19+$0x420]  }
0x389: {  	v23 =	vld [tilespmem:s19+$0x430]  }
0x38a: {  	v24 =	vld [tilespmem:s19+$0x440]  }
0x38b: {  	v25 =	vld [tilespmem:s19+$0x450]  }
0x38c: {  	v26 =	vld [tilespmem:s19+$0x460]  }
0x38d: {  	v27 =	vld [tilespmem:s19+$0x470]  }
0x38e: {  	v28 =	vld [tilespmem:s19+$0x800]  }
0x38f: {  	v29 =	vld [tilespmem:s19+$0x810]  }
0x390: {  	v30 =	vld [tilespmem:s19+$0x820]  }
0x391: {  	v31 =	vld [tilespmem:s19+$0x830]  }
0x392: {  	v11 =	vld [tilespmem:s19+$0x840]  }
0x393: {  	v10 =	vld [tilespmem:s19+$0x850]  }
0x394: {  	[tilespmem:s19+$0x138F0] =	vst.add.f32.msk $0xffff, v9  }
0x395: {  	v9 =	vld [tilespmem:s19+$0x860]  }
0x396: {  	[tilespmem:s19+$0x13080] =	vst.add.f32.msk $0xffff, v12  }
0x397: {  	[tilespmem:s19+$0x13090] =	vst.add.f32.msk $0xffff, v13  }
0x398: {  	[tilespmem:s19+$0x130A0] =	vst.add.f32.msk $0xffff, v14  }
0x399: {  	[tilespmem:s19+$0x130B0] =	vst.add.f32.msk $0xffff, v15  }
0x39a: {  	[tilespmem:s19+$0x130C0] =	vst.add.f32.msk $0xffff, v16  }
0x39b: {  	[tilespmem:s19+$0x130D0] =	vst.add.f32.msk $0xffff, v17  }
0x39c: {  	[tilespmem:s19+$0x130E0] =	vst.add.f32.msk $0xffff, v18  }
0x39d: {  	[tilespmem:s19+$0x130F0] =	vst.add.f32.msk $0xffff, v19  }
0x39e: {  	[tilespmem:s19+$0x13480] =	vst.add.f32.msk $0xffff, v20  }
0x39f: {  	[tilespmem:s19+$0x13490] =	vst.add.f32.msk $0xffff, v21  }
0x3a0: {  	[tilespmem:s19+$0x134A0] =	vst.add.f32.msk $0xffff, v22  }
0x3a1: {  	[tilespmem:s19+$0x134B0] =	vst.add.f32.msk $0xffff, v23  }
0x3a2: {  	[tilespmem:s19+$0x134C0] =	vst.add.f32.msk $0xffff, v24  }
0x3a3: {  	[tilespmem:s19+$0x134D0] =	vst.add.f32.msk $0xffff, v25  }
0x3a4: {  	[tilespmem:s19+$0x134E0] =	vst.add.f32.msk $0xffff, v26  }
0x3a5: {  	[tilespmem:s19+$0x134F0] =	vst.add.f32.msk $0xffff, v27  }
0x3a6: {  	[tilespmem:s19+$0x13880] =	vst.add.f32.msk $0xffff, v28  }
0x3a7: {  	[tilespmem:s19+$0x13890] =	vst.add.f32.msk $0xffff, v29  }
0x3a8: {  	[tilespmem:s19+$0x138A0] =	vst.add.f32.msk $0xffff, v30  }
0x3a9: {  	s20 =	simm.s32 $0x0;
	s7 =	simm.s32 $0x0;
	s25 =	simm.s32 $0x2;
	[tilespmem:s19+$0x138B0] =	vst.add.f32.msk $0xffff, v31  }
.LBB2_7:
0x3aa: {  	p0 =	sne.s32 s25, $0x3F;
	s2 =	smul.u32 $0xC00, s7;
	[tilespmem:s19+$0x138C0] =	vst.add.f32.msk $0xffff, v11;
	s20 =	sadd.s32 $0x80, s20  }
0x3ab: {  	s7 =	sand.u32 $0x380, s20;
	[tilespmem:s19+$0x138D0] =	vst.add.f32.msk $0xffff, v10  }
0x3ac: {  	[tilespmem:s19+$0x138E0] =	vst.add.f32.msk $0xffff, v9;
	s19 =	sor.u32 s7, s2  }
0x3ad: {  	v9 =	vld [tilespmem:s19+$0x870]  }
0x3ae: {  	v12 =	vld [tilespmem:s19+$0x0]  }
0x3af: {  	v13 =	vld [tilespmem:s19+$0x10]  }
0x3b0: {  	v14 =	vld [tilespmem:s19+$0x20]  }
0x3b1: {  	v15 =	vld [tilespmem:s19+$0x30]  }
0x3b2: {  	[tilespmem:s19+$0x138F0] =	vst.add.f32.msk $0xffff, v9  }
0x3b3: {  	v16 =	vld [tilespmem:s19+$0x40]  }
0x3b4: {  	v17 =	vld [tilespmem:s19+$0x50]  }
0x3b5: {  	v18 =	vld [tilespmem:s19+$0x60]  }
0x3b6: {  	v19 =	vld [tilespmem:s19+$0x70]  }
0x3b7: {  	v20 =	vld [tilespmem:s19+$0x400]  }
0x3b8: {  	v21 =	vld [tilespmem:s19+$0x410]  }
0x3b9: {  	v22 =	vld [tilespmem:s19+$0x420]  }
0x3ba: {  	v23 =	vld [tilespmem:s19+$0x430]  }
0x3bb: {  	v24 =	vld [tilespmem:s19+$0x440]  }
0x3bc: {  	v25 =	vld [tilespmem:s19+$0x450]  }
0x3bd: {  	v26 =	vld [tilespmem:s19+$0x460]  }
0x3be: {  	v27 =	vld [tilespmem:s19+$0x470]  }
0x3bf: {  	v28 =	vld [tilespmem:s19+$0x800]  }
0x3c0: {  	v29 =	vld [tilespmem:s19+$0x810]  }
0x3c1: {  	v30 =	vld [tilespmem:s19+$0x820]  }
0x3c2: {  	v31 =	vld [tilespmem:s19+$0x830]  }
0x3c3: {  	v11 =	vld [tilespmem:s19+$0x840]  }
0x3c4: {  	v10 =	vld [tilespmem:s19+$0x850]  }
0x3c5: {  	v9 =	vld [tilespmem:s19+$0x860]  }
0x3c6: {  	[tilespmem:s19+$0x13080] =	vst.add.f32.msk $0xffff, v12  }
0x3c7: {  	[tilespmem:s19+$0x13090] =	vst.add.f32.msk $0xffff, v13  }
0x3c8: {  	[tilespmem:s19+$0x130A0] =	vst.add.f32.msk $0xffff, v14  }
0x3c9: {  	[tilespmem:s19+$0x130B0] =	vst.add.f32.msk $0xffff, v15  }
0x3ca: {  	[tilespmem:s19+$0x130C0] =	vst.add.f32.msk $0xffff, v16  }
0x3cb: {  	[tilespmem:s19+$0x130D0] =	vst.add.f32.msk $0xffff, v17  }
0x3cc: {  	[tilespmem:s19+$0x130E0] =	vst.add.f32.msk $0xffff, v18  }
0x3cd: {  	[tilespmem:s19+$0x130F0] =	vst.add.f32.msk $0xffff, v19  }
0x3ce: {  	[tilespmem:s19+$0x13480] =	vst.add.f32.msk $0xffff, v20  }
0x3cf: {  	[tilespmem:s19+$0x13490] =	vst.add.f32.msk $0xffff, v21  }
0x3d0: {  	[tilespmem:s19+$0x134A0] =	vst.add.f32.msk $0xffff, v22  }
0x3d1: {  	[tilespmem:s19+$0x134B0] =	vst.add.f32.msk $0xffff, v23  }
0x3d2: {  	[tilespmem:s19+$0x134C0] =	vst.add.f32.msk $0xffff, v24  }
0x3d3: {  	[tilespmem:s19+$0x134D0] =	vst.add.f32.msk $0xffff, v25  }
0x3d4: {  	[tilespmem:s19+$0x134E0] =	vst.add.f32.msk $0xffff, v26  }
.Ltmp2:
0x3d5: {  	[tilespmem:s19+$0x134F0] =	vst.add.f32.msk $0xffff, v27;
	(pc) =	sbr.rel @p0 .LBB2_7-.Ltmp2, $4  }
0x3d6: {  	[tilespmem:s19+$0x13880] =	vst.add.f32.msk $0xffff, v28  }
0x3d7: {  	[tilespmem:s19+$0x13890] =	vst.add.f32.msk $0xffff, v29  }
0x3d8: {  	[tilespmem:s19+$0x138A0] =	vst.add.f32.msk $0xffff, v30  }
0x3d9: {  	s7 =	sshrl.u32 s25, $0x3;
	s25 =	sadd.s32 $0x1, s25;
	[tilespmem:s19+$0x138B0] =	vst.add.f32.msk $0xffff, v31  }
0x3da: {  	s2 =	smul.u32 $0xC00, s7;
	[tilespmem:s19+$0x138C0] =	vst.add.f32.msk $0xffff, v11;
	s20 =	sadd.s32 $0x80, s20  }
0x3db: {  	[tilespmem:s19+$0x138D0] =	vst.add.f32.msk $0xffff, v10;
	s7 =	sand.u32 $0x380, s20  }
0x3dc: {  	[tilespmem:s19+$0x138E0] =	vst.add.f32.msk $0xffff, v9;
	s2 =	sor.u32 s7, s2  }
0x3dd: {  	v9 =	vld [tilespmem:s2+$0x870]  }
0x3de: {  	v10 =	vld [tilespmem:s2+$0x0]  }
0x3df: {  	v11 =	vld [tilespmem:s2+$0x10]  }
0x3e0: {  	v12 =	vld [tilespmem:s2+$0x20]  }
0x3e1: {  	v13 =	vld [tilespmem:s2+$0x30]  }
0x3e2: {  	v14 =	vld [tilespmem:s2+$0x50]  }
0x3e3: {  	v15 =	vld [tilespmem:s2+$0x60]  }
0x3e4: {  	v16 =	vld [tilespmem:s2+$0x70]  }
0x3e5: {  	v17 =	vld [tilespmem:s2+$0x400]  }
0x3e6: {  	v18 =	vld [tilespmem:s2+$0x410]  }
0x3e7: {  	v19 =	vld [tilespmem:s2+$0x420]  }
0x3e8: {  	v20 =	vld [tilespmem:s2+$0x430]  }
0x3e9: {  	v21 =	vld [tilespmem:s2+$0x440]  }
0x3ea: {  	v22 =	vld [tilespmem:s2+$0x450]  }
0x3eb: {  	v23 =	vld [tilespmem:s2+$0x460]  }
0x3ec: {  	v24 =	vld [tilespmem:s2+$0x470]  }
0x3ed: {  	v25 =	vld [tilespmem:s2+$0x800]  }
0x3ee: {  	v26 =	vld [tilespmem:s2+$0x810]  }
0x3ef: {  	v27 =	vld [tilespmem:s2+$0x820]  }
0x3f0: {  	v28 =	vld [tilespmem:s2+$0x830]  }
0x3f1: {  	v29 =	vld [tilespmem:s2+$0x840]  }
0x3f2: {  	v30 =	vld [tilespmem:s2+$0x850]  }
0x3f3: {  	v31 =	vld [tilespmem:s2+$0x860]  }
0x3f4: {  	[tilespmem:s2+$0x138F0] =	vst.add.f32.msk $0xffff, v9  }
0x3f5: {  	v9 =	vld [tilespmem:s2+$0x40]  }
0x3f6: {  	[tilespmem:s2+$0x13080] =	vst.add.f32.msk $0xffff, v10  }
0x3f7: {  	[tilespmem:s2+$0x13090] =	vst.add.f32.msk $0xffff, v11  }
0x3f8: {  	[tilespmem:s2+$0x130A0] =	vst.add.f32.msk $0xffff, v12  }
0x3f9: {  	[tilespmem:s2+$0x130B0] =	vst.add.f32.msk $0xffff, v13  }
0x3fa: {  	[tilespmem:s2+$0x130D0] =	vst.add.f32.msk $0xffff, v14  }
0x3fb: {  	[tilespmem:s2+$0x130E0] =	vst.add.f32.msk $0xffff, v15  }
0x3fc: {  	[tilespmem:s2+$0x130F0] =	vst.add.f32.msk $0xffff, v16  }
0x3fd: {  	[tilespmem:s2+$0x13480] =	vst.add.f32.msk $0xffff, v17  }
0x3fe: {  	[tilespmem:s2+$0x13490] =	vst.add.f32.msk $0xffff, v18  }
0x3ff: {  	[tilespmem:s2+$0x134A0] =	vst.add.f32.msk $0xffff, v19  }
0x400: {  	[tilespmem:s2+$0x134B0] =	vst.add.f32.msk $0xffff, v20  }
0x401: {  	[tilespmem:s2+$0x134C0] =	vst.add.f32.msk $0xffff, v21  }
0x402: {  	[tilespmem:s2+$0x134D0] =	vst.add.f32.msk $0xffff, v22  }
0x403: {  	[tilespmem:s2+$0x134E0] =	vst.add.f32.msk $0xffff, v23  }
0x404: {  	[tilespmem:s2+$0x134F0] =	vst.add.f32.msk $0xffff, v24  }
0x405: {  	[tilespmem:s2+$0x13880] =	vst.add.f32.msk $0xffff, v25  }
0x406: {  	[tilespmem:s2+$0x13890] =	vst.add.f32.msk $0xffff, v26  }
0x407: {  	s25 =	sshll.u32 s15, $0xD;
	[tilespmem:s2+$0x138A0] =	vst.add.f32.msk $0xffff, v27  }
0x408: {  	s7 =	sor.u32 s6, s25;
	[tilespmem:s2+$0x138B0] =	vst.add.f32.msk $0xffff, v28  }
0x409: {  	s7 =	sshrl.u32 s7, $0x3;
	[tilespmem:s2+$0x138C0] =	vst.add.f32.msk $0xffff, v29  }
0x40a: {  	s19 =	smul.u32 $0x180, s7;
	[tilespmem:s2+$0x138D0] =	vst.add.f32.msk $0xffff, v30  }
0x40b: {  	[tilespmem:s2+$0x138E0] =	vst.add.f32.msk $0xffff, v31  }
0x40c: {  	s20 =	simm.s32 $0x0;
	s7 =	sadd.s32 s19, s22;
	[tilespmem:s2+$0x130C0] =	vst.add.f32.msk $0xffff, v9  }
0x40d: {  	[hbm4b:s7+s20] =	stream.linear.scatter [tilespmem:s12], [sflag:$0x9], $0x6000, $0x38;
	[tilespmem:$0x1F080] =	vst v63  }
0x40e: {  	s17 =	sadd.s32 $0x5, s17;
	_ =	swait.ge [sflag:s9], $0x6000  }
0x40f: {  	s8 =	sshll.u32 s17, $0x7;
	[sflag:s9] =	ssyncset.done $0x0  }
0x410: {  	s2 =	sand.u32 $0x3FFFFF80, s8;
	[sflag:s9] =	ssyncadd.s32 $0xFFFFA000  }
0x411: {  	v9 =	vld [tilespmem:s2+$0x6080];
	_ =	sdelay $0x4  }
0x412: {  	v10 =	vshrl.u32 v9, $0x3  }
0x413: {  	v10 =	vmul.u32 $0x18, v10  }
0x414: {  	v9 =	vand.u32 $0x7, v9  }
0x415: {  	v9 =	vor.u32 v9, v10  }
0x416: {  	v10 =	vperm.xlane v9, v1;
	_ =	sdelay $0x1  }
0x417: {  	v10 =	vadd.s32 v2, v10;
	_ =	sdelay $0x1  }
0x418: {  	v9 =	vperm.xlane v9, v3;
	_ =	sdelay $0x1  }
0x419: {  	v9 =	vadd.s32 v2, v9  }
0x41a: {  	[tilespmem:s18], [sflag:$0x4] =	stream.indirect_vreg.gather [hbm4b:s1+s20], $0x80, v10, vm0, $0xb8;
	[tilespmem:$0x1F080] =	vst v63  }
0x41b: {  	s25 =	simm.s32 $0xD880  }
0x41c: {  	[tilespmem:s25], [sflag:$0x4] =	stream.indirect_vreg.gather [hbm4b:s21+s20], $0x80, v10, vm1, $0xb8;
	[tilespmem:$0x1F080] =	vst v63  }
0x41d: {  	s8 =	simm.s32 $0xDC80  }
0x41e: {  	[tilespmem:s8], [sflag:$0x4] =	stream.indirect_vreg.gather [hbm4b:s1+s20], $0x80, v9, vm0, $0xb8;
	[tilespmem:$0x1F080] =	vst v63  }
0x41f: {  	s25 =	simm.s32 $0xE480  }
0x420: {  	[tilespmem:s25], [sflag:$0x4] =	stream.indirect_vreg.gather [hbm4b:s21+s20], $0x80, v9, vm1, $0xb8;
	[tilespmem:$0x1F080] =	vst v63  }
0x421: {  	v9 =	vld [tilespmem:s2+$0x6090];
	_ =	sdelay $0x4  }
0x422: {  	v10 =	vshrl.u32 v9, $0x3  }
0x423: {  	v10 =	vmul.u32 $0x18, v10  }
0x424: {  	v9 =	vand.u32 $0x7, v9  }
0x425: {  	v9 =	vor.u32 v9, v10  }
0x426: {  	v10 =	vperm.xlane v9, v1;
	_ =	sdelay $0x1  }
0x427: {  	v10 =	vadd.s32 v2, v10;
	_ =	sdelay $0x1  }
0x428: {  	v9 =	vperm.xlane v9, v3;
	_ =	sdelay $0x1  }
0x429: {  	s8 =	simm.s32 $0xE880;
	v9 =	vadd.s32 v2, v9  }
0x42a: {  	[tilespmem:s8], [sflag:$0x4] =	stream.indirect_vreg.gather [hbm4b:s1+s20], $0x80, v10, vm0, $0xb8;
	[tilespmem:$0x1F080] =	vst v63  }
0x42b: {  	s25 =	simm.s32 $0xF080  }
0x42c: {  	[tilespmem:s25], [sflag:$0x4] =	stream.indirect_vreg.gather [hbm4b:s21+s20], $0x80, v10, vm1, $0xb8;
	[tilespmem:$0x1F080] =	vst v63  }
0x42d: {  	s8 =	simm.s32 $0xF480  }
0x42e: {  	[tilespmem:s8], [sflag:$0x4] =	stream.indirect_vreg.gather [hbm4b:s1+s20], $0x80, v9, vm0, $0xb8;
	[tilespmem:$0x1F080] =	vst v63  }
0x42f: {  	s25 =	simm.s32 $0xFC80  }
0x430: {  	[tilespmem:s25], [sflag:$0x4] =	stream.indirect_vreg.gather [hbm4b:s21+s20], $0x80, v9, vm1, $0xb8;
	[tilespmem:$0x1F080] =	vst v63  }
0x431: {  	v9 =	vld [tilespmem:s2+$0x60A0];
	_ =	sdelay $0x4  }
0x432: {  	v10 =	vshrl.u32 v9, $0x3  }
0x433: {  	v10 =	vmul.u32 $0x18, v10  }
0x434: {  	v9 =	vand.u32 $0x7, v9  }
0x435: {  	v9 =	vor.u32 v9, v10  }
0x436: {  	v10 =	vperm.xlane v9, v1;
	_ =	sdelay $0x1  }
0x437: {  	v10 =	vadd.s32 v2, v10;
	_ =	sdelay $0x1  }
0x438: {  	v9 =	vperm.xlane v9, v3;
	_ =	sdelay $0x1  }
0x439: {  	s8 =	simm.s32 $0x10080;
	v9 =	vadd.s32 v2, v9  }
0x43a: {  	[tilespmem:s8], [sflag:$0x4] =	stream.indirect_vreg.gather [hbm4b:s1+s20], $0x80, v10, vm0, $0xb8;
	[tilespmem:$0x1F080] =	vst v63  }
0x43b: {  	s25 =	simm.s32 $0x10880  }
0x43c: {  	[tilespmem:s25], [sflag:$0x4] =	stream.indirect_vreg.gather [hbm4b:s21+s20], $0x80, v10, vm1, $0xb8;
	[tilespmem:$0x1F080] =	vst v63  }
0x43d: {  	s8 =	simm.s32 $0x10C80  }
0x43e: {  	[tilespmem:s8], [sflag:$0x4] =	stream.indirect_vreg.gather [hbm4b:s1+s20], $0x80, v9, vm0, $0xb8;
	[tilespmem:$0x1F080] =	vst v63  }
0x43f: {  	s25 =	simm.s32 $0x11480  }
0x440: {  	[tilespmem:s25], [sflag:$0x4] =	stream.indirect_vreg.gather [hbm4b:s21+s20], $0x80, v9, vm1, $0xb8;
	[tilespmem:$0x1F080] =	vst v63  }
0x441: {  	v9 =	vld [tilespmem:s2+$0x60B0];
	_ =	sdelay $0x4  }
0x442: {  	v10 =	vshrl.u32 v9, $0x3  }
0x443: {  	v10 =	vmul.u32 $0x18, v10  }
0x444: {  	v9 =	vand.u32 $0x7, v9  }
0x445: {  	v9 =	vor.u32 v9, v10  }
0x446: {  	v10 =	vperm.xlane v9, v1;
	_ =	sdelay $0x1  }
0x447: {  	v10 =	vadd.s32 v2, v10;
	_ =	sdelay $0x1  }
0x448: {  	v9 =	vperm.xlane v9, v3;
	_ =	sdelay $0x1  }
0x449: {  	s7 =	simm.s32 $0x11880;
	v9 =	vadd.s32 v2, v9  }
0x44a: {  	[tilespmem:s7], [sflag:$0x4] =	stream.indirect_vreg.gather [hbm4b:s1+s20], $0x80, v10, vm0, $0xb8;
	[tilespmem:$0x1F080] =	vst v63  }
0x44b: {  	s8 =	simm.s32 $0x12080  }
0x44c: {  	[tilespmem:s8], [sflag:$0x4] =	stream.indirect_vreg.gather [hbm4b:s21+s20], $0x80, v10, vm1, $0xb8;
	[tilespmem:$0x1F080] =	vst v63  }
0x44d: {  	s25 =	simm.s32 $0x12480  }
0x44e: {  	[tilespmem:s25], [sflag:$0x4] =	stream.indirect_vreg.gather [hbm4b:s1+s20], $0x80, v9, vm0, $0xb8;
	[tilespmem:$0x1F080] =	vst v63  }
0x44f: {  	s7 =	simm.s32 $0x12C80;
	s8 =	simm.s32 $0x0  }
0x450: {  	[tilespmem:s7], [sflag:$0x4] =	stream.indirect_vreg.gather [hbm4b:s21+s20], $0x80, v9, vm1, $0xb8;
	[tilespmem:$0x1F080] =	vst v63  }
0x451: {  	s2 =	smul.u32 $0xC00, s8;
	_ =	swait.ge [sflag:s10], $0x6000  }
0x452: {  	s25 =	sand.u32 $0x380, s20;
	[sflag:s10] =	ssyncset.done $0x0  }
0x453: {  	s25 =	sor.u32 s25, s2;
	[sflag:s10] =	ssyncadd.s32 $0xFFFFA000  }
0x454: {  	v9 =	vld [tilespmem:s25+$0x870]  }
0x455: {  	v44 =	vld [tilespmem:s25+$0x0]  }
0x456: {  	v45 =	vld [tilespmem:s25+$0x10]  }
0x457: {  	v46 =	vld [tilespmem:s25+$0x20]  }
0x458: {  	v47 =	vld [tilespmem:s25+$0x30]  }
0x459: {  	v48 =	vld [tilespmem:s25+$0x40]  }
0x45a: {  	v49 =	vld [tilespmem:s25+$0x50]  }
0x45b: {  	v50 =	vld [tilespmem:s25+$0x60]  }
0x45c: {  	v51 =	vld [tilespmem:s25+$0x70]  }
0x45d: {  	v52 =	vld [tilespmem:s25+$0x400]  }
0x45e: {  	v53 =	vld [tilespmem:s25+$0x410]  }
0x45f: {  	v54 =	vld [tilespmem:s25+$0x420]  }
0x460: {  	v55 =	vld [tilespmem:s25+$0x430]  }
0x461: {  	v56 =	vld [tilespmem:s25+$0x440]  }
0x462: {  	v57 =	vld [tilespmem:s25+$0x450]  }
0x463: {  	v58 =	vld [tilespmem:s25+$0x460]  }
0x464: {  	v59 =	vld [tilespmem:s25+$0x470]  }
0x465: {  	v60 =	vld [tilespmem:s25+$0x800]  }
0x466: {  	v61 =	vld [tilespmem:s25+$0x810]  }
0x467: {  	v62 =	vld [tilespmem:s25+$0x820]  }
0x468: {  	v63 =	vld [tilespmem:s25+$0x830]  }
0x469: {  	v11 =	vld [tilespmem:s25+$0x840]  }
0x46a: {  	v10 =	vld [tilespmem:s25+$0x850]  }
0x46b: {  	[tilespmem:s25+$0x198F0] =	vst.add.f32.msk $0xffff, v9  }
0x46c: {  	v9 =	vld [tilespmem:s25+$0x860]  }
0x46d: {  	[tilespmem:s25+$0x19080] =	vst.add.f32.msk $0xffff, v44  }
0x46e: {  	[tilespmem:s25+$0x19090] =	vst.add.f32.msk $0xffff, v45  }
0x46f: {  	[tilespmem:s25+$0x190A0] =	vst.add.f32.msk $0xffff, v46  }
0x470: {  	[tilespmem:s25+$0x190B0] =	vst.add.f32.msk $0xffff, v47  }
0x471: {  	[tilespmem:s25+$0x190C0] =	vst.add.f32.msk $0xffff, v48  }
0x472: {  	[tilespmem:s25+$0x190D0] =	vst.add.f32.msk $0xffff, v49  }
0x473: {  	[tilespmem:s25+$0x190E0] =	vst.add.f32.msk $0xffff, v50  }
0x474: {  	[tilespmem:s25+$0x190F0] =	vst.add.f32.msk $0xffff, v51  }
0x475: {  	[tilespmem:s25+$0x19480] =	vst.add.f32.msk $0xffff, v52  }
0x476: {  	[tilespmem:s25+$0x19490] =	vst.add.f32.msk $0xffff, v53  }
0x477: {  	[tilespmem:s25+$0x194A0] =	vst.add.f32.msk $0xffff, v54  }
0x478: {  	[tilespmem:s25+$0x194B0] =	vst.add.f32.msk $0xffff, v55  }
0x479: {  	[tilespmem:s25+$0x194C0] =	vst.add.f32.msk $0xffff, v56  }
0x47a: {  	[tilespmem:s25+$0x194D0] =	vst.add.f32.msk $0xffff, v57  }
0x47b: {  	[tilespmem:s25+$0x194E0] =	vst.add.f32.msk $0xffff, v58  }
0x47c: {  	[tilespmem:s25+$0x194F0] =	vst.add.f32.msk $0xffff, v59  }
0x47d: {  	[tilespmem:s25+$0x19880] =	vst.add.f32.msk $0xffff, v60  }
0x47e: {  	[tilespmem:s25+$0x19890] =	vst.add.f32.msk $0xffff, v61  }
0x47f: {  	[tilespmem:s25+$0x198A0] =	vst.add.f32.msk $0xffff, v62  }
0x480: {  	s2 =	simm.s32 $0x0;
	s7 =	simm.s32 $0x2;
	[tilespmem:s25+$0x198B0] =	vst.add.f32.msk $0xffff, v63  }
.LBB2_9:
0x481: {  	p0 =	sne.s32 s7, $0x3F;
	s2 =	smul.u32 $0xC00, s2;
	[tilespmem:s25+$0x198C0] =	vst.add.f32.msk $0xffff, v11;
	s20 =	sadd.s32 $0x80, s20  }
0x482: {  	s8 =	sand.u32 $0x380, s20;
	[tilespmem:s25+$0x198D0] =	vst.add.f32.msk $0xffff, v10  }
0x483: {  	[tilespmem:s25+$0x198E0] =	vst.add.f32.msk $0xffff, v9;
	s25 =	sor.u32 s8, s2  }
0x484: {  	v9 =	vld [tilespmem:s25+$0x870]  }
0x485: {  	v12 =	vld [tilespmem:s25+$0x0]  }
0x486: {  	v13 =	vld [tilespmem:s25+$0x10]  }
0x487: {  	v14 =	vld [tilespmem:s25+$0x20]  }
0x488: {  	v15 =	vld [tilespmem:s25+$0x30]  }
0x489: {  	[tilespmem:s25+$0x198F0] =	vst.add.f32.msk $0xffff, v9  }
0x48a: {  	v16 =	vld [tilespmem:s25+$0x40]  }
0x48b: {  	v17 =	vld [tilespmem:s25+$0x50]  }
0x48c: {  	v18 =	vld [tilespmem:s25+$0x60]  }
0x48d: {  	v19 =	vld [tilespmem:s25+$0x70]  }
0x48e: {  	v20 =	vld [tilespmem:s25+$0x400]  }
0x48f: {  	v21 =	vld [tilespmem:s25+$0x410]  }
0x490: {  	v22 =	vld [tilespmem:s25+$0x420]  }
0x491: {  	v23 =	vld [tilespmem:s25+$0x430]  }
0x492: {  	v24 =	vld [tilespmem:s25+$0x440]  }
0x493: {  	v25 =	vld [tilespmem:s25+$0x450]  }
0x494: {  	v26 =	vld [tilespmem:s25+$0x460]  }
0x495: {  	v27 =	vld [tilespmem:s25+$0x470]  }
0x496: {  	v28 =	vld [tilespmem:s25+$0x800]  }
0x497: {  	v29 =	vld [tilespmem:s25+$0x810]  }
0x498: {  	v30 =	vld [tilespmem:s25+$0x820]  }
0x499: {  	v31 =	vld [tilespmem:s25+$0x830]  }
0x49a: {  	v11 =	vld [tilespmem:s25+$0x840]  }
0x49b: {  	v10 =	vld [tilespmem:s25+$0x850]  }
0x49c: {  	v9 =	vld [tilespmem:s25+$0x860]  }
0x49d: {  	[tilespmem:s25+$0x19080] =	vst.add.f32.msk $0xffff, v12  }
0x49e: {  	[tilespmem:s25+$0x19090] =	vst.add.f32.msk $0xffff, v13  }
0x49f: {  	[tilespmem:s25+$0x190A0] =	vst.add.f32.msk $0xffff, v14  }
0x4a0: {  	[tilespmem:s25+$0x190B0] =	vst.add.f32.msk $0xffff, v15  }
0x4a1: {  	[tilespmem:s25+$0x190C0] =	vst.add.f32.msk $0xffff, v16  }
0x4a2: {  	[tilespmem:s25+$0x190D0] =	vst.add.f32.msk $0xffff, v17  }
0x4a3: {  	[tilespmem:s25+$0x190E0] =	vst.add.f32.msk $0xffff, v18  }
0x4a4: {  	[tilespmem:s25+$0x190F0] =	vst.add.f32.msk $0xffff, v19  }
0x4a5: {  	[tilespmem:s25+$0x19480] =	vst.add.f32.msk $0xffff, v20  }
0x4a6: {  	[tilespmem:s25+$0x19490] =	vst.add.f32.msk $0xffff, v21  }
0x4a7: {  	[tilespmem:s25+$0x194A0] =	vst.add.f32.msk $0xffff, v22  }
0x4a8: {  	[tilespmem:s25+$0x194B0] =	vst.add.f32.msk $0xffff, v23  }
0x4a9: {  	[tilespmem:s25+$0x194C0] =	vst.add.f32.msk $0xffff, v24  }
0x4aa: {  	[tilespmem:s25+$0x194D0] =	vst.add.f32.msk $0xffff, v25  }
0x4ab: {  	[tilespmem:s25+$0x194E0] =	vst.add.f32.msk $0xffff, v26  }
.Ltmp3:
0x4ac: {  	[tilespmem:s25+$0x194F0] =	vst.add.f32.msk $0xffff, v27;
	(pc) =	sbr.rel @p0 .LBB2_9-.Ltmp3, $4  }
0x4ad: {  	[tilespmem:s25+$0x19880] =	vst.add.f32.msk $0xffff, v28  }
0x4ae: {  	[tilespmem:s25+$0x19890] =	vst.add.f32.msk $0xffff, v29  }
0x4af: {  	[tilespmem:s25+$0x198A0] =	vst.add.f32.msk $0xffff, v30  }
0x4b0: {  	s2 =	sshrl.u32 s7, $0x3;
	s7 =	sadd.s32 $0x1, s7;
	[tilespmem:s25+$0x198B0] =	vst.add.f32.msk $0xffff, v31  }
0x4b1: {  	s2 =	smul.u32 $0xC00, s2;
	[tilespmem:s25+$0x198C0] =	vst.add.f32.msk $0xffff, v11;
	s7 =	sadd.s32 $0x80, s20  }
0x4b2: {  	[tilespmem:s25+$0x198D0] =	vst.add.f32.msk $0xffff, v10;
	s7 =	sand.u32 $0x380, s7  }
0x4b3: {  	[tilespmem:s25+$0x198E0] =	vst.add.f32.msk $0xffff, v9;
	s2 =	sor.u32 s7, s2  }
0x4b4: {  	v9 =	vld [tilespmem:s2+$0x870]  }
0x4b5: {  	v10 =	vld [tilespmem:s2+$0x0]  }
0x4b6: {  	v11 =	vld [tilespmem:s2+$0x10]  }
0x4b7: {  	v12 =	vld [tilespmem:s2+$0x20]  }
0x4b8: {  	v13 =	vld [tilespmem:s2+$0x30]  }
0x4b9: {  	v14 =	vld [tilespmem:s2+$0x50]  }
0x4ba: {  	v15 =	vld [tilespmem:s2+$0x60]  }
0x4bb: {  	v16 =	vld [tilespmem:s2+$0x70]  }
0x4bc: {  	v17 =	vld [tilespmem:s2+$0x400]  }
0x4bd: {  	v18 =	vld [tilespmem:s2+$0x410]  }
0x4be: {  	v19 =	vld [tilespmem:s2+$0x420]  }
0x4bf: {  	v20 =	vld [tilespmem:s2+$0x430]  }
0x4c0: {  	v21 =	vld [tilespmem:s2+$0x440]  }
0x4c1: {  	v22 =	vld [tilespmem:s2+$0x450]  }
0x4c2: {  	v23 =	vld [tilespmem:s2+$0x460]  }
0x4c3: {  	v24 =	vld [tilespmem:s2+$0x470]  }
0x4c4: {  	v25 =	vld [tilespmem:s2+$0x800]  }
0x4c5: {  	v26 =	vld [tilespmem:s2+$0x810]  }
0x4c6: {  	v27 =	vld [tilespmem:s2+$0x820]  }
0x4c7: {  	v28 =	vld [tilespmem:s2+$0x830]  }
0x4c8: {  	v29 =	vld [tilespmem:s2+$0x840]  }
0x4c9: {  	v30 =	vld [tilespmem:s2+$0x850]  }
0x4ca: {  	v31 =	vld [tilespmem:s2+$0x860]  }
0x4cb: {  	[tilespmem:s2+$0x198F0] =	vst.add.f32.msk $0xffff, v9  }
0x4cc: {  	v9 =	vld [tilespmem:s2+$0x40]  }
0x4cd: {  	[tilespmem:s2+$0x19080] =	vst.add.f32.msk $0xffff, v10  }
0x4ce: {  	[tilespmem:s2+$0x19090] =	vst.add.f32.msk $0xffff, v11  }
0x4cf: {  	[tilespmem:s2+$0x190A0] =	vst.add.f32.msk $0xffff, v12  }
0x4d0: {  	[tilespmem:s2+$0x190B0] =	vst.add.f32.msk $0xffff, v13  }
0x4d1: {  	[tilespmem:s2+$0x190D0] =	vst.add.f32.msk $0xffff, v14  }
0x4d2: {  	[tilespmem:s2+$0x190E0] =	vst.add.f32.msk $0xffff, v15  }
0x4d3: {  	[tilespmem:s2+$0x190F0] =	vst.add.f32.msk $0xffff, v16  }
0x4d4: {  	[tilespmem:s2+$0x19480] =	vst.add.f32.msk $0xffff, v17  }
0x4d5: {  	[tilespmem:s2+$0x19490] =	vst.add.f32.msk $0xffff, v18  }
0x4d6: {  	[tilespmem:s2+$0x194A0] =	vst.add.f32.msk $0xffff, v19  }
0x4d7: {  	[tilespmem:s2+$0x194B0] =	vst.add.f32.msk $0xffff, v20  }
0x4d8: {  	[tilespmem:s2+$0x194C0] =	vst.add.f32.msk $0xffff, v21  }
0x4d9: {  	[tilespmem:s2+$0x194D0] =	vst.add.f32.msk $0xffff, v22  }
0x4da: {  	[tilespmem:s2+$0x194E0] =	vst.add.f32.msk $0xffff, v23  }
0x4db: {  	[tilespmem:s2+$0x194F0] =	vst.add.f32.msk $0xffff, v24  }
0x4dc: {  	[tilespmem:s2+$0x19880] =	vst.add.f32.msk $0xffff, v25  }
0x4dd: {  	[tilespmem:s2+$0x19890] =	vst.add.f32.msk $0xffff, v26  }
0x4de: {  	[tilespmem:s2+$0x198A0] =	vst.add.f32.msk $0xffff, v27  }
0x4df: {  	[tilespmem:s2+$0x198B0] =	vst.add.f32.msk $0xffff, v28  }
0x4e0: {  	[tilespmem:s2+$0x198C0] =	vst.add.f32.msk $0xffff, v29  }
0x4e1: {  	[tilespmem:s2+$0x198D0] =	vst.add.f32.msk $0xffff, v30  }
0x4e2: {  	[tilespmem:s2+$0x198E0] =	vst.add.f32.msk $0xffff, v31  }
0x4e3: {  	s25 =	sadd.s32 s19, s23;
	s20 =	simm.s32 $0x0;
	[tilespmem:s2+$0x190C0] =	vst.add.f32.msk $0xffff, v9  }
0x4e4: {  	[hbm4b:s25+s20] =	stream.linear.scatter [tilespmem:s4], [sflag:$0xA], $0x6000, $0x38;
	[tilespmem:$0x1F080] =	vst v63  }
0x4e5: {  	_ =	swait.ge [sflag:s11], $0x6000  }
0x4e6: {  	s7 =	sshll.u32 s15, $0x9;
	[sflag:s11] =	ssyncset.done $0x0  }
0x4e7: {  	s19 =	sand.u32 $0x3FFFFE00, s7;
	[sflag:s11] =	ssyncadd.s32 $0xFFFFA000  }
0x4e8: {  	v9 =	vld [tilespmem:s19+$0x6380];
	_ =	sdelay $0x4  }
0x4e9: {  	v10 =	vshrl.u32 v9, $0x3  }
0x4ea: {  	v10 =	vmul.u32 $0x18, v10  }
0x4eb: {  	v9 =	vand.u32 $0x7, v9  }
0x4ec: {  	v9 =	vor.u32 v9, v10  }
0x4ed: {  	v10 =	vperm.xlane v9, v1;
	_ =	sdelay $0x1  }
0x4ee: {  	v10 =	vadd.s32 v2, v10;
	_ =	sdelay $0x1  }
0x4ef: {  	v9 =	vperm.xlane v9, v3;
	_ =	sdelay $0x1  }
0x4f0: {  	v9 =	vadd.s32 v2, v9  }
0x4f1: {  	[tilespmem:s12], [sflag:$0x5] =	stream.indirect_vreg.gather [hbm4b:s1+s20], $0x80, v10, vm0, $0xb8;
	[tilespmem:$0x1F080] =	vst v63  }
0x4f2: {  	s8 =	simm.s32 $0x13880  }
0x4f3: {  	[tilespmem:s8], [sflag:$0x5] =	stream.indirect_vreg.gather [hbm4b:s21+s20], $0x80, v10, vm1, $0xb8;
	[tilespmem:$0x1F080] =	vst v63  }
0x4f4: {  	s25 =	simm.s32 $0x13C80  }
0x4f5: {  	[tilespmem:s25], [sflag:$0x5] =	stream.indirect_vreg.gather [hbm4b:s1+s20], $0x80, v9, vm0, $0xb8;
	[tilespmem:$0x1F080] =	vst v63  }
0x4f6: {  	s7 =	simm.s32 $0x14480  }
0x4f7: {  	[tilespmem:s7], [sflag:$0x5] =	stream.indirect_vreg.gather [hbm4b:s21+s20], $0x80, v9, vm1, $0xb8;
	[tilespmem:$0x1F080] =	vst v63  }
0x4f8: {  	v9 =	vld [tilespmem:s19+$0x6390];
	_ =	sdelay $0x4  }
0x4f9: {  	v10 =	vshrl.u32 v9, $0x3  }
0x4fa: {  	v10 =	vmul.u32 $0x18, v10  }
0x4fb: {  	v9 =	vand.u32 $0x7, v9  }
0x4fc: {  	v9 =	vor.u32 v9, v10  }
0x4fd: {  	v10 =	vperm.xlane v9, v1;
	_ =	sdelay $0x1  }
0x4fe: {  	v10 =	vadd.s32 v2, v10;
	_ =	sdelay $0x1  }
0x4ff: {  	v9 =	vperm.xlane v9, v3;
	_ =	sdelay $0x1  }
0x500: {  	s8 =	simm.s32 $0x14880;
	v9 =	vadd.s32 v2, v9  }
0x501: {  	[tilespmem:s8], [sflag:$0x5] =	stream.indirect_vreg.gather [hbm4b:s1+s20], $0x80, v10, vm0, $0xb8;
	[tilespmem:$0x1F080] =	vst v63  }
0x502: {  	s25 =	simm.s32 $0x15080  }
0x503: {  	[tilespmem:s25], [sflag:$0x5] =	stream.indirect_vreg.gather [hbm4b:s21+s20], $0x80, v10, vm1, $0xb8;
	[tilespmem:$0x1F080] =	vst v63  }
0x504: {  	s7 =	simm.s32 $0x15480  }
0x505: {  	[tilespmem:s7], [sflag:$0x5] =	stream.indirect_vreg.gather [hbm4b:s1+s20], $0x80, v9, vm0, $0xb8;
	[tilespmem:$0x1F080] =	vst v63  }
0x506: {  	s8 =	simm.s32 $0x15C80  }
0x507: {  	[tilespmem:s8], [sflag:$0x5] =	stream.indirect_vreg.gather [hbm4b:s21+s20], $0x80, v9, vm1, $0xb8;
	[tilespmem:$0x1F080] =	vst v63  }
0x508: {  	v9 =	vld [tilespmem:s19+$0x63A0];
	_ =	sdelay $0x4  }
0x509: {  	v10 =	vshrl.u32 v9, $0x3  }
0x50a: {  	v10 =	vmul.u32 $0x18, v10  }
0x50b: {  	v9 =	vand.u32 $0x7, v9  }
0x50c: {  	v9 =	vor.u32 v9, v10  }
0x50d: {  	v10 =	vperm.xlane v9, v1;
	_ =	sdelay $0x1  }
0x50e: {  	v10 =	vadd.s32 v2, v10;
	_ =	sdelay $0x1  }
0x50f: {  	v9 =	vperm.xlane v9, v3;
	_ =	sdelay $0x1  }
0x510: {  	s25 =	simm.s32 $0x16080;
	v9 =	vadd.s32 v2, v9  }
0x511: {  	[tilespmem:s25], [sflag:$0x5] =	stream.indirect_vreg.gather [hbm4b:s1+s20], $0x80, v10, vm0, $0xb8;
	[tilespmem:$0x1F080] =	vst v63  }
0x512: {  	s7 =	simm.s32 $0x16880  }
0x513: {  	[tilespmem:s7], [sflag:$0x5] =	stream.indirect_vreg.gather [hbm4b:s21+s20], $0x80, v10, vm1, $0xb8;
	[tilespmem:$0x1F080] =	vst v63  }
0x514: {  	s8 =	simm.s32 $0x16C80  }
0x515: {  	[tilespmem:s8], [sflag:$0x5] =	stream.indirect_vreg.gather [hbm4b:s1+s20], $0x80, v9, vm0, $0xb8;
	[tilespmem:$0x1F080] =	vst v63  }
0x516: {  	s25 =	simm.s32 $0x17480  }
0x517: {  	[tilespmem:s25], [sflag:$0x5] =	stream.indirect_vreg.gather [hbm4b:s21+s20], $0x80, v9, vm1, $0xb8;
	[tilespmem:$0x1F080] =	vst v63  }
0x518: {  	v9 =	vld [tilespmem:s19+$0x63B0];
	_ =	sdelay $0x4  }
0x519: {  	v10 =	vshrl.u32 v9, $0x3  }
0x51a: {  	v10 =	vmul.u32 $0x18, v10  }
0x51b: {  	v9 =	vand.u32 $0x7, v9  }
0x51c: {  	v9 =	vor.u32 v9, v10  }
0x51d: {  	v10 =	vperm.xlane v9, v1;
	_ =	sdelay $0x1  }
0x51e: {  	v10 =	vadd.s32 v2, v10;
	_ =	sdelay $0x1  }
0x51f: {  	v9 =	vperm.xlane v9, v3;
	_ =	sdelay $0x1  }
0x520: {  	s7 =	simm.s32 $0x17880;
	v9 =	vadd.s32 v2, v9  }
0x521: {  	[tilespmem:s7], [sflag:$0x5] =	stream.indirect_vreg.gather [hbm4b:s1+s20], $0x80, v10, vm0, $0xb8;
	[tilespmem:$0x1F080] =	vst v63  }
0x522: {  	s8 =	simm.s32 $0x18080  }
0x523: {  	[tilespmem:s8], [sflag:$0x5] =	stream.indirect_vreg.gather [hbm4b:s21+s20], $0x80, v10, vm1, $0xb8;
	[tilespmem:$0x1F080] =	vst v63  }
0x524: {  	s25 =	simm.s32 $0x18480  }
0x525: {  	[tilespmem:s25], [sflag:$0x5] =	stream.indirect_vreg.gather [hbm4b:s1+s20], $0x80, v9, vm0, $0xb8;
	[tilespmem:$0x1F080] =	vst v63  }
0x526: {  	s7 =	simm.s32 $0x18C80;
	s8 =	simm.s32 $0x0  }
0x527: {  	[tilespmem:s7], [sflag:$0x5] =	stream.indirect_vreg.gather [hbm4b:s21+s20], $0x80, v9, vm1, $0xb8;
	[tilespmem:$0x1F080] =	vst v63  }
0x528: {  	s2 =	smul.u32 $0xC00, s8;
	_ =	swait.ge [sflag:s0], $0x6000  }
0x529: {  	s25 =	sand.u32 $0x380, s20;
	[sflag:s0] =	ssyncset.done $0x0  }
0x52a: {  	s25 =	sor.u32 s25, s2;
	[sflag:s0] =	ssyncadd.s32 $0xFFFFA000  }
0x52b: {  	v9 =	vld [tilespmem:s25+$0x870]  }
0x52c: {  	v44 =	vld [tilespmem:s25+$0x0]  }
0x52d: {  	v45 =	vld [tilespmem:s25+$0x10]  }
0x52e: {  	v46 =	vld [tilespmem:s25+$0x20]  }
0x52f: {  	v47 =	vld [tilespmem:s25+$0x30]  }
0x530: {  	v48 =	vld [tilespmem:s25+$0x40]  }
0x531: {  	v49 =	vld [tilespmem:s25+$0x50]  }
0x532: {  	v50 =	vld [tilespmem:s25+$0x60]  }
0x533: {  	v51 =	vld [tilespmem:s25+$0x70]  }
0x534: {  	v52 =	vld [tilespmem:s25+$0x400]  }
0x535: {  	v53 =	vld [tilespmem:s25+$0x410]  }
0x536: {  	v54 =	vld [tilespmem:s25+$0x420]  }
0x537: {  	v55 =	vld [tilespmem:s25+$0x430]  }
0x538: {  	v56 =	vld [tilespmem:s25+$0x440]  }
0x539: {  	v57 =	vld [tilespmem:s25+$0x450]  }
0x53a: {  	v58 =	vld [tilespmem:s25+$0x460]  }
0x53b: {  	v59 =	vld [tilespmem:s25+$0x470]  }
0x53c: {  	v60 =	vld [tilespmem:s25+$0x800]  }
0x53d: {  	v61 =	vld [tilespmem:s25+$0x810]  }
0x53e: {  	v62 =	vld [tilespmem:s25+$0x820]  }
0x53f: {  	v63 =	vld [tilespmem:s25+$0x830]  }
0x540: {  	v11 =	vld [tilespmem:s25+$0x840]  }
0x541: {  	v10 =	vld [tilespmem:s25+$0x850]  }
0x542: {  	[tilespmem:s25+$0x78F0] =	vst.add.f32.msk $0xffff, v9  }
0x543: {  	v9 =	vld [tilespmem:s25+$0x860]  }
0x544: {  	[tilespmem:s25+$0x7080] =	vst.add.f32.msk $0xffff, v44  }
0x545: {  	[tilespmem:s25+$0x7090] =	vst.add.f32.msk $0xffff, v45  }
0x546: {  	[tilespmem:s25+$0x70A0] =	vst.add.f32.msk $0xffff, v46  }
0x547: {  	[tilespmem:s25+$0x70B0] =	vst.add.f32.msk $0xffff, v47  }
0x548: {  	[tilespmem:s25+$0x70C0] =	vst.add.f32.msk $0xffff, v48  }
0x549: {  	[tilespmem:s25+$0x70D0] =	vst.add.f32.msk $0xffff, v49  }
0x54a: {  	[tilespmem:s25+$0x70E0] =	vst.add.f32.msk $0xffff, v50  }
0x54b: {  	[tilespmem:s25+$0x70F0] =	vst.add.f32.msk $0xffff, v51  }
0x54c: {  	[tilespmem:s25+$0x7480] =	vst.add.f32.msk $0xffff, v52  }
0x54d: {  	[tilespmem:s25+$0x7490] =	vst.add.f32.msk $0xffff, v53  }
0x54e: {  	[tilespmem:s25+$0x74A0] =	vst.add.f32.msk $0xffff, v54  }
0x54f: {  	[tilespmem:s25+$0x74B0] =	vst.add.f32.msk $0xffff, v55  }
0x550: {  	[tilespmem:s25+$0x74C0] =	vst.add.f32.msk $0xffff, v56  }
0x551: {  	[tilespmem:s25+$0x74D0] =	vst.add.f32.msk $0xffff, v57  }
0x552: {  	[tilespmem:s25+$0x74E0] =	vst.add.f32.msk $0xffff, v58  }
0x553: {  	[tilespmem:s25+$0x74F0] =	vst.add.f32.msk $0xffff, v59  }
0x554: {  	[tilespmem:s25+$0x7880] =	vst.add.f32.msk $0xffff, v60  }
0x555: {  	[tilespmem:s25+$0x7890] =	vst.add.f32.msk $0xffff, v61  }
0x556: {  	[tilespmem:s25+$0x78A0] =	vst.add.f32.msk $0xffff, v62  }
0x557: {  	s2 =	simm.s32 $0x0;
	s7 =	simm.s32 $0x2;
	[tilespmem:s25+$0x78B0] =	vst.add.f32.msk $0xffff, v63  }
.LBB2_11:
0x558: {  	p0 =	sne.s32 s7, $0x3F;
	s2 =	smul.u32 $0xC00, s2;
	[tilespmem:s25+$0x78C0] =	vst.add.f32.msk $0xffff, v11;
	s20 =	sadd.s32 $0x80, s20  }
0x559: {  	s8 =	sand.u32 $0x380, s20;
	[tilespmem:s25+$0x78D0] =	vst.add.f32.msk $0xffff, v10  }
0x55a: {  	[tilespmem:s25+$0x78E0] =	vst.add.f32.msk $0xffff, v9;
	s25 =	sor.u32 s8, s2  }
0x55b: {  	v9 =	vld [tilespmem:s25+$0x870]  }
0x55c: {  	v12 =	vld [tilespmem:s25+$0x0]  }
0x55d: {  	v13 =	vld [tilespmem:s25+$0x10]  }
0x55e: {  	v14 =	vld [tilespmem:s25+$0x20]  }
0x55f: {  	v15 =	vld [tilespmem:s25+$0x30]  }
0x560: {  	[tilespmem:s25+$0x78F0] =	vst.add.f32.msk $0xffff, v9  }
0x561: {  	v16 =	vld [tilespmem:s25+$0x40]  }
0x562: {  	v17 =	vld [tilespmem:s25+$0x50]  }
0x563: {  	v18 =	vld [tilespmem:s25+$0x60]  }
0x564: {  	v19 =	vld [tilespmem:s25+$0x70]  }
0x565: {  	v20 =	vld [tilespmem:s25+$0x400]  }
0x566: {  	v21 =	vld [tilespmem:s25+$0x410]  }
0x567: {  	v22 =	vld [tilespmem:s25+$0x420]  }
0x568: {  	v23 =	vld [tilespmem:s25+$0x430]  }
0x569: {  	v24 =	vld [tilespmem:s25+$0x440]  }
0x56a: {  	v25 =	vld [tilespmem:s25+$0x450]  }
0x56b: {  	v26 =	vld [tilespmem:s25+$0x460]  }
0x56c: {  	v27 =	vld [tilespmem:s25+$0x470]  }
0x56d: {  	v28 =	vld [tilespmem:s25+$0x800]  }
0x56e: {  	v29 =	vld [tilespmem:s25+$0x810]  }
0x56f: {  	v30 =	vld [tilespmem:s25+$0x820]  }
0x570: {  	v31 =	vld [tilespmem:s25+$0x830]  }
0x571: {  	v11 =	vld [tilespmem:s25+$0x840]  }
0x572: {  	v10 =	vld [tilespmem:s25+$0x850]  }
0x573: {  	v9 =	vld [tilespmem:s25+$0x860]  }
0x574: {  	[tilespmem:s25+$0x7080] =	vst.add.f32.msk $0xffff, v12  }
0x575: {  	[tilespmem:s25+$0x7090] =	vst.add.f32.msk $0xffff, v13  }
0x576: {  	[tilespmem:s25+$0x70A0] =	vst.add.f32.msk $0xffff, v14  }
0x577: {  	[tilespmem:s25+$0x70B0] =	vst.add.f32.msk $0xffff, v15  }
0x578: {  	[tilespmem:s25+$0x70C0] =	vst.add.f32.msk $0xffff, v16  }
0x579: {  	[tilespmem:s25+$0x70D0] =	vst.add.f32.msk $0xffff, v17  }
0x57a: {  	[tilespmem:s25+$0x70E0] =	vst.add.f32.msk $0xffff, v18  }
0x57b: {  	[tilespmem:s25+$0x70F0] =	vst.add.f32.msk $0xffff, v19  }
0x57c: {  	[tilespmem:s25+$0x7480] =	vst.add.f32.msk $0xffff, v20  }
0x57d: {  	[tilespmem:s25+$0x7490] =	vst.add.f32.msk $0xffff, v21  }
0x57e: {  	[tilespmem:s25+$0x74A0] =	vst.add.f32.msk $0xffff, v22  }
0x57f: {  	[tilespmem:s25+$0x74B0] =	vst.add.f32.msk $0xffff, v23  }
0x580: {  	[tilespmem:s25+$0x74C0] =	vst.add.f32.msk $0xffff, v24  }
0x581: {  	[tilespmem:s25+$0x74D0] =	vst.add.f32.msk $0xffff, v25  }
0x582: {  	[tilespmem:s25+$0x74E0] =	vst.add.f32.msk $0xffff, v26  }
.Ltmp4:
0x583: {  	[tilespmem:s25+$0x74F0] =	vst.add.f32.msk $0xffff, v27;
	(pc) =	sbr.rel @p0 .LBB2_11-.Ltmp4, $4  }
0x584: {  	[tilespmem:s25+$0x7880] =	vst.add.f32.msk $0xffff, v28  }
0x585: {  	[tilespmem:s25+$0x7890] =	vst.add.f32.msk $0xffff, v29  }
0x586: {  	[tilespmem:s25+$0x78A0] =	vst.add.f32.msk $0xffff, v30  }
0x587: {  	s2 =	sshrl.u32 s7, $0x3;
	s7 =	sadd.s32 $0x1, s7;
	[tilespmem:s25+$0x78B0] =	vst.add.f32.msk $0xffff, v31  }
0x588: {  	s2 =	smul.u32 $0xC00, s2;
	[tilespmem:s25+$0x78C0] =	vst.add.f32.msk $0xffff, v11;
	s7 =	sadd.s32 $0x80, s20  }
0x589: {  	[tilespmem:s25+$0x78D0] =	vst.add.f32.msk $0xffff, v10;
	s7 =	sand.u32 $0x380, s7  }
0x58a: {  	[tilespmem:s25+$0x78E0] =	vst.add.f32.msk $0xffff, v9;
	s2 =	sor.u32 s7, s2  }
0x58b: {  	v9 =	vld [tilespmem:s2+$0x870]  }
0x58c: {  	v10 =	vld [tilespmem:s2+$0x0]  }
0x58d: {  	v11 =	vld [tilespmem:s2+$0x10]  }
0x58e: {  	v12 =	vld [tilespmem:s2+$0x20]  }
0x58f: {  	v13 =	vld [tilespmem:s2+$0x30]  }
0x590: {  	v14 =	vld [tilespmem:s2+$0x50]  }
0x591: {  	v15 =	vld [tilespmem:s2+$0x60]  }
0x592: {  	v16 =	vld [tilespmem:s2+$0x70]  }
0x593: {  	v17 =	vld [tilespmem:s2+$0x400]  }
0x594: {  	v18 =	vld [tilespmem:s2+$0x410]  }
0x595: {  	v19 =	vld [tilespmem:s2+$0x420]  }
0x596: {  	v20 =	vld [tilespmem:s2+$0x430]  }
0x597: {  	v21 =	vld [tilespmem:s2+$0x440]  }
0x598: {  	v22 =	vld [tilespmem:s2+$0x450]  }
0x599: {  	v23 =	vld [tilespmem:s2+$0x460]  }
0x59a: {  	v24 =	vld [tilespmem:s2+$0x470]  }
0x59b: {  	v25 =	vld [tilespmem:s2+$0x800]  }
0x59c: {  	v26 =	vld [tilespmem:s2+$0x810]  }
0x59d: {  	v27 =	vld [tilespmem:s2+$0x820]  }
0x59e: {  	v28 =	vld [tilespmem:s2+$0x830]  }
0x59f: {  	v29 =	vld [tilespmem:s2+$0x840]  }
0x5a0: {  	v30 =	vld [tilespmem:s2+$0x850]  }
0x5a1: {  	v31 =	vld [tilespmem:s2+$0x860]  }
0x5a2: {  	[tilespmem:s2+$0x78F0] =	vst.add.f32.msk $0xffff, v9  }
0x5a3: {  	v9 =	vld [tilespmem:s2+$0x40]  }
0x5a4: {  	[tilespmem:s2+$0x7080] =	vst.add.f32.msk $0xffff, v10  }
0x5a5: {  	[tilespmem:s2+$0x7090] =	vst.add.f32.msk $0xffff, v11  }
0x5a6: {  	[tilespmem:s2+$0x70A0] =	vst.add.f32.msk $0xffff, v12  }
0x5a7: {  	[tilespmem:s2+$0x70B0] =	vst.add.f32.msk $0xffff, v13  }
0x5a8: {  	[tilespmem:s2+$0x70D0] =	vst.add.f32.msk $0xffff, v14  }
0x5a9: {  	[tilespmem:s2+$0x70E0] =	vst.add.f32.msk $0xffff, v15  }
0x5aa: {  	[tilespmem:s2+$0x70F0] =	vst.add.f32.msk $0xffff, v16  }
0x5ab: {  	[tilespmem:s2+$0x7480] =	vst.add.f32.msk $0xffff, v17  }
0x5ac: {  	[tilespmem:s2+$0x7490] =	vst.add.f32.msk $0xffff, v18  }
0x5ad: {  	[tilespmem:s2+$0x74A0] =	vst.add.f32.msk $0xffff, v19  }
0x5ae: {  	[tilespmem:s2+$0x74B0] =	vst.add.f32.msk $0xffff, v20  }
0x5af: {  	[tilespmem:s2+$0x74C0] =	vst.add.f32.msk $0xffff, v21  }
0x5b0: {  	[tilespmem:s2+$0x74D0] =	vst.add.f32.msk $0xffff, v22  }
0x5b1: {  	[tilespmem:s2+$0x74E0] =	vst.add.f32.msk $0xffff, v23  }
0x5b2: {  	[tilespmem:s2+$0x74F0] =	vst.add.f32.msk $0xffff, v24  }
0x5b3: {  	[tilespmem:s2+$0x7880] =	vst.add.f32.msk $0xffff, v25  }
0x5b4: {  	[tilespmem:s2+$0x7890] =	vst.add.f32.msk $0xffff, v26  }
0x5b5: {  	s25 =	sshll.u32 s16, $0xB;
	[tilespmem:s2+$0x78A0] =	vst.add.f32.msk $0xffff, v27  }
0x5b6: {  	s7 =	sor.u32 s6, s25;
	[tilespmem:s2+$0x78B0] =	vst.add.f32.msk $0xffff, v28  }
0x5b7: {  	s7 =	sshrl.u32 s7, $0x3;
	[tilespmem:s2+$0x78C0] =	vst.add.f32.msk $0xffff, v29  }
0x5b8: {  	s7 =	smul.u32 $0x180, s7;
	[tilespmem:s2+$0x78D0] =	vst.add.f32.msk $0xffff, v30  }
0x5b9: {  	[tilespmem:s2+$0x78E0] =	vst.add.f32.msk $0xffff, v31  }
0x5ba: {  	s16 =	simm.s32 $0x0;
	s7 =	sadd.s32 s3, s7;
	[tilespmem:s2+$0x70C0] =	vst.add.f32.msk $0xffff, v9  }
0x5bb: {  	[hbm4b:s7+s16] =	stream.linear.scatter [tilespmem:s26], [sflag:$0x7], $0x6000, $0x38;
	[tilespmem:$0x1F080] =	vst v63  }
0x5bc: {  	_ =	swait.ge [sflag:s13], $0x6000  }
0x5bd: {  	[sflag:s13] =	ssyncset.done $0x0  }
0x5be: {  	[sflag:s13] =	ssyncadd.s32 $0xFFFFA000  }
0x5bf: {  	v9 =	vld [tilespmem:s19+$0x6400];
	_ =	sdelay $0x4  }
0x5c0: {  	v10 =	vshrl.u32 v9, $0x3  }
0x5c1: {  	v10 =	vmul.u32 $0x18, v10  }
0x5c2: {  	v9 =	vand.u32 $0x7, v9  }
0x5c3: {  	v9 =	vor.u32 v9, v10  }
0x5c4: {  	v10 =	vperm.xlane v9, v1;
	_ =	sdelay $0x1  }
0x5c5: {  	v10 =	vadd.s32 v2, v10;
	_ =	sdelay $0x1  }
0x5c6: {  	v9 =	vperm.xlane v9, v3;
	_ =	sdelay $0x1  }
0x5c7: {  	v9 =	vadd.s32 v2, v9  }
0x5c8: {  	[tilespmem:s4], [sflag:$0x6] =	stream.indirect_vreg.gather [hbm4b:s1+s16], $0x80, v10, vm0, $0xb8;
	[tilespmem:$0x1F080] =	vst v63  }
0x5c9: {  	s8 =	simm.s32 $0x19880  }
0x5ca: {  	[tilespmem:s8], [sflag:$0x6] =	stream.indirect_vreg.gather [hbm4b:s21+s16], $0x80, v10, vm1, $0xb8;
	[tilespmem:$0x1F080] =	vst v63  }
0x5cb: {  	s20 =	simm.s32 $0x19C80  }
0x5cc: {  	[tilespmem:s20], [sflag:$0x6] =	stream.indirect_vreg.gather [hbm4b:s1+s16], $0x80, v9, vm0, $0xb8;
	[tilespmem:$0x1F080] =	vst v63  }
0x5cd: {  	s25 =	simm.s32 $0x1A480  }
0x5ce: {  	[tilespmem:s25], [sflag:$0x6] =	stream.indirect_vreg.gather [hbm4b:s21+s16], $0x80, v9, vm1, $0xb8;
	[tilespmem:$0x1F080] =	vst v63  }
0x5cf: {  	v9 =	vld [tilespmem:s19+$0x6410];
	_ =	sdelay $0x4  }
0x5d0: {  	v10 =	vshrl.u32 v9, $0x3  }
0x5d1: {  	v10 =	vmul.u32 $0x18, v10  }
0x5d2: {  	v9 =	vand.u32 $0x7, v9  }
0x5d3: {  	v9 =	vor.u32 v9, v10  }
0x5d4: {  	v10 =	vperm.xlane v9, v1;
	_ =	sdelay $0x1  }
0x5d5: {  	v10 =	vadd.s32 v2, v10;
	_ =	sdelay $0x1  }
0x5d6: {  	v9 =	vperm.xlane v9, v3;
	_ =	sdelay $0x1  }
0x5d7: {  	s7 =	simm.s32 $0x1A880;
	v9 =	vadd.s32 v2, v9  }
0x5d8: {  	[tilespmem:s7], [sflag:$0x6] =	stream.indirect_vreg.gather [hbm4b:s1+s16], $0x80, v10, vm0, $0xb8;
	[tilespmem:$0x1F080] =	vst v63  }
0x5d9: {  	s8 =	simm.s32 $0x1B080  }
0x5da: {  	[tilespmem:s8], [sflag:$0x6] =	stream.indirect_vreg.gather [hbm4b:s21+s16], $0x80, v10, vm1, $0xb8;
	[tilespmem:$0x1F080] =	vst v63  }
0x5db: {  	s20 =	simm.s32 $0x1B480  }
0x5dc: {  	[tilespmem:s20], [sflag:$0x6] =	stream.indirect_vreg.gather [hbm4b:s1+s16], $0x80, v9, vm0, $0xb8;
	[tilespmem:$0x1F080] =	vst v63  }
0x5dd: {  	s25 =	simm.s32 $0x1BC80  }
0x5de: {  	[tilespmem:s25], [sflag:$0x6] =	stream.indirect_vreg.gather [hbm4b:s21+s16], $0x80, v9, vm1, $0xb8;
	[tilespmem:$0x1F080] =	vst v63  }
0x5df: {  	v9 =	vld [tilespmem:s19+$0x6420];
	_ =	sdelay $0x4  }
0x5e0: {  	v10 =	vshrl.u32 v9, $0x3  }
0x5e1: {  	v10 =	vmul.u32 $0x18, v10  }
0x5e2: {  	v9 =	vand.u32 $0x7, v9  }
0x5e3: {  	v9 =	vor.u32 v9, v10  }
0x5e4: {  	v10 =	vperm.xlane v9, v1;
	_ =	sdelay $0x1  }
0x5e5: {  	v10 =	vadd.s32 v2, v10;
	_ =	sdelay $0x1  }
0x5e6: {  	v9 =	vperm.xlane v9, v3;
	_ =	sdelay $0x1  }
0x5e7: {  	s7 =	simm.s32 $0x1C080;
	v9 =	vadd.s32 v2, v9  }
0x5e8: {  	[tilespmem:s7], [sflag:$0x6] =	stream.indirect_vreg.gather [hbm4b:s1+s16], $0x80, v10, vm0, $0xb8;
	[tilespmem:$0x1F080] =	vst v63  }
0x5e9: {  	s8 =	simm.s32 $0x1C880  }
0x5ea: {  	[tilespmem:s8], [sflag:$0x6] =	stream.indirect_vreg.gather [hbm4b:s21+s16], $0x80, v10, vm1, $0xb8;
	[tilespmem:$0x1F080] =	vst v63  }
0x5eb: {  	s20 =	simm.s32 $0x1CC80  }
0x5ec: {  	[tilespmem:s20], [sflag:$0x6] =	stream.indirect_vreg.gather [hbm4b:s1+s16], $0x80, v9, vm0, $0xb8;
	[tilespmem:$0x1F080] =	vst v63  }
0x5ed: {  	s25 =	simm.s32 $0x1D480  }
0x5ee: {  	[tilespmem:s25], [sflag:$0x6] =	stream.indirect_vreg.gather [hbm4b:s21+s16], $0x80, v9, vm1, $0xb8;
	[tilespmem:$0x1F080] =	vst v63  }
0x5ef: {  	v9 =	vld [tilespmem:s19+$0x6430];
	_ =	sdelay $0x4  }
0x5f0: {  	v10 =	vshrl.u32 v9, $0x3  }
0x5f1: {  	v10 =	vmul.u32 $0x18, v10  }
0x5f2: {  	v9 =	vand.u32 $0x7, v9  }
0x5f3: {  	v9 =	vor.u32 v9, v10  }
0x5f4: {  	v10 =	vperm.xlane v9, v1;
	_ =	sdelay $0x1  }
0x5f5: {  	v10 =	vadd.s32 v2, v10;
	_ =	sdelay $0x1  }
0x5f6: {  	v9 =	vperm.xlane v9, v3;
	_ =	sdelay $0x1  }
0x5f7: {  	s7 =	simm.s32 $0x1D880;
	v9 =	vadd.s32 v2, v9  }
0x5f8: {  	[tilespmem:s7], [sflag:$0x6] =	stream.indirect_vreg.gather [hbm4b:s1+s16], $0x80, v10, vm0, $0xb8;
	[tilespmem:$0x1F080] =	vst v63  }
0x5f9: {  	s8 =	simm.s32 $0x1E080  }
0x5fa: {  	[tilespmem:s8], [sflag:$0x6] =	stream.indirect_vreg.gather [hbm4b:s21+s16], $0x80, v10, vm1, $0xb8;
	[tilespmem:$0x1F080] =	vst v63  }
0x5fb: {  	s19 =	simm.s32 $0x1E480  }
0x5fc: {  	[tilespmem:s19], [sflag:$0x6] =	stream.indirect_vreg.gather [hbm4b:s1+s16], $0x80, v9, vm0, $0xb8;
	[tilespmem:$0x1F080] =	vst v63  }
0x5fd: {  	s20 =	simm.s32 $0x0  }
0x5fe: {  	[tilespmem:s28], [sflag:$0x6] =	stream.indirect_vreg.gather [hbm4b:s21+s16], $0x80, v9, vm1, $0xb8;
	[tilespmem:$0x1F080] =	vst v63  }
0x5ff: {  	s2 =	smul.u32 $0xC00, s20;
	_ =	swait.ge [sflag:s29], $0x6000  }
0x600: {  	s25 =	sand.u32 $0x380, s16;
	[sflag:s29] =	ssyncset.done $0x0  }
0x601: {  	s19 =	sor.u32 s25, s2;
	[sflag:s29] =	ssyncadd.s32 $0xFFFFA000  }
0x602: {  	v9 =	vld [tilespmem:s19+$0x870]  }
0x603: {  	v44 =	vld [tilespmem:s19+$0x0]  }
0x604: {  	v45 =	vld [tilespmem:s19+$0x10]  }
0x605: {  	v46 =	vld [tilespmem:s19+$0x20]  }
0x606: {  	v47 =	vld [tilespmem:s19+$0x30]  }
0x607: {  	v48 =	vld [tilespmem:s19+$0x40]  }
0x608: {  	v49 =	vld [tilespmem:s19+$0x50]  }
0x609: {  	v50 =	vld [tilespmem:s19+$0x60]  }
0x60a: {  	v51 =	vld [tilespmem:s19+$0x70]  }
0x60b: {  	v52 =	vld [tilespmem:s19+$0x400]  }
0x60c: {  	v53 =	vld [tilespmem:s19+$0x410]  }
0x60d: {  	v54 =	vld [tilespmem:s19+$0x420]  }
0x60e: {  	v55 =	vld [tilespmem:s19+$0x430]  }
0x60f: {  	v56 =	vld [tilespmem:s19+$0x440]  }
0x610: {  	v57 =	vld [tilespmem:s19+$0x450]  }
0x611: {  	v58 =	vld [tilespmem:s19+$0x460]  }
0x612: {  	v59 =	vld [tilespmem:s19+$0x470]  }
0x613: {  	v60 =	vld [tilespmem:s19+$0x800]  }
0x614: {  	v61 =	vld [tilespmem:s19+$0x810]  }
0x615: {  	v62 =	vld [tilespmem:s19+$0x820]  }
0x616: {  	v63 =	vld [tilespmem:s19+$0x830]  }
0x617: {  	v11 =	vld [tilespmem:s19+$0x840]  }
0x618: {  	v10 =	vld [tilespmem:s19+$0x850]  }
0x619: {  	[tilespmem:s19+$0xD8F0] =	vst.add.f32.msk $0xffff, v9  }
0x61a: {  	v9 =	vld [tilespmem:s19+$0x860]  }
0x61b: {  	[tilespmem:s19+$0xD080] =	vst.add.f32.msk $0xffff, v44  }
0x61c: {  	[tilespmem:s19+$0xD090] =	vst.add.f32.msk $0xffff, v45  }
0x61d: {  	[tilespmem:s19+$0xD0A0] =	vst.add.f32.msk $0xffff, v46  }
0x61e: {  	[tilespmem:s19+$0xD0B0] =	vst.add.f32.msk $0xffff, v47  }
0x61f: {  	[tilespmem:s19+$0xD0C0] =	vst.add.f32.msk $0xffff, v48  }
0x620: {  	[tilespmem:s19+$0xD0D0] =	vst.add.f32.msk $0xffff, v49  }
0x621: {  	[tilespmem:s19+$0xD0E0] =	vst.add.f32.msk $0xffff, v50  }
0x622: {  	[tilespmem:s19+$0xD0F0] =	vst.add.f32.msk $0xffff, v51  }
0x623: {  	[tilespmem:s19+$0xD480] =	vst.add.f32.msk $0xffff, v52  }
0x624: {  	[tilespmem:s19+$0xD490] =	vst.add.f32.msk $0xffff, v53  }
0x625: {  	[tilespmem:s19+$0xD4A0] =	vst.add.f32.msk $0xffff, v54  }
0x626: {  	[tilespmem:s19+$0xD4B0] =	vst.add.f32.msk $0xffff, v55  }
0x627: {  	[tilespmem:s19+$0xD4C0] =	vst.add.f32.msk $0xffff, v56  }
0x628: {  	[tilespmem:s19+$0xD4D0] =	vst.add.f32.msk $0xffff, v57  }
0x629: {  	[tilespmem:s19+$0xD4E0] =	vst.add.f32.msk $0xffff, v58  }
0x62a: {  	[tilespmem:s19+$0xD4F0] =	vst.add.f32.msk $0xffff, v59  }
0x62b: {  	[tilespmem:s19+$0xD880] =	vst.add.f32.msk $0xffff, v60  }
0x62c: {  	[tilespmem:s19+$0xD890] =	vst.add.f32.msk $0xffff, v61  }
0x62d: {  	[tilespmem:s19+$0xD8A0] =	vst.add.f32.msk $0xffff, v62  }
0x62e: {  	s7 =	simm.s32 $0x2;
	s2 =	simm.s32 $0x0;
	[tilespmem:s19+$0xD8B0] =	vst.add.f32.msk $0xffff, v63  }
.LBB2_13:
0x62f: {  	p0 =	sne.s32 s7, $0x3F;
	s2 =	smul.u32 $0xC00, s2;
	[tilespmem:s19+$0xD8C0] =	vst.add.f32.msk $0xffff, v11;
	s16 =	sadd.s32 $0x80, s16  }
0x630: {  	s8 =	sand.u32 $0x380, s16;
	[tilespmem:s19+$0xD8D0] =	vst.add.f32.msk $0xffff, v10  }
0x631: {  	[tilespmem:s19+$0xD8E0] =	vst.add.f32.msk $0xffff, v9;
	s19 =	sor.u32 s8, s2  }
0x632: {  	v9 =	vld [tilespmem:s19+$0x870]  }
0x633: {  	v12 =	vld [tilespmem:s19+$0x0]  }
0x634: {  	v13 =	vld [tilespmem:s19+$0x10]  }
0x635: {  	v14 =	vld [tilespmem:s19+$0x20]  }
0x636: {  	v15 =	vld [tilespmem:s19+$0x30]  }
0x637: {  	[tilespmem:s19+$0xD8F0] =	vst.add.f32.msk $0xffff, v9  }
0x638: {  	v16 =	vld [tilespmem:s19+$0x40]  }
0x639: {  	v17 =	vld [tilespmem:s19+$0x50]  }
0x63a: {  	v18 =	vld [tilespmem:s19+$0x60]  }
0x63b: {  	v19 =	vld [tilespmem:s19+$0x70]  }
0x63c: {  	v20 =	vld [tilespmem:s19+$0x400]  }
0x63d: {  	v21 =	vld [tilespmem:s19+$0x410]  }
0x63e: {  	v22 =	vld [tilespmem:s19+$0x420]  }
0x63f: {  	v23 =	vld [tilespmem:s19+$0x430]  }
0x640: {  	v24 =	vld [tilespmem:s19+$0x440]  }
0x641: {  	v25 =	vld [tilespmem:s19+$0x450]  }
0x642: {  	v26 =	vld [tilespmem:s19+$0x460]  }
0x643: {  	v27 =	vld [tilespmem:s19+$0x470]  }
0x644: {  	v28 =	vld [tilespmem:s19+$0x800]  }
0x645: {  	v29 =	vld [tilespmem:s19+$0x810]  }
0x646: {  	v30 =	vld [tilespmem:s19+$0x820]  }
0x647: {  	v31 =	vld [tilespmem:s19+$0x830]  }
0x648: {  	v11 =	vld [tilespmem:s19+$0x840]  }
0x649: {  	v10 =	vld [tilespmem:s19+$0x850]  }
0x64a: {  	v9 =	vld [tilespmem:s19+$0x860]  }
0x64b: {  	[tilespmem:s19+$0xD080] =	vst.add.f32.msk $0xffff, v12  }
0x64c: {  	[tilespmem:s19+$0xD090] =	vst.add.f32.msk $0xffff, v13  }
0x64d: {  	[tilespmem:s19+$0xD0A0] =	vst.add.f32.msk $0xffff, v14  }
0x64e: {  	[tilespmem:s19+$0xD0B0] =	vst.add.f32.msk $0xffff, v15  }
0x64f: {  	[tilespmem:s19+$0xD0C0] =	vst.add.f32.msk $0xffff, v16  }
0x650: {  	[tilespmem:s19+$0xD0D0] =	vst.add.f32.msk $0xffff, v17  }
0x651: {  	[tilespmem:s19+$0xD0E0] =	vst.add.f32.msk $0xffff, v18  }
0x652: {  	[tilespmem:s19+$0xD0F0] =	vst.add.f32.msk $0xffff, v19  }
0x653: {  	[tilespmem:s19+$0xD480] =	vst.add.f32.msk $0xffff, v20  }
0x654: {  	[tilespmem:s19+$0xD490] =	vst.add.f32.msk $0xffff, v21  }
0x655: {  	[tilespmem:s19+$0xD4A0] =	vst.add.f32.msk $0xffff, v22  }
0x656: {  	[tilespmem:s19+$0xD4B0] =	vst.add.f32.msk $0xffff, v23  }
0x657: {  	[tilespmem:s19+$0xD4C0] =	vst.add.f32.msk $0xffff, v24  }
0x658: {  	[tilespmem:s19+$0xD4D0] =	vst.add.f32.msk $0xffff, v25  }
0x659: {  	[tilespmem:s19+$0xD4E0] =	vst.add.f32.msk $0xffff, v26  }
.Ltmp5:
0x65a: {  	[tilespmem:s19+$0xD4F0] =	vst.add.f32.msk $0xffff, v27;
	(pc) =	sbr.rel @p0 .LBB2_13-.Ltmp5, $4  }
0x65b: {  	[tilespmem:s19+$0xD880] =	vst.add.f32.msk $0xffff, v28  }
0x65c: {  	[tilespmem:s19+$0xD890] =	vst.add.f32.msk $0xffff, v29  }
0x65d: {  	[tilespmem:s19+$0xD8A0] =	vst.add.f32.msk $0xffff, v30  }
0x65e: {  	s2 =	sshrl.u32 s7, $0x3;
	s7 =	sadd.s32 $0x1, s7;
	[tilespmem:s19+$0xD8B0] =	vst.add.f32.msk $0xffff, v31  }
0x65f: {  	s2 =	smul.u32 $0xC00, s2;
	[tilespmem:s19+$0xD8C0] =	vst.add.f32.msk $0xffff, v11;
	s7 =	sadd.s32 $0x80, s16  }
0x660: {  	[tilespmem:s19+$0xD8D0] =	vst.add.f32.msk $0xffff, v10;
	s7 =	sand.u32 $0x380, s7  }
0x661: {  	[tilespmem:s19+$0xD8E0] =	vst.add.f32.msk $0xffff, v9;
	s2 =	sor.u32 s7, s2  }
0x662: {  	v9 =	vld [tilespmem:s2+$0x870]  }
0x663: {  	v10 =	vld [tilespmem:s2+$0x0]  }
0x664: {  	v11 =	vld [tilespmem:s2+$0x10]  }
0x665: {  	v12 =	vld [tilespmem:s2+$0x20]  }
0x666: {  	v13 =	vld [tilespmem:s2+$0x30]  }
0x667: {  	v14 =	vld [tilespmem:s2+$0x50]  }
0x668: {  	v15 =	vld [tilespmem:s2+$0x60]  }
0x669: {  	v16 =	vld [tilespmem:s2+$0x70]  }
0x66a: {  	v17 =	vld [tilespmem:s2+$0x400]  }
0x66b: {  	v18 =	vld [tilespmem:s2+$0x410]  }
0x66c: {  	v19 =	vld [tilespmem:s2+$0x420]  }
0x66d: {  	v20 =	vld [tilespmem:s2+$0x430]  }
0x66e: {  	v21 =	vld [tilespmem:s2+$0x440]  }
0x66f: {  	v22 =	vld [tilespmem:s2+$0x450]  }
0x670: {  	v23 =	vld [tilespmem:s2+$0x460]  }
0x671: {  	v24 =	vld [tilespmem:s2+$0x470]  }
0x672: {  	v25 =	vld [tilespmem:s2+$0x800]  }
0x673: {  	v26 =	vld [tilespmem:s2+$0x810]  }
0x674: {  	v27 =	vld [tilespmem:s2+$0x820]  }
0x675: {  	v28 =	vld [tilespmem:s2+$0x830]  }
0x676: {  	v29 =	vld [tilespmem:s2+$0x840]  }
0x677: {  	v30 =	vld [tilespmem:s2+$0x850]  }
0x678: {  	v31 =	vld [tilespmem:s2+$0x860]  }
0x679: {  	[tilespmem:s2+$0xD8F0] =	vst.add.f32.msk $0xffff, v9  }
0x67a: {  	v9 =	vld [tilespmem:s2+$0x40]  }
0x67b: {  	[tilespmem:s2+$0xD080] =	vst.add.f32.msk $0xffff, v10  }
0x67c: {  	[tilespmem:s2+$0xD090] =	vst.add.f32.msk $0xffff, v11  }
0x67d: {  	[tilespmem:s2+$0xD0A0] =	vst.add.f32.msk $0xffff, v12  }
0x67e: {  	[tilespmem:s2+$0xD0B0] =	vst.add.f32.msk $0xffff, v13  }
0x67f: {  	[tilespmem:s2+$0xD0D0] =	vst.add.f32.msk $0xffff, v14  }
0x680: {  	[tilespmem:s2+$0xD0E0] =	vst.add.f32.msk $0xffff, v15  }
0x681: {  	[tilespmem:s2+$0xD0F0] =	vst.add.f32.msk $0xffff, v16  }
0x682: {  	[tilespmem:s2+$0xD480] =	vst.add.f32.msk $0xffff, v17  }
0x683: {  	[tilespmem:s2+$0xD490] =	vst.add.f32.msk $0xffff, v18  }
0x684: {  	[tilespmem:s2+$0xD4A0] =	vst.add.f32.msk $0xffff, v19  }
0x685: {  	[tilespmem:s2+$0xD4B0] =	vst.add.f32.msk $0xffff, v20  }
0x686: {  	[tilespmem:s2+$0xD4C0] =	vst.add.f32.msk $0xffff, v21  }
0x687: {  	[tilespmem:s2+$0xD4D0] =	vst.add.f32.msk $0xffff, v22  }
0x688: {  	[tilespmem:s2+$0xD4E0] =	vst.add.f32.msk $0xffff, v23  }
0x689: {  	[tilespmem:s2+$0xD4F0] =	vst.add.f32.msk $0xffff, v24  }
0x68a: {  	[tilespmem:s2+$0xD880] =	vst.add.f32.msk $0xffff, v25  }
0x68b: {  	[tilespmem:s2+$0xD890] =	vst.add.f32.msk $0xffff, v26  }
0x68c: {  	s20 =	sshll.u32 s17, $0xB;
	s15 =	sadd.s32 $0x1, s15;
	[tilespmem:s2+$0xD8A0] =	vst.add.f32.msk $0xffff, v27  }
0x68d: {  	p0 =	sne.s32 s15, $0x7;
	s7 =	sor.u32 s6, s20;
	[tilespmem:s2+$0xD8B0] =	vst.add.f32.msk $0xffff, v28  }
.Ltmp6:
0x68e: {  	s7 =	sshrl.u32 s7, $0x3;
	[tilespmem:s2+$0xD8C0] =	vst.add.f32.msk $0xffff, v29;
	(pc) =	sbr.rel @p0 .LBB2_6-.Ltmp6, $4  }
0x68f: {  	s7 =	smul.u32 $0x180, s7;
	[tilespmem:s2+$0xD8D0] =	vst.add.f32.msk $0xffff, v30  }
0x690: {  	[tilespmem:s2+$0xD8E0] =	vst.add.f32.msk $0xffff, v31  }
0x691: {  	s25 =	sadd.s32 s3, s7;
	[tilespmem:s2+$0xD0C0] =	vst.add.f32.msk $0xffff, v9  }
0x692: {  	[hbm4b:s25+s5] =	stream.linear.scatter [tilespmem:s18], [sflag:$0x8], $0x6000, $0x38;
	[tilespmem:$0x1F080] =	vst v63  }
0x693: {  	s2 =	simm.s32 $0x0  }
0x694: {  	_ =	swait.ge [sflag:s31], $0x6000;
	s14 =	simm.s32 $0x0;
	s2 =	smul.u32 $0xC00, s2  }
0x695: {  	[sflag:s31] =	ssyncset.done $0x0;
	s7 =	sand.u32 $0x380, s14  }
0x696: {  	[sflag:s31] =	ssyncadd.s32 $0xFFFFA000;
	s15 =	sor.u32 s7, s2  }
0x697: {  	v9 =	vld [tilespmem:s15+$0x870]  }
0x698: {  	v12 =	vld [tilespmem:s15+$0x0]  }
0x699: {  	v13 =	vld [tilespmem:s15+$0x10]  }
0x69a: {  	v14 =	vld [tilespmem:s15+$0x20]  }
0x69b: {  	v15 =	vld [tilespmem:s15+$0x30]  }
0x69c: {  	v16 =	vld [tilespmem:s15+$0x40]  }
0x69d: {  	v17 =	vld [tilespmem:s15+$0x50]  }
0x69e: {  	v18 =	vld [tilespmem:s15+$0x60]  }
0x69f: {  	v19 =	vld [tilespmem:s15+$0x70]  }
0x6a0: {  	v20 =	vld [tilespmem:s15+$0x400]  }
0x6a1: {  	v21 =	vld [tilespmem:s15+$0x410]  }
0x6a2: {  	v22 =	vld [tilespmem:s15+$0x420]  }
0x6a3: {  	v23 =	vld [tilespmem:s15+$0x430]  }
0x6a4: {  	v24 =	vld [tilespmem:s15+$0x440]  }
0x6a5: {  	v25 =	vld [tilespmem:s15+$0x450]  }
0x6a6: {  	v26 =	vld [tilespmem:s15+$0x460]  }
0x6a7: {  	v27 =	vld [tilespmem:s15+$0x470]  }
0x6a8: {  	v28 =	vld [tilespmem:s15+$0x800]  }
0x6a9: {  	v29 =	vld [tilespmem:s15+$0x810]  }
0x6aa: {  	v30 =	vld [tilespmem:s15+$0x820]  }
0x6ab: {  	v31 =	vld [tilespmem:s15+$0x830]  }
0x6ac: {  	v11 =	vld [tilespmem:s15+$0x840]  }
0x6ad: {  	v10 =	vld [tilespmem:s15+$0x850]  }
0x6ae: {  	[tilespmem:s15+$0x138F0] =	vst.add.f32.msk $0xffff, v9  }
0x6af: {  	v9 =	vld [tilespmem:s15+$0x860]  }
0x6b0: {  	[tilespmem:s15+$0x13080] =	vst.add.f32.msk $0xffff, v12  }
0x6b1: {  	[tilespmem:s15+$0x13090] =	vst.add.f32.msk $0xffff, v13  }
0x6b2: {  	[tilespmem:s15+$0x130A0] =	vst.add.f32.msk $0xffff, v14  }
0x6b3: {  	[tilespmem:s15+$0x130B0] =	vst.add.f32.msk $0xffff, v15  }
0x6b4: {  	[tilespmem:s15+$0x130C0] =	vst.add.f32.msk $0xffff, v16  }
0x6b5: {  	[tilespmem:s15+$0x130D0] =	vst.add.f32.msk $0xffff, v17  }
0x6b6: {  	[tilespmem:s15+$0x130E0] =	vst.add.f32.msk $0xffff, v18  }
0x6b7: {  	[tilespmem:s15+$0x130F0] =	vst.add.f32.msk $0xffff, v19  }
0x6b8: {  	[tilespmem:s15+$0x13480] =	vst.add.f32.msk $0xffff, v20  }
0x6b9: {  	[tilespmem:s15+$0x13490] =	vst.add.f32.msk $0xffff, v21  }
0x6ba: {  	[tilespmem:s15+$0x134A0] =	vst.add.f32.msk $0xffff, v22  }
0x6bb: {  	[tilespmem:s15+$0x134B0] =	vst.add.f32.msk $0xffff, v23  }
0x6bc: {  	[tilespmem:s15+$0x134C0] =	vst.add.f32.msk $0xffff, v24  }
0x6bd: {  	[tilespmem:s15+$0x134D0] =	vst.add.f32.msk $0xffff, v25  }
0x6be: {  	[tilespmem:s15+$0x134E0] =	vst.add.f32.msk $0xffff, v26  }
0x6bf: {  	[tilespmem:s15+$0x134F0] =	vst.add.f32.msk $0xffff, v27  }
0x6c0: {  	[tilespmem:s15+$0x13880] =	vst.add.f32.msk $0xffff, v28  }
0x6c1: {  	[tilespmem:s15+$0x13890] =	vst.add.f32.msk $0xffff, v29  }
0x6c2: {  	[tilespmem:s15+$0x138A0] =	vst.add.f32.msk $0xffff, v30  }
0x6c3: {  	s2 =	simm.s32 $0x0;
	s7 =	simm.s32 $0x2;
	[tilespmem:s15+$0x138B0] =	vst.add.f32.msk $0xffff, v31  }
.LBB2_16:
0x6c4: {  	p0 =	sne.s32 s7, $0x3F;
	s2 =	smul.u32 $0xC00, s2;
	[tilespmem:s15+$0x138C0] =	vst.add.f32.msk $0xffff, v11;
	s14 =	sadd.s32 $0x80, s14  }
0x6c5: {  	s8 =	sand.u32 $0x380, s14;
	[tilespmem:s15+$0x138D0] =	vst.add.f32.msk $0xffff, v10  }
0x6c6: {  	[tilespmem:s15+$0x138E0] =	vst.add.f32.msk $0xffff, v9;
	s15 =	sor.u32 s8, s2  }
0x6c7: {  	v9 =	vld [tilespmem:s15+$0x870]  }
0x6c8: {  	v12 =	vld [tilespmem:s15+$0x0]  }
0x6c9: {  	v13 =	vld [tilespmem:s15+$0x10]  }
0x6ca: {  	v14 =	vld [tilespmem:s15+$0x20]  }
0x6cb: {  	v15 =	vld [tilespmem:s15+$0x30]  }
0x6cc: {  	[tilespmem:s15+$0x138F0] =	vst.add.f32.msk $0xffff, v9  }
0x6cd: {  	v16 =	vld [tilespmem:s15+$0x40]  }
0x6ce: {  	v17 =	vld [tilespmem:s15+$0x50]  }
0x6cf: {  	v18 =	vld [tilespmem:s15+$0x60]  }
0x6d0: {  	v19 =	vld [tilespmem:s15+$0x70]  }
0x6d1: {  	v20 =	vld [tilespmem:s15+$0x400]  }
0x6d2: {  	v21 =	vld [tilespmem:s15+$0x410]  }
0x6d3: {  	v22 =	vld [tilespmem:s15+$0x420]  }
0x6d4: {  	v23 =	vld [tilespmem:s15+$0x430]  }
0x6d5: {  	v24 =	vld [tilespmem:s15+$0x440]  }
0x6d6: {  	v25 =	vld [tilespmem:s15+$0x450]  }
0x6d7: {  	v26 =	vld [tilespmem:s15+$0x460]  }
0x6d8: {  	v27 =	vld [tilespmem:s15+$0x470]  }
0x6d9: {  	v28 =	vld [tilespmem:s15+$0x800]  }
0x6da: {  	v29 =	vld [tilespmem:s15+$0x810]  }
0x6db: {  	v30 =	vld [tilespmem:s15+$0x820]  }
0x6dc: {  	v31 =	vld [tilespmem:s15+$0x830]  }
0x6dd: {  	v11 =	vld [tilespmem:s15+$0x840]  }
0x6de: {  	v10 =	vld [tilespmem:s15+$0x850]  }
0x6df: {  	v9 =	vld [tilespmem:s15+$0x860]  }
0x6e0: {  	[tilespmem:s15+$0x13080] =	vst.add.f32.msk $0xffff, v12  }
0x6e1: {  	[tilespmem:s15+$0x13090] =	vst.add.f32.msk $0xffff, v13  }
0x6e2: {  	[tilespmem:s15+$0x130A0] =	vst.add.f32.msk $0xffff, v14  }
0x6e3: {  	[tilespmem:s15+$0x130B0] =	vst.add.f32.msk $0xffff, v15  }
0x6e4: {  	[tilespmem:s15+$0x130C0] =	vst.add.f32.msk $0xffff, v16  }
0x6e5: {  	[tilespmem:s15+$0x130D0] =	vst.add.f32.msk $0xffff, v17  }
0x6e6: {  	[tilespmem:s15+$0x130E0] =	vst.add.f32.msk $0xffff, v18  }
0x6e7: {  	[tilespmem:s15+$0x130F0] =	vst.add.f32.msk $0xffff, v19  }
0x6e8: {  	[tilespmem:s15+$0x13480] =	vst.add.f32.msk $0xffff, v20  }
0x6e9: {  	[tilespmem:s15+$0x13490] =	vst.add.f32.msk $0xffff, v21  }
0x6ea: {  	[tilespmem:s15+$0x134A0] =	vst.add.f32.msk $0xffff, v22  }
0x6eb: {  	[tilespmem:s15+$0x134B0] =	vst.add.f32.msk $0xffff, v23  }
0x6ec: {  	[tilespmem:s15+$0x134C0] =	vst.add.f32.msk $0xffff, v24  }
0x6ed: {  	[tilespmem:s15+$0x134D0] =	vst.add.f32.msk $0xffff, v25  }
0x6ee: {  	[tilespmem:s15+$0x134E0] =	vst.add.f32.msk $0xffff, v26  }
.Ltmp7:
0x6ef: {  	[tilespmem:s15+$0x134F0] =	vst.add.f32.msk $0xffff, v27;
	(pc) =	sbr.rel @p0 .LBB2_16-.Ltmp7, $4  }
0x6f0: {  	[tilespmem:s15+$0x13880] =	vst.add.f32.msk $0xffff, v28  }
0x6f1: {  	[tilespmem:s15+$0x13890] =	vst.add.f32.msk $0xffff, v29  }
0x6f2: {  	[tilespmem:s15+$0x138A0] =	vst.add.f32.msk $0xffff, v30  }
0x6f3: {  	s2 =	sshrl.u32 s7, $0x3;
	s7 =	sadd.s32 $0x1, s7;
	[tilespmem:s15+$0x138B0] =	vst.add.f32.msk $0xffff, v31  }
0x6f4: {  	s2 =	smul.u32 $0xC00, s2;
	[tilespmem:s15+$0x138C0] =	vst.add.f32.msk $0xffff, v11;
	s7 =	sadd.s32 $0x80, s14  }
0x6f5: {  	[tilespmem:s15+$0x138D0] =	vst.add.f32.msk $0xffff, v10;
	s7 =	sand.u32 $0x380, s7  }
0x6f6: {  	[tilespmem:s15+$0x138E0] =	vst.add.f32.msk $0xffff, v9;
	s2 =	sor.u32 s7, s2  }
0x6f7: {  	v9 =	vld [tilespmem:s2+$0x870]  }
0x6f8: {  	v10 =	vld [tilespmem:s2+$0x0]  }
0x6f9: {  	v11 =	vld [tilespmem:s2+$0x10]  }
0x6fa: {  	v12 =	vld [tilespmem:s2+$0x20]  }
0x6fb: {  	v13 =	vld [tilespmem:s2+$0x30]  }
0x6fc: {  	v14 =	vld [tilespmem:s2+$0x50]  }
0x6fd: {  	v15 =	vld [tilespmem:s2+$0x60]  }
0x6fe: {  	v16 =	vld [tilespmem:s2+$0x70]  }
0x6ff: {  	v17 =	vld [tilespmem:s2+$0x400]  }
0x700: {  	v18 =	vld [tilespmem:s2+$0x410]  }
0x701: {  	v19 =	vld [tilespmem:s2+$0x420]  }
0x702: {  	v20 =	vld [tilespmem:s2+$0x430]  }
0x703: {  	v21 =	vld [tilespmem:s2+$0x440]  }
0x704: {  	v22 =	vld [tilespmem:s2+$0x450]  }
0x705: {  	v23 =	vld [tilespmem:s2+$0x460]  }
0x706: {  	v24 =	vld [tilespmem:s2+$0x470]  }
0x707: {  	v25 =	vld [tilespmem:s2+$0x800]  }
0x708: {  	v26 =	vld [tilespmem:s2+$0x810]  }
0x709: {  	v27 =	vld [tilespmem:s2+$0x820]  }
0x70a: {  	v28 =	vld [tilespmem:s2+$0x830]  }
0x70b: {  	v29 =	vld [tilespmem:s2+$0x840]  }
0x70c: {  	v30 =	vld [tilespmem:s2+$0x850]  }
0x70d: {  	v31 =	vld [tilespmem:s2+$0x860]  }
0x70e: {  	[tilespmem:s2+$0x138F0] =	vst.add.f32.msk $0xffff, v9  }
0x70f: {  	v9 =	vld [tilespmem:s2+$0x40]  }
0x710: {  	[tilespmem:s2+$0x13080] =	vst.add.f32.msk $0xffff, v10  }
0x711: {  	[tilespmem:s2+$0x13090] =	vst.add.f32.msk $0xffff, v11  }
0x712: {  	[tilespmem:s2+$0x130A0] =	vst.add.f32.msk $0xffff, v12  }
0x713: {  	[tilespmem:s2+$0x130B0] =	vst.add.f32.msk $0xffff, v13  }
0x714: {  	[tilespmem:s2+$0x130D0] =	vst.add.f32.msk $0xffff, v14  }
0x715: {  	[tilespmem:s2+$0x130E0] =	vst.add.f32.msk $0xffff, v15  }
0x716: {  	[tilespmem:s2+$0x130F0] =	vst.add.f32.msk $0xffff, v16  }
0x717: {  	[tilespmem:s2+$0x13480] =	vst.add.f32.msk $0xffff, v17  }
0x718: {  	[tilespmem:s2+$0x13490] =	vst.add.f32.msk $0xffff, v18  }
0x719: {  	[tilespmem:s2+$0x134A0] =	vst.add.f32.msk $0xffff, v19  }
0x71a: {  	[tilespmem:s2+$0x134B0] =	vst.add.f32.msk $0xffff, v20  }
0x71b: {  	[tilespmem:s2+$0x134C0] =	vst.add.f32.msk $0xffff, v21  }
0x71c: {  	[tilespmem:s2+$0x134D0] =	vst.add.f32.msk $0xffff, v22  }
0x71d: {  	[tilespmem:s2+$0x134E0] =	vst.add.f32.msk $0xffff, v23  }
0x71e: {  	[tilespmem:s2+$0x134F0] =	vst.add.f32.msk $0xffff, v24  }
0x71f: {  	[tilespmem:s2+$0x13880] =	vst.add.f32.msk $0xffff, v25  }
0x720: {  	[tilespmem:s2+$0x13890] =	vst.add.f32.msk $0xffff, v26  }
0x721: {  	[tilespmem:s2+$0x138A0] =	vst.add.f32.msk $0xffff, v27  }
0x722: {  	[tilespmem:s2+$0x138B0] =	vst.add.f32.msk $0xffff, v28  }
0x723: {  	[tilespmem:s2+$0x138C0] =	vst.add.f32.msk $0xffff, v29  }
0x724: {  	[tilespmem:s2+$0x138D0] =	vst.add.f32.msk $0xffff, v30  }
0x725: {  	[tilespmem:s2+$0x138E0] =	vst.add.f32.msk $0xffff, v31  }
0x726: {  	s14 =	simm.s32 $0x0;
	s19 =	rddreg [dreg:$0x11];
	s20 =	simm.s32 $0x0;
	[tilespmem:s2+$0x130C0] =	vst.add.f32.msk $0xffff, v9  }
0x727: {  	[hbm4b:s19+s14] =	stream.linear.scatter [tilespmem:s12], [sflag:$0x9], $0x6000, $0x38;
	[tilespmem:$0x1F080] =	vst v63  }
0x728: {  	s2 =	smul.u32 $0xC00, s20;
	_ =	swait.ge [sflag:s10], $0x6000  }
0x729: {  	s25 =	sand.u32 $0x380, s14;
	[sflag:s10] =	ssyncset.done $0x0  }
0x72a: {  	s15 =	sor.u32 s25, s2;
	[sflag:s10] =	ssyncadd.s32 $0xFFFFA000  }
0x72b: {  	v9 =	vld [tilespmem:s15+$0x870]  }
0x72c: {  	v44 =	vld [tilespmem:s15+$0x0]  }
0x72d: {  	v45 =	vld [tilespmem:s15+$0x10]  }
0x72e: {  	v46 =	vld [tilespmem:s15+$0x20]  }
0x72f: {  	v47 =	vld [tilespmem:s15+$0x30]  }
0x730: {  	v48 =	vld [tilespmem:s15+$0x40]  }
0x731: {  	v49 =	vld [tilespmem:s15+$0x50]  }
0x732: {  	v50 =	vld [tilespmem:s15+$0x60]  }
0x733: {  	v51 =	vld [tilespmem:s15+$0x70]  }
0x734: {  	v52 =	vld [tilespmem:s15+$0x400]  }
0x735: {  	v53 =	vld [tilespmem:s15+$0x410]  }
0x736: {  	v54 =	vld [tilespmem:s15+$0x420]  }
0x737: {  	v55 =	vld [tilespmem:s15+$0x430]  }
0x738: {  	v56 =	vld [tilespmem:s15+$0x440]  }
0x739: {  	v57 =	vld [tilespmem:s15+$0x450]  }
0x73a: {  	v58 =	vld [tilespmem:s15+$0x460]  }
0x73b: {  	v59 =	vld [tilespmem:s15+$0x470]  }
0x73c: {  	v60 =	vld [tilespmem:s15+$0x800]  }
0x73d: {  	v61 =	vld [tilespmem:s15+$0x810]  }
0x73e: {  	v62 =	vld [tilespmem:s15+$0x820]  }
0x73f: {  	v63 =	vld [tilespmem:s15+$0x830]  }
0x740: {  	v11 =	vld [tilespmem:s15+$0x840]  }
0x741: {  	v10 =	vld [tilespmem:s15+$0x850]  }
0x742: {  	[tilespmem:s15+$0x198F0] =	vst.add.f32.msk $0xffff, v9  }
0x743: {  	v9 =	vld [tilespmem:s15+$0x860]  }
0x744: {  	[tilespmem:s15+$0x19080] =	vst.add.f32.msk $0xffff, v44  }
0x745: {  	[tilespmem:s15+$0x19090] =	vst.add.f32.msk $0xffff, v45  }
0x746: {  	[tilespmem:s15+$0x190A0] =	vst.add.f32.msk $0xffff, v46  }
0x747: {  	[tilespmem:s15+$0x190B0] =	vst.add.f32.msk $0xffff, v47  }
0x748: {  	[tilespmem:s15+$0x190C0] =	vst.add.f32.msk $0xffff, v48  }
0x749: {  	[tilespmem:s15+$0x190D0] =	vst.add.f32.msk $0xffff, v49  }
0x74a: {  	[tilespmem:s15+$0x190E0] =	vst.add.f32.msk $0xffff, v50  }
0x74b: {  	[tilespmem:s15+$0x190F0] =	vst.add.f32.msk $0xffff, v51  }
0x74c: {  	[tilespmem:s15+$0x19480] =	vst.add.f32.msk $0xffff, v52  }
0x74d: {  	[tilespmem:s15+$0x19490] =	vst.add.f32.msk $0xffff, v53  }
0x74e: {  	[tilespmem:s15+$0x194A0] =	vst.add.f32.msk $0xffff, v54  }
0x74f: {  	[tilespmem:s15+$0x194B0] =	vst.add.f32.msk $0xffff, v55  }
0x750: {  	[tilespmem:s15+$0x194C0] =	vst.add.f32.msk $0xffff, v56  }
0x751: {  	[tilespmem:s15+$0x194D0] =	vst.add.f32.msk $0xffff, v57  }
0x752: {  	[tilespmem:s15+$0x194E0] =	vst.add.f32.msk $0xffff, v58  }
0x753: {  	[tilespmem:s15+$0x194F0] =	vst.add.f32.msk $0xffff, v59  }
0x754: {  	[tilespmem:s15+$0x19880] =	vst.add.f32.msk $0xffff, v60  }
0x755: {  	[tilespmem:s15+$0x19890] =	vst.add.f32.msk $0xffff, v61  }
0x756: {  	[tilespmem:s15+$0x198A0] =	vst.add.f32.msk $0xffff, v62  }
0x757: {  	s7 =	simm.s32 $0x2;
	s2 =	simm.s32 $0x0;
	[tilespmem:s15+$0x198B0] =	vst.add.f32.msk $0xffff, v63  }
.LBB2_18:
0x758: {  	p0 =	sne.s32 s7, $0x3F;
	s2 =	smul.u32 $0xC00, s2;
	[tilespmem:s15+$0x198C0] =	vst.add.f32.msk $0xffff, v11;
	s14 =	sadd.s32 $0x80, s14  }
0x759: {  	s8 =	sand.u32 $0x380, s14;
	[tilespmem:s15+$0x198D0] =	vst.add.f32.msk $0xffff, v10  }
0x75a: {  	[tilespmem:s15+$0x198E0] =	vst.add.f32.msk $0xffff, v9;
	s15 =	sor.u32 s8, s2  }
0x75b: {  	v9 =	vld [tilespmem:s15+$0x870]  }
0x75c: {  	v12 =	vld [tilespmem:s15+$0x0]  }
0x75d: {  	v13 =	vld [tilespmem:s15+$0x10]  }
0x75e: {  	v14 =	vld [tilespmem:s15+$0x20]  }
0x75f: {  	v15 =	vld [tilespmem:s15+$0x30]  }
0x760: {  	[tilespmem:s15+$0x198F0] =	vst.add.f32.msk $0xffff, v9  }
0x761: {  	v16 =	vld [tilespmem:s15+$0x40]  }
0x762: {  	v17 =	vld [tilespmem:s15+$0x50]  }
0x763: {  	v18 =	vld [tilespmem:s15+$0x60]  }
0x764: {  	v19 =	vld [tilespmem:s15+$0x70]  }
0x765: {  	v20 =	vld [tilespmem:s15+$0x400]  }
0x766: {  	v21 =	vld [tilespmem:s15+$0x410]  }
0x767: {  	v22 =	vld [tilespmem:s15+$0x420]  }
0x768: {  	v23 =	vld [tilespmem:s15+$0x430]  }
0x769: {  	v24 =	vld [tilespmem:s15+$0x440]  }
0x76a: {  	v25 =	vld [tilespmem:s15+$0x450]  }
0x76b: {  	v26 =	vld [tilespmem:s15+$0x460]  }
0x76c: {  	v27 =	vld [tilespmem:s15+$0x470]  }
0x76d: {  	v28 =	vld [tilespmem:s15+$0x800]  }
0x76e: {  	v29 =	vld [tilespmem:s15+$0x810]  }
0x76f: {  	v30 =	vld [tilespmem:s15+$0x820]  }
0x770: {  	v31 =	vld [tilespmem:s15+$0x830]  }
0x771: {  	v11 =	vld [tilespmem:s15+$0x840]  }
0x772: {  	v10 =	vld [tilespmem:s15+$0x850]  }
0x773: {  	v9 =	vld [tilespmem:s15+$0x860]  }
0x774: {  	[tilespmem:s15+$0x19080] =	vst.add.f32.msk $0xffff, v12  }
0x775: {  	[tilespmem:s15+$0x19090] =	vst.add.f32.msk $0xffff, v13  }
0x776: {  	[tilespmem:s15+$0x190A0] =	vst.add.f32.msk $0xffff, v14  }
0x777: {  	[tilespmem:s15+$0x190B0] =	vst.add.f32.msk $0xffff, v15  }
0x778: {  	[tilespmem:s15+$0x190C0] =	vst.add.f32.msk $0xffff, v16  }
0x779: {  	[tilespmem:s15+$0x190D0] =	vst.add.f32.msk $0xffff, v17  }
0x77a: {  	[tilespmem:s15+$0x190E0] =	vst.add.f32.msk $0xffff, v18  }
0x77b: {  	[tilespmem:s15+$0x190F0] =	vst.add.f32.msk $0xffff, v19  }
0x77c: {  	[tilespmem:s15+$0x19480] =	vst.add.f32.msk $0xffff, v20  }
0x77d: {  	[tilespmem:s15+$0x19490] =	vst.add.f32.msk $0xffff, v21  }
0x77e: {  	[tilespmem:s15+$0x194A0] =	vst.add.f32.msk $0xffff, v22  }
0x77f: {  	[tilespmem:s15+$0x194B0] =	vst.add.f32.msk $0xffff, v23  }
0x780: {  	[tilespmem:s15+$0x194C0] =	vst.add.f32.msk $0xffff, v24  }
0x781: {  	[tilespmem:s15+$0x194D0] =	vst.add.f32.msk $0xffff, v25  }
0x782: {  	[tilespmem:s15+$0x194E0] =	vst.add.f32.msk $0xffff, v26  }
.Ltmp8:
0x783: {  	[tilespmem:s15+$0x194F0] =	vst.add.f32.msk $0xffff, v27;
	(pc) =	sbr.rel @p0 .LBB2_18-.Ltmp8, $4  }
0x784: {  	[tilespmem:s15+$0x19880] =	vst.add.f32.msk $0xffff, v28  }
0x785: {  	[tilespmem:s15+$0x19890] =	vst.add.f32.msk $0xffff, v29  }
0x786: {  	[tilespmem:s15+$0x198A0] =	vst.add.f32.msk $0xffff, v30  }
0x787: {  	s2 =	sshrl.u32 s7, $0x3;
	s7 =	sadd.s32 $0x1, s7;
	[tilespmem:s15+$0x198B0] =	vst.add.f32.msk $0xffff, v31  }
0x788: {  	s2 =	smul.u32 $0xC00, s2;
	[tilespmem:s15+$0x198C0] =	vst.add.f32.msk $0xffff, v11;
	s7 =	sadd.s32 $0x80, s14  }
0x789: {  	[tilespmem:s15+$0x198D0] =	vst.add.f32.msk $0xffff, v10;
	s7 =	sand.u32 $0x380, s7  }
0x78a: {  	[tilespmem:s15+$0x198E0] =	vst.add.f32.msk $0xffff, v9;
	s2 =	sor.u32 s7, s2  }
0x78b: {  	v9 =	vld [tilespmem:s2+$0x870]  }
0x78c: {  	v10 =	vld [tilespmem:s2+$0x0]  }
0x78d: {  	v11 =	vld [tilespmem:s2+$0x10]  }
0x78e: {  	v12 =	vld [tilespmem:s2+$0x20]  }
0x78f: {  	v13 =	vld [tilespmem:s2+$0x30]  }
0x790: {  	v14 =	vld [tilespmem:s2+$0x50]  }
0x791: {  	v15 =	vld [tilespmem:s2+$0x60]  }
0x792: {  	v16 =	vld [tilespmem:s2+$0x70]  }
0x793: {  	v17 =	vld [tilespmem:s2+$0x400]  }
0x794: {  	v18 =	vld [tilespmem:s2+$0x410]  }
0x795: {  	v19 =	vld [tilespmem:s2+$0x420]  }
0x796: {  	v20 =	vld [tilespmem:s2+$0x430]  }
0x797: {  	v21 =	vld [tilespmem:s2+$0x440]  }
0x798: {  	v22 =	vld [tilespmem:s2+$0x450]  }
0x799: {  	v23 =	vld [tilespmem:s2+$0x460]  }
0x79a: {  	v24 =	vld [tilespmem:s2+$0x470]  }
0x79b: {  	v25 =	vld [tilespmem:s2+$0x800]  }
0x79c: {  	v26 =	vld [tilespmem:s2+$0x810]  }
0x79d: {  	v27 =	vld [tilespmem:s2+$0x820]  }
0x79e: {  	v28 =	vld [tilespmem:s2+$0x830]  }
0x79f: {  	v29 =	vld [tilespmem:s2+$0x840]  }
0x7a0: {  	v30 =	vld [tilespmem:s2+$0x850]  }
0x7a1: {  	v31 =	vld [tilespmem:s2+$0x860]  }
0x7a2: {  	[tilespmem:s2+$0x198F0] =	vst.add.f32.msk $0xffff, v9  }
0x7a3: {  	v9 =	vld [tilespmem:s2+$0x40]  }
0x7a4: {  	[tilespmem:s2+$0x19080] =	vst.add.f32.msk $0xffff, v10  }
0x7a5: {  	[tilespmem:s2+$0x19090] =	vst.add.f32.msk $0xffff, v11  }
0x7a6: {  	[tilespmem:s2+$0x190A0] =	vst.add.f32.msk $0xffff, v12  }
0x7a7: {  	[tilespmem:s2+$0x190B0] =	vst.add.f32.msk $0xffff, v13  }
0x7a8: {  	[tilespmem:s2+$0x190D0] =	vst.add.f32.msk $0xffff, v14  }
0x7a9: {  	[tilespmem:s2+$0x190E0] =	vst.add.f32.msk $0xffff, v15  }
0x7aa: {  	[tilespmem:s2+$0x190F0] =	vst.add.f32.msk $0xffff, v16  }
0x7ab: {  	[tilespmem:s2+$0x19480] =	vst.add.f32.msk $0xffff, v17  }
0x7ac: {  	[tilespmem:s2+$0x19490] =	vst.add.f32.msk $0xffff, v18  }
0x7ad: {  	[tilespmem:s2+$0x194A0] =	vst.add.f32.msk $0xffff, v19  }
0x7ae: {  	[tilespmem:s2+$0x194B0] =	vst.add.f32.msk $0xffff, v20  }
0x7af: {  	[tilespmem:s2+$0x194C0] =	vst.add.f32.msk $0xffff, v21  }
0x7b0: {  	[tilespmem:s2+$0x194D0] =	vst.add.f32.msk $0xffff, v22  }
0x7b1: {  	[tilespmem:s2+$0x194E0] =	vst.add.f32.msk $0xffff, v23  }
0x7b2: {  	[tilespmem:s2+$0x194F0] =	vst.add.f32.msk $0xffff, v24  }
0x7b3: {  	[tilespmem:s2+$0x19880] =	vst.add.f32.msk $0xffff, v25  }
0x7b4: {  	[tilespmem:s2+$0x19890] =	vst.add.f32.msk $0xffff, v26  }
0x7b5: {  	[tilespmem:s2+$0x198A0] =	vst.add.f32.msk $0xffff, v27  }
0x7b6: {  	[tilespmem:s2+$0x198B0] =	vst.add.f32.msk $0xffff, v28  }
0x7b7: {  	[tilespmem:s2+$0x198C0] =	vst.add.f32.msk $0xffff, v29  }
0x7b8: {  	[tilespmem:s2+$0x198D0] =	vst.add.f32.msk $0xffff, v30  }
0x7b9: {  	[tilespmem:s2+$0x198E0] =	vst.add.f32.msk $0xffff, v31  }
0x7ba: {  	s19 =	rddreg [dreg:$0x12];
	[tilespmem:s2+$0x190C0] =	vst.add.f32.msk $0xffff, v9  }
0x7bb: {  	[hbm4b:s19+s5] =	stream.linear.scatter [tilespmem:s4], [sflag:$0xA], $0x6000, $0x38;
	[tilespmem:$0x1F080] =	vst v63  }
0x7bc: {  	_ =	swait.ge [sflag:s30], $0x6000  }
0x7bd: {  	[sflag:s30] =	ssyncset.done $0x0  }
0x7be: {  	[sflag:s30] =	ssyncadd.s32 $0xFFFFA000  }
0x7bf: {  	_ =	swait.ge [sflag:s9], $0x6000  }
0x7c0: {  	[sflag:s9] =	ssyncset.done $0x0  }
0x7c1: {  	[sflag:s9] =	ssyncadd.s32 $0xFFFFA000  }
0x7c2: {  	_ =	swait.ge [sflag:s11], $0x6000  }
0x7c3: {  	[sflag:s11] =	ssyncset.done $0x0  }
0x7c4: {  	[sflag:s11] =	ssyncadd.s32 $0xFFFFA000  }
0x7c5: {  	_ =	swait.ge [sflag:s13], $0x6000  }
0x7c6: {  	s20 =	sld [smem:$0x7F2];
	_ =	sdelay $0x2  }
0x7c7: {  	s25 =	rddreg [dreg:$0x13];
	s7 =	sadd.s32 $0x1, s20  }
0x7c8: {  	p0 =	sne.s32 s7, s25  }
.Ltmp9:
0x7c9: {  	_ = 	snop;
	(pc) =	sbr.rel @p0 .LBB2_1-.Ltmp9, $3  }
0x7ca: {  	_ =	sdelay $0x1  }
0x7cb: {  	[sflag:s13] =	ssyncset.done $0x0  }
0x7cc: {  	[sflag:s13] =	ssyncadd.s32 $0xFFFFA000  }
0x7cd: {  	_ =	sfence.sel $0x180000  }
0x7ce: {  	[bflag:$0x0] =	sbarrier.arrive $0xFFFF  }
0x7cf: {  	_ =	strace $0x90000047  }
0x7d0: {  	s0 =	stileid.u32;
	[bflag:$0x2] =	sbarrier.arrive $0xFFFF  }
0x7d1: {  	p0 =	sne.s32 s0, $0x0;
	s0 =	rddreg [dreg:$0x4]  }
0x7d2: {  	s0 =	sadd.s32 @!p0 $0x100000, s0  }
0x7d3: {  	[sflag:s0] =	ssyncadd.tile.s32 @!p0 $0x1;
	_ =	shalt  }
.Lfunc_end2:
_tile_overlayer_lowered:
.L_overlay_start_2:
0x7d4: {  	(tag) =	ssettag $0x2  }
0x7d5: {  	s0 =	rddreg [dreg:$0x0];
	s2 =	stileid.u32  }
0x7d6: {  	s1 =	rddreg [dreg:$0x1];
	p0 =	sne.s32 s2, $0x0  }
0x7d7: {  	s3 =	rddreg [dreg:$0x2];
	[bflag:$0x3] =	sbarrier.arrive $0xFFFF;
	s2 =	simm.s32 @!p0 $0x1C0B  }
0x7d8: {  	[timem:s3], [sflag:s2] =	dma.local @!p0 [hbm:s0], s1  }
0x7d9: {  	s0 =	simm.s32 @!p0 $0xB  }
0x7da: {  	_ =	swait.ge @!p0 [sflag:s0], s1  }
0x7db: {  	s1 =	ssub.s32 @!p0 $0x0, s1;
	[sflag:s0] =	ssyncset.done @!p0 $0x0  }
0x7dc: {  	[sflag:s0] =	ssyncadd.s32 @!p0 s1  }
0x7dd: {  	[bflag:$0x3] =	sbarrier.arrive $0xFFFF  }
0x7de: {  	_ =	shalt  }

</sc_bundles>
